<compile_context>
chip_gen: v7x
topology: tpu7x:2x2x1
jax: 0.10.2.dev20260603
libtpu: 0.0.44.dev20260713+nightly
codegen_flags: <defaults>
</compile_context>

<pallas_src>
import functools

import jax
import jax.numpy as jnp
from jax import lax
from jax.experimental import pallas as pl
from jax.experimental.pallas import tpu as pltpu
from jax.experimental.pallas import tpu_sc as plsc

_K = 8
_STAT_W = 0.001
_NB = 64
_NW = 32
_LANES = 16
_BT = 4096
_CHUNKS = 1


def _tc_body(tpw, x_ref, w_ref, b_ref, o_ref):
    lg = lax.dot_general(
        w_ref[...], x_ref[...], (((1,), (1,)), ((), ())),
        preferred_element_type=jnp.float32,
    ) + b_ref[...]
    for q in range(_BT // tpw):
        o_ref[q] = lg[:, q * tpw:(q + 1) * tpw]


def _sc_body(tpw, lg_hbm, tp_hbm, ti_hbm, acc_hbm, lg_v, tp_v, ti_v, acc_v):
    cid = lax.axis_index("c")
    sid = lax.axis_index("s")
    wid = sid * 2 + cid

    pltpu.sync_copy(lg_hbm.at[wid], lg_v)

    lane = lax.iota(jnp.int32, _LANES)
    zero16 = jnp.zeros((_LANES,), jnp.float32)

    def zero_acc(r, carry):
        plsc.store_scatter(acc_v, [r * _LANES + lane], zero16)
        return carry

    lax.fori_loop(0, _NB, zero_acc, 0)

    neg = jnp.full((_LANES,), jnp.int32(-(2**31)), jnp.int32)
    m31 = jnp.int32(0x7FFFFFFF)
    mhi = jnp.int32(~63)
    sel = _K + 1

    @plsc.parallel_loop(0, tpw // _LANES)
    def group(g):
        row = g * _LANES + lane
        t = [neg] * sel
        for c in range(_NB):
            v = plsc.load_gather(
                lg_v, [jnp.full((_LANES,), c, jnp.int32), row])
            iv = plsc.bitcast(v, jnp.int32)
            key = iv ^ (lax.shift_right_arithmetic(iv, 31) & m31)
            key = (key & mhi) | jnp.int32(_NB - 1 - c)
            for j in range(sel):
                hi = jnp.maximum(t[j], key)
                key = jnp.minimum(t[j], key)
                t[j] = hi
        bank = [jnp.int32(_NB - 1) - (t[j] & jnp.int32(63)) for j in range(sel)]
        val = [plsc.load_gather(lg_v, [bank[j], row]) for j in range(sel)]
        for _ in range(2):
            for a in range(sel - 1):
                vlo, vhi = val[a + 1], val[a]
                blo, bhi = bank[a + 1], bank[a]
                cond = (vlo > vhi) | ((vlo == vhi) & (blo < bhi))
                val[a] = jnp.where(cond, vlo, vhi)
                val[a + 1] = jnp.where(cond, vhi, vlo)
                bank[a] = jnp.where(cond, blo, bhi)
                bank[a + 1] = jnp.where(cond, bhi, blo)
        es = [jnp.exp(val[j] - val[0]) for j in range(_K)]
        z = es[0]
        for j in range(1, _K):
            z = z + es[j]
        rz = 1.0 / z
        obase = row * _K
        for j in range(_K):
            p = es[j] * rz
            plsc.store_scatter(tp_v, [obase + j], p)
            plsc.store_scatter(ti_v, [obase + j], bank[j])
            plsc.addupdate_scatter(acc_v, [bank[j] * _LANES + lane], p)

    pltpu.sync_copy(tp_v, tp_hbm.at[pl.ds(wid * tpw * _K, tpw * _K)])
    pltpu.sync_copy(ti_v, ti_hbm.at[pl.ds(wid * tpw * _K, tpw * _K)])
    pltpu.sync_copy(acc_v, acc_hbm.at[wid])


def _run_chunk(x, W, b2, n_banks, d_model):
    n_tok = x.shape[0]
    tpw = n_tok // _NW

    logits3 = pl.pallas_call(
        functools.partial(_tc_body, tpw),
        grid=(n_tok // _BT,),
        in_specs=[
            pl.BlockSpec((_BT, d_model), lambda i: (i, 0)),
            pl.BlockSpec((n_banks, d_model), lambda i: (0, 0)),
            pl.BlockSpec((n_banks, 1), lambda i: (0, 0)),
        ],
        out_specs=pl.BlockSpec((_BT // tpw, n_banks, tpw), lambda i: (i, 0, 0)),
        out_shape=jax.ShapeDtypeStruct((_NW, n_banks, tpw), jnp.float32),
    )(x, W, b2)

    sc_call = functools.partial(
        pl.kernel,
        out_type=[
            jax.ShapeDtypeStruct((n_tok * _K,), jnp.float32),
            jax.ShapeDtypeStruct((n_tok * _K,), jnp.int32),
            jax.ShapeDtypeStruct((_NW, _NB * _LANES), jnp.float32),
        ],
        mesh=plsc.VectorSubcoreMesh(core_axis_name="c", subcore_axis_name="s"),
        compiler_params=pltpu.CompilerParams(needs_layout_passes=False),
        scratch_types=[
            pltpu.VMEM((n_banks, tpw), jnp.float32),
            pltpu.VMEM((tpw * _K,), jnp.float32),
            pltpu.VMEM((tpw * _K,), jnp.int32),
            pltpu.VMEM((_NB * _LANES,), jnp.float32),
        ],
    )(functools.partial(_sc_body, tpw))

    tp, ti, parts = sc_call(logits3)
    return tp.reshape(n_tok, _K), ti.reshape(n_tok, _K), parts


def kernel(tensor, W, b, bank_statistics, top_k):
    n_tokens, d_model = tensor.shape
    n_banks = W.shape[0]
    b2 = b.reshape(n_banks, 1)
    csz = n_tokens // _CHUNKS

    tps, tis, parts_list = [], [], []
    for k in range(_CHUNKS):
        tp_c, ti_c, parts_c = _run_chunk(
            tensor[k * csz:(k + 1) * csz], W, b2, n_banks, d_model)
        tps.append(tp_c)
        tis.append(ti_c)
        parts_list.append(parts_c)

    tp = jnp.concatenate(tps, axis=0) if _CHUNKS > 1 else tps[0]
    ti = jnp.concatenate(tis, axis=0) if _CHUNKS > 1 else tis[0]
    ti = ti + (jnp.asarray(top_k, jnp.int32) - _K)
    acc = sum(p.reshape(_NW, n_banks, _LANES).sum(axis=(0, 2))
              for p in parts_list)
    stats = bank_statistics * (1.0 - _STAT_W) + acc * (_STAT_W / n_tokens)
    return tp, ti, stats

# --- scband reference (transcript-rebuilt; emitter-appended) ---
"""Pipeline reference for scband-bank-selector-45603962749763 (READ-ONLY COPY).

The authoritative reference and input builder live on the scoring server;
editing this copy changes nothing except your own understanding.
"""

import jax, jax.numpy as jnp
import numpy as np

D_MODEL = 768
BANK_SIZE = 64
STAT_WEIGHT = 0.001
N_TOKENS = 32768

def setup_inputs(seed: int = 0) -> dict:
    key = jax.random.key(seed)
    k1, k2, k3 = jax.random.split(key, 3)
    tensor = jax.random.normal(k1, (N_TOKENS, D_MODEL), dtype=jnp.float32)
    # nn.Linear(d_model, bank_size): weight [bank_size, d_model], bias [bank_size]
    bound = 1.0 / np.sqrt(D_MODEL)
    W = jax.random.uniform(k2, (BANK_SIZE, D_MODEL), dtype=jnp.float32, minval=-bound, maxval=bound)
    b = jax.random.uniform(k3, (BANK_SIZE,), dtype=jnp.float32, minval=-bound, maxval=bound)
    bank_statistics = jnp.zeros((BANK_SIZE,), dtype=jnp.float32)
    return {"tensor": tensor, "W": W, "b": b, "bank_statistics": bank_statistics, "top_k": 8}

def reference(tensor, W, b, bank_statistics, top_k):
    # logits = Linear(tensor)
    logits = tensor @ W.T + b
    # top-k selection over bank dimension
    k_static = 8
    top_values, top_indices = jax.lax.top_k(logits, k_static)
    top_indices = top_indices + (jnp.asarray(top_k, dtype=top_indices.dtype) - k_static)
    top_probabilities = jax.nn.softmax(top_values, axis=-1)
    # scatter top probabilities back into full bank-probability tensor
    n = logits.shape[0]
    bank_probabilities = jnp.zeros_like(logits).at[jnp.arange(n)[:, None], top_indices].set(top_probabilities)
    # running statistics update (buffer side effect in torch; returned here)
    access_statistics = bank_probabilities.reshape(-1, logits.shape[-1]).mean(axis=0)
    new_bank_statistics = bank_statistics * (1.0 - STAT_WEIGHT) + access_statistics * STAT_WEIGHT
    return (top_probabilities, top_indices, new_bank_statistics)

if __name__ == "__main__":
    import jax
    _d = setup_inputs()
    print(jax.jit(kernel)(*tuple(_d.values())))

</pallas_src>

<mosaic_0001>
#map = affine_map<(d0, d1) -> (0, 0, 0)>
#map1 = affine_map<(d0, d1) -> (0)>
#map2 = affine_map<(d0, d1) -> (0, 0)>
module attributes {stable_mosaic.version = 14 : i64} {
  func.func @_sc_body(%arg0: i32, %arg1: i32, %arg2: memref<32x64x1024xf32, #tpu.memory_space<hbm>>, %arg3: memref<262144xf32, #tpu.memory_space<hbm>>, %arg4: memref<262144xi32, #tpu.memory_space<hbm>>, %arg5: memref<32x1024xf32, #tpu.memory_space<hbm>>, %arg6: memref<64x1024xf32, #tpu.memory_space<vmem>>, %arg7: memref<8192xf32, #tpu.memory_space<vmem>>, %arg8: memref<8192xi32, #tpu.memory_space<vmem>>, %arg9: memref<1024xf32, #tpu.memory_space<vmem>>) attributes {dimension_semantics = [#tpu.dimension_semantics<core_parallel>, #tpu.dimension_semantics<subcore_parallel>], iteration_bounds = array<i64: 2, 16>, scalar_prefetch = 0 : i64, scratch_operands = 4 : i64, tpu.core_type = #tpu.core_type<sc_vector_subcore>, window_params = [{transform_indices = #map}, {transform_indices = #map1}, {transform_indices = #map1}, {transform_indices = #map2}]} {
    %mul3A = arith.constant 2 : i32
    %mul3A_0 = arith.muli %arg1, %mul3A : i32
    %add3A = arith.addi %mul3A_0, %arg0 : i32
    "tpu.region"() ({
      %run_scoped3A = tpu.sem_alloc : memref<!tpu.dma_semaphore, #tpu.memory_space<semaphore_mem>>
      %dma_start3A = arith.constant 0 : i32
      %dma_start3A_21 = arith.constant 0 : i32
      %dma_start3A_22 = tpu.memref_slice %arg2[%add3A, %dma_start3A, %dma_start3A_21] : memref<32x64x1024xf32, #tpu.memory_space<hbm>> -> memref<1x64x1024xf32, #tpu.memory_space<hbm>>
      %dma_start3A_23 = tpu.memref_squeeze %dma_start3A_22 : memref<1x64x1024xf32, #tpu.memory_space<hbm>> -> memref<64x1024xf32, #tpu.memory_space<hbm>>
      %dma_start3A_24 = arith.constant 0 : i32
      %dma_start3A_25 = arith.constant 0 : i32
      %dma_start3A_26 = tpu.memref_slice %arg2[%add3A, %dma_start3A_24, %dma_start3A_25] : memref<32x64x1024xf32, #tpu.memory_space<hbm>> -> memref<1x64x1024xf32, #tpu.memory_space<hbm>>
      %dma_start3A_27 = tpu.memref_squeeze %dma_start3A_26 : memref<1x64x1024xf32, #tpu.memory_space<hbm>> -> memref<64x1024xf32, #tpu.memory_space<hbm>>
      tpu.enqueue_dma source(%dma_start3A_27 : memref<64x1024xf32, #tpu.memory_space<hbm>>) target(%arg6 : memref<64x1024xf32, #tpu.memory_space<vmem>>) target_semaphore(%run_scoped3A : memref<!tpu.dma_semaphore, #tpu.memory_space<semaphore_mem>>)
      %dma_wait3A = arith.constant 0 : i32
      %dma_wait3A_28 = arith.constant 0 : i32
      %dma_wait3A_29 = tpu.memref_slice %arg2[%add3A, %dma_wait3A, %dma_wait3A_28] : memref<32x64x1024xf32, #tpu.memory_space<hbm>> -> memref<1x64x1024xf32, #tpu.memory_space<hbm>>
      %dma_wait3A_30 = tpu.memref_squeeze %dma_wait3A_29 : memref<1x64x1024xf32, #tpu.memory_space<hbm>> -> memref<64x1024xf32, #tpu.memory_space<hbm>>
      %dma_wait3A_31 = arith.constant 0 : i32
      %dma_wait3A_32 = arith.constant 0 : i32
      %dma_wait3A_33 = tpu.memref_slice %arg2[%add3A, %dma_wait3A_31, %dma_wait3A_32] : memref<32x64x1024xf32, #tpu.memory_space<hbm>> -> memref<1x64x1024xf32, #tpu.memory_space<hbm>>
      %dma_wait3A_34 = tpu.memref_squeeze %dma_wait3A_33 : memref<1x64x1024xf32, #tpu.memory_space<hbm>> -> memref<64x1024xf32, #tpu.memory_space<hbm>>
      tpu.wait_dma2 semaphore(%run_scoped3A : memref<!tpu.dma_semaphore, #tpu.memory_space<semaphore_mem>>) src(%dma_wait3A_34 : memref<64x1024xf32, #tpu.memory_space<hbm>>) dst(%arg6 : memref<64x1024xf32, #tpu.memory_space<vmem>>)
      tpu.yield
    }) : () -> ()
    %iota3A = tpu.iota {dimensions = array<i32: 0>} : vector<16xi32>
    %broadcast_in_dim3A = arith.constant 0.000000e+00 : f32
    %broadcast_in_dim3A_1 = vector.broadcast %broadcast_in_dim3A : f32 to vector<16xf32>
    %scan3A = arith.constant 0 : i32
    %scan3A_2 = arith.constant 0 : i32
    %scan3A_3 = arith.constant 64 : i32
    %scan3A_4 = arith.addi %scan3A_2, %scan3A_3 : i32
    %scan3A_5 = arith.constant 1 : i32
    scf.for %scan3A_21 = %scan3A_2 to %scan3A_4 step %scan3A_5  : i32 {
      %mul3A_22 = arith.constant 16 : i32
      %mul3A_23 = arith.muli %scan3A_21, %mul3A_22 : i32
      %add3A_24 = vector.broadcast %mul3A_23 : i32 to vector<16xi32>
      %add3A_25 = arith.addi %add3A_24, %iota3A : vector<16xi32>
      tpu.vector_store_idx %arg9[%add3A_25], %broadcast_in_dim3A_1 : memref<1024xf32, #tpu.memory_space<vmem>>[vector<16xi32>], vector<16xf32>,
    }
    %scan3A_6 = arith.constant 64 : i32
    %broadcast_in_dim3A_7 = arith.constant -2147483648 : i32
    %broadcast_in_dim3A_8 = vector.broadcast %broadcast_in_dim3A_7 : i32 to vector<16xi32>
    %parallel_loop3A = arith.constant 0 : i32
    %parallel_loop3A_9 = arith.constant 64 : i32
    %parallel_loop3A_10 = arith.constant 1 : i32
    %parallel_loop3A_11 = arith.constant 2147483647 : i32
    %parallel_loop3A_12 = arith.constant -64 : i32
    scf.for %parallel_loop3A_21 = %parallel_loop3A to %parallel_loop3A_9 step %parallel_loop3A_10  : i32 {
      %parallel_loop3A_22 = arith.constant 16 : i32
      %parallel_loop3A_23 = arith.muli %parallel_loop3A_21, %parallel_loop3A_22 : i32
      %parallel_loop3A_24 = vector.broadcast %parallel_loop3A_23 : i32 to vector<16xi32>
      %parallel_loop3A_25 = arith.addi %parallel_loop3A_24, %iota3A : vector<16xi32>
      %parallel_loop3A_26 = arith.constant 0 : i32
      %parallel_loop3A_27 = vector.broadcast %parallel_loop3A_26 : i32 to vector<16xi32>
      %parallel_loop3A_28 = tpu.vector_load_idx %arg6[%parallel_loop3A_27, %parallel_loop3A_25] : memref<64x1024xf32, #tpu.memory_space<vmem>>[vector<16xi32>, vector<16xi32>], vector<16xf32>,
      %parallel_loop3A_29 = vector.bitcast %parallel_loop3A_28 : vector<16xf32> to vector<16xi32>
      %parallel_loop3A_30 = arith.constant 31 : i32
      %parallel_loop3A_31 = vector.broadcast %parallel_loop3A_30 : i32 to vector<16xi32>
      %parallel_loop3A_32 = arith.shrsi %parallel_loop3A_29, %parallel_loop3A_31 : vector<16xi32>
      %parallel_loop3A_33 = vector.broadcast %parallel_loop3A_11 : i32 to vector<16xi32>
      %parallel_loop3A_34 = arith.andi %parallel_loop3A_32, %parallel_loop3A_33 : vector<16xi32>
      %parallel_loop3A_35 = arith.xori %parallel_loop3A_29, %parallel_loop3A_34 : vector<16xi32>
      %parallel_loop3A_36 = vector.broadcast %parallel_loop3A_12 : i32 to vector<16xi32>
      %parallel_loop3A_37 = arith.andi %parallel_loop3A_35, %parallel_loop3A_36 : vector<16xi32>
      %parallel_loop3A_38 = arith.constant 63 : i32
      %parallel_loop3A_39 = vector.broadcast %parallel_loop3A_38 : i32 to vector<16xi32>
      %parallel_loop3A_40 = arith.ori %parallel_loop3A_37, %parallel_loop3A_39 : vector<16xi32>
      %parallel_loop3A_41 = arith.maxsi %broadcast_in_dim3A_8, %parallel_loop3A_40 : vector<16xi32>
      %parallel_loop3A_42 = arith.minsi %broadcast_in_dim3A_8, %parallel_loop3A_40 : vector<16xi32>
      %parallel_loop3A_43 = arith.maxsi %broadcast_in_dim3A_8, %parallel_loop3A_42 : vector<16xi32>
      %parallel_loop3A_44 = arith.minsi %broadcast_in_dim3A_8, %parallel_loop3A_42 : vector<16xi32>
      %parallel_loop3A_45 = arith.maxsi %broadcast_in_dim3A_8, %parallel_loop3A_44 : vector<16xi32>
      %parallel_loop3A_46 = arith.minsi %broadcast_in_dim3A_8, %parallel_loop3A_44 : vector<16xi32>
      %parallel_loop3A_47 = arith.maxsi %broadcast_in_dim3A_8, %parallel_loop3A_46 : vector<16xi32>
      %parallel_loop3A_48 = arith.minsi %broadcast_in_dim3A_8, %parallel_loop3A_46 : vector<16xi32>
      %parallel_loop3A_49 = arith.maxsi %broadcast_in_dim3A_8, %parallel_loop3A_48 : vector<16xi32>
      %parallel_loop3A_50 = arith.minsi %broadcast_in_dim3A_8, %parallel_loop3A_48 : vector<16xi32>
      %parallel_loop3A_51 = arith.maxsi %broadcast_in_dim3A_8, %parallel_loop3A_50 : vector<16xi32>
      %parallel_loop3A_52 = arith.minsi %broadcast_in_dim3A_8, %parallel_loop3A_50 : vector<16xi32>
      %parallel_loop3A_53 = arith.maxsi %broadcast_in_dim3A_8, %parallel_loop3A_52 : vector<16xi32>
      %parallel_loop3A_54 = arith.minsi %broadcast_in_dim3A_8, %parallel_loop3A_52 : vector<16xi32>
      %parallel_loop3A_55 = arith.maxsi %broadcast_in_dim3A_8, %parallel_loop3A_54 : vector<16xi32>
      %parallel_loop3A_56 = arith.minsi %broadcast_in_dim3A_8, %parallel_loop3A_54 : vector<16xi32>
      %parallel_loop3A_57 = arith.maxsi %broadcast_in_dim3A_8, %parallel_loop3A_56 : vector<16xi32>
      %parallel_loop3A_58 = arith.minsi %broadcast_in_dim3A_8, %parallel_loop3A_56 : vector<16xi32>
      %parallel_loop3A_59 = arith.constant 1 : i32
      %parallel_loop3A_60 = vector.broadcast %parallel_loop3A_59 : i32 to vector<16xi32>
      %parallel_loop3A_61 = tpu.vector_load_idx %arg6[%parallel_loop3A_60, %parallel_loop3A_25] : memref<64x1024xf32, #tpu.memory_space<vmem>>[vector<16xi32>, vector<16xi32>], vector<16xf32>,
      %parallel_loop3A_62 = vector.bitcast %parallel_loop3A_61 : vector<16xf32> to vector<16xi32>
      %parallel_loop3A_63 = arith.constant 31 : i32
      %parallel_loop3A_64 = vector.broadcast %parallel_loop3A_63 : i32 to vector<16xi32>
      %parallel_loop3A_65 = arith.shrsi %parallel_loop3A_62, %parallel_loop3A_64 : vector<16xi32>
      %parallel_loop3A_66 = vector.broadcast %parallel_loop3A_11 : i32 to vector<16xi32>
      %parallel_loop3A_67 = arith.andi %parallel_loop3A_65, %parallel_loop3A_66 : vector<16xi32>
      %parallel_loop3A_68 = arith.xori %parallel_loop3A_62, %parallel_loop3A_67 : vector<16xi32>
      %parallel_loop3A_69 = vector.broadcast %parallel_loop3A_12 : i32 to vector<16xi32>
      %parallel_loop3A_70 = arith.andi %parallel_loop3A_68, %parallel_loop3A_69 : vector<16xi32>
      %parallel_loop3A_71 = arith.constant 62 : i32
      %parallel_loop3A_72 = vector.broadcast %parallel_loop3A_71 : i32 to vector<16xi32>
      %parallel_loop3A_73 = arith.ori %parallel_loop3A_70, %parallel_loop3A_72 : vector<16xi32>
      %parallel_loop3A_74 = arith.maxsi %parallel_loop3A_41, %parallel_loop3A_73 : vector<16xi32>
      %parallel_loop3A_75 = arith.minsi %parallel_loop3A_41, %parallel_loop3A_73 : vector<16xi32>
      %parallel_loop3A_76 = arith.maxsi %parallel_loop3A_43, %parallel_loop3A_75 : vector<16xi32>
      %parallel_loop3A_77 = arith.minsi %parallel_loop3A_43, %parallel_loop3A_75 : vector<16xi32>
      %parallel_loop3A_78 = arith.maxsi %parallel_loop3A_45, %parallel_loop3A_77 : vector<16xi32>
      %parallel_loop3A_79 = arith.minsi %parallel_loop3A_45, %parallel_loop3A_77 : vector<16xi32>
      %parallel_loop3A_80 = arith.maxsi %parallel_loop3A_47, %parallel_loop3A_79 : vector<16xi32>
      %parallel_loop3A_81 = arith.minsi %parallel_loop3A_47, %parallel_loop3A_79 : vector<16xi32>
      %parallel_loop3A_82 = arith.maxsi %parallel_loop3A_49, %parallel_loop3A_81 : vector<16xi32>
      %parallel_loop3A_83 = arith.minsi %parallel_loop3A_49, %parallel_loop3A_81 : vector<16xi32>
      %parallel_loop3A_84 = arith.maxsi %parallel_loop3A_51, %parallel_loop3A_83 : vector<16xi32>
      %parallel_loop3A_85 = arith.minsi %parallel_loop3A_51, %parallel_loop3A_83 : vector<16xi32>
      %parallel_loop3A_86 = arith.maxsi %parallel_loop3A_53, %parallel_loop3A_85 : vector<16xi32>
      %parallel_loop3A_87 = arith.minsi %parallel_loop3A_53, %parallel_loop3A_85 : vector<16xi32>
      %parallel_loop3A_88 = arith.maxsi %parallel_loop3A_55, %parallel_loop3A_87 : vector<16xi32>
      %parallel_loop3A_89 = arith.minsi %parallel_loop3A_55, %parallel_loop3A_87 : vector<16xi32>
      %parallel_loop3A_90 = arith.maxsi %parallel_loop3A_57, %parallel_loop3A_89 : vector<16xi32>
      %parallel_loop3A_91 = arith.minsi %parallel_loop3A_57, %parallel_loop3A_89 : vector<16xi32>
      %parallel_loop3A_92 = arith.constant 2 : i32
      %parallel_loop3A_93 = vector.broadcast %parallel_loop3A_92 : i32 to vector<16xi32>
      %parallel_loop3A_94 = tpu.vector_load_idx %arg6[%parallel_loop3A_93, %parallel_loop3A_25] : memref<64x1024xf32, #tpu.memory_space<vmem>>[vector<16xi32>, vector<16xi32>], vector<16xf32>,
      %parallel_loop3A_95 = vector.bitcast %parallel_loop3A_94 : vector<16xf32> to vector<16xi32>
      %parallel_loop3A_96 = arith.constant 31 : i32
      %parallel_loop3A_97 = vector.broadcast %parallel_loop3A_96 : i32 to vector<16xi32>
      %parallel_loop3A_98 = arith.shrsi %parallel_loop3A_95, %parallel_loop3A_97 : vector<16xi32>
      %parallel_loop3A_99 = vector.broadcast %parallel_loop3A_11 : i32 to vector<16xi32>
      %parallel_loop3A_100 = arith.andi %parallel_loop3A_98, %parallel_loop3A_99 : vector<16xi32>
      %parallel_loop3A_101 = arith.xori %parallel_loop3A_95, %parallel_loop3A_100 : vector<16xi32>
      %parallel_loop3A_102 = vector.broadcast %parallel_loop3A_12 : i32 to vector<16xi32>
      %parallel_loop3A_103 = arith.andi %parallel_loop3A_101, %parallel_loop3A_102 : vector<16xi32>
      %parallel_loop3A_104 = arith.constant 61 : i32
      %parallel_loop3A_105 = vector.broadcast %parallel_loop3A_104 : i32 to vector<16xi32>
      %parallel_loop3A_106 = arith.ori %parallel_loop3A_103, %parallel_loop3A_105 : vector<16xi32>
      %parallel_loop3A_107 = arith.maxsi %parallel_loop3A_74, %parallel_loop3A_106 : vector<16xi32>
      %parallel_loop3A_108 = arith.minsi %parallel_loop3A_74, %parallel_loop3A_106 : vector<16xi32>
      %parallel_loop3A_109 = arith.maxsi %parallel_loop3A_76, %parallel_loop3A_108 : vector<16xi32>
      %parallel_loop3A_110 = arith.minsi %parallel_loop3A_76, %parallel_loop3A_108 : vector<16xi32>
      %parallel_loop3A_111 = arith.maxsi %parallel_loop3A_78, %parallel_loop3A_110 : vector<16xi32>
      %parallel_loop3A_112 = arith.minsi %parallel_loop3A_78, %parallel_loop3A_110 : vector<16xi32>
      %parallel_loop3A_113 = arith.maxsi %parallel_loop3A_80, %parallel_loop3A_112 : vector<16xi32>
      %parallel_loop3A_114 = arith.minsi %parallel_loop3A_80, %parallel_loop3A_112 : vector<16xi32>
      %parallel_loop3A_115 = arith.maxsi %parallel_loop3A_82, %parallel_loop3A_114 : vector<16xi32>
      %parallel_loop3A_116 = arith.minsi %parallel_loop3A_82, %parallel_loop3A_114 : vector<16xi32>
      %parallel_loop3A_117 = arith.maxsi %parallel_loop3A_84, %parallel_loop3A_116 : vector<16xi32>
      %parallel_loop3A_118 = arith.minsi %parallel_loop3A_84, %parallel_loop3A_116 : vector<16xi32>
      %parallel_loop3A_119 = arith.maxsi %parallel_loop3A_86, %parallel_loop3A_118 : vector<16xi32>
      %parallel_loop3A_120 = arith.minsi %parallel_loop3A_86, %parallel_loop3A_118 : vector<16xi32>
      %parallel_loop3A_121 = arith.maxsi %parallel_loop3A_88, %parallel_loop3A_120 : vector<16xi32>
      %parallel_loop3A_122 = arith.minsi %parallel_loop3A_88, %parallel_loop3A_120 : vector<16xi32>
      %parallel_loop3A_123 = arith.maxsi %parallel_loop3A_90, %parallel_loop3A_122 : vector<16xi32>
      %parallel_loop3A_124 = arith.minsi %parallel_loop3A_90, %parallel_loop3A_122 : vector<16xi32>
      %parallel_loop3A_125 = arith.constant 3 : i32
      %parallel_loop3A_126 = vector.broadcast %parallel_loop3A_125 : i32 to vector<16xi32>
      %parallel_loop3A_127 = tpu.vector_load_idx %arg6[%parallel_loop3A_126, %parallel_loop3A_25] : memref<64x1024xf32, #tpu.memory_space<vmem>>[vector<16xi32>, vector<16xi32>], vector<16xf32>,
      %parallel_loop3A_128 = vector.bitcast %parallel_loop3A_127 : vector<16xf32> to vector<16xi32>
      %parallel_loop3A_129 = arith.constant 31 : i32
      %parallel_loop3A_130 = vector.broadcast %parallel_loop3A_129 : i32 to vector<16xi32>
      %parallel_loop3A_131 = arith.shrsi %parallel_loop3A_128, %parallel_loop3A_130 : vector<16xi32>
      %parallel_loop3A_132 = vector.broadcast %parallel_loop3A_11 : i32 to vector<16xi32>
      %parallel_loop3A_133 = arith.andi %parallel_loop3A_131, %parallel_loop3A_132 : vector<16xi32>
      %parallel_loop3A_134 = arith.xori %parallel_loop3A_128, %parallel_loop3A_133 : vector<16xi32>
      %parallel_loop3A_135 = vector.broadcast %parallel_loop3A_12 : i32 to vector<16xi32>
      %parallel_loop3A_136 = arith.andi %parallel_loop3A_134, %parallel_loop3A_135 : vector<16xi32>
      %parallel_loop3A_137 = arith.constant 60 : i32
      %parallel_loop3A_138 = vector.broadcast %parallel_loop3A_137 : i32 to vector<16xi32>
      %parallel_loop3A_139 = arith.ori %parallel_loop3A_136, %parallel_loop3A_138 : vector<16xi32>
      %parallel_loop3A_140 = arith.maxsi %parallel_loop3A_107, %parallel_loop3A_139 : vector<16xi32>
      %parallel_loop3A_141 = arith.minsi %parallel_loop3A_107, %parallel_loop3A_139 : vector<16xi32>
      %parallel_loop3A_142 = arith.maxsi %parallel_loop3A_109, %parallel_loop3A_141 : vector<16xi32>
      %parallel_loop3A_143 = arith.minsi %parallel_loop3A_109, %parallel_loop3A_141 : vector<16xi32>
      %parallel_loop3A_144 = arith.maxsi %parallel_loop3A_111, %parallel_loop3A_143 : vector<16xi32>
      %parallel_loop3A_145 = arith.minsi %parallel_loop3A_111, %parallel_loop3A_143 : vector<16xi32>
      %parallel_loop3A_146 = arith.maxsi %parallel_loop3A_113, %parallel_loop3A_145 : vector<16xi32>
      %parallel_loop3A_147 = arith.minsi %parallel_loop3A_113, %parallel_loop3A_145 : vector<16xi32>
      %parallel_loop3A_148 = arith.maxsi %parallel_loop3A_115, %parallel_loop3A_147 : vector<16xi32>
      %parallel_loop3A_149 = arith.minsi %parallel_loop3A_115, %parallel_loop3A_147 : vector<16xi32>
      %parallel_loop3A_150 = arith.maxsi %parallel_loop3A_117, %parallel_loop3A_149 : vector<16xi32>
      %parallel_loop3A_151 = arith.minsi %parallel_loop3A_117, %parallel_loop3A_149 : vector<16xi32>
      %parallel_loop3A_152 = arith.maxsi %parallel_loop3A_119, %parallel_loop3A_151 : vector<16xi32>
      %parallel_loop3A_153 = arith.minsi %parallel_loop3A_119, %parallel_loop3A_151 : vector<16xi32>
      %parallel_loop3A_154 = arith.maxsi %parallel_loop3A_121, %parallel_loop3A_153 : vector<16xi32>
      %parallel_loop3A_155 = arith.minsi %parallel_loop3A_121, %parallel_loop3A_153 : vector<16xi32>
      %parallel_loop3A_156 = arith.maxsi %parallel_loop3A_123, %parallel_loop3A_155 : vector<16xi32>
      %parallel_loop3A_157 = arith.minsi %parallel_loop3A_123, %parallel_loop3A_155 : vector<16xi32>
      %parallel_loop3A_158 = arith.constant 4 : i32
      %parallel_loop3A_159 = vector.broadcast %parallel_loop3A_158 : i32 to vector<16xi32>
      %parallel_loop3A_160 = tpu.vector_load_idx %arg6[%parallel_loop3A_159, %parallel_loop3A_25] : memref<64x1024xf32, #tpu.memory_space<vmem>>[vector<16xi32>, vector<16xi32>], vector<16xf32>,
      %parallel_loop3A_161 = vector.bitcast %parallel_loop3A_160 : vector<16xf32> to vector<16xi32>
      %parallel_loop3A_162 = arith.constant 31 : i32
      %parallel_loop3A_163 = vector.broadcast %parallel_loop3A_162 : i32 to vector<16xi32>
      %parallel_loop3A_164 = arith.shrsi %parallel_loop3A_161, %parallel_loop3A_163 : vector<16xi32>
      %parallel_loop3A_165 = vector.broadcast %parallel_loop3A_11 : i32 to vector<16xi32>
      %parallel_loop3A_166 = arith.andi %parallel_loop3A_164, %parallel_loop3A_165 : vector<16xi32>
      %parallel_loop3A_167 = arith.xori %parallel_loop3A_161, %parallel_loop3A_166 : vector<16xi32>
      %parallel_loop3A_168 = vector.broadcast %parallel_loop3A_12 : i32 to vector<16xi32>
      %parallel_loop3A_169 = arith.andi %parallel_loop3A_167, %parallel_loop3A_168 : vector<16xi32>
      %parallel_loop3A_170 = arith.constant 59 : i32
      %parallel_loop3A_171 = vector.broadcast %parallel_loop3A_170 : i32 to vector<16xi32>
      %parallel_loop3A_172 = arith.ori %parallel_loop3A_169, %parallel_loop3A_171 : vector<16xi32>
      %parallel_loop3A_173 = arith.maxsi %parallel_loop3A_140, %parallel_loop3A_172 : vector<16xi32>
      %parallel_loop3A_174 = arith.minsi %parallel_loop3A_140, %parallel_loop3A_172 : vector<16xi32>
      %parallel_loop3A_175 = arith.maxsi %parallel_loop3A_142, %parallel_loop3A_174 : vector<16xi32>
      %parallel_loop3A_176 = arith.minsi %parallel_loop3A_142, %parallel_loop3A_174 : vector<16xi32>
      %parallel_loop3A_177 = arith.maxsi %parallel_loop3A_144, %parallel_loop3A_176 : vector<16xi32>
      %parallel_loop3A_178 = arith.minsi %parallel_loop3A_144, %parallel_loop3A_176 : vector<16xi32>
      %parallel_loop3A_179 = arith.maxsi %parallel_loop3A_146, %parallel_loop3A_178 : vector<16xi32>
      %parallel_loop3A_180 = arith.minsi %parallel_loop3A_146, %parallel_loop3A_178 : vector<16xi32>
      %parallel_loop3A_181 = arith.maxsi %parallel_loop3A_148, %parallel_loop3A_180 : vector<16xi32>
      %parallel_loop3A_182 = arith.minsi %parallel_loop3A_148, %parallel_loop3A_180 : vector<16xi32>
      %parallel_loop3A_183 = arith.maxsi %parallel_loop3A_150, %parallel_loop3A_182 : vector<16xi32>
      %parallel_loop3A_184 = arith.minsi %parallel_loop3A_150, %parallel_loop3A_182 : vector<16xi32>
      %parallel_loop3A_185 = arith.maxsi %parallel_loop3A_152, %parallel_loop3A_184 : vector<16xi32>
      %parallel_loop3A_186 = arith.minsi %parallel_loop3A_152, %parallel_loop3A_184 : vector<16xi32>
      %parallel_loop3A_187 = arith.maxsi %parallel_loop3A_154, %parallel_loop3A_186 : vector<16xi32>
      %parallel_loop3A_188 = arith.minsi %parallel_loop3A_154, %parallel_loop3A_186 : vector<16xi32>
      %parallel_loop3A_189 = arith.maxsi %parallel_loop3A_156, %parallel_loop3A_188 : vector<16xi32>
      %parallel_loop3A_190 = arith.minsi %parallel_loop3A_156, %parallel_loop3A_188 : vector<16xi32>
      %parallel_loop3A_191 = arith.constant 5 : i32
      %parallel_loop3A_192 = vector.broadcast %parallel_loop3A_191 : i32 to vector<16xi32>
      %parallel_loop3A_193 = tpu.vector_load_idx %arg6[%parallel_loop3A_192, %parallel_loop3A_25] : memref<64x1024xf32, #tpu.memory_space<vmem>>[vector<16xi32>, vector<16xi32>], vector<16xf32>,
      %parallel_loop3A_194 = vector.bitcast %parallel_loop3A_193 : vector<16xf32> to vector<16xi32>
      %parallel_loop3A_195 = arith.constant 31 : i32
      %parallel_loop3A_196 = vector.broadcast %parallel_loop3A_195 : i32 to vector<16xi32>
      %parallel_loop3A_197 = arith.shrsi %parallel_loop3A_194, %parallel_loop3A_196 : vector<16xi32>
      %parallel_loop3A_198 = vector.broadcast %parallel_loop3A_11 : i32 to vector<16xi32>
      %parallel_loop3A_199 = arith.andi %parallel_loop3A_197, %parallel_loop3A_198 : vector<16xi32>
      %parallel_loop3A_200 = arith.xori %parallel_loop3A_194, %parallel_loop3A_199 : vector<16xi32>
      %parallel_loop3A_201 = vector.broadcast %parallel_loop3A_12 : i32 to vector<16xi32>
      %parallel_loop3A_202 = arith.andi %parallel_loop3A_200, %parallel_loop3A_201 : vector<16xi32>
      %parallel_loop3A_203 = arith.constant 58 : i32
      %parallel_loop3A_204 = vector.broadcast %parallel_loop3A_203 : i32 to vector<16xi32>
      %parallel_loop3A_205 = arith.ori %parallel_loop3A_202, %parallel_loop3A_204 : vector<16xi32>
      %parallel_loop3A_206 = arith.maxsi %parallel_loop3A_173, %parallel_loop3A_205 : vector<16xi32>
      %parallel_loop3A_207 = arith.minsi %parallel_loop3A_173, %parallel_loop3A_205 : vector<16xi32>
      %parallel_loop3A_208 = arith.maxsi %parallel_loop3A_175, %parallel_loop3A_207 : vector<16xi32>
      %parallel_loop3A_209 = arith.minsi %parallel_loop3A_175, %parallel_loop3A_207 : vector<16xi32>
      %parallel_loop3A_210 = arith.maxsi %parallel_loop3A_177, %parallel_loop3A_209 : vector<16xi32>
      %parallel_loop3A_211 = arith.minsi %parallel_loop3A_177, %parallel_loop3A_209 : vector<16xi32>
      %parallel_loop3A_212 = arith.maxsi %parallel_loop3A_179, %parallel_loop3A_211 : vector<16xi32>
      %parallel_loop3A_213 = arith.minsi %parallel_loop3A_179, %parallel_loop3A_211 : vector<16xi32>
      %parallel_loop3A_214 = arith.maxsi %parallel_loop3A_181, %parallel_loop3A_213 : vector<16xi32>
      %parallel_loop3A_215 = arith.minsi %parallel_loop3A_181, %parallel_loop3A_213 : vector<16xi32>
      %parallel_loop3A_216 = arith.maxsi %parallel_loop3A_183, %parallel_loop3A_215 : vector<16xi32>
      %parallel_loop3A_217 = arith.minsi %parallel_loop3A_183, %parallel_loop3A_215 : vector<16xi32>
      %parallel_loop3A_218 = arith.maxsi %parallel_loop3A_185, %parallel_loop3A_217 : vector<16xi32>
      %parallel_loop3A_219 = arith.minsi %parallel_loop3A_185, %parallel_loop3A_217 : vector<16xi32>
      %parallel_loop3A_220 = arith.maxsi %parallel_loop3A_187, %parallel_loop3A_219 : vector<16xi32>
      %parallel_loop3A_221 = arith.minsi %parallel_loop3A_187, %parallel_loop3A_219 : vector<16xi32>
      %parallel_loop3A_222 = arith.maxsi %parallel_loop3A_189, %parallel_loop3A_221 : vector<16xi32>
      %parallel_loop3A_223 = arith.minsi %parallel_loop3A_189, %parallel_loop3A_221 : vector<16xi32>
      %parallel_loop3A_224 = arith.constant 6 : i32
      %parallel_loop3A_225 = vector.broadcast %parallel_loop3A_224 : i32 to vector<16xi32>
      %parallel_loop3A_226 = tpu.vector_load_idx %arg6[%parallel_loop3A_225, %parallel_loop3A_25] : memref<64x1024xf32, #tpu.memory_space<vmem>>[vector<16xi32>, vector<16xi32>], vector<16xf32>,
      %parallel_loop3A_227 = vector.bitcast %parallel_loop3A_226 : vector<16xf32> to vector<16xi32>
      %parallel_loop3A_228 = arith.constant 31 : i32
      %parallel_loop3A_229 = vector.broadcast %parallel_loop3A_228 : i32 to vector<16xi32>
      %parallel_loop3A_230 = arith.shrsi %parallel_loop3A_227, %parallel_loop3A_229 : vector<16xi32>
      %parallel_loop3A_231 = vector.broadcast %parallel_loop3A_11 : i32 to vector<16xi32>
      %parallel_loop3A_232 = arith.andi %parallel_loop3A_230, %parallel_loop3A_231 : vector<16xi32>
      %parallel_loop3A_233 = arith.xori %parallel_loop3A_227, %parallel_loop3A_232 : vector<16xi32>
      %parallel_loop3A_234 = vector.broadcast %parallel_loop3A_12 : i32 to vector<16xi32>
      %parallel_loop3A_235 = arith.andi %parallel_loop3A_233, %parallel_loop3A_234 : vector<16xi32>
      %parallel_loop3A_236 = arith.constant 57 : i32
      %parallel_loop3A_237 = vector.broadcast %parallel_loop3A_236 : i32 to vector<16xi32>
      %parallel_loop3A_238 = arith.ori %parallel_loop3A_235, %parallel_loop3A_237 : vector<16xi32>
      %parallel_loop3A_239 = arith.maxsi %parallel_loop3A_206, %parallel_loop3A_238 : vector<16xi32>
      %parallel_loop3A_240 = arith.minsi %parallel_loop3A_206, %parallel_loop3A_238 : vector<16xi32>
      %parallel_loop3A_241 = arith.maxsi %parallel_loop3A_208, %parallel_loop3A_240 : vector<16xi32>
      %parallel_loop3A_242 = arith.minsi %parallel_loop3A_208, %parallel_loop3A_240 : vector<16xi32>
      %parallel_loop3A_243 = arith.maxsi %parallel_loop3A_210, %parallel_loop3A_242 : vector<16xi32>
      %parallel_loop3A_244 = arith.minsi %parallel_loop3A_210, %parallel_loop3A_242 : vector<16xi32>
      %parallel_loop3A_245 = arith.maxsi %parallel_loop3A_212, %parallel_loop3A_244 : vector<16xi32>
      %parallel_loop3A_246 = arith.minsi %parallel_loop3A_212, %parallel_loop3A_244 : vector<16xi32>
      %parallel_loop3A_247 = arith.maxsi %parallel_loop3A_214, %parallel_loop3A_246 : vector<16xi32>
      %parallel_loop3A_248 = arith.minsi %parallel_loop3A_214, %parallel_loop3A_246 : vector<16xi32>
      %parallel_loop3A_249 = arith.maxsi %parallel_loop3A_216, %parallel_loop3A_248 : vector<16xi32>
      %parallel_loop3A_250 = arith.minsi %parallel_loop3A_216, %parallel_loop3A_248 : vector<16xi32>
      %parallel_loop3A_251 = arith.maxsi %parallel_loop3A_218, %parallel_loop3A_250 : vector<16xi32>
      %parallel_loop3A_252 = arith.minsi %parallel_loop3A_218, %parallel_loop3A_250 : vector<16xi32>
      %parallel_loop3A_253 = arith.maxsi %parallel_loop3A_220, %parallel_loop3A_252 : vector<16xi32>
      %parallel_loop3A_254 = arith.minsi %parallel_loop3A_220, %parallel_loop3A_252 : vector<16xi32>
      %parallel_loop3A_255 = arith.maxsi %parallel_loop3A_222, %parallel_loop3A_254 : vector<16xi32>
      %parallel_loop3A_256 = arith.minsi %parallel_loop3A_222, %parallel_loop3A_254 : vector<16xi32>
      %parallel_loop3A_257 = arith.constant 7 : i32
      %parallel_loop3A_258 = vector.broadcast %parallel_loop3A_257 : i32 to vector<16xi32>
      %parallel_loop3A_259 = tpu.vector_load_idx %arg6[%parallel_loop3A_258, %parallel_loop3A_25] : memref<64x1024xf32, #tpu.memory_space<vmem>>[vector<16xi32>, vector<16xi32>], vector<16xf32>,
      %parallel_loop3A_260 = vector.bitcast %parallel_loop3A_259 : vector<16xf32> to vector<16xi32>
      %parallel_loop3A_261 = arith.constant 31 : i32
      %parallel_loop3A_262 = vector.broadcast %parallel_loop3A_261 : i32 to vector<16xi32>
      %parallel_loop3A_263 = arith.shrsi %parallel_loop3A_260, %parallel_loop3A_262 : vector<16xi32>
      %parallel_loop3A_264 = vector.broadcast %parallel_loop3A_11 : i32 to vector<16xi32>
      %parallel_loop3A_265 = arith.andi %parallel_loop3A_263, %parallel_loop3A_264 : vector<16xi32>
      %parallel_loop3A_266 = arith.xori %parallel_loop3A_260, %parallel_loop3A_265 : vector<16xi32>
      %parallel_loop3A_267 = vector.broadcast %parallel_loop3A_12 : i32 to vector<16xi32>
      %parallel_loop3A_268 = arith.andi %parallel_loop3A_266, %parallel_loop3A_267 : vector<16xi32>
      %parallel_loop3A_269 = arith.constant 56 : i32
      %parallel_loop3A_270 = vector.broadcast %parallel_loop3A_269 : i32 to vector<16xi32>
      %parallel_loop3A_271 = arith.ori %parallel_loop3A_268, %parallel_loop3A_270 : vector<16xi32>
      %parallel_loop3A_272 = arith.maxsi %parallel_loop3A_239, %parallel_loop3A_271 : vector<16xi32>
      %parallel_loop3A_273 = arith.minsi %parallel_loop3A_239, %parallel_loop3A_271 : vector<16xi32>
      %parallel_loop3A_274 = arith.maxsi %parallel_loop3A_241, %parallel_loop3A_273 : vector<16xi32>
      %parallel_loop3A_275 = arith.minsi %parallel_loop3A_241, %parallel_loop3A_273 : vector<16xi32>
      %parallel_loop3A_276 = arith.maxsi %parallel_loop3A_243, %parallel_loop3A_275 : vector<16xi32>
      %parallel_loop3A_277 = arith.minsi %parallel_loop3A_243, %parallel_loop3A_275 : vector<16xi32>
      %parallel_loop3A_278 = arith.maxsi %parallel_loop3A_245, %parallel_loop3A_277 : vector<16xi32>
      %parallel_loop3A_279 = arith.minsi %parallel_loop3A_245, %parallel_loop3A_277 : vector<16xi32>
      %parallel_loop3A_280 = arith.maxsi %parallel_loop3A_247, %parallel_loop3A_279 : vector<16xi32>
      %parallel_loop3A_281 = arith.minsi %parallel_loop3A_247, %parallel_loop3A_279 : vector<16xi32>
      %parallel_loop3A_282 = arith.maxsi %parallel_loop3A_249, %parallel_loop3A_281 : vector<16xi32>
      %parallel_loop3A_283 = arith.minsi %parallel_loop3A_249, %parallel_loop3A_281 : vector<16xi32>
      %parallel_loop3A_284 = arith.maxsi %parallel_loop3A_251, %parallel_loop3A_283 : vector<16xi32>
      %parallel_loop3A_285 = arith.minsi %parallel_loop3A_251, %parallel_loop3A_283 : vector<16xi32>
      %parallel_loop3A_286 = arith.maxsi %parallel_loop3A_253, %parallel_loop3A_285 : vector<16xi32>
      %parallel_loop3A_287 = arith.minsi %parallel_loop3A_253, %parallel_loop3A_285 : vector<16xi32>
      %parallel_loop3A_288 = arith.maxsi %parallel_loop3A_255, %parallel_loop3A_287 : vector<16xi32>
      %parallel_loop3A_289 = arith.minsi %parallel_loop3A_255, %parallel_loop3A_287 : vector<16xi32>
      %parallel_loop3A_290 = arith.constant 8 : i32
      %parallel_loop3A_291 = vector.broadcast %parallel_loop3A_290 : i32 to vector<16xi32>
      %parallel_loop3A_292 = tpu.vector_load_idx %arg6[%parallel_loop3A_291, %parallel_loop3A_25] : memref<64x1024xf32, #tpu.memory_space<vmem>>[vector<16xi32>, vector<16xi32>], vector<16xf32>,
      %parallel_loop3A_293 = vector.bitcast %parallel_loop3A_292 : vector<16xf32> to vector<16xi32>
      %parallel_loop3A_294 = arith.constant 31 : i32
      %parallel_loop3A_295 = vector.broadcast %parallel_loop3A_294 : i32 to vector<16xi32>
      %parallel_loop3A_296 = arith.shrsi %parallel_loop3A_293, %parallel_loop3A_295 : vector<16xi32>
      %parallel_loop3A_297 = vector.broadcast %parallel_loop3A_11 : i32 to vector<16xi32>
      %parallel_loop3A_298 = arith.andi %parallel_loop3A_296, %parallel_loop3A_297 : vector<16xi32>
      %parallel_loop3A_299 = arith.xori %parallel_loop3A_293, %parallel_loop3A_298 : vector<16xi32>
      %parallel_loop3A_300 = vector.broadcast %parallel_loop3A_12 : i32 to vector<16xi32>
      %parallel_loop3A_301 = arith.andi %parallel_loop3A_299, %parallel_loop3A_300 : vector<16xi32>
      %parallel_loop3A_302 = arith.constant 55 : i32
      %parallel_loop3A_303 = vector.broadcast %parallel_loop3A_302 : i32 to vector<16xi32>
      %parallel_loop3A_304 = arith.ori %parallel_loop3A_301, %parallel_loop3A_303 : vector<16xi32>
      %parallel_loop3A_305 = arith.maxsi %parallel_loop3A_272, %parallel_loop3A_304 : vector<16xi32>
      %parallel_loop3A_306 = arith.minsi %parallel_loop3A_272, %parallel_loop3A_304 : vector<16xi32>
      %parallel_loop3A_307 = arith.maxsi %parallel_loop3A_274, %parallel_loop3A_306 : vector<16xi32>
      %parallel_loop3A_308 = arith.minsi %parallel_loop3A_274, %parallel_loop3A_306 : vector<16xi32>
      %parallel_loop3A_309 = arith.maxsi %parallel_loop3A_276, %parallel_loop3A_308 : vector<16xi32>
      %parallel_loop3A_310 = arith.minsi %parallel_loop3A_276, %parallel_loop3A_308 : vector<16xi32>
      %parallel_loop3A_311 = arith.maxsi %parallel_loop3A_278, %parallel_loop3A_310 : vector<16xi32>
      %parallel_loop3A_312 = arith.minsi %parallel_loop3A_278, %parallel_loop3A_310 : vector<16xi32>
      %parallel_loop3A_313 = arith.maxsi %parallel_loop3A_280, %parallel_loop3A_312 : vector<16xi32>
      %parallel_loop3A_314 = arith.minsi %parallel_loop3A_280, %parallel_loop3A_312 : vector<16xi32>
      %parallel_loop3A_315 = arith.maxsi %parallel_loop3A_282, %parallel_loop3A_314 : vector<16xi32>
      %parallel_loop3A_316 = arith.minsi %parallel_loop3A_282, %parallel_loop3A_314 : vector<16xi32>
      %parallel_loop3A_317 = arith.maxsi %parallel_loop3A_284, %parallel_loop3A_316 : vector<16xi32>
      %parallel_loop3A_318 = arith.minsi %parallel_loop3A_284, %parallel_loop3A_316 : vector<16xi32>
      %parallel_loop3A_319 = arith.maxsi %parallel_loop3A_286, %parallel_loop3A_318 : vector<16xi32>
      %parallel_loop3A_320 = arith.minsi %parallel_loop3A_286, %parallel_loop3A_318 : vector<16xi32>
      %parallel_loop3A_321 = arith.maxsi %parallel_loop3A_288, %parallel_loop3A_320 : vector<16xi32>
      %parallel_loop3A_322 = arith.minsi %parallel_loop3A_288, %parallel_loop3A_320 : vector<16xi32>
      %parallel_loop3A_323 = arith.constant 9 : i32
      %parallel_loop3A_324 = vector.broadcast %parallel_loop3A_323 : i32 to vector<16xi32>
      %parallel_loop3A_325 = tpu.vector_load_idx %arg6[%parallel_loop3A_324, %parallel_loop3A_25] : memref<64x1024xf32, #tpu.memory_space<vmem>>[vector<16xi32>, vector<16xi32>], vector<16xf32>,
      %parallel_loop3A_326 = vector.bitcast %parallel_loop3A_325 : vector<16xf32> to vector<16xi32>
      %parallel_loop3A_327 = arith.constant 31 : i32
      %parallel_loop3A_328 = vector.broadcast %parallel_loop3A_327 : i32 to vector<16xi32>
      %parallel_loop3A_329 = arith.shrsi %parallel_loop3A_326, %parallel_loop3A_328 : vector<16xi32>
      %parallel_loop3A_330 = vector.broadcast %parallel_loop3A_11 : i32 to vector<16xi32>
      %parallel_loop3A_331 = arith.andi %parallel_loop3A_329, %parallel_loop3A_330 : vector<16xi32>
      %parallel_loop3A_332 = arith.xori %parallel_loop3A_326, %parallel_loop3A_331 : vector<16xi32>
      %parallel_loop3A_333 = vector.broadcast %parallel_loop3A_12 : i32 to vector<16xi32>
      %parallel_loop3A_334 = arith.andi %parallel_loop3A_332, %parallel_loop3A_333 : vector<16xi32>
      %parallel_loop3A_335 = arith.constant 54 : i32
      %parallel_loop3A_336 = vector.broadcast %parallel_loop3A_335 : i32 to vector<16xi32>
      %parallel_loop3A_337 = arith.ori %parallel_loop3A_334, %parallel_loop3A_336 : vector<16xi32>
      %parallel_loop3A_338 = arith.maxsi %parallel_loop3A_305, %parallel_loop3A_337 : vector<16xi32>
      %parallel_loop3A_339 = arith.minsi %parallel_loop3A_305, %parallel_loop3A_337 : vector<16xi32>
      %parallel_loop3A_340 = arith.maxsi %parallel_loop3A_307, %parallel_loop3A_339 : vector<16xi32>
      %parallel_loop3A_341 = arith.minsi %parallel_loop3A_307, %parallel_loop3A_339 : vector<16xi32>
      %parallel_loop3A_342 = arith.maxsi %parallel_loop3A_309, %parallel_loop3A_341 : vector<16xi32>
      %parallel_loop3A_343 = arith.minsi %parallel_loop3A_309, %parallel_loop3A_341 : vector<16xi32>
      %parallel_loop3A_344 = arith.maxsi %parallel_loop3A_311, %parallel_loop3A_343 : vector<16xi32>
      %parallel_loop3A_345 = arith.minsi %parallel_loop3A_311, %parallel_loop3A_343 : vector<16xi32>
      %parallel_loop3A_346 = arith.maxsi %parallel_loop3A_313, %parallel_loop3A_345 : vector<16xi32>
      %parallel_loop3A_347 = arith.minsi %parallel_loop3A_313, %parallel_loop3A_345 : vector<16xi32>
      %parallel_loop3A_348 = arith.maxsi %parallel_loop3A_315, %parallel_loop3A_347 : vector<16xi32>
      %parallel_loop3A_349 = arith.minsi %parallel_loop3A_315, %parallel_loop3A_347 : vector<16xi32>
      %parallel_loop3A_350 = arith.maxsi %parallel_loop3A_317, %parallel_loop3A_349 : vector<16xi32>
      %parallel_loop3A_351 = arith.minsi %parallel_loop3A_317, %parallel_loop3A_349 : vector<16xi32>
      %parallel_loop3A_352 = arith.maxsi %parallel_loop3A_319, %parallel_loop3A_351 : vector<16xi32>
      %parallel_loop3A_353 = arith.minsi %parallel_loop3A_319, %parallel_loop3A_351 : vector<16xi32>
      %parallel_loop3A_354 = arith.maxsi %parallel_loop3A_321, %parallel_loop3A_353 : vector<16xi32>
      %parallel_loop3A_355 = arith.minsi %parallel_loop3A_321, %parallel_loop3A_353 : vector<16xi32>
      %parallel_loop3A_356 = arith.constant 10 : i32
      %parallel_loop3A_357 = vector.broadcast %parallel_loop3A_356 : i32 to vector<16xi32>
      %parallel_loop3A_358 = tpu.vector_load_idx %arg6[%parallel_loop3A_357, %parallel_loop3A_25] : memref<64x1024xf32, #tpu.memory_space<vmem>>[vector<16xi32>, vector<16xi32>], vector<16xf32>,
      %parallel_loop3A_359 = vector.bitcast %parallel_loop3A_358 : vector<16xf32> to vector<16xi32>
      %parallel_loop3A_360 = arith.constant 31 : i32
      %parallel_loop3A_361 = vector.broadcast %parallel_loop3A_360 : i32 to vector<16xi32>
      %parallel_loop3A_362 = arith.shrsi %parallel_loop3A_359, %parallel_loop3A_361 : vector<16xi32>
      %parallel_loop3A_363 = vector.broadcast %parallel_loop3A_11 : i32 to vector<16xi32>
      %parallel_loop3A_364 = arith.andi %parallel_loop3A_362, %parallel_loop3A_363 : vector<16xi32>
      %parallel_loop3A_365 = arith.xori %parallel_loop3A_359, %parallel_loop3A_364 : vector<16xi32>
      %parallel_loop3A_366 = vector.broadcast %parallel_loop3A_12 : i32 to vector<16xi32>
      %parallel_loop3A_367 = arith.andi %parallel_loop3A_365, %parallel_loop3A_366 : vector<16xi32>
      %parallel_loop3A_368 = arith.constant 53 : i32
      %parallel_loop3A_369 = vector.broadcast %parallel_loop3A_368 : i32 to vector<16xi32>
      %parallel_loop3A_370 = arith.ori %parallel_loop3A_367, %parallel_loop3A_369 : vector<16xi32>
      %parallel_loop3A_371 = arith.maxsi %parallel_loop3A_338, %parallel_loop3A_370 : vector<16xi32>
      %parallel_loop3A_372 = arith.minsi %parallel_loop3A_338, %parallel_loop3A_370 : vector<16xi32>
      %parallel_loop3A_373 = arith.maxsi %parallel_loop3A_340, %parallel_loop3A_372 : vector<16xi32>
      %parallel_loop3A_374 = arith.minsi %parallel_loop3A_340, %parallel_loop3A_372 : vector<16xi32>
      %parallel_loop3A_375 = arith.maxsi %parallel_loop3A_342, %parallel_loop3A_374 : vector<16xi32>
      %parallel_loop3A_376 = arith.minsi %parallel_loop3A_342, %parallel_loop3A_374 : vector<16xi32>
      %parallel_loop3A_377 = arith.maxsi %parallel_loop3A_344, %parallel_loop3A_376 : vector<16xi32>
      %parallel_loop3A_378 = arith.minsi %parallel_loop3A_344, %parallel_loop3A_376 : vector<16xi32>
      %parallel_loop3A_379 = arith.maxsi %parallel_loop3A_346, %parallel_loop3A_378 : vector<16xi32>
      %parallel_loop3A_380 = arith.minsi %parallel_loop3A_346, %parallel_loop3A_378 : vector<16xi32>
      %parallel_loop3A_381 = arith.maxsi %parallel_loop3A_348, %parallel_loop3A_380 : vector<16xi32>
      %parallel_loop3A_382 = arith.minsi %parallel_loop3A_348, %parallel_loop3A_380 : vector<16xi32>
      %parallel_loop3A_383 = arith.maxsi %parallel_loop3A_350, %parallel_loop3A_382 : vector<16xi32>
      %parallel_loop3A_384 = arith.minsi %parallel_loop3A_350, %parallel_loop3A_382 : vector<16xi32>
      %parallel_loop3A_385 = arith.maxsi %parallel_loop3A_352, %parallel_loop3A_384 : vector<16xi32>
      %parallel_loop3A_386 = arith.minsi %parallel_loop3A_352, %parallel_loop3A_384 : vector<16xi32>
      %parallel_loop3A_387 = arith.maxsi %parallel_loop3A_354, %parallel_loop3A_386 : vector<16xi32>
      %parallel_loop3A_388 = arith.minsi %parallel_loop3A_354, %parallel_loop3A_386 : vector<16xi32>
      %parallel_loop3A_389 = arith.constant 11 : i32
      %parallel_loop3A_390 = vector.broadcast %parallel_loop3A_389 : i32 to vector<16xi32>
      %parallel_loop3A_391 = tpu.vector_load_idx %arg6[%parallel_loop3A_390, %parallel_loop3A_25] : memref<64x1024xf32, #tpu.memory_space<vmem>>[vector<16xi32>, vector<16xi32>], vector<16xf32>,
      %parallel_loop3A_392 = vector.bitcast %parallel_loop3A_391 : vector<16xf32> to vector<16xi32>
      %parallel_loop3A_393 = arith.constant 31 : i32
      %parallel_loop3A_394 = vector.broadcast %parallel_loop3A_393 : i32 to vector<16xi32>
      %parallel_loop3A_395 = arith.shrsi %parallel_loop3A_392, %parallel_loop3A_394 : vector<16xi32>
      %parallel_loop3A_396 = vector.broadcast %parallel_loop3A_11 : i32 to vector<16xi32>
      %parallel_loop3A_397 = arith.andi %parallel_loop3A_395, %parallel_loop3A_396 : vector<16xi32>
      %parallel_loop3A_398 = arith.xori %parallel_loop3A_392, %parallel_loop3A_397 : vector<16xi32>
      %parallel_loop3A_399 = vector.broadcast %parallel_loop3A_12 : i32 to vector<16xi32>
      %parallel_loop3A_400 = arith.andi %parallel_loop3A_398, %parallel_loop3A_399 : vector<16xi32>
      %parallel_loop3A_401 = arith.constant 52 : i32
      %parallel_loop3A_402 = vector.broadcast %parallel_loop3A_401 : i32 to vector<16xi32>
      %parallel_loop3A_403 = arith.ori %parallel_loop3A_400, %parallel_loop3A_402 : vector<16xi32>
      %parallel_loop3A_404 = arith.maxsi %parallel_loop3A_371, %parallel_loop3A_403 : vector<16xi32>
      %parallel_loop3A_405 = arith.minsi %parallel_loop3A_371, %parallel_loop3A_403 : vector<16xi32>
      %parallel_loop3A_406 = arith.maxsi %parallel_loop3A_373, %parallel_loop3A_405 : vector<16xi32>
      %parallel_loop3A_407 = arith.minsi %parallel_loop3A_373, %parallel_loop3A_405 : vector<16xi32>
      %parallel_loop3A_408 = arith.maxsi %parallel_loop3A_375, %parallel_loop3A_407 : vector<16xi32>
      %parallel_loop3A_409 = arith.minsi %parallel_loop3A_375, %parallel_loop3A_407 : vector<16xi32>
      %parallel_loop3A_410 = arith.maxsi %parallel_loop3A_377, %parallel_loop3A_409 : vector<16xi32>
      %parallel_loop3A_411 = arith.minsi %parallel_loop3A_377, %parallel_loop3A_409 : vector<16xi32>
      %parallel_loop3A_412 = arith.maxsi %parallel_loop3A_379, %parallel_loop3A_411 : vector<16xi32>
      %parallel_loop3A_413 = arith.minsi %parallel_loop3A_379, %parallel_loop3A_411 : vector<16xi32>
      %parallel_loop3A_414 = arith.maxsi %parallel_loop3A_381, %parallel_loop3A_413 : vector<16xi32>
      %parallel_loop3A_415 = arith.minsi %parallel_loop3A_381, %parallel_loop3A_413 : vector<16xi32>
      %parallel_loop3A_416 = arith.maxsi %parallel_loop3A_383, %parallel_loop3A_415 : vector<16xi32>
      %parallel_loop3A_417 = arith.minsi %parallel_loop3A_383, %parallel_loop3A_415 : vector<16xi32>
      %parallel_loop3A_418 = arith.maxsi %parallel_loop3A_385, %parallel_loop3A_417 : vector<16xi32>
      %parallel_loop3A_419 = arith.minsi %parallel_loop3A_385, %parallel_loop3A_417 : vector<16xi32>
      %parallel_loop3A_420 = arith.maxsi %parallel_loop3A_387, %parallel_loop3A_419 : vector<16xi32>
      %parallel_loop3A_421 = arith.minsi %parallel_loop3A_387, %parallel_loop3A_419 : vector<16xi32>
      %parallel_loop3A_422 = arith.constant 12 : i32
      %parallel_loop3A_423 = vector.broadcast %parallel_loop3A_422 : i32 to vector<16xi32>
      %parallel_loop3A_424 = tpu.vector_load_idx %arg6[%parallel_loop3A_423, %parallel_loop3A_25] : memref<64x1024xf32, #tpu.memory_space<vmem>>[vector<16xi32>, vector<16xi32>], vector<16xf32>,
      %parallel_loop3A_425 = vector.bitcast %parallel_loop3A_424 : vector<16xf32> to vector<16xi32>
      %parallel_loop3A_426 = arith.constant 31 : i32
      %parallel_loop3A_427 = vector.broadcast %parallel_loop3A_426 : i32 to vector<16xi32>
      %parallel_loop3A_428 = arith.shrsi %parallel_loop3A_425, %parallel_loop3A_427 : vector<16xi32>
      %parallel_loop3A_429 = vector.broadcast %parallel_loop3A_11 : i32 to vector<16xi32>
      %parallel_loop3A_430 = arith.andi %parallel_loop3A_428, %parallel_loop3A_429 : vector<16xi32>
      %parallel_loop3A_431 = arith.xori %parallel_loop3A_425, %parallel_loop3A_430 : vector<16xi32>
      %parallel_loop3A_432 = vector.broadcast %parallel_loop3A_12 : i32 to vector<16xi32>
      %parallel_loop3A_433 = arith.andi %parallel_loop3A_431, %parallel_loop3A_432 : vector<16xi32>
      %parallel_loop3A_434 = arith.constant 51 : i32
      %parallel_loop3A_435 = vector.broadcast %parallel_loop3A_434 : i32 to vector<16xi32>
      %parallel_loop3A_436 = arith.ori %parallel_loop3A_433, %parallel_loop3A_435 : vector<16xi32>
      %parallel_loop3A_437 = arith.maxsi %parallel_loop3A_404, %parallel_loop3A_436 : vector<16xi32>
      %parallel_loop3A_438 = arith.minsi %parallel_loop3A_404, %parallel_loop3A_436 : vector<16xi32>
      %parallel_loop3A_439 = arith.maxsi %parallel_loop3A_406, %parallel_loop3A_438 : vector<16xi32>
      %parallel_loop3A_440 = arith.minsi %parallel_loop3A_406, %parallel_loop3A_438 : vector<16xi32>
      %parallel_loop3A_441 = arith.maxsi %parallel_loop3A_408, %parallel_loop3A_440 : vector<16xi32>
      %parallel_loop3A_442 = arith.minsi %parallel_loop3A_408, %parallel_loop3A_440 : vector<16xi32>
      %parallel_loop3A_443 = arith.maxsi %parallel_loop3A_410, %parallel_loop3A_442 : vector<16xi32>
      %parallel_loop3A_444 = arith.minsi %parallel_loop3A_410, %parallel_loop3A_442 : vector<16xi32>
      %parallel_loop3A_445 = arith.maxsi %parallel_loop3A_412, %parallel_loop3A_444 : vector<16xi32>
      %parallel_loop3A_446 = arith.minsi %parallel_loop3A_412, %parallel_loop3A_444 : vector<16xi32>
      %parallel_loop3A_447 = arith.maxsi %parallel_loop3A_414, %parallel_loop3A_446 : vector<16xi32>
      %parallel_loop3A_448 = arith.minsi %parallel_loop3A_414, %parallel_loop3A_446 : vector<16xi32>
      %parallel_loop3A_449 = arith.maxsi %parallel_loop3A_416, %parallel_loop3A_448 : vector<16xi32>
      %parallel_loop3A_450 = arith.minsi %parallel_loop3A_416, %parallel_loop3A_448 : vector<16xi32>
      %parallel_loop3A_451 = arith.maxsi %parallel_loop3A_418, %parallel_loop3A_450 : vector<16xi32>
      %parallel_loop3A_452 = arith.minsi %parallel_loop3A_418, %parallel_loop3A_450 : vector<16xi32>
      %parallel_loop3A_453 = arith.maxsi %parallel_loop3A_420, %parallel_loop3A_452 : vector<16xi32>
      %parallel_loop3A_454 = arith.minsi %parallel_loop3A_420, %parallel_loop3A_452 : vector<16xi32>
      %parallel_loop3A_455 = arith.constant 13 : i32
      %parallel_loop3A_456 = vector.broadcast %parallel_loop3A_455 : i32 to vector<16xi32>
      %parallel_loop3A_457 = tpu.vector_load_idx %arg6[%parallel_loop3A_456, %parallel_loop3A_25] : memref<64x1024xf32, #tpu.memory_space<vmem>>[vector<16xi32>, vector<16xi32>], vector<16xf32>,
      %parallel_loop3A_458 = vector.bitcast %parallel_loop3A_457 : vector<16xf32> to vector<16xi32>
      %parallel_loop3A_459 = arith.constant 31 : i32
      %parallel_loop3A_460 = vector.broadcast %parallel_loop3A_459 : i32 to vector<16xi32>
      %parallel_loop3A_461 = arith.shrsi %parallel_loop3A_458, %parallel_loop3A_460 : vector<16xi32>
      %parallel_loop3A_462 = vector.broadcast %parallel_loop3A_11 : i32 to vector<16xi32>
      %parallel_loop3A_463 = arith.andi %parallel_loop3A_461, %parallel_loop3A_462 : vector<16xi32>
      %parallel_loop3A_464 = arith.xori %parallel_loop3A_458, %parallel_loop3A_463 : vector<16xi32>
      %parallel_loop3A_465 = vector.broadcast %parallel_loop3A_12 : i32 to vector<16xi32>
      %parallel_loop3A_466 = arith.andi %parallel_loop3A_464, %parallel_loop3A_465 : vector<16xi32>
      %parallel_loop3A_467 = arith.constant 50 : i32
      %parallel_loop3A_468 = vector.broadcast %parallel_loop3A_467 : i32 to vector<16xi32>
      %parallel_loop3A_469 = arith.ori %parallel_loop3A_466, %parallel_loop3A_468 : vector<16xi32>
      %parallel_loop3A_470 = arith.maxsi %parallel_loop3A_437, %parallel_loop3A_469 : vector<16xi32>
      %parallel_loop3A_471 = arith.minsi %parallel_loop3A_437, %parallel_loop3A_469 : vector<16xi32>
      %parallel_loop3A_472 = arith.maxsi %parallel_loop3A_439, %parallel_loop3A_471 : vector<16xi32>
      %parallel_loop3A_473 = arith.minsi %parallel_loop3A_439, %parallel_loop3A_471 : vector<16xi32>
      %parallel_loop3A_474 = arith.maxsi %parallel_loop3A_441, %parallel_loop3A_473 : vector<16xi32>
      %parallel_loop3A_475 = arith.minsi %parallel_loop3A_441, %parallel_loop3A_473 : vector<16xi32>
      %parallel_loop3A_476 = arith.maxsi %parallel_loop3A_443, %parallel_loop3A_475 : vector<16xi32>
      %parallel_loop3A_477 = arith.minsi %parallel_loop3A_443, %parallel_loop3A_475 : vector<16xi32>
      %parallel_loop3A_478 = arith.maxsi %parallel_loop3A_445, %parallel_loop3A_477 : vector<16xi32>
      %parallel_loop3A_479 = arith.minsi %parallel_loop3A_445, %parallel_loop3A_477 : vector<16xi32>
      %parallel_loop3A_480 = arith.maxsi %parallel_loop3A_447, %parallel_loop3A_479 : vector<16xi32>
      %parallel_loop3A_481 = arith.minsi %parallel_loop3A_447, %parallel_loop3A_479 : vector<16xi32>
      %parallel_loop3A_482 = arith.maxsi %parallel_loop3A_449, %parallel_loop3A_481 : vector<16xi32>
      %parallel_loop3A_483 = arith.minsi %parallel_loop3A_449, %parallel_loop3A_481 : vector<16xi32>
      %parallel_loop3A_484 = arith.maxsi %parallel_loop3A_451, %parallel_loop3A_483 : vector<16xi32>
      %parallel_loop3A_485 = arith.minsi %parallel_loop3A_451, %parallel_loop3A_483 : vector<16xi32>
      %parallel_loop3A_486 = arith.maxsi %parallel_loop3A_453, %parallel_loop3A_485 : vector<16xi32>
      %parallel_loop3A_487 = arith.minsi %parallel_loop3A_453, %parallel_loop3A_485 : vector<16xi32>
      %parallel_loop3A_488 = arith.constant 14 : i32
      %parallel_loop3A_489 = vector.broadcast %parallel_loop3A_488 : i32 to vector<16xi32>
      %parallel_loop3A_490 = tpu.vector_load_idx %arg6[%parallel_loop3A_489, %parallel_loop3A_25] : memref<64x1024xf32, #tpu.memory_space<vmem>>[vector<16xi32>, vector<16xi32>], vector<16xf32>,
      %parallel_loop3A_491 = vector.bitcast %parallel_loop3A_490 : vector<16xf32> to vector<16xi32>
      %parallel_loop3A_492 = arith.constant 31 : i32
      %parallel_loop3A_493 = vector.broadcast %parallel_loop3A_492 : i32 to vector<16xi32>
      %parallel_loop3A_494 = arith.shrsi %parallel_loop3A_491, %parallel_loop3A_493 : vector<16xi32>
      %parallel_loop3A_495 = vector.broadcast %parallel_loop3A_11 : i32 to vector<16xi32>
      %parallel_loop3A_496 = arith.andi %parallel_loop3A_494, %parallel_loop3A_495 : vector<16xi32>
      %parallel_loop3A_497 = arith.xori %parallel_loop3A_491, %parallel_loop3A_496 : vector<16xi32>
      %parallel_loop3A_498 = vector.broadcast %parallel_loop3A_12 : i32 to vector<16xi32>
      %parallel_loop3A_499 = arith.andi %parallel_loop3A_497, %parallel_loop3A_498 : vector<16xi32>
      %parallel_loop3A_500 = arith.constant 49 : i32
      %parallel_loop3A_501 = vector.broadcast %parallel_loop3A_500 : i32 to vector<16xi32>
      %parallel_loop3A_502 = arith.ori %parallel_loop3A_499, %parallel_loop3A_501 : vector<16xi32>
      %parallel_loop3A_503 = arith.maxsi %parallel_loop3A_470, %parallel_loop3A_502 : vector<16xi32>
      %parallel_loop3A_504 = arith.minsi %parallel_loop3A_470, %parallel_loop3A_502 : vector<16xi32>
      %parallel_loop3A_505 = arith.maxsi %parallel_loop3A_472, %parallel_loop3A_504 : vector<16xi32>
      %parallel_loop3A_506 = arith.minsi %parallel_loop3A_472, %parallel_loop3A_504 : vector<16xi32>
      %parallel_loop3A_507 = arith.maxsi %parallel_loop3A_474, %parallel_loop3A_506 : vector<16xi32>
      %parallel_loop3A_508 = arith.minsi %parallel_loop3A_474, %parallel_loop3A_506 : vector<16xi32>
      %parallel_loop3A_509 = arith.maxsi %parallel_loop3A_476, %parallel_loop3A_508 : vector<16xi32>
      %parallel_loop3A_510 = arith.minsi %parallel_loop3A_476, %parallel_loop3A_508 : vector<16xi32>
      %parallel_loop3A_511 = arith.maxsi %parallel_loop3A_478, %parallel_loop3A_510 : vector<16xi32>
      %parallel_loop3A_512 = arith.minsi %parallel_loop3A_478, %parallel_loop3A_510 : vector<16xi32>
      %parallel_loop3A_513 = arith.maxsi %parallel_loop3A_480, %parallel_loop3A_512 : vector<16xi32>
      %parallel_loop3A_514 = arith.minsi %parallel_loop3A_480, %parallel_loop3A_512 : vector<16xi32>
      %parallel_loop3A_515 = arith.maxsi %parallel_loop3A_482, %parallel_loop3A_514 : vector<16xi32>
      %parallel_loop3A_516 = arith.minsi %parallel_loop3A_482, %parallel_loop3A_514 : vector<16xi32>
      %parallel_loop3A_517 = arith.maxsi %parallel_loop3A_484, %parallel_loop3A_516 : vector<16xi32>
      %parallel_loop3A_518 = arith.minsi %parallel_loop3A_484, %parallel_loop3A_516 : vector<16xi32>
      %parallel_loop3A_519 = arith.maxsi %parallel_loop3A_486, %parallel_loop3A_518 : vector<16xi32>
      %parallel_loop3A_520 = arith.minsi %parallel_loop3A_486, %parallel_loop3A_518 : vector<16xi32>
      %parallel_loop3A_521 = arith.constant 15 : i32
      %parallel_loop3A_522 = vector.broadcast %parallel_loop3A_521 : i32 to vector<16xi32>
      %parallel_loop3A_523 = tpu.vector_load_idx %arg6[%parallel_loop3A_522, %parallel_loop3A_25] : memref<64x1024xf32, #tpu.memory_space<vmem>>[vector<16xi32>, vector<16xi32>], vector<16xf32>,
      %parallel_loop3A_524 = vector.bitcast %parallel_loop3A_523 : vector<16xf32> to vector<16xi32>
      %parallel_loop3A_525 = arith.constant 31 : i32
      %parallel_loop3A_526 = vector.broadcast %parallel_loop3A_525 : i32 to vector<16xi32>
      %parallel_loop3A_527 = arith.shrsi %parallel_loop3A_524, %parallel_loop3A_526 : vector<16xi32>
      %parallel_loop3A_528 = vector.broadcast %parallel_loop3A_11 : i32 to vector<16xi32>
      %parallel_loop3A_529 = arith.andi %parallel_loop3A_527, %parallel_loop3A_528 : vector<16xi32>
      %parallel_loop3A_530 = arith.xori %parallel_loop3A_524, %parallel_loop3A_529 : vector<16xi32>
      %parallel_loop3A_531 = vector.broadcast %parallel_loop3A_12 : i32 to vector<16xi32>
      %parallel_loop3A_532 = arith.andi %parallel_loop3A_530, %parallel_loop3A_531 : vector<16xi32>
      %parallel_loop3A_533 = arith.constant 48 : i32
      %parallel_loop3A_534 = vector.broadcast %parallel_loop3A_533 : i32 to vector<16xi32>
      %parallel_loop3A_535 = arith.ori %parallel_loop3A_532, %parallel_loop3A_534 : vector<16xi32>
      %parallel_loop3A_536 = arith.maxsi %parallel_loop3A_503, %parallel_loop3A_535 : vector<16xi32>
      %parallel_loop3A_537 = arith.minsi %parallel_loop3A_503, %parallel_loop3A_535 : vector<16xi32>
      %parallel_loop3A_538 = arith.maxsi %parallel_loop3A_505, %parallel_loop3A_537 : vector<16xi32>
      %parallel_loop3A_539 = arith.minsi %parallel_loop3A_505, %parallel_loop3A_537 : vector<16xi32>
      %parallel_loop3A_540 = arith.maxsi %parallel_loop3A_507, %parallel_loop3A_539 : vector<16xi32>
      %parallel_loop3A_541 = arith.minsi %parallel_loop3A_507, %parallel_loop3A_539 : vector<16xi32>
      %parallel_loop3A_542 = arith.maxsi %parallel_loop3A_509, %parallel_loop3A_541 : vector<16xi32>
      %parallel_loop3A_543 = arith.minsi %parallel_loop3A_509, %parallel_loop3A_541 : vector<16xi32>
      %parallel_loop3A_544 = arith.maxsi %parallel_loop3A_511, %parallel_loop3A_543 : vector<16xi32>
      %parallel_loop3A_545 = arith.minsi %parallel_loop3A_511, %parallel_loop3A_543 : vector<16xi32>
      %parallel_loop3A_546 = arith.maxsi %parallel_loop3A_513, %parallel_loop3A_545 : vector<16xi32>
      %parallel_loop3A_547 = arith.minsi %parallel_loop3A_513, %parallel_loop3A_545 : vector<16xi32>
      %parallel_loop3A_548 = arith.maxsi %parallel_loop3A_515, %parallel_loop3A_547 : vector<16xi32>
      %parallel_loop3A_549 = arith.minsi %parallel_loop3A_515, %parallel_loop3A_547 : vector<16xi32>
      %parallel_loop3A_550 = arith.maxsi %parallel_loop3A_517, %parallel_loop3A_549 : vector<16xi32>
      %parallel_loop3A_551 = arith.minsi %parallel_loop3A_517, %parallel_loop3A_549 : vector<16xi32>
      %parallel_loop3A_552 = arith.maxsi %parallel_loop3A_519, %parallel_loop3A_551 : vector<16xi32>
      %parallel_loop3A_553 = arith.minsi %parallel_loop3A_519, %parallel_loop3A_551 : vector<16xi32>
      %parallel_loop3A_554 = arith.constant 16 : i32
      %parallel_loop3A_555 = vector.broadcast %parallel_loop3A_554 : i32 to vector<16xi32>
      %parallel_loop3A_556 = tpu.vector_load_idx %arg6[%parallel_loop3A_555, %parallel_loop3A_25] : memref<64x1024xf32, #tpu.memory_space<vmem>>[vector<16xi32>, vector<16xi32>], vector<16xf32>,
      %parallel_loop3A_557 = vector.bitcast %parallel_loop3A_556 : vector<16xf32> to vector<16xi32>
      %parallel_loop3A_558 = arith.constant 31 : i32
      %parallel_loop3A_559 = vector.broadcast %parallel_loop3A_558 : i32 to vector<16xi32>
      %parallel_loop3A_560 = arith.shrsi %parallel_loop3A_557, %parallel_loop3A_559 : vector<16xi32>
      %parallel_loop3A_561 = vector.broadcast %parallel_loop3A_11 : i32 to vector<16xi32>
      %parallel_loop3A_562 = arith.andi %parallel_loop3A_560, %parallel_loop3A_561 : vector<16xi32>
      %parallel_loop3A_563 = arith.xori %parallel_loop3A_557, %parallel_loop3A_562 : vector<16xi32>
      %parallel_loop3A_564 = vector.broadcast %parallel_loop3A_12 : i32 to vector<16xi32>
      %parallel_loop3A_565 = arith.andi %parallel_loop3A_563, %parallel_loop3A_564 : vector<16xi32>
      %parallel_loop3A_566 = arith.constant 47 : i32
      %parallel_loop3A_567 = vector.broadcast %parallel_loop3A_566 : i32 to vector<16xi32>
      %parallel_loop3A_568 = arith.ori %parallel_loop3A_565, %parallel_loop3A_567 : vector<16xi32>
      %parallel_loop3A_569 = arith.maxsi %parallel_loop3A_536, %parallel_loop3A_568 : vector<16xi32>
      %parallel_loop3A_570 = arith.minsi %parallel_loop3A_536, %parallel_loop3A_568 : vector<16xi32>
      %parallel_loop3A_571 = arith.maxsi %parallel_loop3A_538, %parallel_loop3A_570 : vector<16xi32>
      %parallel_loop3A_572 = arith.minsi %parallel_loop3A_538, %parallel_loop3A_570 : vector<16xi32>
      %parallel_loop3A_573 = arith.maxsi %parallel_loop3A_540, %parallel_loop3A_572 : vector<16xi32>
      %parallel_loop3A_574 = arith.minsi %parallel_loop3A_540, %parallel_loop3A_572 : vector<16xi32>
      %parallel_loop3A_575 = arith.maxsi %parallel_loop3A_542, %parallel_loop3A_574 : vector<16xi32>
      %parallel_loop3A_576 = arith.minsi %parallel_loop3A_542, %parallel_loop3A_574 : vector<16xi32>
      %parallel_loop3A_577 = arith.maxsi %parallel_loop3A_544, %parallel_loop3A_576 : vector<16xi32>
      %parallel_loop3A_578 = arith.minsi %parallel_loop3A_544, %parallel_loop3A_576 : vector<16xi32>
      %parallel_loop3A_579 = arith.maxsi %parallel_loop3A_546, %parallel_loop3A_578 : vector<16xi32>
      %parallel_loop3A_580 = arith.minsi %parallel_loop3A_546, %parallel_loop3A_578 : vector<16xi32>
      %parallel_loop3A_581 = arith.maxsi %parallel_loop3A_548, %parallel_loop3A_580 : vector<16xi32>
      %parallel_loop3A_582 = arith.minsi %parallel_loop3A_548, %parallel_loop3A_580 : vector<16xi32>
      %parallel_loop3A_583 = arith.maxsi %parallel_loop3A_550, %parallel_loop3A_582 : vector<16xi32>
      %parallel_loop3A_584 = arith.minsi %parallel_loop3A_550, %parallel_loop3A_582 : vector<16xi32>
      %parallel_loop3A_585 = arith.maxsi %parallel_loop3A_552, %parallel_loop3A_584 : vector<16xi32>
      %parallel_loop3A_586 = arith.minsi %parallel_loop3A_552, %parallel_loop3A_584 : vector<16xi32>
      %parallel_loop3A_587 = arith.constant 17 : i32
      %parallel_loop3A_588 = vector.broadcast %parallel_loop3A_587 : i32 to vector<16xi32>
      %parallel_loop3A_589 = tpu.vector_load_idx %arg6[%parallel_loop3A_588, %parallel_loop3A_25] : memref<64x1024xf32, #tpu.memory_space<vmem>>[vector<16xi32>, vector<16xi32>], vector<16xf32>,
      %parallel_loop3A_590 = vector.bitcast %parallel_loop3A_589 : vector<16xf32> to vector<16xi32>
      %parallel_loop3A_591 = arith.constant 31 : i32
      %parallel_loop3A_592 = vector.broadcast %parallel_loop3A_591 : i32 to vector<16xi32>
      %parallel_loop3A_593 = arith.shrsi %parallel_loop3A_590, %parallel_loop3A_592 : vector<16xi32>
      %parallel_loop3A_594 = vector.broadcast %parallel_loop3A_11 : i32 to vector<16xi32>
      %parallel_loop3A_595 = arith.andi %parallel_loop3A_593, %parallel_loop3A_594 : vector<16xi32>
      %parallel_loop3A_596 = arith.xori %parallel_loop3A_590, %parallel_loop3A_595 : vector<16xi32>
      %parallel_loop3A_597 = vector.broadcast %parallel_loop3A_12 : i32 to vector<16xi32>
      %parallel_loop3A_598 = arith.andi %parallel_loop3A_596, %parallel_loop3A_597 : vector<16xi32>
      %parallel_loop3A_599 = arith.constant 46 : i32
      %parallel_loop3A_600 = vector.broadcast %parallel_loop3A_599 : i32 to vector<16xi32>
      %parallel_loop3A_601 = arith.ori %parallel_loop3A_598, %parallel_loop3A_600 : vector<16xi32>
      %parallel_loop3A_602 = arith.maxsi %parallel_loop3A_569, %parallel_loop3A_601 : vector<16xi32>
      %parallel_loop3A_603 = arith.minsi %parallel_loop3A_569, %parallel_loop3A_601 : vector<16xi32>
      %parallel_loop3A_604 = arith.maxsi %parallel_loop3A_571, %parallel_loop3A_603 : vector<16xi32>
      %parallel_loop3A_605 = arith.minsi %parallel_loop3A_571, %parallel_loop3A_603 : vector<16xi32>
      %parallel_loop3A_606 = arith.maxsi %parallel_loop3A_573, %parallel_loop3A_605 : vector<16xi32>
      %parallel_loop3A_607 = arith.minsi %parallel_loop3A_573, %parallel_loop3A_605 : vector<16xi32>
      %parallel_loop3A_608 = arith.maxsi %parallel_loop3A_575, %parallel_loop3A_607 : vector<16xi32>
      %parallel_loop3A_609 = arith.minsi %parallel_loop3A_575, %parallel_loop3A_607 : vector<16xi32>
      %parallel_loop3A_610 = arith.maxsi %parallel_loop3A_577, %parallel_loop3A_609 : vector<16xi32>
      %parallel_loop3A_611 = arith.minsi %parallel_loop3A_577, %parallel_loop3A_609 : vector<16xi32>
      %parallel_loop3A_612 = arith.maxsi %parallel_loop3A_579, %parallel_loop3A_611 : vector<16xi32>
      %parallel_loop3A_613 = arith.minsi %parallel_loop3A_579, %parallel_loop3A_611 : vector<16xi32>
      %parallel_loop3A_614 = arith.maxsi %parallel_loop3A_581, %parallel_loop3A_613 : vector<16xi32>
      %parallel_loop3A_615 = arith.minsi %parallel_loop3A_581, %parallel_loop3A_613 : vector<16xi32>
      %parallel_loop3A_616 = arith.maxsi %parallel_loop3A_583, %parallel_loop3A_615 : vector<16xi32>
      %parallel_loop3A_617 = arith.minsi %parallel_loop3A_583, %parallel_loop3A_615 : vector<16xi32>
      %parallel_loop3A_618 = arith.maxsi %parallel_loop3A_585, %parallel_loop3A_617 : vector<16xi32>
      %parallel_loop3A_619 = arith.minsi %parallel_loop3A_585, %parallel_loop3A_617 : vector<16xi32>
      %parallel_loop3A_620 = arith.constant 18 : i32
      %parallel_loop3A_621 = vector.broadcast %parallel_loop3A_620 : i32 to vector<16xi32>
      %parallel_loop3A_622 = tpu.vector_load_idx %arg6[%parallel_loop3A_621, %parallel_loop3A_25] : memref<64x1024xf32, #tpu.memory_space<vmem>>[vector<16xi32>, vector<16xi32>], vector<16xf32>,
      %parallel_loop3A_623 = vector.bitcast %parallel_loop3A_622 : vector<16xf32> to vector<16xi32>
      %parallel_loop3A_624 = arith.constant 31 : i32
      %parallel_loop3A_625 = vector.broadcast %parallel_loop3A_624 : i32 to vector<16xi32>
      %parallel_loop3A_626 = arith.shrsi %parallel_loop3A_623, %parallel_loop3A_625 : vector<16xi32>
      %parallel_loop3A_627 = vector.broadcast %parallel_loop3A_11 : i32 to vector<16xi32>
      %parallel_loop3A_628 = arith.andi %parallel_loop3A_626, %parallel_loop3A_627 : vector<16xi32>
      %parallel_loop3A_629 = arith.xori %parallel_loop3A_623, %parallel_loop3A_628 : vector<16xi32>
      %parallel_loop3A_630 = vector.broadcast %parallel_loop3A_12 : i32 to vector<16xi32>
      %parallel_loop3A_631 = arith.andi %parallel_loop3A_629, %parallel_loop3A_630 : vector<16xi32>
      %parallel_loop3A_632 = arith.constant 45 : i32
      %parallel_loop3A_633 = vector.broadcast %parallel_loop3A_632 : i32 to vector<16xi32>
      %parallel_loop3A_634 = arith.ori %parallel_loop3A_631, %parallel_loop3A_633 : vector<16xi32>
      %parallel_loop3A_635 = arith.maxsi %parallel_loop3A_602, %parallel_loop3A_634 : vector<16xi32>
      %parallel_loop3A_636 = arith.minsi %parallel_loop3A_602, %parallel_loop3A_634 : vector<16xi32>
      %parallel_loop3A_637 = arith.maxsi %parallel_loop3A_604, %parallel_loop3A_636 : vector<16xi32>
      %parallel_loop3A_638 = arith.minsi %parallel_loop3A_604, %parallel_loop3A_636 : vector<16xi32>
      %parallel_loop3A_639 = arith.maxsi %parallel_loop3A_606, %parallel_loop3A_638 : vector<16xi32>
      %parallel_loop3A_640 = arith.minsi %parallel_loop3A_606, %parallel_loop3A_638 : vector<16xi32>
      %parallel_loop3A_641 = arith.maxsi %parallel_loop3A_608, %parallel_loop3A_640 : vector<16xi32>
      %parallel_loop3A_642 = arith.minsi %parallel_loop3A_608, %parallel_loop3A_640 : vector<16xi32>
      %parallel_loop3A_643 = arith.maxsi %parallel_loop3A_610, %parallel_loop3A_642 : vector<16xi32>
      %parallel_loop3A_644 = arith.minsi %parallel_loop3A_610, %parallel_loop3A_642 : vector<16xi32>
      %parallel_loop3A_645 = arith.maxsi %parallel_loop3A_612, %parallel_loop3A_644 : vector<16xi32>
      %parallel_loop3A_646 = arith.minsi %parallel_loop3A_612, %parallel_loop3A_644 : vector<16xi32>
      %parallel_loop3A_647 = arith.maxsi %parallel_loop3A_614, %parallel_loop3A_646 : vector<16xi32>
      %parallel_loop3A_648 = arith.minsi %parallel_loop3A_614, %parallel_loop3A_646 : vector<16xi32>
      %parallel_loop3A_649 = arith.maxsi %parallel_loop3A_616, %parallel_loop3A_648 : vector<16xi32>
      %parallel_loop3A_650 = arith.minsi %parallel_loop3A_616, %parallel_loop3A_648 : vector<16xi32>
      %parallel_loop3A_651 = arith.maxsi %parallel_loop3A_618, %parallel_loop3A_650 : vector<16xi32>
      %parallel_loop3A_652 = arith.minsi %parallel_loop3A_618, %parallel_loop3A_650 : vector<16xi32>
      %parallel_loop3A_653 = arith.constant 19 : i32
      %parallel_loop3A_654 = vector.broadcast %parallel_loop3A_653 : i32 to vector<16xi32>
      %parallel_loop3A_655 = tpu.vector_load_idx %arg6[%parallel_loop3A_654, %parallel_loop3A_25] : memref<64x1024xf32, #tpu.memory_space<vmem>>[vector<16xi32>, vector<16xi32>], vector<16xf32>,
      %parallel_loop3A_656 = vector.bitcast %parallel_loop3A_655 : vector<16xf32> to vector<16xi32>
      %parallel_loop3A_657 = arith.constant 31 : i32
      %parallel_loop3A_658 = vector.broadcast %parallel_loop3A_657 : i32 to vector<16xi32>
      %parallel_loop3A_659 = arith.shrsi %parallel_loop3A_656, %parallel_loop3A_658 : vector<16xi32>
      %parallel_loop3A_660 = vector.broadcast %parallel_loop3A_11 : i32 to vector<16xi32>
      %parallel_loop3A_661 = arith.andi %parallel_loop3A_659, %parallel_loop3A_660 : vector<16xi32>
      %parallel_loop3A_662 = arith.xori %parallel_loop3A_656, %parallel_loop3A_661 : vector<16xi32>
      %parallel_loop3A_663 = vector.broadcast %parallel_loop3A_12 : i32 to vector<16xi32>
      %parallel_loop3A_664 = arith.andi %parallel_loop3A_662, %parallel_loop3A_663 : vector<16xi32>
      %parallel_loop3A_665 = arith.constant 44 : i32
      %parallel_loop3A_666 = vector.broadcast %parallel_loop3A_665 : i32 to vector<16xi32>
      %parallel_loop3A_667 = arith.ori %parallel_loop3A_664, %parallel_loop3A_666 : vector<16xi32>
      %parallel_loop3A_668 = arith.maxsi %parallel_loop3A_635, %parallel_loop3A_667 : vector<16xi32>
      %parallel_loop3A_669 = arith.minsi %parallel_loop3A_635, %parallel_loop3A_667 : vector<16xi32>
      %parallel_loop3A_670 = arith.maxsi %parallel_loop3A_637, %parallel_loop3A_669 : vector<16xi32>
      %parallel_loop3A_671 = arith.minsi %parallel_loop3A_637, %parallel_loop3A_669 : vector<16xi32>
      %parallel_loop3A_672 = arith.maxsi %parallel_loop3A_639, %parallel_loop3A_671 : vector<16xi32>
      %parallel_loop3A_673 = arith.minsi %parallel_loop3A_639, %parallel_loop3A_671 : vector<16xi32>
      %parallel_loop3A_674 = arith.maxsi %parallel_loop3A_641, %parallel_loop3A_673 : vector<16xi32>
      %parallel_loop3A_675 = arith.minsi %parallel_loop3A_641, %parallel_loop3A_673 : vector<16xi32>
      %parallel_loop3A_676 = arith.maxsi %parallel_loop3A_643, %parallel_loop3A_675 : vector<16xi32>
      %parallel_loop3A_677 = arith.minsi %parallel_loop3A_643, %parallel_loop3A_675 : vector<16xi32>
      %parallel_loop3A_678 = arith.maxsi %parallel_loop3A_645, %parallel_loop3A_677 : vector<16xi32>
      %parallel_loop3A_679 = arith.minsi %parallel_loop3A_645, %parallel_loop3A_677 : vector<16xi32>
      %parallel_loop3A_680 = arith.maxsi %parallel_loop3A_647, %parallel_loop3A_679 : vector<16xi32>
      %parallel_loop3A_681 = arith.minsi %parallel_loop3A_647, %parallel_loop3A_679 : vector<16xi32>
      %parallel_loop3A_682 = arith.maxsi %parallel_loop3A_649, %parallel_loop3A_681 : vector<16xi32>
      %parallel_loop3A_683 = arith.minsi %parallel_loop3A_649, %parallel_loop3A_681 : vector<16xi32>
      %parallel_loop3A_684 = arith.maxsi %parallel_loop3A_651, %parallel_loop3A_683 : vector<16xi32>
      %parallel_loop3A_685 = arith.minsi %parallel_loop3A_651, %parallel_loop3A_683 : vector<16xi32>
      %parallel_loop3A_686 = arith.constant 20 : i32
      %parallel_loop3A_687 = vector.broadcast %parallel_loop3A_686 : i32 to vector<16xi32>
      %parallel_loop3A_688 = tpu.vector_load_idx %arg6[%parallel_loop3A_687, %parallel_loop3A_25] : memref<64x1024xf32, #tpu.memory_space<vmem>>[vector<16xi32>, vector<16xi32>], vector<16xf32>,
      %parallel_loop3A_689 = vector.bitcast %parallel_loop3A_688 : vector<16xf32> to vector<16xi32>
      %parallel_loop3A_690 = arith.constant 31 : i32
      %parallel_loop3A_691 = vector.broadcast %parallel_loop3A_690 : i32 to vector<16xi32>
      %parallel_loop3A_692 = arith.shrsi %parallel_loop3A_689, %parallel_loop3A_691 : vector<16xi32>
      %parallel_loop3A_693 = vector.broadcast %parallel_loop3A_11 : i32 to vector<16xi32>
      %parallel_loop3A_694 = arith.andi %parallel_loop3A_692, %parallel_loop3A_693 : vector<16xi32>
      %parallel_loop3A_695 = arith.xori %parallel_loop3A_689, %parallel_loop3A_694 : vector<16xi32>
      %parallel_loop3A_696 = vector.broadcast %parallel_loop3A_12 : i32 to vector<16xi32>
      %parallel_loop3A_697 = arith.andi %parallel_loop3A_695, %parallel_loop3A_696 : vector<16xi32>
      %parallel_loop3A_698 = arith.constant 43 : i32
      %parallel_loop3A_699 = vector.broadcast %parallel_loop3A_698 : i32 to vector<16xi32>
      %parallel_loop3A_700 = arith.ori %parallel_loop3A_697, %parallel_loop3A_699 : vector<16xi32>
      %parallel_loop3A_701 = arith.maxsi %parallel_loop3A_668, %parallel_loop3A_700 : vector<16xi32>
      %parallel_loop3A_702 = arith.minsi %parallel_loop3A_668, %parallel_loop3A_700 : vector<16xi32>
      %parallel_loop3A_703 = arith.maxsi %parallel_loop3A_670, %parallel_loop3A_702 : vector<16xi32>
      %parallel_loop3A_704 = arith.minsi %parallel_loop3A_670, %parallel_loop3A_702 : vector<16xi32>
      %parallel_loop3A_705 = arith.maxsi %parallel_loop3A_672, %parallel_loop3A_704 : vector<16xi32>
      %parallel_loop3A_706 = arith.minsi %parallel_loop3A_672, %parallel_loop3A_704 : vector<16xi32>
      %parallel_loop3A_707 = arith.maxsi %parallel_loop3A_674, %parallel_loop3A_706 : vector<16xi32>
      %parallel_loop3A_708 = arith.minsi %parallel_loop3A_674, %parallel_loop3A_706 : vector<16xi32>
      %parallel_loop3A_709 = arith.maxsi %parallel_loop3A_676, %parallel_loop3A_708 : vector<16xi32>
      %parallel_loop3A_710 = arith.minsi %parallel_loop3A_676, %parallel_loop3A_708 : vector<16xi32>
      %parallel_loop3A_711 = arith.maxsi %parallel_loop3A_678, %parallel_loop3A_710 : vector<16xi32>
      %parallel_loop3A_712 = arith.minsi %parallel_loop3A_678, %parallel_loop3A_710 : vector<16xi32>
      %parallel_loop3A_713 = arith.maxsi %parallel_loop3A_680, %parallel_loop3A_712 : vector<16xi32>
      %parallel_loop3A_714 = arith.minsi %parallel_loop3A_680, %parallel_loop3A_712 : vector<16xi32>
      %parallel_loop3A_715 = arith.maxsi %parallel_loop3A_682, %parallel_loop3A_714 : vector<16xi32>
      %parallel_loop3A_716 = arith.minsi %parallel_loop3A_682, %parallel_loop3A_714 : vector<16xi32>
      %parallel_loop3A_717 = arith.maxsi %parallel_loop3A_684, %parallel_loop3A_716 : vector<16xi32>
      %parallel_loop3A_718 = arith.minsi %parallel_loop3A_684, %parallel_loop3A_716 : vector<16xi32>
      %parallel_loop3A_719 = arith.constant 21 : i32
      %parallel_loop3A_720 = vector.broadcast %parallel_loop3A_719 : i32 to vector<16xi32>
      %parallel_loop3A_721 = tpu.vector_load_idx %arg6[%parallel_loop3A_720, %parallel_loop3A_25] : memref<64x1024xf32, #tpu.memory_space<vmem>>[vector<16xi32>, vector<16xi32>], vector<16xf32>,
      %parallel_loop3A_722 = vector.bitcast %parallel_loop3A_721 : vector<16xf32> to vector<16xi32>
      %parallel_loop3A_723 = arith.constant 31 : i32
      %parallel_loop3A_724 = vector.broadcast %parallel_loop3A_723 : i32 to vector<16xi32>
      %parallel_loop3A_725 = arith.shrsi %parallel_loop3A_722, %parallel_loop3A_724 : vector<16xi32>
      %parallel_loop3A_726 = vector.broadcast %parallel_loop3A_11 : i32 to vector<16xi32>
      %parallel_loop3A_727 = arith.andi %parallel_loop3A_725, %parallel_loop3A_726 : vector<16xi32>
      %parallel_loop3A_728 = arith.xori %parallel_loop3A_722, %parallel_loop3A_727 : vector<16xi32>
      %parallel_loop3A_729 = vector.broadcast %parallel_loop3A_12 : i32 to vector<16xi32>
      %parallel_loop3A_730 = arith.andi %parallel_loop3A_728, %parallel_loop3A_729 : vector<16xi32>
      %parallel_loop3A_731 = arith.constant 42 : i32
      %parallel_loop3A_732 = vector.broadcast %parallel_loop3A_731 : i32 to vector<16xi32>
      %parallel_loop3A_733 = arith.ori %parallel_loop3A_730, %parallel_loop3A_732 : vector<16xi32>
      %parallel_loop3A_734 = arith.maxsi %parallel_loop3A_701, %parallel_loop3A_733 : vector<16xi32>
      %parallel_loop3A_735 = arith.minsi %parallel_loop3A_701, %parallel_loop3A_733 : vector<16xi32>
      %parallel_loop3A_736 = arith.maxsi %parallel_loop3A_703, %parallel_loop3A_735 : vector<16xi32>
      %parallel_loop3A_737 = arith.minsi %parallel_loop3A_703, %parallel_loop3A_735 : vector<16xi32>
      %parallel_loop3A_738 = arith.maxsi %parallel_loop3A_705, %parallel_loop3A_737 : vector<16xi32>
      %parallel_loop3A_739 = arith.minsi %parallel_loop3A_705, %parallel_loop3A_737 : vector<16xi32>
      %parallel_loop3A_740 = arith.maxsi %parallel_loop3A_707, %parallel_loop3A_739 : vector<16xi32>
      %parallel_loop3A_741 = arith.minsi %parallel_loop3A_707, %parallel_loop3A_739 : vector<16xi32>
      %parallel_loop3A_742 = arith.maxsi %parallel_loop3A_709, %parallel_loop3A_741 : vector<16xi32>
      %parallel_loop3A_743 = arith.minsi %parallel_loop3A_709, %parallel_loop3A_741 : vector<16xi32>
      %parallel_loop3A_744 = arith.maxsi %parallel_loop3A_711, %parallel_loop3A_743 : vector<16xi32>
      %parallel_loop3A_745 = arith.minsi %parallel_loop3A_711, %parallel_loop3A_743 : vector<16xi32>
      %parallel_loop3A_746 = arith.maxsi %parallel_loop3A_713, %parallel_loop3A_745 : vector<16xi32>
      %parallel_loop3A_747 = arith.minsi %parallel_loop3A_713, %parallel_loop3A_745 : vector<16xi32>
      %parallel_loop3A_748 = arith.maxsi %parallel_loop3A_715, %parallel_loop3A_747 : vector<16xi32>
      %parallel_loop3A_749 = arith.minsi %parallel_loop3A_715, %parallel_loop3A_747 : vector<16xi32>
      %parallel_loop3A_750 = arith.maxsi %parallel_loop3A_717, %parallel_loop3A_749 : vector<16xi32>
      %parallel_loop3A_751 = arith.minsi %parallel_loop3A_717, %parallel_loop3A_749 : vector<16xi32>
      %parallel_loop3A_752 = arith.constant 22 : i32
      %parallel_loop3A_753 = vector.broadcast %parallel_loop3A_752 : i32 to vector<16xi32>
      %parallel_loop3A_754 = tpu.vector_load_idx %arg6[%parallel_loop3A_753, %parallel_loop3A_25] : memref<64x1024xf32, #tpu.memory_space<vmem>>[vector<16xi32>, vector<16xi32>], vector<16xf32>,
      %parallel_loop3A_755 = vector.bitcast %parallel_loop3A_754 : vector<16xf32> to vector<16xi32>
      %parallel_loop3A_756 = arith.constant 31 : i32
      %parallel_loop3A_757 = vector.broadcast %parallel_loop3A_756 : i32 to vector<16xi32>
      %parallel_loop3A_758 = arith.shrsi %parallel_loop3A_755, %parallel_loop3A_757 : vector<16xi32>
      %parallel_loop3A_759 = vector.broadcast %parallel_loop3A_11 : i32 to vector<16xi32>
      %parallel_loop3A_760 = arith.andi %parallel_loop3A_758, %parallel_loop3A_759 : vector<16xi32>
      %parallel_loop3A_761 = arith.xori %parallel_loop3A_755, %parallel_loop3A_760 : vector<16xi32>
      %parallel_loop3A_762 = vector.broadcast %parallel_loop3A_12 : i32 to vector<16xi32>
      %parallel_loop3A_763 = arith.andi %parallel_loop3A_761, %parallel_loop3A_762 : vector<16xi32>
      %parallel_loop3A_764 = arith.constant 41 : i32
      %parallel_loop3A_765 = vector.broadcast %parallel_loop3A_764 : i32 to vector<16xi32>
      %parallel_loop3A_766 = arith.ori %parallel_loop3A_763, %parallel_loop3A_765 : vector<16xi32>
      %parallel_loop3A_767 = arith.maxsi %parallel_loop3A_734, %parallel_loop3A_766 : vector<16xi32>
      %parallel_loop3A_768 = arith.minsi %parallel_loop3A_734, %parallel_loop3A_766 : vector<16xi32>
      %parallel_loop3A_769 = arith.maxsi %parallel_loop3A_736, %parallel_loop3A_768 : vector<16xi32>
      %parallel_loop3A_770 = arith.minsi %parallel_loop3A_736, %parallel_loop3A_768 : vector<16xi32>
      %parallel_loop3A_771 = arith.maxsi %parallel_loop3A_738, %parallel_loop3A_770 : vector<16xi32>
      %parallel_loop3A_772 = arith.minsi %parallel_loop3A_738, %parallel_loop3A_770 : vector<16xi32>
      %parallel_loop3A_773 = arith.maxsi %parallel_loop3A_740, %parallel_loop3A_772 : vector<16xi32>
      %parallel_loop3A_774 = arith.minsi %parallel_loop3A_740, %parallel_loop3A_772 : vector<16xi32>
      %parallel_loop3A_775 = arith.maxsi %parallel_loop3A_742, %parallel_loop3A_774 : vector<16xi32>
      %parallel_loop3A_776 = arith.minsi %parallel_loop3A_742, %parallel_loop3A_774 : vector<16xi32>
      %parallel_loop3A_777 = arith.maxsi %parallel_loop3A_744, %parallel_loop3A_776 : vector<16xi32>
      %parallel_loop3A_778 = arith.minsi %parallel_loop3A_744, %parallel_loop3A_776 : vector<16xi32>
      %parallel_loop3A_779 = arith.maxsi %parallel_loop3A_746, %parallel_loop3A_778 : vector<16xi32>
      %parallel_loop3A_780 = arith.minsi %parallel_loop3A_746, %parallel_loop3A_778 : vector<16xi32>
      %parallel_loop3A_781 = arith.maxsi %parallel_loop3A_748, %parallel_loop3A_780 : vector<16xi32>
      %parallel_loop3A_782 = arith.minsi %parallel_loop3A_748, %parallel_loop3A_780 : vector<16xi32>
      %parallel_loop3A_783 = arith.maxsi %parallel_loop3A_750, %parallel_loop3A_782 : vector<16xi32>
      %parallel_loop3A_784 = arith.minsi %parallel_loop3A_750, %parallel_loop3A_782 : vector<16xi32>
      %parallel_loop3A_785 = arith.constant 23 : i32
      %parallel_loop3A_786 = vector.broadcast %parallel_loop3A_785 : i32 to vector<16xi32>
      %parallel_loop3A_787 = tpu.vector_load_idx %arg6[%parallel_loop3A_786, %parallel_loop3A_25] : memref<64x1024xf32, #tpu.memory_space<vmem>>[vector<16xi32>, vector<16xi32>], vector<16xf32>,
      %parallel_loop3A_788 = vector.bitcast %parallel_loop3A_787 : vector<16xf32> to vector<16xi32>
      %parallel_loop3A_789 = arith.constant 31 : i32
      %parallel_loop3A_790 = vector.broadcast %parallel_loop3A_789 : i32 to vector<16xi32>
      %parallel_loop3A_791 = arith.shrsi %parallel_loop3A_788, %parallel_loop3A_790 : vector<16xi32>
      %parallel_loop3A_792 = vector.broadcast %parallel_loop3A_11 : i32 to vector<16xi32>
      %parallel_loop3A_793 = arith.andi %parallel_loop3A_791, %parallel_loop3A_792 : vector<16xi32>
      %parallel_loop3A_794 = arith.xori %parallel_loop3A_788, %parallel_loop3A_793 : vector<16xi32>
      %parallel_loop3A_795 = vector.broadcast %parallel_loop3A_12 : i32 to vector<16xi32>
      %parallel_loop3A_796 = arith.andi %parallel_loop3A_794, %parallel_loop3A_795 : vector<16xi32>
      %parallel_loop3A_797 = arith.constant 40 : i32
      %parallel_loop3A_798 = vector.broadcast %parallel_loop3A_797 : i32 to vector<16xi32>
      %parallel_loop3A_799 = arith.ori %parallel_loop3A_796, %parallel_loop3A_798 : vector<16xi32>
      %parallel_loop3A_800 = arith.maxsi %parallel_loop3A_767, %parallel_loop3A_799 : vector<16xi32>
      %parallel_loop3A_801 = arith.minsi %parallel_loop3A_767, %parallel_loop3A_799 : vector<16xi32>
      %parallel_loop3A_802 = arith.maxsi %parallel_loop3A_769, %parallel_loop3A_801 : vector<16xi32>
      %parallel_loop3A_803 = arith.minsi %parallel_loop3A_769, %parallel_loop3A_801 : vector<16xi32>
      %parallel_loop3A_804 = arith.maxsi %parallel_loop3A_771, %parallel_loop3A_803 : vector<16xi32>
      %parallel_loop3A_805 = arith.minsi %parallel_loop3A_771, %parallel_loop3A_803 : vector<16xi32>
      %parallel_loop3A_806 = arith.maxsi %parallel_loop3A_773, %parallel_loop3A_805 : vector<16xi32>
      %parallel_loop3A_807 = arith.minsi %parallel_loop3A_773, %parallel_loop3A_805 : vector<16xi32>
      %parallel_loop3A_808 = arith.maxsi %parallel_loop3A_775, %parallel_loop3A_807 : vector<16xi32>
      %parallel_loop3A_809 = arith.minsi %parallel_loop3A_775, %parallel_loop3A_807 : vector<16xi32>
      %parallel_loop3A_810 = arith.maxsi %parallel_loop3A_777, %parallel_loop3A_809 : vector<16xi32>
      %parallel_loop3A_811 = arith.minsi %parallel_loop3A_777, %parallel_loop3A_809 : vector<16xi32>
      %parallel_loop3A_812 = arith.maxsi %parallel_loop3A_779, %parallel_loop3A_811 : vector<16xi32>
      %parallel_loop3A_813 = arith.minsi %parallel_loop3A_779, %parallel_loop3A_811 : vector<16xi32>
      %parallel_loop3A_814 = arith.maxsi %parallel_loop3A_781, %parallel_loop3A_813 : vector<16xi32>
      %parallel_loop3A_815 = arith.minsi %parallel_loop3A_781, %parallel_loop3A_813 : vector<16xi32>
      %parallel_loop3A_816 = arith.maxsi %parallel_loop3A_783, %parallel_loop3A_815 : vector<16xi32>
      %parallel_loop3A_817 = arith.minsi %parallel_loop3A_783, %parallel_loop3A_815 : vector<16xi32>
      %parallel_loop3A_818 = arith.constant 24 : i32
      %parallel_loop3A_819 = vector.broadcast %parallel_loop3A_818 : i32 to vector<16xi32>
      %parallel_loop3A_820 = tpu.vector_load_idx %arg6[%parallel_loop3A_819, %parallel_loop3A_25] : memref<64x1024xf32, #tpu.memory_space<vmem>>[vector<16xi32>, vector<16xi32>], vector<16xf32>,
      %parallel_loop3A_821 = vector.bitcast %parallel_loop3A_820 : vector<16xf32> to vector<16xi32>
      %parallel_loop3A_822 = arith.constant 31 : i32
      %parallel_loop3A_823 = vector.broadcast %parallel_loop3A_822 : i32 to vector<16xi32>
      %parallel_loop3A_824 = arith.shrsi %parallel_loop3A_821, %parallel_loop3A_823 : vector<16xi32>
      %parallel_loop3A_825 = vector.broadcast %parallel_loop3A_11 : i32 to vector<16xi32>
      %parallel_loop3A_826 = arith.andi %parallel_loop3A_824, %parallel_loop3A_825 : vector<16xi32>
      %parallel_loop3A_827 = arith.xori %parallel_loop3A_821, %parallel_loop3A_826 : vector<16xi32>
      %parallel_loop3A_828 = vector.broadcast %parallel_loop3A_12 : i32 to vector<16xi32>
      %parallel_loop3A_829 = arith.andi %parallel_loop3A_827, %parallel_loop3A_828 : vector<16xi32>
      %parallel_loop3A_830 = arith.constant 39 : i32
      %parallel_loop3A_831 = vector.broadcast %parallel_loop3A_830 : i32 to vector<16xi32>
      %parallel_loop3A_832 = arith.ori %parallel_loop3A_829, %parallel_loop3A_831 : vector<16xi32>
      %parallel_loop3A_833 = arith.maxsi %parallel_loop3A_800, %parallel_loop3A_832 : vector<16xi32>
      %parallel_loop3A_834 = arith.minsi %parallel_loop3A_800, %parallel_loop3A_832 : vector<16xi32>
      %parallel_loop3A_835 = arith.maxsi %parallel_loop3A_802, %parallel_loop3A_834 : vector<16xi32>
      %parallel_loop3A_836 = arith.minsi %parallel_loop3A_802, %parallel_loop3A_834 : vector<16xi32>
      %parallel_loop3A_837 = arith.maxsi %parallel_loop3A_804, %parallel_loop3A_836 : vector<16xi32>
      %parallel_loop3A_838 = arith.minsi %parallel_loop3A_804, %parallel_loop3A_836 : vector<16xi32>
      %parallel_loop3A_839 = arith.maxsi %parallel_loop3A_806, %parallel_loop3A_838 : vector<16xi32>
      %parallel_loop3A_840 = arith.minsi %parallel_loop3A_806, %parallel_loop3A_838 : vector<16xi32>
      %parallel_loop3A_841 = arith.maxsi %parallel_loop3A_808, %parallel_loop3A_840 : vector<16xi32>
      %parallel_loop3A_842 = arith.minsi %parallel_loop3A_808, %parallel_loop3A_840 : vector<16xi32>
      %parallel_loop3A_843 = arith.maxsi %parallel_loop3A_810, %parallel_loop3A_842 : vector<16xi32>
      %parallel_loop3A_844 = arith.minsi %parallel_loop3A_810, %parallel_loop3A_842 : vector<16xi32>
      %parallel_loop3A_845 = arith.maxsi %parallel_loop3A_812, %parallel_loop3A_844 : vector<16xi32>
      %parallel_loop3A_846 = arith.minsi %parallel_loop3A_812, %parallel_loop3A_844 : vector<16xi32>
      %parallel_loop3A_847 = arith.maxsi %parallel_loop3A_814, %parallel_loop3A_846 : vector<16xi32>
      %parallel_loop3A_848 = arith.minsi %parallel_loop3A_814, %parallel_loop3A_846 : vector<16xi32>
      %parallel_loop3A_849 = arith.maxsi %parallel_loop3A_816, %parallel_loop3A_848 : vector<16xi32>
      %parallel_loop3A_850 = arith.minsi %parallel_loop3A_816, %parallel_loop3A_848 : vector<16xi32>
      %parallel_loop3A_851 = arith.constant 25 : i32
      %parallel_loop3A_852 = vector.broadcast %parallel_loop3A_851 : i32 to vector<16xi32>
      %parallel_loop3A_853 = tpu.vector_load_idx %arg6[%parallel_loop3A_852, %parallel_loop3A_25] : memref<64x1024xf32, #tpu.memory_space<vmem>>[vector<16xi32>, vector<16xi32>], vector<16xf32>,
      %parallel_loop3A_854 = vector.bitcast %parallel_loop3A_853 : vector<16xf32> to vector<16xi32>
      %parallel_loop3A_855 = arith.constant 31 : i32
      %parallel_loop3A_856 = vector.broadcast %parallel_loop3A_855 : i32 to vector<16xi32>
      %parallel_loop3A_857 = arith.shrsi %parallel_loop3A_854, %parallel_loop3A_856 : vector<16xi32>
      %parallel_loop3A_858 = vector.broadcast %parallel_loop3A_11 : i32 to vector<16xi32>
      %parallel_loop3A_859 = arith.andi %parallel_loop3A_857, %parallel_loop3A_858 : vector<16xi32>
      %parallel_loop3A_860 = arith.xori %parallel_loop3A_854, %parallel_loop3A_859 : vector<16xi32>
      %parallel_loop3A_861 = vector.broadcast %parallel_loop3A_12 : i32 to vector<16xi32>
      %parallel_loop3A_862 = arith.andi %parallel_loop3A_860, %parallel_loop3A_861 : vector<16xi32>
      %parallel_loop3A_863 = arith.constant 38 : i32
      %parallel_loop3A_864 = vector.broadcast %parallel_loop3A_863 : i32 to vector<16xi32>
      %parallel_loop3A_865 = arith.ori %parallel_loop3A_862, %parallel_loop3A_864 : vector<16xi32>
      %parallel_loop3A_866 = arith.maxsi %parallel_loop3A_833, %parallel_loop3A_865 : vector<16xi32>
      %parallel_loop3A_867 = arith.minsi %parallel_loop3A_833, %parallel_loop3A_865 : vector<16xi32>
      %parallel_loop3A_868 = arith.maxsi %parallel_loop3A_835, %parallel_loop3A_867 : vector<16xi32>
      %parallel_loop3A_869 = arith.minsi %parallel_loop3A_835, %parallel_loop3A_867 : vector<16xi32>
      %parallel_loop3A_870 = arith.maxsi %parallel_loop3A_837, %parallel_loop3A_869 : vector<16xi32>
      %parallel_loop3A_871 = arith.minsi %parallel_loop3A_837, %parallel_loop3A_869 : vector<16xi32>
      %parallel_loop3A_872 = arith.maxsi %parallel_loop3A_839, %parallel_loop3A_871 : vector<16xi32>
      %parallel_loop3A_873 = arith.minsi %parallel_loop3A_839, %parallel_loop3A_871 : vector<16xi32>
      %parallel_loop3A_874 = arith.maxsi %parallel_loop3A_841, %parallel_loop3A_873 : vector<16xi32>
      %parallel_loop3A_875 = arith.minsi %parallel_loop3A_841, %parallel_loop3A_873 : vector<16xi32>
      %parallel_loop3A_876 = arith.maxsi %parallel_loop3A_843, %parallel_loop3A_875 : vector<16xi32>
      %parallel_loop3A_877 = arith.minsi %parallel_loop3A_843, %parallel_loop3A_875 : vector<16xi32>
      %parallel_loop3A_878 = arith.maxsi %parallel_loop3A_845, %parallel_loop3A_877 : vector<16xi32>
      %parallel_loop3A_879 = arith.minsi %parallel_loop3A_845, %parallel_loop3A_877 : vector<16xi32>
      %parallel_loop3A_880 = arith.maxsi %parallel_loop3A_847, %parallel_loop3A_879 : vector<16xi32>
      %parallel_loop3A_881 = arith.minsi %parallel_loop3A_847, %parallel_loop3A_879 : vector<16xi32>
      %parallel_loop3A_882 = arith.maxsi %parallel_loop3A_849, %parallel_loop3A_881 : vector<16xi32>
      %parallel_loop3A_883 = arith.minsi %parallel_loop3A_849, %parallel_loop3A_881 : vector<16xi32>
      %parallel_loop3A_884 = arith.constant 26 : i32
      %parallel_loop3A_885 = vector.broadcast %parallel_loop3A_884 : i32 to vector<16xi32>
      %parallel_loop3A_886 = tpu.vector_load_idx %arg6[%parallel_loop3A_885, %parallel_loop3A_25] : memref<64x1024xf32, #tpu.memory_space<vmem>>[vector<16xi32>, vector<16xi32>], vector<16xf32>,
      %parallel_loop3A_887 = vector.bitcast %parallel_loop3A_886 : vector<16xf32> to vector<16xi32>
      %parallel_loop3A_888 = arith.constant 31 : i32
      %parallel_loop3A_889 = vector.broadcast %parallel_loop3A_888 : i32 to vector<16xi32>
      %parallel_loop3A_890 = arith.shrsi %parallel_loop3A_887, %parallel_loop3A_889 : vector<16xi32>
      %parallel_loop3A_891 = vector.broadcast %parallel_loop3A_11 : i32 to vector<16xi32>
      %parallel_loop3A_892 = arith.andi %parallel_loop3A_890, %parallel_loop3A_891 : vector<16xi32>
      %parallel_loop3A_893 = arith.xori %parallel_loop3A_887, %parallel_loop3A_892 : vector<16xi32>
      %parallel_loop3A_894 = vector.broadcast %parallel_loop3A_12 : i32 to vector<16xi32>
      %parallel_loop3A_895 = arith.andi %parallel_loop3A_893, %parallel_loop3A_894 : vector<16xi32>
      %parallel_loop3A_896 = arith.constant 37 : i32
      %parallel_loop3A_897 = vector.broadcast %parallel_loop3A_896 : i32 to vector<16xi32>
      %parallel_loop3A_898 = arith.ori %parallel_loop3A_895, %parallel_loop3A_897 : vector<16xi32>
      %parallel_loop3A_899 = arith.maxsi %parallel_loop3A_866, %parallel_loop3A_898 : vector<16xi32>
      %parallel_loop3A_900 = arith.minsi %parallel_loop3A_866, %parallel_loop3A_898 : vector<16xi32>
      %parallel_loop3A_901 = arith.maxsi %parallel_loop3A_868, %parallel_loop3A_900 : vector<16xi32>
      %parallel_loop3A_902 = arith.minsi %parallel_loop3A_868, %parallel_loop3A_900 : vector<16xi32>
      %parallel_loop3A_903 = arith.maxsi %parallel_loop3A_870, %parallel_loop3A_902 : vector<16xi32>
      %parallel_loop3A_904 = arith.minsi %parallel_loop3A_870, %parallel_loop3A_902 : vector<16xi32>
      %parallel_loop3A_905 = arith.maxsi %parallel_loop3A_872, %parallel_loop3A_904 : vector<16xi32>
      %parallel_loop3A_906 = arith.minsi %parallel_loop3A_872, %parallel_loop3A_904 : vector<16xi32>
      %parallel_loop3A_907 = arith.maxsi %parallel_loop3A_874, %parallel_loop3A_906 : vector<16xi32>
      %parallel_loop3A_908 = arith.minsi %parallel_loop3A_874, %parallel_loop3A_906 : vector<16xi32>
      %parallel_loop3A_909 = arith.maxsi %parallel_loop3A_876, %parallel_loop3A_908 : vector<16xi32>
      %parallel_loop3A_910 = arith.minsi %parallel_loop3A_876, %parallel_loop3A_908 : vector<16xi32>
      %parallel_loop3A_911 = arith.maxsi %parallel_loop3A_878, %parallel_loop3A_910 : vector<16xi32>
      %parallel_loop3A_912 = arith.minsi %parallel_loop3A_878, %parallel_loop3A_910 : vector<16xi32>
      %parallel_loop3A_913 = arith.maxsi %parallel_loop3A_880, %parallel_loop3A_912 : vector<16xi32>
      %parallel_loop3A_914 = arith.minsi %parallel_loop3A_880, %parallel_loop3A_912 : vector<16xi32>
      %parallel_loop3A_915 = arith.maxsi %parallel_loop3A_882, %parallel_loop3A_914 : vector<16xi32>
      %parallel_loop3A_916 = arith.minsi %parallel_loop3A_882, %parallel_loop3A_914 : vector<16xi32>
      %parallel_loop3A_917 = arith.constant 27 : i32
      %parallel_loop3A_918 = vector.broadcast %parallel_loop3A_917 : i32 to vector<16xi32>
      %parallel_loop3A_919 = tpu.vector_load_idx %arg6[%parallel_loop3A_918, %parallel_loop3A_25] : memref<64x1024xf32, #tpu.memory_space<vmem>>[vector<16xi32>, vector<16xi32>], vector<16xf32>,
      %parallel_loop3A_920 = vector.bitcast %parallel_loop3A_919 : vector<16xf32> to vector<16xi32>
      %parallel_loop3A_921 = arith.constant 31 : i32
      %parallel_loop3A_922 = vector.broadcast %parallel_loop3A_921 : i32 to vector<16xi32>
      %parallel_loop3A_923 = arith.shrsi %parallel_loop3A_920, %parallel_loop3A_922 : vector<16xi32>
      %parallel_loop3A_924 = vector.broadcast %parallel_loop3A_11 : i32 to vector<16xi32>
      %parallel_loop3A_925 = arith.andi %parallel_loop3A_923, %parallel_loop3A_924 : vector<16xi32>
      %parallel_loop3A_926 = arith.xori %parallel_loop3A_920, %parallel_loop3A_925 : vector<16xi32>
      %parallel_loop3A_927 = vector.broadcast %parallel_loop3A_12 : i32 to vector<16xi32>
      %parallel_loop3A_928 = arith.andi %parallel_loop3A_926, %parallel_loop3A_927 : vector<16xi32>
      %parallel_loop3A_929 = arith.constant 36 : i32
      %parallel_loop3A_930 = vector.broadcast %parallel_loop3A_929 : i32 to vector<16xi32>
      %parallel_loop3A_931 = arith.ori %parallel_loop3A_928, %parallel_loop3A_930 : vector<16xi32>
      %parallel_loop3A_932 = arith.maxsi %parallel_loop3A_899, %parallel_loop3A_931 : vector<16xi32>
      %parallel_loop3A_933 = arith.minsi %parallel_loop3A_899, %parallel_loop3A_931 : vector<16xi32>
      %parallel_loop3A_934 = arith.maxsi %parallel_loop3A_901, %parallel_loop3A_933 : vector<16xi32>
      %parallel_loop3A_935 = arith.minsi %parallel_loop3A_901, %parallel_loop3A_933 : vector<16xi32>
      %parallel_loop3A_936 = arith.maxsi %parallel_loop3A_903, %parallel_loop3A_935 : vector<16xi32>
      %parallel_loop3A_937 = arith.minsi %parallel_loop3A_903, %parallel_loop3A_935 : vector<16xi32>
      %parallel_loop3A_938 = arith.maxsi %parallel_loop3A_905, %parallel_loop3A_937 : vector<16xi32>
      %parallel_loop3A_939 = arith.minsi %parallel_loop3A_905, %parallel_loop3A_937 : vector<16xi32>
      %parallel_loop3A_940 = arith.maxsi %parallel_loop3A_907, %parallel_loop3A_939 : vector<16xi32>
      %parallel_loop3A_941 = arith.minsi %parallel_loop3A_907, %parallel_loop3A_939 : vector<16xi32>
      %parallel_loop3A_942 = arith.maxsi %parallel_loop3A_909, %parallel_loop3A_941 : vector<16xi32>
      %parallel_loop3A_943 = arith.minsi %parallel_loop3A_909, %parallel_loop3A_941 : vector<16xi32>
      %parallel_loop3A_944 = arith.maxsi %parallel_loop3A_911, %parallel_loop3A_943 : vector<16xi32>
      %parallel_loop3A_945 = arith.minsi %parallel_loop3A_911, %parallel_loop3A_943 : vector<16xi32>
      %parallel_loop3A_946 = arith.maxsi %parallel_loop3A_913, %parallel_loop3A_945 : vector<16xi32>
      %parallel_loop3A_947 = arith.minsi %parallel_loop3A_913, %parallel_loop3A_945 : vector<16xi32>
      %parallel_loop3A_948 = arith.maxsi %parallel_loop3A_915, %parallel_loop3A_947 : vector<16xi32>
      %parallel_loop3A_949 = arith.minsi %parallel_loop3A_915, %parallel_loop3A_947 : vector<16xi32>
      %parallel_loop3A_950 = arith.constant 28 : i32
      %parallel_loop3A_951 = vector.broadcast %parallel_loop3A_950 : i32 to vector<16xi32>
      %parallel_loop3A_952 = tpu.vector_load_idx %arg6[%parallel_loop3A_951, %parallel_loop3A_25] : memref<64x1024xf32, #tpu.memory_space<vmem>>[vector<16xi32>, vector<16xi32>], vector<16xf32>,
      %parallel_loop3A_953 = vector.bitcast %parallel_loop3A_952 : vector<16xf32> to vector<16xi32>
      %parallel_loop3A_954 = arith.constant 31 : i32
      %parallel_loop3A_955 = vector.broadcast %parallel_loop3A_954 : i32 to vector<16xi32>
      %parallel_loop3A_956 = arith.shrsi %parallel_loop3A_953, %parallel_loop3A_955 : vector<16xi32>
      %parallel_loop3A_957 = vector.broadcast %parallel_loop3A_11 : i32 to vector<16xi32>
      %parallel_loop3A_958 = arith.andi %parallel_loop3A_956, %parallel_loop3A_957 : vector<16xi32>
      %parallel_loop3A_959 = arith.xori %parallel_loop3A_953, %parallel_loop3A_958 : vector<16xi32>
      %parallel_loop3A_960 = vector.broadcast %parallel_loop3A_12 : i32 to vector<16xi32>
      %parallel_loop3A_961 = arith.andi %parallel_loop3A_959, %parallel_loop3A_960 : vector<16xi32>
      %parallel_loop3A_962 = arith.constant 35 : i32
      %parallel_loop3A_963 = vector.broadcast %parallel_loop3A_962 : i32 to vector<16xi32>
      %parallel_loop3A_964 = arith.ori %parallel_loop3A_961, %parallel_loop3A_963 : vector<16xi32>
      %parallel_loop3A_965 = arith.maxsi %parallel_loop3A_932, %parallel_loop3A_964 : vector<16xi32>
      %parallel_loop3A_966 = arith.minsi %parallel_loop3A_932, %parallel_loop3A_964 : vector<16xi32>
      %parallel_loop3A_967 = arith.maxsi %parallel_loop3A_934, %parallel_loop3A_966 : vector<16xi32>
      %parallel_loop3A_968 = arith.minsi %parallel_loop3A_934, %parallel_loop3A_966 : vector<16xi32>
      %parallel_loop3A_969 = arith.maxsi %parallel_loop3A_936, %parallel_loop3A_968 : vector<16xi32>
      %parallel_loop3A_970 = arith.minsi %parallel_loop3A_936, %parallel_loop3A_968 : vector<16xi32>
      %parallel_loop3A_971 = arith.maxsi %parallel_loop3A_938, %parallel_loop3A_970 : vector<16xi32>
      %parallel_loop3A_972 = arith.minsi %parallel_loop3A_938, %parallel_loop3A_970 : vector<16xi32>
      %parallel_loop3A_973 = arith.maxsi %parallel_loop3A_940, %parallel_loop3A_972 : vector<16xi32>
      %parallel_loop3A_974 = arith.minsi %parallel_loop3A_940, %parallel_loop3A_972 : vector<16xi32>
      %parallel_loop3A_975 = arith.maxsi %parallel_loop3A_942, %parallel_loop3A_974 : vector<16xi32>
      %parallel_loop3A_976 = arith.minsi %parallel_loop3A_942, %parallel_loop3A_974 : vector<16xi32>
      %parallel_loop3A_977 = arith.maxsi %parallel_loop3A_944, %parallel_loop3A_976 : vector<16xi32>
      %parallel_loop3A_978 = arith.minsi %parallel_loop3A_944, %parallel_loop3A_976 : vector<16xi32>
      %parallel_loop3A_979 = arith.maxsi %parallel_loop3A_946, %parallel_loop3A_978 : vector<16xi32>
      %parallel_loop3A_980 = arith.minsi %parallel_loop3A_946, %parallel_loop3A_978 : vector<16xi32>
      %parallel_loop3A_981 = arith.maxsi %parallel_loop3A_948, %parallel_loop3A_980 : vector<16xi32>
      %parallel_loop3A_982 = arith.minsi %parallel_loop3A_948, %parallel_loop3A_980 : vector<16xi32>
      %parallel_loop3A_983 = arith.constant 29 : i32
      %parallel_loop3A_984 = vector.broadcast %parallel_loop3A_983 : i32 to vector<16xi32>
      %parallel_loop3A_985 = tpu.vector_load_idx %arg6[%parallel_loop3A_984, %parallel_loop3A_25] : memref<64x1024xf32, #tpu.memory_space<vmem>>[vector<16xi32>, vector<16xi32>], vector<16xf32>,
      %parallel_loop3A_986 = vector.bitcast %parallel_loop3A_985 : vector<16xf32> to vector<16xi32>
      %parallel_loop3A_987 = arith.constant 31 : i32
      %parallel_loop3A_988 = vector.broadcast %parallel_loop3A_987 : i32 to vector<16xi32>
      %parallel_loop3A_989 = arith.shrsi %parallel_loop3A_986, %parallel_loop3A_988 : vector<16xi32>
      %parallel_loop3A_990 = vector.broadcast %parallel_loop3A_11 : i32 to vector<16xi32>
      %parallel_loop3A_991 = arith.andi %parallel_loop3A_989, %parallel_loop3A_990 : vector<16xi32>
      %parallel_loop3A_992 = arith.xori %parallel_loop3A_986, %parallel_loop3A_991 : vector<16xi32>
      %parallel_loop3A_993 = vector.broadcast %parallel_loop3A_12 : i32 to vector<16xi32>
      %parallel_loop3A_994 = arith.andi %parallel_loop3A_992, %parallel_loop3A_993 : vector<16xi32>
      %parallel_loop3A_995 = arith.constant 34 : i32
      %parallel_loop3A_996 = vector.broadcast %parallel_loop3A_995 : i32 to vector<16xi32>
      %parallel_loop3A_997 = arith.ori %parallel_loop3A_994, %parallel_loop3A_996 : vector<16xi32>
      %parallel_loop3A_998 = arith.maxsi %parallel_loop3A_965, %parallel_loop3A_997 : vector<16xi32>
      %parallel_loop3A_999 = arith.minsi %parallel_loop3A_965, %parallel_loop3A_997 : vector<16xi32>
      %parallel_loop3A_1000 = arith.maxsi %parallel_loop3A_967, %parallel_loop3A_999 : vector<16xi32>
      %parallel_loop3A_1001 = arith.minsi %parallel_loop3A_967, %parallel_loop3A_999 : vector<16xi32>
      %parallel_loop3A_1002 = arith.maxsi %parallel_loop3A_969, %parallel_loop3A_1001 : vector<16xi32>
      %parallel_loop3A_1003 = arith.minsi %parallel_loop3A_969, %parallel_loop3A_1001 : vector<16xi32>
      %parallel_loop3A_1004 = arith.maxsi %parallel_loop3A_971, %parallel_loop3A_1003 : vector<16xi32>
      %parallel_loop3A_1005 = arith.minsi %parallel_loop3A_971, %parallel_loop3A_1003 : vector<16xi32>
      %parallel_loop3A_1006 = arith.maxsi %parallel_loop3A_973, %parallel_loop3A_1005 : vector<16xi32>
      %parallel_loop3A_1007 = arith.minsi %parallel_loop3A_973, %parallel_loop3A_1005 : vector<16xi32>
      %parallel_loop3A_1008 = arith.maxsi %parallel_loop3A_975, %parallel_loop3A_1007 : vector<16xi32>
      %parallel_loop3A_1009 = arith.minsi %parallel_loop3A_975, %parallel_loop3A_1007 : vector<16xi32>
      %parallel_loop3A_1010 = arith.maxsi %parallel_loop3A_977, %parallel_loop3A_1009 : vector<16xi32>
      %parallel_loop3A_1011 = arith.minsi %parallel_loop3A_977, %parallel_loop3A_1009 : vector<16xi32>
      %parallel_loop3A_1012 = arith.maxsi %parallel_loop3A_979, %parallel_loop3A_1011 : vector<16xi32>
      %parallel_loop3A_1013 = arith.minsi %parallel_loop3A_979, %parallel_loop3A_1011 : vector<16xi32>
      %parallel_loop3A_1014 = arith.maxsi %parallel_loop3A_981, %parallel_loop3A_1013 : vector<16xi32>
      %parallel_loop3A_1015 = arith.minsi %parallel_loop3A_981, %parallel_loop3A_1013 : vector<16xi32>
      %parallel_loop3A_1016 = arith.constant 30 : i32
      %parallel_loop3A_1017 = vector.broadcast %parallel_loop3A_1016 : i32 to vector<16xi32>
      %parallel_loop3A_1018 = tpu.vector_load_idx %arg6[%parallel_loop3A_1017, %parallel_loop3A_25] : memref<64x1024xf32, #tpu.memory_space<vmem>>[vector<16xi32>, vector<16xi32>], vector<16xf32>,
      %parallel_loop3A_1019 = vector.bitcast %parallel_loop3A_1018 : vector<16xf32> to vector<16xi32>
      %parallel_loop3A_1020 = arith.constant 31 : i32
      %parallel_loop3A_1021 = vector.broadcast %parallel_loop3A_1020 : i32 to vector<16xi32>
      %parallel_loop3A_1022 = arith.shrsi %parallel_loop3A_1019, %parallel_loop3A_1021 : vector<16xi32>
      %parallel_loop3A_1023 = vector.broadcast %parallel_loop3A_11 : i32 to vector<16xi32>
      %parallel_loop3A_1024 = arith.andi %parallel_loop3A_1022, %parallel_loop3A_1023 : vector<16xi32>
      %parallel_loop3A_1025 = arith.xori %parallel_loop3A_1019, %parallel_loop3A_1024 : vector<16xi32>
      %parallel_loop3A_1026 = vector.broadcast %parallel_loop3A_12 : i32 to vector<16xi32>
      %parallel_loop3A_1027 = arith.andi %parallel_loop3A_1025, %parallel_loop3A_1026 : vector<16xi32>
      %parallel_loop3A_1028 = arith.constant 33 : i32
      %parallel_loop3A_1029 = vector.broadcast %parallel_loop3A_1028 : i32 to vector<16xi32>
      %parallel_loop3A_1030 = arith.ori %parallel_loop3A_1027, %parallel_loop3A_1029 : vector<16xi32>
      %parallel_loop3A_1031 = arith.maxsi %parallel_loop3A_998, %parallel_loop3A_1030 : vector<16xi32>
      %parallel_loop3A_1032 = arith.minsi %parallel_loop3A_998, %parallel_loop3A_1030 : vector<16xi32>
      %parallel_loop3A_1033 = arith.maxsi %parallel_loop3A_1000, %parallel_loop3A_1032 : vector<16xi32>
      %parallel_loop3A_1034 = arith.minsi %parallel_loop3A_1000, %parallel_loop3A_1032 : vector<16xi32>
      %parallel_loop3A_1035 = arith.maxsi %parallel_loop3A_1002, %parallel_loop3A_1034 : vector<16xi32>
      %parallel_loop3A_1036 = arith.minsi %parallel_loop3A_1002, %parallel_loop3A_1034 : vector<16xi32>
      %parallel_loop3A_1037 = arith.maxsi %parallel_loop3A_1004, %parallel_loop3A_1036 : vector<16xi32>
      %parallel_loop3A_1038 = arith.minsi %parallel_loop3A_1004, %parallel_loop3A_1036 : vector<16xi32>
      %parallel_loop3A_1039 = arith.maxsi %parallel_loop3A_1006, %parallel_loop3A_1038 : vector<16xi32>
      %parallel_loop3A_1040 = arith.minsi %parallel_loop3A_1006, %parallel_loop3A_1038 : vector<16xi32>
      %parallel_loop3A_1041 = arith.maxsi %parallel_loop3A_1008, %parallel_loop3A_1040 : vector<16xi32>
      %parallel_loop3A_1042 = arith.minsi %parallel_loop3A_1008, %parallel_loop3A_1040 : vector<16xi32>
      %parallel_loop3A_1043 = arith.maxsi %parallel_loop3A_1010, %parallel_loop3A_1042 : vector<16xi32>
      %parallel_loop3A_1044 = arith.minsi %parallel_loop3A_1010, %parallel_loop3A_1042 : vector<16xi32>
      %parallel_loop3A_1045 = arith.maxsi %parallel_loop3A_1012, %parallel_loop3A_1044 : vector<16xi32>
      %parallel_loop3A_1046 = arith.minsi %parallel_loop3A_1012, %parallel_loop3A_1044 : vector<16xi32>
      %parallel_loop3A_1047 = arith.maxsi %parallel_loop3A_1014, %parallel_loop3A_1046 : vector<16xi32>
      %parallel_loop3A_1048 = arith.minsi %parallel_loop3A_1014, %parallel_loop3A_1046 : vector<16xi32>
      %parallel_loop3A_1049 = arith.constant 31 : i32
      %parallel_loop3A_1050 = vector.broadcast %parallel_loop3A_1049 : i32 to vector<16xi32>
      %parallel_loop3A_1051 = tpu.vector_load_idx %arg6[%parallel_loop3A_1050, %parallel_loop3A_25] : memref<64x1024xf32, #tpu.memory_space<vmem>>[vector<16xi32>, vector<16xi32>], vector<16xf32>,
      %parallel_loop3A_1052 = vector.bitcast %parallel_loop3A_1051 : vector<16xf32> to vector<16xi32>
      %parallel_loop3A_1053 = arith.constant 31 : i32
      %parallel_loop3A_1054 = vector.broadcast %parallel_loop3A_1053 : i32 to vector<16xi32>
      %parallel_loop3A_1055 = arith.shrsi %parallel_loop3A_1052, %parallel_loop3A_1054 : vector<16xi32>
      %parallel_loop3A_1056 = vector.broadcast %parallel_loop3A_11 : i32 to vector<16xi32>
      %parallel_loop3A_1057 = arith.andi %parallel_loop3A_1055, %parallel_loop3A_1056 : vector<16xi32>
      %parallel_loop3A_1058 = arith.xori %parallel_loop3A_1052, %parallel_loop3A_1057 : vector<16xi32>
      %parallel_loop3A_1059 = vector.broadcast %parallel_loop3A_12 : i32 to vector<16xi32>
      %parallel_loop3A_1060 = arith.andi %parallel_loop3A_1058, %parallel_loop3A_1059 : vector<16xi32>
      %parallel_loop3A_1061 = arith.constant 32 : i32
      %parallel_loop3A_1062 = vector.broadcast %parallel_loop3A_1061 : i32 to vector<16xi32>
      %parallel_loop3A_1063 = arith.ori %parallel_loop3A_1060, %parallel_loop3A_1062 : vector<16xi32>
      %parallel_loop3A_1064 = arith.maxsi %parallel_loop3A_1031, %parallel_loop3A_1063 : vector<16xi32>
      %parallel_loop3A_1065 = arith.minsi %parallel_loop3A_1031, %parallel_loop3A_1063 : vector<16xi32>
      %parallel_loop3A_1066 = arith.maxsi %parallel_loop3A_1033, %parallel_loop3A_1065 : vector<16xi32>
      %parallel_loop3A_1067 = arith.minsi %parallel_loop3A_1033, %parallel_loop3A_1065 : vector<16xi32>
      %parallel_loop3A_1068 = arith.maxsi %parallel_loop3A_1035, %parallel_loop3A_1067 : vector<16xi32>
      %parallel_loop3A_1069 = arith.minsi %parallel_loop3A_1035, %parallel_loop3A_1067 : vector<16xi32>
      %parallel_loop3A_1070 = arith.maxsi %parallel_loop3A_1037, %parallel_loop3A_1069 : vector<16xi32>
      %parallel_loop3A_1071 = arith.minsi %parallel_loop3A_1037, %parallel_loop3A_1069 : vector<16xi32>
      %parallel_loop3A_1072 = arith.maxsi %parallel_loop3A_1039, %parallel_loop3A_1071 : vector<16xi32>
      %parallel_loop3A_1073 = arith.minsi %parallel_loop3A_1039, %parallel_loop3A_1071 : vector<16xi32>
      %parallel_loop3A_1074 = arith.maxsi %parallel_loop3A_1041, %parallel_loop3A_1073 : vector<16xi32>
      %parallel_loop3A_1075 = arith.minsi %parallel_loop3A_1041, %parallel_loop3A_1073 : vector<16xi32>
      %parallel_loop3A_1076 = arith.maxsi %parallel_loop3A_1043, %parallel_loop3A_1075 : vector<16xi32>
      %parallel_loop3A_1077 = arith.minsi %parallel_loop3A_1043, %parallel_loop3A_1075 : vector<16xi32>
      %parallel_loop3A_1078 = arith.maxsi %parallel_loop3A_1045, %parallel_loop3A_1077 : vector<16xi32>
      %parallel_loop3A_1079 = arith.minsi %parallel_loop3A_1045, %parallel_loop3A_1077 : vector<16xi32>
      %parallel_loop3A_1080 = arith.maxsi %parallel_loop3A_1047, %parallel_loop3A_1079 : vector<16xi32>
      %parallel_loop3A_1081 = arith.minsi %parallel_loop3A_1047, %parallel_loop3A_1079 : vector<16xi32>
      %parallel_loop3A_1082 = arith.constant 32 : i32
      %parallel_loop3A_1083 = vector.broadcast %parallel_loop3A_1082 : i32 to vector<16xi32>
      %parallel_loop3A_1084 = tpu.vector_load_idx %arg6[%parallel_loop3A_1083, %parallel_loop3A_25] : memref<64x1024xf32, #tpu.memory_space<vmem>>[vector<16xi32>, vector<16xi32>], vector<16xf32>,
      %parallel_loop3A_1085 = vector.bitcast %parallel_loop3A_1084 : vector<16xf32> to vector<16xi32>
      %parallel_loop3A_1086 = arith.constant 31 : i32
      %parallel_loop3A_1087 = vector.broadcast %parallel_loop3A_1086 : i32 to vector<16xi32>
      %parallel_loop3A_1088 = arith.shrsi %parallel_loop3A_1085, %parallel_loop3A_1087 : vector<16xi32>
      %parallel_loop3A_1089 = vector.broadcast %parallel_loop3A_11 : i32 to vector<16xi32>
      %parallel_loop3A_1090 = arith.andi %parallel_loop3A_1088, %parallel_loop3A_1089 : vector<16xi32>
      %parallel_loop3A_1091 = arith.xori %parallel_loop3A_1085, %parallel_loop3A_1090 : vector<16xi32>
      %parallel_loop3A_1092 = vector.broadcast %parallel_loop3A_12 : i32 to vector<16xi32>
      %parallel_loop3A_1093 = arith.andi %parallel_loop3A_1091, %parallel_loop3A_1092 : vector<16xi32>
      %parallel_loop3A_1094 = arith.constant 31 : i32
      %parallel_loop3A_1095 = vector.broadcast %parallel_loop3A_1094 : i32 to vector<16xi32>
      %parallel_loop3A_1096 = arith.ori %parallel_loop3A_1093, %parallel_loop3A_1095 : vector<16xi32>
      %parallel_loop3A_1097 = arith.maxsi %parallel_loop3A_1064, %parallel_loop3A_1096 : vector<16xi32>
      %parallel_loop3A_1098 = arith.minsi %parallel_loop3A_1064, %parallel_loop3A_1096 : vector<16xi32>
      %parallel_loop3A_1099 = arith.maxsi %parallel_loop3A_1066, %parallel_loop3A_1098 : vector<16xi32>
      %parallel_loop3A_1100 = arith.minsi %parallel_loop3A_1066, %parallel_loop3A_1098 : vector<16xi32>
      %parallel_loop3A_1101 = arith.maxsi %parallel_loop3A_1068, %parallel_loop3A_1100 : vector<16xi32>
      %parallel_loop3A_1102 = arith.minsi %parallel_loop3A_1068, %parallel_loop3A_1100 : vector<16xi32>
      %parallel_loop3A_1103 = arith.maxsi %parallel_loop3A_1070, %parallel_loop3A_1102 : vector<16xi32>
      %parallel_loop3A_1104 = arith.minsi %parallel_loop3A_1070, %parallel_loop3A_1102 : vector<16xi32>
      %parallel_loop3A_1105 = arith.maxsi %parallel_loop3A_1072, %parallel_loop3A_1104 : vector<16xi32>
      %parallel_loop3A_1106 = arith.minsi %parallel_loop3A_1072, %parallel_loop3A_1104 : vector<16xi32>
      %parallel_loop3A_1107 = arith.maxsi %parallel_loop3A_1074, %parallel_loop3A_1106 : vector<16xi32>
      %parallel_loop3A_1108 = arith.minsi %parallel_loop3A_1074, %parallel_loop3A_1106 : vector<16xi32>
      %parallel_loop3A_1109 = arith.maxsi %parallel_loop3A_1076, %parallel_loop3A_1108 : vector<16xi32>
      %parallel_loop3A_1110 = arith.minsi %parallel_loop3A_1076, %parallel_loop3A_1108 : vector<16xi32>
      %parallel_loop3A_1111 = arith.maxsi %parallel_loop3A_1078, %parallel_loop3A_1110 : vector<16xi32>
      %parallel_loop3A_1112 = arith.minsi %parallel_loop3A_1078, %parallel_loop3A_1110 : vector<16xi32>
      %parallel_loop3A_1113 = arith.maxsi %parallel_loop3A_1080, %parallel_loop3A_1112 : vector<16xi32>
      %parallel_loop3A_1114 = arith.minsi %parallel_loop3A_1080, %parallel_loop3A_1112 : vector<16xi32>
      %parallel_loop3A_1115 = arith.constant 33 : i32
      %parallel_loop3A_1116 = vector.broadcast %parallel_loop3A_1115 : i32 to vector<16xi32>
      %parallel_loop3A_1117 = tpu.vector_load_idx %arg6[%parallel_loop3A_1116, %parallel_loop3A_25] : memref<64x1024xf32, #tpu.memory_space<vmem>>[vector<16xi32>, vector<16xi32>], vector<16xf32>,
      %parallel_loop3A_1118 = vector.bitcast %parallel_loop3A_1117 : vector<16xf32> to vector<16xi32>
      %parallel_loop3A_1119 = arith.constant 31 : i32
      %parallel_loop3A_1120 = vector.broadcast %parallel_loop3A_1119 : i32 to vector<16xi32>
      %parallel_loop3A_1121 = arith.shrsi %parallel_loop3A_1118, %parallel_loop3A_1120 : vector<16xi32>
      %parallel_loop3A_1122 = vector.broadcast %parallel_loop3A_11 : i32 to vector<16xi32>
      %parallel_loop3A_1123 = arith.andi %parallel_loop3A_1121, %parallel_loop3A_1122 : vector<16xi32>
      %parallel_loop3A_1124 = arith.xori %parallel_loop3A_1118, %parallel_loop3A_1123 : vector<16xi32>
      %parallel_loop3A_1125 = vector.broadcast %parallel_loop3A_12 : i32 to vector<16xi32>
      %parallel_loop3A_1126 = arith.andi %parallel_loop3A_1124, %parallel_loop3A_1125 : vector<16xi32>
      %parallel_loop3A_1127 = arith.constant 30 : i32
      %parallel_loop3A_1128 = vector.broadcast %parallel_loop3A_1127 : i32 to vector<16xi32>
      %parallel_loop3A_1129 = arith.ori %parallel_loop3A_1126, %parallel_loop3A_1128 : vector<16xi32>
      %parallel_loop3A_1130 = arith.maxsi %parallel_loop3A_1097, %parallel_loop3A_1129 : vector<16xi32>
      %parallel_loop3A_1131 = arith.minsi %parallel_loop3A_1097, %parallel_loop3A_1129 : vector<16xi32>
      %parallel_loop3A_1132 = arith.maxsi %parallel_loop3A_1099, %parallel_loop3A_1131 : vector<16xi32>
      %parallel_loop3A_1133 = arith.minsi %parallel_loop3A_1099, %parallel_loop3A_1131 : vector<16xi32>
      %parallel_loop3A_1134 = arith.maxsi %parallel_loop3A_1101, %parallel_loop3A_1133 : vector<16xi32>
      %parallel_loop3A_1135 = arith.minsi %parallel_loop3A_1101, %parallel_loop3A_1133 : vector<16xi32>
      %parallel_loop3A_1136 = arith.maxsi %parallel_loop3A_1103, %parallel_loop3A_1135 : vector<16xi32>
      %parallel_loop3A_1137 = arith.minsi %parallel_loop3A_1103, %parallel_loop3A_1135 : vector<16xi32>
      %parallel_loop3A_1138 = arith.maxsi %parallel_loop3A_1105, %parallel_loop3A_1137 : vector<16xi32>
      %parallel_loop3A_1139 = arith.minsi %parallel_loop3A_1105, %parallel_loop3A_1137 : vector<16xi32>
      %parallel_loop3A_1140 = arith.maxsi %parallel_loop3A_1107, %parallel_loop3A_1139 : vector<16xi32>
      %parallel_loop3A_1141 = arith.minsi %parallel_loop3A_1107, %parallel_loop3A_1139 : vector<16xi32>
      %parallel_loop3A_1142 = arith.maxsi %parallel_loop3A_1109, %parallel_loop3A_1141 : vector<16xi32>
      %parallel_loop3A_1143 = arith.minsi %parallel_loop3A_1109, %parallel_loop3A_1141 : vector<16xi32>
      %parallel_loop3A_1144 = arith.maxsi %parallel_loop3A_1111, %parallel_loop3A_1143 : vector<16xi32>
      %parallel_loop3A_1145 = arith.minsi %parallel_loop3A_1111, %parallel_loop3A_1143 : vector<16xi32>
      %parallel_loop3A_1146 = arith.maxsi %parallel_loop3A_1113, %parallel_loop3A_1145 : vector<16xi32>
      %parallel_loop3A_1147 = arith.minsi %parallel_loop3A_1113, %parallel_loop3A_1145 : vector<16xi32>
      %parallel_loop3A_1148 = arith.constant 34 : i32
      %parallel_loop3A_1149 = vector.broadcast %parallel_loop3A_1148 : i32 to vector<16xi32>
      %parallel_loop3A_1150 = tpu.vector_load_idx %arg6[%parallel_loop3A_1149, %parallel_loop3A_25] : memref<64x1024xf32, #tpu.memory_space<vmem>>[vector<16xi32>, vector<16xi32>], vector<16xf32>,
      %parallel_loop3A_1151 = vector.bitcast %parallel_loop3A_1150 : vector<16xf32> to vector<16xi32>
      %parallel_loop3A_1152 = arith.constant 31 : i32
      %parallel_loop3A_1153 = vector.broadcast %parallel_loop3A_1152 : i32 to vector<16xi32>
      %parallel_loop3A_1154 = arith.shrsi %parallel_loop3A_1151, %parallel_loop3A_1153 : vector<16xi32>
      %parallel_loop3A_1155 = vector.broadcast %parallel_loop3A_11 : i32 to vector<16xi32>
      %parallel_loop3A_1156 = arith.andi %parallel_loop3A_1154, %parallel_loop3A_1155 : vector<16xi32>
      %parallel_loop3A_1157 = arith.xori %parallel_loop3A_1151, %parallel_loop3A_1156 : vector<16xi32>
      %parallel_loop3A_1158 = vector.broadcast %parallel_loop3A_12 : i32 to vector<16xi32>
      %parallel_loop3A_1159 = arith.andi %parallel_loop3A_1157, %parallel_loop3A_1158 : vector<16xi32>
      %parallel_loop3A_1160 = arith.constant 29 : i32
      %parallel_loop3A_1161 = vector.broadcast %parallel_loop3A_1160 : i32 to vector<16xi32>
      %parallel_loop3A_1162 = arith.ori %parallel_loop3A_1159, %parallel_loop3A_1161 : vector<16xi32>
      %parallel_loop3A_1163 = arith.maxsi %parallel_loop3A_1130, %parallel_loop3A_1162 : vector<16xi32>
      %parallel_loop3A_1164 = arith.minsi %parallel_loop3A_1130, %parallel_loop3A_1162 : vector<16xi32>
      %parallel_loop3A_1165 = arith.maxsi %parallel_loop3A_1132, %parallel_loop3A_1164 : vector<16xi32>
      %parallel_loop3A_1166 = arith.minsi %parallel_loop3A_1132, %parallel_loop3A_1164 : vector<16xi32>
      %parallel_loop3A_1167 = arith.maxsi %parallel_loop3A_1134, %parallel_loop3A_1166 : vector<16xi32>
      %parallel_loop3A_1168 = arith.minsi %parallel_loop3A_1134, %parallel_loop3A_1166 : vector<16xi32>
      %parallel_loop3A_1169 = arith.maxsi %parallel_loop3A_1136, %parallel_loop3A_1168 : vector<16xi32>
      %parallel_loop3A_1170 = arith.minsi %parallel_loop3A_1136, %parallel_loop3A_1168 : vector<16xi32>
      %parallel_loop3A_1171 = arith.maxsi %parallel_loop3A_1138, %parallel_loop3A_1170 : vector<16xi32>
      %parallel_loop3A_1172 = arith.minsi %parallel_loop3A_1138, %parallel_loop3A_1170 : vector<16xi32>
      %parallel_loop3A_1173 = arith.maxsi %parallel_loop3A_1140, %parallel_loop3A_1172 : vector<16xi32>
      %parallel_loop3A_1174 = arith.minsi %parallel_loop3A_1140, %parallel_loop3A_1172 : vector<16xi32>
      %parallel_loop3A_1175 = arith.maxsi %parallel_loop3A_1142, %parallel_loop3A_1174 : vector<16xi32>
      %parallel_loop3A_1176 = arith.minsi %parallel_loop3A_1142, %parallel_loop3A_1174 : vector<16xi32>
      %parallel_loop3A_1177 = arith.maxsi %parallel_loop3A_1144, %parallel_loop3A_1176 : vector<16xi32>
      %parallel_loop3A_1178 = arith.minsi %parallel_loop3A_1144, %parallel_loop3A_1176 : vector<16xi32>
      %parallel_loop3A_1179 = arith.maxsi %parallel_loop3A_1146, %parallel_loop3A_1178 : vector<16xi32>
      %parallel_loop3A_1180 = arith.minsi %parallel_loop3A_1146, %parallel_loop3A_1178 : vector<16xi32>
      %parallel_loop3A_1181 = arith.constant 35 : i32
      %parallel_loop3A_1182 = vector.broadcast %parallel_loop3A_1181 : i32 to vector<16xi32>
      %parallel_loop3A_1183 = tpu.vector_load_idx %arg6[%parallel_loop3A_1182, %parallel_loop3A_25] : memref<64x1024xf32, #tpu.memory_space<vmem>>[vector<16xi32>, vector<16xi32>], vector<16xf32>,
      %parallel_loop3A_1184 = vector.bitcast %parallel_loop3A_1183 : vector<16xf32> to vector<16xi32>
      %parallel_loop3A_1185 = arith.constant 31 : i32
      %parallel_loop3A_1186 = vector.broadcast %parallel_loop3A_1185 : i32 to vector<16xi32>
      %parallel_loop3A_1187 = arith.shrsi %parallel_loop3A_1184, %parallel_loop3A_1186 : vector<16xi32>
      %parallel_loop3A_1188 = vector.broadcast %parallel_loop3A_11 : i32 to vector<16xi32>
      %parallel_loop3A_1189 = arith.andi %parallel_loop3A_1187, %parallel_loop3A_1188 : vector<16xi32>
      %parallel_loop3A_1190 = arith.xori %parallel_loop3A_1184, %parallel_loop3A_1189 : vector<16xi32>
      %parallel_loop3A_1191 = vector.broadcast %parallel_loop3A_12 : i32 to vector<16xi32>
      %parallel_loop3A_1192 = arith.andi %parallel_loop3A_1190, %parallel_loop3A_1191 : vector<16xi32>
      %parallel_loop3A_1193 = arith.constant 28 : i32
      %parallel_loop3A_1194 = vector.broadcast %parallel_loop3A_1193 : i32 to vector<16xi32>
      %parallel_loop3A_1195 = arith.ori %parallel_loop3A_1192, %parallel_loop3A_1194 : vector<16xi32>
      %parallel_loop3A_1196 = arith.maxsi %parallel_loop3A_1163, %parallel_loop3A_1195 : vector<16xi32>
      %parallel_loop3A_1197 = arith.minsi %parallel_loop3A_1163, %parallel_loop3A_1195 : vector<16xi32>
      %parallel_loop3A_1198 = arith.maxsi %parallel_loop3A_1165, %parallel_loop3A_1197 : vector<16xi32>
      %parallel_loop3A_1199 = arith.minsi %parallel_loop3A_1165, %parallel_loop3A_1197 : vector<16xi32>
      %parallel_loop3A_1200 = arith.maxsi %parallel_loop3A_1167, %parallel_loop3A_1199 : vector<16xi32>
      %parallel_loop3A_1201 = arith.minsi %parallel_loop3A_1167, %parallel_loop3A_1199 : vector<16xi32>
      %parallel_loop3A_1202 = arith.maxsi %parallel_loop3A_1169, %parallel_loop3A_1201 : vector<16xi32>
      %parallel_loop3A_1203 = arith.minsi %parallel_loop3A_1169, %parallel_loop3A_1201 : vector<16xi32>
      %parallel_loop3A_1204 = arith.maxsi %parallel_loop3A_1171, %parallel_loop3A_1203 : vector<16xi32>
      %parallel_loop3A_1205 = arith.minsi %parallel_loop3A_1171, %parallel_loop3A_1203 : vector<16xi32>
      %parallel_loop3A_1206 = arith.maxsi %parallel_loop3A_1173, %parallel_loop3A_1205 : vector<16xi32>
      %parallel_loop3A_1207 = arith.minsi %parallel_loop3A_1173, %parallel_loop3A_1205 : vector<16xi32>
      %parallel_loop3A_1208 = arith.maxsi %parallel_loop3A_1175, %parallel_loop3A_1207 : vector<16xi32>
      %parallel_loop3A_1209 = arith.minsi %parallel_loop3A_1175, %parallel_loop3A_1207 : vector<16xi32>
      %parallel_loop3A_1210 = arith.maxsi %parallel_loop3A_1177, %parallel_loop3A_1209 : vector<16xi32>
      %parallel_loop3A_1211 = arith.minsi %parallel_loop3A_1177, %parallel_loop3A_1209 : vector<16xi32>
      %parallel_loop3A_1212 = arith.maxsi %parallel_loop3A_1179, %parallel_loop3A_1211 : vector<16xi32>
      %parallel_loop3A_1213 = arith.minsi %parallel_loop3A_1179, %parallel_loop3A_1211 : vector<16xi32>
      %parallel_loop3A_1214 = arith.constant 36 : i32
      %parallel_loop3A_1215 = vector.broadcast %parallel_loop3A_1214 : i32 to vector<16xi32>
      %parallel_loop3A_1216 = tpu.vector_load_idx %arg6[%parallel_loop3A_1215, %parallel_loop3A_25] : memref<64x1024xf32, #tpu.memory_space<vmem>>[vector<16xi32>, vector<16xi32>], vector<16xf32>,
      %parallel_loop3A_1217 = vector.bitcast %parallel_loop3A_1216 : vector<16xf32> to vector<16xi32>
      %parallel_loop3A_1218 = arith.constant 31 : i32
      %parallel_loop3A_1219 = vector.broadcast %parallel_loop3A_1218 : i32 to vector<16xi32>
      %parallel_loop3A_1220 = arith.shrsi %parallel_loop3A_1217, %parallel_loop3A_1219 : vector<16xi32>
      %parallel_loop3A_1221 = vector.broadcast %parallel_loop3A_11 : i32 to vector<16xi32>
      %parallel_loop3A_1222 = arith.andi %parallel_loop3A_1220, %parallel_loop3A_1221 : vector<16xi32>
      %parallel_loop3A_1223 = arith.xori %parallel_loop3A_1217, %parallel_loop3A_1222 : vector<16xi32>
      %parallel_loop3A_1224 = vector.broadcast %parallel_loop3A_12 : i32 to vector<16xi32>
      %parallel_loop3A_1225 = arith.andi %parallel_loop3A_1223, %parallel_loop3A_1224 : vector<16xi32>
      %parallel_loop3A_1226 = arith.constant 27 : i32
      %parallel_loop3A_1227 = vector.broadcast %parallel_loop3A_1226 : i32 to vector<16xi32>
      %parallel_loop3A_1228 = arith.ori %parallel_loop3A_1225, %parallel_loop3A_1227 : vector<16xi32>
      %parallel_loop3A_1229 = arith.maxsi %parallel_loop3A_1196, %parallel_loop3A_1228 : vector<16xi32>
      %parallel_loop3A_1230 = arith.minsi %parallel_loop3A_1196, %parallel_loop3A_1228 : vector<16xi32>
      %parallel_loop3A_1231 = arith.maxsi %parallel_loop3A_1198, %parallel_loop3A_1230 : vector<16xi32>
      %parallel_loop3A_1232 = arith.minsi %parallel_loop3A_1198, %parallel_loop3A_1230 : vector<16xi32>
      %parallel_loop3A_1233 = arith.maxsi %parallel_loop3A_1200, %parallel_loop3A_1232 : vector<16xi32>
      %parallel_loop3A_1234 = arith.minsi %parallel_loop3A_1200, %parallel_loop3A_1232 : vector<16xi32>
      %parallel_loop3A_1235 = arith.maxsi %parallel_loop3A_1202, %parallel_loop3A_1234 : vector<16xi32>
      %parallel_loop3A_1236 = arith.minsi %parallel_loop3A_1202, %parallel_loop3A_1234 : vector<16xi32>
      %parallel_loop3A_1237 = arith.maxsi %parallel_loop3A_1204, %parallel_loop3A_1236 : vector<16xi32>
      %parallel_loop3A_1238 = arith.minsi %parallel_loop3A_1204, %parallel_loop3A_1236 : vector<16xi32>
      %parallel_loop3A_1239 = arith.maxsi %parallel_loop3A_1206, %parallel_loop3A_1238 : vector<16xi32>
      %parallel_loop3A_1240 = arith.minsi %parallel_loop3A_1206, %parallel_loop3A_1238 : vector<16xi32>
      %parallel_loop3A_1241 = arith.maxsi %parallel_loop3A_1208, %parallel_loop3A_1240 : vector<16xi32>
      %parallel_loop3A_1242 = arith.minsi %parallel_loop3A_1208, %parallel_loop3A_1240 : vector<16xi32>
      %parallel_loop3A_1243 = arith.maxsi %parallel_loop3A_1210, %parallel_loop3A_1242 : vector<16xi32>
      %parallel_loop3A_1244 = arith.minsi %parallel_loop3A_1210, %parallel_loop3A_1242 : vector<16xi32>
      %parallel_loop3A_1245 = arith.maxsi %parallel_loop3A_1212, %parallel_loop3A_1244 : vector<16xi32>
      %parallel_loop3A_1246 = arith.minsi %parallel_loop3A_1212, %parallel_loop3A_1244 : vector<16xi32>
      %parallel_loop3A_1247 = arith.constant 37 : i32
      %parallel_loop3A_1248 = vector.broadcast %parallel_loop3A_1247 : i32 to vector<16xi32>
      %parallel_loop3A_1249 = tpu.vector_load_idx %arg6[%parallel_loop3A_1248, %parallel_loop3A_25] : memref<64x1024xf32, #tpu.memory_space<vmem>>[vector<16xi32>, vector<16xi32>], vector<16xf32>,
      %parallel_loop3A_1250 = vector.bitcast %parallel_loop3A_1249 : vector<16xf32> to vector<16xi32>
      %parallel_loop3A_1251 = arith.constant 31 : i32
      %parallel_loop3A_1252 = vector.broadcast %parallel_loop3A_1251 : i32 to vector<16xi32>
      %parallel_loop3A_1253 = arith.shrsi %parallel_loop3A_1250, %parallel_loop3A_1252 : vector<16xi32>
      %parallel_loop3A_1254 = vector.broadcast %parallel_loop3A_11 : i32 to vector<16xi32>
      %parallel_loop3A_1255 = arith.andi %parallel_loop3A_1253, %parallel_loop3A_1254 : vector<16xi32>
      %parallel_loop3A_1256 = arith.xori %parallel_loop3A_1250, %parallel_loop3A_1255 : vector<16xi32>
      %parallel_loop3A_1257 = vector.broadcast %parallel_loop3A_12 : i32 to vector<16xi32>
      %parallel_loop3A_1258 = arith.andi %parallel_loop3A_1256, %parallel_loop3A_1257 : vector<16xi32>
      %parallel_loop3A_1259 = arith.constant 26 : i32
      %parallel_loop3A_1260 = vector.broadcast %parallel_loop3A_1259 : i32 to vector<16xi32>
      %parallel_loop3A_1261 = arith.ori %parallel_loop3A_1258, %parallel_loop3A_1260 : vector<16xi32>
      %parallel_loop3A_1262 = arith.maxsi %parallel_loop3A_1229, %parallel_loop3A_1261 : vector<16xi32>
      %parallel_loop3A_1263 = arith.minsi %parallel_loop3A_1229, %parallel_loop3A_1261 : vector<16xi32>
      %parallel_loop3A_1264 = arith.maxsi %parallel_loop3A_1231, %parallel_loop3A_1263 : vector<16xi32>
      %parallel_loop3A_1265 = arith.minsi %parallel_loop3A_1231, %parallel_loop3A_1263 : vector<16xi32>
      %parallel_loop3A_1266 = arith.maxsi %parallel_loop3A_1233, %parallel_loop3A_1265 : vector<16xi32>
      %parallel_loop3A_1267 = arith.minsi %parallel_loop3A_1233, %parallel_loop3A_1265 : vector<16xi32>
      %parallel_loop3A_1268 = arith.maxsi %parallel_loop3A_1235, %parallel_loop3A_1267 : vector<16xi32>
      %parallel_loop3A_1269 = arith.minsi %parallel_loop3A_1235, %parallel_loop3A_1267 : vector<16xi32>
      %parallel_loop3A_1270 = arith.maxsi %parallel_loop3A_1237, %parallel_loop3A_1269 : vector<16xi32>
      %parallel_loop3A_1271 = arith.minsi %parallel_loop3A_1237, %parallel_loop3A_1269 : vector<16xi32>
      %parallel_loop3A_1272 = arith.maxsi %parallel_loop3A_1239, %parallel_loop3A_1271 : vector<16xi32>
      %parallel_loop3A_1273 = arith.minsi %parallel_loop3A_1239, %parallel_loop3A_1271 : vector<16xi32>
      %parallel_loop3A_1274 = arith.maxsi %parallel_loop3A_1241, %parallel_loop3A_1273 : vector<16xi32>
      %parallel_loop3A_1275 = arith.minsi %parallel_loop3A_1241, %parallel_loop3A_1273 : vector<16xi32>
      %parallel_loop3A_1276 = arith.maxsi %parallel_loop3A_1243, %parallel_loop3A_1275 : vector<16xi32>
      %parallel_loop3A_1277 = arith.minsi %parallel_loop3A_1243, %parallel_loop3A_1275 : vector<16xi32>
      %parallel_loop3A_1278 = arith.maxsi %parallel_loop3A_1245, %parallel_loop3A_1277 : vector<16xi32>
      %parallel_loop3A_1279 = arith.minsi %parallel_loop3A_1245, %parallel_loop3A_1277 : vector<16xi32>
      %parallel_loop3A_1280 = arith.constant 38 : i32
      %parallel_loop3A_1281 = vector.broadcast %parallel_loop3A_1280 : i32 to vector<16xi32>
      %parallel_loop3A_1282 = tpu.vector_load_idx %arg6[%parallel_loop3A_1281, %parallel_loop3A_25] : memref<64x1024xf32, #tpu.memory_space<vmem>>[vector<16xi32>, vector<16xi32>], vector<16xf32>,
      %parallel_loop3A_1283 = vector.bitcast %parallel_loop3A_1282 : vector<16xf32> to vector<16xi32>
      %parallel_loop3A_1284 = arith.constant 31 : i32
      %parallel_loop3A_1285 = vector.broadcast %parallel_loop3A_1284 : i32 to vector<16xi32>
      %parallel_loop3A_1286 = arith.shrsi %parallel_loop3A_1283, %parallel_loop3A_1285 : vector<16xi32>
      %parallel_loop3A_1287 = vector.broadcast %parallel_loop3A_11 : i32 to vector<16xi32>
      %parallel_loop3A_1288 = arith.andi %parallel_loop3A_1286, %parallel_loop3A_1287 : vector<16xi32>
      %parallel_loop3A_1289 = arith.xori %parallel_loop3A_1283, %parallel_loop3A_1288 : vector<16xi32>
      %parallel_loop3A_1290 = vector.broadcast %parallel_loop3A_12 : i32 to vector<16xi32>
      %parallel_loop3A_1291 = arith.andi %parallel_loop3A_1289, %parallel_loop3A_1290 : vector<16xi32>
      %parallel_loop3A_1292 = arith.constant 25 : i32
      %parallel_loop3A_1293 = vector.broadcast %parallel_loop3A_1292 : i32 to vector<16xi32>
      %parallel_loop3A_1294 = arith.ori %parallel_loop3A_1291, %parallel_loop3A_1293 : vector<16xi32>
      %parallel_loop3A_1295 = arith.maxsi %parallel_loop3A_1262, %parallel_loop3A_1294 : vector<16xi32>
      %parallel_loop3A_1296 = arith.minsi %parallel_loop3A_1262, %parallel_loop3A_1294 : vector<16xi32>
      %parallel_loop3A_1297 = arith.maxsi %parallel_loop3A_1264, %parallel_loop3A_1296 : vector<16xi32>
      %parallel_loop3A_1298 = arith.minsi %parallel_loop3A_1264, %parallel_loop3A_1296 : vector<16xi32>
      %parallel_loop3A_1299 = arith.maxsi %parallel_loop3A_1266, %parallel_loop3A_1298 : vector<16xi32>
      %parallel_loop3A_1300 = arith.minsi %parallel_loop3A_1266, %parallel_loop3A_1298 : vector<16xi32>
      %parallel_loop3A_1301 = arith.maxsi %parallel_loop3A_1268, %parallel_loop3A_1300 : vector<16xi32>
      %parallel_loop3A_1302 = arith.minsi %parallel_loop3A_1268, %parallel_loop3A_1300 : vector<16xi32>
      %parallel_loop3A_1303 = arith.maxsi %parallel_loop3A_1270, %parallel_loop3A_1302 : vector<16xi32>
      %parallel_loop3A_1304 = arith.minsi %parallel_loop3A_1270, %parallel_loop3A_1302 : vector<16xi32>
      %parallel_loop3A_1305 = arith.maxsi %parallel_loop3A_1272, %parallel_loop3A_1304 : vector<16xi32>
      %parallel_loop3A_1306 = arith.minsi %parallel_loop3A_1272, %parallel_loop3A_1304 : vector<16xi32>
      %parallel_loop3A_1307 = arith.maxsi %parallel_loop3A_1274, %parallel_loop3A_1306 : vector<16xi32>
      %parallel_loop3A_1308 = arith.minsi %parallel_loop3A_1274, %parallel_loop3A_1306 : vector<16xi32>
      %parallel_loop3A_1309 = arith.maxsi %parallel_loop3A_1276, %parallel_loop3A_1308 : vector<16xi32>
      %parallel_loop3A_1310 = arith.minsi %parallel_loop3A_1276, %parallel_loop3A_1308 : vector<16xi32>
      %parallel_loop3A_1311 = arith.maxsi %parallel_loop3A_1278, %parallel_loop3A_1310 : vector<16xi32>
      %parallel_loop3A_1312 = arith.minsi %parallel_loop3A_1278, %parallel_loop3A_1310 : vector<16xi32>
      %parallel_loop3A_1313 = arith.constant 39 : i32
      %parallel_loop3A_1314 = vector.broadcast %parallel_loop3A_1313 : i32 to vector<16xi32>
      %parallel_loop3A_1315 = tpu.vector_load_idx %arg6[%parallel_loop3A_1314, %parallel_loop3A_25] : memref<64x1024xf32, #tpu.memory_space<vmem>>[vector<16xi32>, vector<16xi32>], vector<16xf32>,
      %parallel_loop3A_1316 = vector.bitcast %parallel_loop3A_1315 : vector<16xf32> to vector<16xi32>
      %parallel_loop3A_1317 = arith.constant 31 : i32
      %parallel_loop3A_1318 = vector.broadcast %parallel_loop3A_1317 : i32 to vector<16xi32>
      %parallel_loop3A_1319 = arith.shrsi %parallel_loop3A_1316, %parallel_loop3A_1318 : vector<16xi32>
      %parallel_loop3A_1320 = vector.broadcast %parallel_loop3A_11 : i32 to vector<16xi32>
      %parallel_loop3A_1321 = arith.andi %parallel_loop3A_1319, %parallel_loop3A_1320 : vector<16xi32>
      %parallel_loop3A_1322 = arith.xori %parallel_loop3A_1316, %parallel_loop3A_1321 : vector<16xi32>
      %parallel_loop3A_1323 = vector.broadcast %parallel_loop3A_12 : i32 to vector<16xi32>
      %parallel_loop3A_1324 = arith.andi %parallel_loop3A_1322, %parallel_loop3A_1323 : vector<16xi32>
      %parallel_loop3A_1325 = arith.constant 24 : i32
      %parallel_loop3A_1326 = vector.broadcast %parallel_loop3A_1325 : i32 to vector<16xi32>
      %parallel_loop3A_1327 = arith.ori %parallel_loop3A_1324, %parallel_loop3A_1326 : vector<16xi32>
      %parallel_loop3A_1328 = arith.maxsi %parallel_loop3A_1295, %parallel_loop3A_1327 : vector<16xi32>
      %parallel_loop3A_1329 = arith.minsi %parallel_loop3A_1295, %parallel_loop3A_1327 : vector<16xi32>
      %parallel_loop3A_1330 = arith.maxsi %parallel_loop3A_1297, %parallel_loop3A_1329 : vector<16xi32>
      %parallel_loop3A_1331 = arith.minsi %parallel_loop3A_1297, %parallel_loop3A_1329 : vector<16xi32>
      %parallel_loop3A_1332 = arith.maxsi %parallel_loop3A_1299, %parallel_loop3A_1331 : vector<16xi32>
      %parallel_loop3A_1333 = arith.minsi %parallel_loop3A_1299, %parallel_loop3A_1331 : vector<16xi32>
      %parallel_loop3A_1334 = arith.maxsi %parallel_loop3A_1301, %parallel_loop3A_1333 : vector<16xi32>
      %parallel_loop3A_1335 = arith.minsi %parallel_loop3A_1301, %parallel_loop3A_1333 : vector<16xi32>
      %parallel_loop3A_1336 = arith.maxsi %parallel_loop3A_1303, %parallel_loop3A_1335 : vector<16xi32>
      %parallel_loop3A_1337 = arith.minsi %parallel_loop3A_1303, %parallel_loop3A_1335 : vector<16xi32>
      %parallel_loop3A_1338 = arith.maxsi %parallel_loop3A_1305, %parallel_loop3A_1337 : vector<16xi32>
      %parallel_loop3A_1339 = arith.minsi %parallel_loop3A_1305, %parallel_loop3A_1337 : vector<16xi32>
      %parallel_loop3A_1340 = arith.maxsi %parallel_loop3A_1307, %parallel_loop3A_1339 : vector<16xi32>
      %parallel_loop3A_1341 = arith.minsi %parallel_loop3A_1307, %parallel_loop3A_1339 : vector<16xi32>
      %parallel_loop3A_1342 = arith.maxsi %parallel_loop3A_1309, %parallel_loop3A_1341 : vector<16xi32>
      %parallel_loop3A_1343 = arith.minsi %parallel_loop3A_1309, %parallel_loop3A_1341 : vector<16xi32>
      %parallel_loop3A_1344 = arith.maxsi %parallel_loop3A_1311, %parallel_loop3A_1343 : vector<16xi32>
      %parallel_loop3A_1345 = arith.minsi %parallel_loop3A_1311, %parallel_loop3A_1343 : vector<16xi32>
      %parallel_loop3A_1346 = arith.constant 40 : i32
      %parallel_loop3A_1347 = vector.broadcast %parallel_loop3A_1346 : i32 to vector<16xi32>
      %parallel_loop3A_1348 = tpu.vector_load_idx %arg6[%parallel_loop3A_1347, %parallel_loop3A_25] : memref<64x1024xf32, #tpu.memory_space<vmem>>[vector<16xi32>, vector<16xi32>], vector<16xf32>,
      %parallel_loop3A_1349 = vector.bitcast %parallel_loop3A_1348 : vector<16xf32> to vector<16xi32>
      %parallel_loop3A_1350 = arith.constant 31 : i32
      %parallel_loop3A_1351 = vector.broadcast %parallel_loop3A_1350 : i32 to vector<16xi32>
      %parallel_loop3A_1352 = arith.shrsi %parallel_loop3A_1349, %parallel_loop3A_1351 : vector<16xi32>
      %parallel_loop3A_1353 = vector.broadcast %parallel_loop3A_11 : i32 to vector<16xi32>
      %parallel_loop3A_1354 = arith.andi %parallel_loop3A_1352, %parallel_loop3A_1353 : vector<16xi32>
      %parallel_loop3A_1355 = arith.xori %parallel_loop3A_1349, %parallel_loop3A_1354 : vector<16xi32>
      %parallel_loop3A_1356 = vector.broadcast %parallel_loop3A_12 : i32 to vector<16xi32>
      %parallel_loop3A_1357 = arith.andi %parallel_loop3A_1355, %parallel_loop3A_1356 : vector<16xi32>
      %parallel_loop3A_1358 = arith.constant 23 : i32
      %parallel_loop3A_1359 = vector.broadcast %parallel_loop3A_1358 : i32 to vector<16xi32>
      %parallel_loop3A_1360 = arith.ori %parallel_loop3A_1357, %parallel_loop3A_1359 : vector<16xi32>
      %parallel_loop3A_1361 = arith.maxsi %parallel_loop3A_1328, %parallel_loop3A_1360 : vector<16xi32>
      %parallel_loop3A_1362 = arith.minsi %parallel_loop3A_1328, %parallel_loop3A_1360 : vector<16xi32>
      %parallel_loop3A_1363 = arith.maxsi %parallel_loop3A_1330, %parallel_loop3A_1362 : vector<16xi32>
      %parallel_loop3A_1364 = arith.minsi %parallel_loop3A_1330, %parallel_loop3A_1362 : vector<16xi32>
      %parallel_loop3A_1365 = arith.maxsi %parallel_loop3A_1332, %parallel_loop3A_1364 : vector<16xi32>
      %parallel_loop3A_1366 = arith.minsi %parallel_loop3A_1332, %parallel_loop3A_1364 : vector<16xi32>
      %parallel_loop3A_1367 = arith.maxsi %parallel_loop3A_1334, %parallel_loop3A_1366 : vector<16xi32>
      %parallel_loop3A_1368 = arith.minsi %parallel_loop3A_1334, %parallel_loop3A_1366 : vector<16xi32>
      %parallel_loop3A_1369 = arith.maxsi %parallel_loop3A_1336, %parallel_loop3A_1368 : vector<16xi32>
      %parallel_loop3A_1370 = arith.minsi %parallel_loop3A_1336, %parallel_loop3A_1368 : vector<16xi32>
      %parallel_loop3A_1371 = arith.maxsi %parallel_loop3A_1338, %parallel_loop3A_1370 : vector<16xi32>
      %parallel_loop3A_1372 = arith.minsi %parallel_loop3A_1338, %parallel_loop3A_1370 : vector<16xi32>
      %parallel_loop3A_1373 = arith.maxsi %parallel_loop3A_1340, %parallel_loop3A_1372 : vector<16xi32>
      %parallel_loop3A_1374 = arith.minsi %parallel_loop3A_1340, %parallel_loop3A_1372 : vector<16xi32>
      %parallel_loop3A_1375 = arith.maxsi %parallel_loop3A_1342, %parallel_loop3A_1374 : vector<16xi32>
      %parallel_loop3A_1376 = arith.minsi %parallel_loop3A_1342, %parallel_loop3A_1374 : vector<16xi32>
      %parallel_loop3A_1377 = arith.maxsi %parallel_loop3A_1344, %parallel_loop3A_1376 : vector<16xi32>
      %parallel_loop3A_1378 = arith.minsi %parallel_loop3A_1344, %parallel_loop3A_1376 : vector<16xi32>
      %parallel_loop3A_1379 = arith.constant 41 : i32
      %parallel_loop3A_1380 = vector.broadcast %parallel_loop3A_1379 : i32 to vector<16xi32>
      %parallel_loop3A_1381 = tpu.vector_load_idx %arg6[%parallel_loop3A_1380, %parallel_loop3A_25] : memref<64x1024xf32, #tpu.memory_space<vmem>>[vector<16xi32>, vector<16xi32>], vector<16xf32>,
      %parallel_loop3A_1382 = vector.bitcast %parallel_loop3A_1381 : vector<16xf32> to vector<16xi32>
      %parallel_loop3A_1383 = arith.constant 31 : i32
      %parallel_loop3A_1384 = vector.broadcast %parallel_loop3A_1383 : i32 to vector<16xi32>
      %parallel_loop3A_1385 = arith.shrsi %parallel_loop3A_1382, %parallel_loop3A_1384 : vector<16xi32>
      %parallel_loop3A_1386 = vector.broadcast %parallel_loop3A_11 : i32 to vector<16xi32>
      %parallel_loop3A_1387 = arith.andi %parallel_loop3A_1385, %parallel_loop3A_1386 : vector<16xi32>
      %parallel_loop3A_1388 = arith.xori %parallel_loop3A_1382, %parallel_loop3A_1387 : vector<16xi32>
      %parallel_loop3A_1389 = vector.broadcast %parallel_loop3A_12 : i32 to vector<16xi32>
      %parallel_loop3A_1390 = arith.andi %parallel_loop3A_1388, %parallel_loop3A_1389 : vector<16xi32>
      %parallel_loop3A_1391 = arith.constant 22 : i32
      %parallel_loop3A_1392 = vector.broadcast %parallel_loop3A_1391 : i32 to vector<16xi32>
      %parallel_loop3A_1393 = arith.ori %parallel_loop3A_1390, %parallel_loop3A_1392 : vector<16xi32>
      %parallel_loop3A_1394 = arith.maxsi %parallel_loop3A_1361, %parallel_loop3A_1393 : vector<16xi32>
      %parallel_loop3A_1395 = arith.minsi %parallel_loop3A_1361, %parallel_loop3A_1393 : vector<16xi32>
      %parallel_loop3A_1396 = arith.maxsi %parallel_loop3A_1363, %parallel_loop3A_1395 : vector<16xi32>
      %parallel_loop3A_1397 = arith.minsi %parallel_loop3A_1363, %parallel_loop3A_1395 : vector<16xi32>
      %parallel_loop3A_1398 = arith.maxsi %parallel_loop3A_1365, %parallel_loop3A_1397 : vector<16xi32>
      %parallel_loop3A_1399 = arith.minsi %parallel_loop3A_1365, %parallel_loop3A_1397 : vector<16xi32>
      %parallel_loop3A_1400 = arith.maxsi %parallel_loop3A_1367, %parallel_loop3A_1399 : vector<16xi32>
      %parallel_loop3A_1401 = arith.minsi %parallel_loop3A_1367, %parallel_loop3A_1399 : vector<16xi32>
      %parallel_loop3A_1402 = arith.maxsi %parallel_loop3A_1369, %parallel_loop3A_1401 : vector<16xi32>
      %parallel_loop3A_1403 = arith.minsi %parallel_loop3A_1369, %parallel_loop3A_1401 : vector<16xi32>
      %parallel_loop3A_1404 = arith.maxsi %parallel_loop3A_1371, %parallel_loop3A_1403 : vector<16xi32>
      %parallel_loop3A_1405 = arith.minsi %parallel_loop3A_1371, %parallel_loop3A_1403 : vector<16xi32>
      %parallel_loop3A_1406 = arith.maxsi %parallel_loop3A_1373, %parallel_loop3A_1405 : vector<16xi32>
      %parallel_loop3A_1407 = arith.minsi %parallel_loop3A_1373, %parallel_loop3A_1405 : vector<16xi32>
      %parallel_loop3A_1408 = arith.maxsi %parallel_loop3A_1375, %parallel_loop3A_1407 : vector<16xi32>
      %parallel_loop3A_1409 = arith.minsi %parallel_loop3A_1375, %parallel_loop3A_1407 : vector<16xi32>
      %parallel_loop3A_1410 = arith.maxsi %parallel_loop3A_1377, %parallel_loop3A_1409 : vector<16xi32>
      %parallel_loop3A_1411 = arith.minsi %parallel_loop3A_1377, %parallel_loop3A_1409 : vector<16xi32>
      %parallel_loop3A_1412 = arith.constant 42 : i32
      %parallel_loop3A_1413 = vector.broadcast %parallel_loop3A_1412 : i32 to vector<16xi32>
      %parallel_loop3A_1414 = tpu.vector_load_idx %arg6[%parallel_loop3A_1413, %parallel_loop3A_25] : memref<64x1024xf32, #tpu.memory_space<vmem>>[vector<16xi32>, vector<16xi32>], vector<16xf32>,
      %parallel_loop3A_1415 = vector.bitcast %parallel_loop3A_1414 : vector<16xf32> to vector<16xi32>
      %parallel_loop3A_1416 = arith.constant 31 : i32
      %parallel_loop3A_1417 = vector.broadcast %parallel_loop3A_1416 : i32 to vector<16xi32>
      %parallel_loop3A_1418 = arith.shrsi %parallel_loop3A_1415, %parallel_loop3A_1417 : vector<16xi32>
      %parallel_loop3A_1419 = vector.broadcast %parallel_loop3A_11 : i32 to vector<16xi32>
      %parallel_loop3A_1420 = arith.andi %parallel_loop3A_1418, %parallel_loop3A_1419 : vector<16xi32>
      %parallel_loop3A_1421 = arith.xori %parallel_loop3A_1415, %parallel_loop3A_1420 : vector<16xi32>
      %parallel_loop3A_1422 = vector.broadcast %parallel_loop3A_12 : i32 to vector<16xi32>
      %parallel_loop3A_1423 = arith.andi %parallel_loop3A_1421, %parallel_loop3A_1422 : vector<16xi32>
      %parallel_loop3A_1424 = arith.constant 21 : i32
      %parallel_loop3A_1425 = vector.broadcast %parallel_loop3A_1424 : i32 to vector<16xi32>
      %parallel_loop3A_1426 = arith.ori %parallel_loop3A_1423, %parallel_loop3A_1425 : vector<16xi32>
      %parallel_loop3A_1427 = arith.maxsi %parallel_loop3A_1394, %parallel_loop3A_1426 : vector<16xi32>
      %parallel_loop3A_1428 = arith.minsi %parallel_loop3A_1394, %parallel_loop3A_1426 : vector<16xi32>
      %parallel_loop3A_1429 = arith.maxsi %parallel_loop3A_1396, %parallel_loop3A_1428 : vector<16xi32>
      %parallel_loop3A_1430 = arith.minsi %parallel_loop3A_1396, %parallel_loop3A_1428 : vector<16xi32>
      %parallel_loop3A_1431 = arith.maxsi %parallel_loop3A_1398, %parallel_loop3A_1430 : vector<16xi32>
      %parallel_loop3A_1432 = arith.minsi %parallel_loop3A_1398, %parallel_loop3A_1430 : vector<16xi32>
      %parallel_loop3A_1433 = arith.maxsi %parallel_loop3A_1400, %parallel_loop3A_1432 : vector<16xi32>
      %parallel_loop3A_1434 = arith.minsi %parallel_loop3A_1400, %parallel_loop3A_1432 : vector<16xi32>
      %parallel_loop3A_1435 = arith.maxsi %parallel_loop3A_1402, %parallel_loop3A_1434 : vector<16xi32>
      %parallel_loop3A_1436 = arith.minsi %parallel_loop3A_1402, %parallel_loop3A_1434 : vector<16xi32>
      %parallel_loop3A_1437 = arith.maxsi %parallel_loop3A_1404, %parallel_loop3A_1436 : vector<16xi32>
      %parallel_loop3A_1438 = arith.minsi %parallel_loop3A_1404, %parallel_loop3A_1436 : vector<16xi32>
      %parallel_loop3A_1439 = arith.maxsi %parallel_loop3A_1406, %parallel_loop3A_1438 : vector<16xi32>
      %parallel_loop3A_1440 = arith.minsi %parallel_loop3A_1406, %parallel_loop3A_1438 : vector<16xi32>
      %parallel_loop3A_1441 = arith.maxsi %parallel_loop3A_1408, %parallel_loop3A_1440 : vector<16xi32>
      %parallel_loop3A_1442 = arith.minsi %parallel_loop3A_1408, %parallel_loop3A_1440 : vector<16xi32>
      %parallel_loop3A_1443 = arith.maxsi %parallel_loop3A_1410, %parallel_loop3A_1442 : vector<16xi32>
      %parallel_loop3A_1444 = arith.minsi %parallel_loop3A_1410, %parallel_loop3A_1442 : vector<16xi32>
      %parallel_loop3A_1445 = arith.constant 43 : i32
      %parallel_loop3A_1446 = vector.broadcast %parallel_loop3A_1445 : i32 to vector<16xi32>
      %parallel_loop3A_1447 = tpu.vector_load_idx %arg6[%parallel_loop3A_1446, %parallel_loop3A_25] : memref<64x1024xf32, #tpu.memory_space<vmem>>[vector<16xi32>, vector<16xi32>], vector<16xf32>,
      %parallel_loop3A_1448 = vector.bitcast %parallel_loop3A_1447 : vector<16xf32> to vector<16xi32>
      %parallel_loop3A_1449 = arith.constant 31 : i32
      %parallel_loop3A_1450 = vector.broadcast %parallel_loop3A_1449 : i32 to vector<16xi32>
      %parallel_loop3A_1451 = arith.shrsi %parallel_loop3A_1448, %parallel_loop3A_1450 : vector<16xi32>
      %parallel_loop3A_1452 = vector.broadcast %parallel_loop3A_11 : i32 to vector<16xi32>
      %parallel_loop3A_1453 = arith.andi %parallel_loop3A_1451, %parallel_loop3A_1452 : vector<16xi32>
      %parallel_loop3A_1454 = arith.xori %parallel_loop3A_1448, %parallel_loop3A_1453 : vector<16xi32>
      %parallel_loop3A_1455 = vector.broadcast %parallel_loop3A_12 : i32 to vector<16xi32>
      %parallel_loop3A_1456 = arith.andi %parallel_loop3A_1454, %parallel_loop3A_1455 : vector<16xi32>
      %parallel_loop3A_1457 = arith.constant 20 : i32
      %parallel_loop3A_1458 = vector.broadcast %parallel_loop3A_1457 : i32 to vector<16xi32>
      %parallel_loop3A_1459 = arith.ori %parallel_loop3A_1456, %parallel_loop3A_1458 : vector<16xi32>
      %parallel_loop3A_1460 = arith.maxsi %parallel_loop3A_1427, %parallel_loop3A_1459 : vector<16xi32>
      %parallel_loop3A_1461 = arith.minsi %parallel_loop3A_1427, %parallel_loop3A_1459 : vector<16xi32>
      %parallel_loop3A_1462 = arith.maxsi %parallel_loop3A_1429, %parallel_loop3A_1461 : vector<16xi32>
      %parallel_loop3A_1463 = arith.minsi %parallel_loop3A_1429, %parallel_loop3A_1461 : vector<16xi32>
      %parallel_loop3A_1464 = arith.maxsi %parallel_loop3A_1431, %parallel_loop3A_1463 : vector<16xi32>
      %parallel_loop3A_1465 = arith.minsi %parallel_loop3A_1431, %parallel_loop3A_1463 : vector<16xi32>
      %parallel_loop3A_1466 = arith.maxsi %parallel_loop3A_1433, %parallel_loop3A_1465 : vector<16xi32>
      %parallel_loop3A_1467 = arith.minsi %parallel_loop3A_1433, %parallel_loop3A_1465 : vector<16xi32>
      %parallel_loop3A_1468 = arith.maxsi %parallel_loop3A_1435, %parallel_loop3A_1467 : vector<16xi32>
      %parallel_loop3A_1469 = arith.minsi %parallel_loop3A_1435, %parallel_loop3A_1467 : vector<16xi32>
      %parallel_loop3A_1470 = arith.maxsi %parallel_loop3A_1437, %parallel_loop3A_1469 : vector<16xi32>
      %parallel_loop3A_1471 = arith.minsi %parallel_loop3A_1437, %parallel_loop3A_1469 : vector<16xi32>
      %parallel_loop3A_1472 = arith.maxsi %parallel_loop3A_1439, %parallel_loop3A_1471 : vector<16xi32>
      %parallel_loop3A_1473 = arith.minsi %parallel_loop3A_1439, %parallel_loop3A_1471 : vector<16xi32>
      %parallel_loop3A_1474 = arith.maxsi %parallel_loop3A_1441, %parallel_loop3A_1473 : vector<16xi32>
      %parallel_loop3A_1475 = arith.minsi %parallel_loop3A_1441, %parallel_loop3A_1473 : vector<16xi32>
      %parallel_loop3A_1476 = arith.maxsi %parallel_loop3A_1443, %parallel_loop3A_1475 : vector<16xi32>
      %parallel_loop3A_1477 = arith.minsi %parallel_loop3A_1443, %parallel_loop3A_1475 : vector<16xi32>
      %parallel_loop3A_1478 = arith.constant 44 : i32
      %parallel_loop3A_1479 = vector.broadcast %parallel_loop3A_1478 : i32 to vector<16xi32>
      %parallel_loop3A_1480 = tpu.vector_load_idx %arg6[%parallel_loop3A_1479, %parallel_loop3A_25] : memref<64x1024xf32, #tpu.memory_space<vmem>>[vector<16xi32>, vector<16xi32>], vector<16xf32>,
      %parallel_loop3A_1481 = vector.bitcast %parallel_loop3A_1480 : vector<16xf32> to vector<16xi32>
      %parallel_loop3A_1482 = arith.constant 31 : i32
      %parallel_loop3A_1483 = vector.broadcast %parallel_loop3A_1482 : i32 to vector<16xi32>
      %parallel_loop3A_1484 = arith.shrsi %parallel_loop3A_1481, %parallel_loop3A_1483 : vector<16xi32>
      %parallel_loop3A_1485 = vector.broadcast %parallel_loop3A_11 : i32 to vector<16xi32>
      %parallel_loop3A_1486 = arith.andi %parallel_loop3A_1484, %parallel_loop3A_1485 : vector<16xi32>
      %parallel_loop3A_1487 = arith.xori %parallel_loop3A_1481, %parallel_loop3A_1486 : vector<16xi32>
      %parallel_loop3A_1488 = vector.broadcast %parallel_loop3A_12 : i32 to vector<16xi32>
      %parallel_loop3A_1489 = arith.andi %parallel_loop3A_1487, %parallel_loop3A_1488 : vector<16xi32>
      %parallel_loop3A_1490 = arith.constant 19 : i32
      %parallel_loop3A_1491 = vector.broadcast %parallel_loop3A_1490 : i32 to vector<16xi32>
      %parallel_loop3A_1492 = arith.ori %parallel_loop3A_1489, %parallel_loop3A_1491 : vector<16xi32>
      %parallel_loop3A_1493 = arith.maxsi %parallel_loop3A_1460, %parallel_loop3A_1492 : vector<16xi32>
      %parallel_loop3A_1494 = arith.minsi %parallel_loop3A_1460, %parallel_loop3A_1492 : vector<16xi32>
      %parallel_loop3A_1495 = arith.maxsi %parallel_loop3A_1462, %parallel_loop3A_1494 : vector<16xi32>
      %parallel_loop3A_1496 = arith.minsi %parallel_loop3A_1462, %parallel_loop3A_1494 : vector<16xi32>
      %parallel_loop3A_1497 = arith.maxsi %parallel_loop3A_1464, %parallel_loop3A_1496 : vector<16xi32>
      %parallel_loop3A_1498 = arith.minsi %parallel_loop3A_1464, %parallel_loop3A_1496 : vector<16xi32>
      %parallel_loop3A_1499 = arith.maxsi %parallel_loop3A_1466, %parallel_loop3A_1498 : vector<16xi32>
      %parallel_loop3A_1500 = arith.minsi %parallel_loop3A_1466, %parallel_loop3A_1498 : vector<16xi32>
      %parallel_loop3A_1501 = arith.maxsi %parallel_loop3A_1468, %parallel_loop3A_1500 : vector<16xi32>
      %parallel_loop3A_1502 = arith.minsi %parallel_loop3A_1468, %parallel_loop3A_1500 : vector<16xi32>
      %parallel_loop3A_1503 = arith.maxsi %parallel_loop3A_1470, %parallel_loop3A_1502 : vector<16xi32>
      %parallel_loop3A_1504 = arith.minsi %parallel_loop3A_1470, %parallel_loop3A_1502 : vector<16xi32>
      %parallel_loop3A_1505 = arith.maxsi %parallel_loop3A_1472, %parallel_loop3A_1504 : vector<16xi32>
      %parallel_loop3A_1506 = arith.minsi %parallel_loop3A_1472, %parallel_loop3A_1504 : vector<16xi32>
      %parallel_loop3A_1507 = arith.maxsi %parallel_loop3A_1474, %parallel_loop3A_1506 : vector<16xi32>
      %parallel_loop3A_1508 = arith.minsi %parallel_loop3A_1474, %parallel_loop3A_1506 : vector<16xi32>
      %parallel_loop3A_1509 = arith.maxsi %parallel_loop3A_1476, %parallel_loop3A_1508 : vector<16xi32>
      %parallel_loop3A_1510 = arith.minsi %parallel_loop3A_1476, %parallel_loop3A_1508 : vector<16xi32>
      %parallel_loop3A_1511 = arith.constant 45 : i32
      %parallel_loop3A_1512 = vector.broadcast %parallel_loop3A_1511 : i32 to vector<16xi32>
      %parallel_loop3A_1513 = tpu.vector_load_idx %arg6[%parallel_loop3A_1512, %parallel_loop3A_25] : memref<64x1024xf32, #tpu.memory_space<vmem>>[vector<16xi32>, vector<16xi32>], vector<16xf32>,
      %parallel_loop3A_1514 = vector.bitcast %parallel_loop3A_1513 : vector<16xf32> to vector<16xi32>
      %parallel_loop3A_1515 = arith.constant 31 : i32
      %parallel_loop3A_1516 = vector.broadcast %parallel_loop3A_1515 : i32 to vector<16xi32>
      %parallel_loop3A_1517 = arith.shrsi %parallel_loop3A_1514, %parallel_loop3A_1516 : vector<16xi32>
      %parallel_loop3A_1518 = vector.broadcast %parallel_loop3A_11 : i32 to vector<16xi32>
      %parallel_loop3A_1519 = arith.andi %parallel_loop3A_1517, %parallel_loop3A_1518 : vector<16xi32>
      %parallel_loop3A_1520 = arith.xori %parallel_loop3A_1514, %parallel_loop3A_1519 : vector<16xi32>
      %parallel_loop3A_1521 = vector.broadcast %parallel_loop3A_12 : i32 to vector<16xi32>
      %parallel_loop3A_1522 = arith.andi %parallel_loop3A_1520, %parallel_loop3A_1521 : vector<16xi32>
      %parallel_loop3A_1523 = arith.constant 18 : i32
      %parallel_loop3A_1524 = vector.broadcast %parallel_loop3A_1523 : i32 to vector<16xi32>
      %parallel_loop3A_1525 = arith.ori %parallel_loop3A_1522, %parallel_loop3A_1524 : vector<16xi32>
      %parallel_loop3A_1526 = arith.maxsi %parallel_loop3A_1493, %parallel_loop3A_1525 : vector<16xi32>
      %parallel_loop3A_1527 = arith.minsi %parallel_loop3A_1493, %parallel_loop3A_1525 : vector<16xi32>
      %parallel_loop3A_1528 = arith.maxsi %parallel_loop3A_1495, %parallel_loop3A_1527 : vector<16xi32>
      %parallel_loop3A_1529 = arith.minsi %parallel_loop3A_1495, %parallel_loop3A_1527 : vector<16xi32>
      %parallel_loop3A_1530 = arith.maxsi %parallel_loop3A_1497, %parallel_loop3A_1529 : vector<16xi32>
      %parallel_loop3A_1531 = arith.minsi %parallel_loop3A_1497, %parallel_loop3A_1529 : vector<16xi32>
      %parallel_loop3A_1532 = arith.maxsi %parallel_loop3A_1499, %parallel_loop3A_1531 : vector<16xi32>
      %parallel_loop3A_1533 = arith.minsi %parallel_loop3A_1499, %parallel_loop3A_1531 : vector<16xi32>
      %parallel_loop3A_1534 = arith.maxsi %parallel_loop3A_1501, %parallel_loop3A_1533 : vector<16xi32>
      %parallel_loop3A_1535 = arith.minsi %parallel_loop3A_1501, %parallel_loop3A_1533 : vector<16xi32>
      %parallel_loop3A_1536 = arith.maxsi %parallel_loop3A_1503, %parallel_loop3A_1535 : vector<16xi32>
      %parallel_loop3A_1537 = arith.minsi %parallel_loop3A_1503, %parallel_loop3A_1535 : vector<16xi32>
      %parallel_loop3A_1538 = arith.maxsi %parallel_loop3A_1505, %parallel_loop3A_1537 : vector<16xi32>
      %parallel_loop3A_1539 = arith.minsi %parallel_loop3A_1505, %parallel_loop3A_1537 : vector<16xi32>
      %parallel_loop3A_1540 = arith.maxsi %parallel_loop3A_1507, %parallel_loop3A_1539 : vector<16xi32>
      %parallel_loop3A_1541 = arith.minsi %parallel_loop3A_1507, %parallel_loop3A_1539 : vector<16xi32>
      %parallel_loop3A_1542 = arith.maxsi %parallel_loop3A_1509, %parallel_loop3A_1541 : vector<16xi32>
      %parallel_loop3A_1543 = arith.minsi %parallel_loop3A_1509, %parallel_loop3A_1541 : vector<16xi32>
      %parallel_loop3A_1544 = arith.constant 46 : i32
      %parallel_loop3A_1545 = vector.broadcast %parallel_loop3A_1544 : i32 to vector<16xi32>
      %parallel_loop3A_1546 = tpu.vector_load_idx %arg6[%parallel_loop3A_1545, %parallel_loop3A_25] : memref<64x1024xf32, #tpu.memory_space<vmem>>[vector<16xi32>, vector<16xi32>], vector<16xf32>,
      %parallel_loop3A_1547 = vector.bitcast %parallel_loop3A_1546 : vector<16xf32> to vector<16xi32>
      %parallel_loop3A_1548 = arith.constant 31 : i32
      %parallel_loop3A_1549 = vector.broadcast %parallel_loop3A_1548 : i32 to vector<16xi32>
      %parallel_loop3A_1550 = arith.shrsi %parallel_loop3A_1547, %parallel_loop3A_1549 : vector<16xi32>
      %parallel_loop3A_1551 = vector.broadcast %parallel_loop3A_11 : i32 to vector<16xi32>
      %parallel_loop3A_1552 = arith.andi %parallel_loop3A_1550, %parallel_loop3A_1551 : vector<16xi32>
      %parallel_loop3A_1553 = arith.xori %parallel_loop3A_1547, %parallel_loop3A_1552 : vector<16xi32>
      %parallel_loop3A_1554 = vector.broadcast %parallel_loop3A_12 : i32 to vector<16xi32>
      %parallel_loop3A_1555 = arith.andi %parallel_loop3A_1553, %parallel_loop3A_1554 : vector<16xi32>
      %parallel_loop3A_1556 = arith.constant 17 : i32
      %parallel_loop3A_1557 = vector.broadcast %parallel_loop3A_1556 : i32 to vector<16xi32>
      %parallel_loop3A_1558 = arith.ori %parallel_loop3A_1555, %parallel_loop3A_1557 : vector<16xi32>
      %parallel_loop3A_1559 = arith.maxsi %parallel_loop3A_1526, %parallel_loop3A_1558 : vector<16xi32>
      %parallel_loop3A_1560 = arith.minsi %parallel_loop3A_1526, %parallel_loop3A_1558 : vector<16xi32>
      %parallel_loop3A_1561 = arith.maxsi %parallel_loop3A_1528, %parallel_loop3A_1560 : vector<16xi32>
      %parallel_loop3A_1562 = arith.minsi %parallel_loop3A_1528, %parallel_loop3A_1560 : vector<16xi32>
      %parallel_loop3A_1563 = arith.maxsi %parallel_loop3A_1530, %parallel_loop3A_1562 : vector<16xi32>
      %parallel_loop3A_1564 = arith.minsi %parallel_loop3A_1530, %parallel_loop3A_1562 : vector<16xi32>
      %parallel_loop3A_1565 = arith.maxsi %parallel_loop3A_1532, %parallel_loop3A_1564 : vector<16xi32>
      %parallel_loop3A_1566 = arith.minsi %parallel_loop3A_1532, %parallel_loop3A_1564 : vector<16xi32>
      %parallel_loop3A_1567 = arith.maxsi %parallel_loop3A_1534, %parallel_loop3A_1566 : vector<16xi32>
      %parallel_loop3A_1568 = arith.minsi %parallel_loop3A_1534, %parallel_loop3A_1566 : vector<16xi32>
      %parallel_loop3A_1569 = arith.maxsi %parallel_loop3A_1536, %parallel_loop3A_1568 : vector<16xi32>
      %parallel_loop3A_1570 = arith.minsi %parallel_loop3A_1536, %parallel_loop3A_1568 : vector<16xi32>
      %parallel_loop3A_1571 = arith.maxsi %parallel_loop3A_1538, %parallel_loop3A_1570 : vector<16xi32>
      %parallel_loop3A_1572 = arith.minsi %parallel_loop3A_1538, %parallel_loop3A_1570 : vector<16xi32>
      %parallel_loop3A_1573 = arith.maxsi %parallel_loop3A_1540, %parallel_loop3A_1572 : vector<16xi32>
      %parallel_loop3A_1574 = arith.minsi %parallel_loop3A_1540, %parallel_loop3A_1572 : vector<16xi32>
      %parallel_loop3A_1575 = arith.maxsi %parallel_loop3A_1542, %parallel_loop3A_1574 : vector<16xi32>
      %parallel_loop3A_1576 = arith.minsi %parallel_loop3A_1542, %parallel_loop3A_1574 : vector<16xi32>
      %parallel_loop3A_1577 = arith.constant 47 : i32
      %parallel_loop3A_1578 = vector.broadcast %parallel_loop3A_1577 : i32 to vector<16xi32>
      %parallel_loop3A_1579 = tpu.vector_load_idx %arg6[%parallel_loop3A_1578, %parallel_loop3A_25] : memref<64x1024xf32, #tpu.memory_space<vmem>>[vector<16xi32>, vector<16xi32>], vector<16xf32>,
      %parallel_loop3A_1580 = vector.bitcast %parallel_loop3A_1579 : vector<16xf32> to vector<16xi32>
      %parallel_loop3A_1581 = arith.constant 31 : i32
      %parallel_loop3A_1582 = vector.broadcast %parallel_loop3A_1581 : i32 to vector<16xi32>
      %parallel_loop3A_1583 = arith.shrsi %parallel_loop3A_1580, %parallel_loop3A_1582 : vector<16xi32>
      %parallel_loop3A_1584 = vector.broadcast %parallel_loop3A_11 : i32 to vector<16xi32>
      %parallel_loop3A_1585 = arith.andi %parallel_loop3A_1583, %parallel_loop3A_1584 : vector<16xi32>
      %parallel_loop3A_1586 = arith.xori %parallel_loop3A_1580, %parallel_loop3A_1585 : vector<16xi32>
      %parallel_loop3A_1587 = vector.broadcast %parallel_loop3A_12 : i32 to vector<16xi32>
      %parallel_loop3A_1588 = arith.andi %parallel_loop3A_1586, %parallel_loop3A_1587 : vector<16xi32>
      %parallel_loop3A_1589 = arith.constant 16 : i32
      %parallel_loop3A_1590 = vector.broadcast %parallel_loop3A_1589 : i32 to vector<16xi32>
      %parallel_loop3A_1591 = arith.ori %parallel_loop3A_1588, %parallel_loop3A_1590 : vector<16xi32>
      %parallel_loop3A_1592 = arith.maxsi %parallel_loop3A_1559, %parallel_loop3A_1591 : vector<16xi32>
      %parallel_loop3A_1593 = arith.minsi %parallel_loop3A_1559, %parallel_loop3A_1591 : vector<16xi32>
      %parallel_loop3A_1594 = arith.maxsi %parallel_loop3A_1561, %parallel_loop3A_1593 : vector<16xi32>
      %parallel_loop3A_1595 = arith.minsi %parallel_loop3A_1561, %parallel_loop3A_1593 : vector<16xi32>
      %parallel_loop3A_1596 = arith.maxsi %parallel_loop3A_1563, %parallel_loop3A_1595 : vector<16xi32>
      %parallel_loop3A_1597 = arith.minsi %parallel_loop3A_1563, %parallel_loop3A_1595 : vector<16xi32>
      %parallel_loop3A_1598 = arith.maxsi %parallel_loop3A_1565, %parallel_loop3A_1597 : vector<16xi32>
      %parallel_loop3A_1599 = arith.minsi %parallel_loop3A_1565, %parallel_loop3A_1597 : vector<16xi32>
      %parallel_loop3A_1600 = arith.maxsi %parallel_loop3A_1567, %parallel_loop3A_1599 : vector<16xi32>
      %parallel_loop3A_1601 = arith.minsi %parallel_loop3A_1567, %parallel_loop3A_1599 : vector<16xi32>
      %parallel_loop3A_1602 = arith.maxsi %parallel_loop3A_1569, %parallel_loop3A_1601 : vector<16xi32>
      %parallel_loop3A_1603 = arith.minsi %parallel_loop3A_1569, %parallel_loop3A_1601 : vector<16xi32>
      %parallel_loop3A_1604 = arith.maxsi %parallel_loop3A_1571, %parallel_loop3A_1603 : vector<16xi32>
      %parallel_loop3A_1605 = arith.minsi %parallel_loop3A_1571, %parallel_loop3A_1603 : vector<16xi32>
      %parallel_loop3A_1606 = arith.maxsi %parallel_loop3A_1573, %parallel_loop3A_1605 : vector<16xi32>
      %parallel_loop3A_1607 = arith.minsi %parallel_loop3A_1573, %parallel_loop3A_1605 : vector<16xi32>
      %parallel_loop3A_1608 = arith.maxsi %parallel_loop3A_1575, %parallel_loop3A_1607 : vector<16xi32>
      %parallel_loop3A_1609 = arith.minsi %parallel_loop3A_1575, %parallel_loop3A_1607 : vector<16xi32>
      %parallel_loop3A_1610 = arith.constant 48 : i32
      %parallel_loop3A_1611 = vector.broadcast %parallel_loop3A_1610 : i32 to vector<16xi32>
      %parallel_loop3A_1612 = tpu.vector_load_idx %arg6[%parallel_loop3A_1611, %parallel_loop3A_25] : memref<64x1024xf32, #tpu.memory_space<vmem>>[vector<16xi32>, vector<16xi32>], vector<16xf32>,
      %parallel_loop3A_1613 = vector.bitcast %parallel_loop3A_1612 : vector<16xf32> to vector<16xi32>
      %parallel_loop3A_1614 = arith.constant 31 : i32
      %parallel_loop3A_1615 = vector.broadcast %parallel_loop3A_1614 : i32 to vector<16xi32>
      %parallel_loop3A_1616 = arith.shrsi %parallel_loop3A_1613, %parallel_loop3A_1615 : vector<16xi32>
      %parallel_loop3A_1617 = vector.broadcast %parallel_loop3A_11 : i32 to vector<16xi32>
      %parallel_loop3A_1618 = arith.andi %parallel_loop3A_1616, %parallel_loop3A_1617 : vector<16xi32>
      %parallel_loop3A_1619 = arith.xori %parallel_loop3A_1613, %parallel_loop3A_1618 : vector<16xi32>
      %parallel_loop3A_1620 = vector.broadcast %parallel_loop3A_12 : i32 to vector<16xi32>
      %parallel_loop3A_1621 = arith.andi %parallel_loop3A_1619, %parallel_loop3A_1620 : vector<16xi32>
      %parallel_loop3A_1622 = arith.constant 15 : i32
      %parallel_loop3A_1623 = vector.broadcast %parallel_loop3A_1622 : i32 to vector<16xi32>
      %parallel_loop3A_1624 = arith.ori %parallel_loop3A_1621, %parallel_loop3A_1623 : vector<16xi32>
      %parallel_loop3A_1625 = arith.maxsi %parallel_loop3A_1592, %parallel_loop3A_1624 : vector<16xi32>
      %parallel_loop3A_1626 = arith.minsi %parallel_loop3A_1592, %parallel_loop3A_1624 : vector<16xi32>
      %parallel_loop3A_1627 = arith.maxsi %parallel_loop3A_1594, %parallel_loop3A_1626 : vector<16xi32>
      %parallel_loop3A_1628 = arith.minsi %parallel_loop3A_1594, %parallel_loop3A_1626 : vector<16xi32>
      %parallel_loop3A_1629 = arith.maxsi %parallel_loop3A_1596, %parallel_loop3A_1628 : vector<16xi32>
      %parallel_loop3A_1630 = arith.minsi %parallel_loop3A_1596, %parallel_loop3A_1628 : vector<16xi32>
      %parallel_loop3A_1631 = arith.maxsi %parallel_loop3A_1598, %parallel_loop3A_1630 : vector<16xi32>
      %parallel_loop3A_1632 = arith.minsi %parallel_loop3A_1598, %parallel_loop3A_1630 : vector<16xi32>
      %parallel_loop3A_1633 = arith.maxsi %parallel_loop3A_1600, %parallel_loop3A_1632 : vector<16xi32>
      %parallel_loop3A_1634 = arith.minsi %parallel_loop3A_1600, %parallel_loop3A_1632 : vector<16xi32>
      %parallel_loop3A_1635 = arith.maxsi %parallel_loop3A_1602, %parallel_loop3A_1634 : vector<16xi32>
      %parallel_loop3A_1636 = arith.minsi %parallel_loop3A_1602, %parallel_loop3A_1634 : vector<16xi32>
      %parallel_loop3A_1637 = arith.maxsi %parallel_loop3A_1604, %parallel_loop3A_1636 : vector<16xi32>
      %parallel_loop3A_1638 = arith.minsi %parallel_loop3A_1604, %parallel_loop3A_1636 : vector<16xi32>
      %parallel_loop3A_1639 = arith.maxsi %parallel_loop3A_1606, %parallel_loop3A_1638 : vector<16xi32>
      %parallel_loop3A_1640 = arith.minsi %parallel_loop3A_1606, %parallel_loop3A_1638 : vector<16xi32>
      %parallel_loop3A_1641 = arith.maxsi %parallel_loop3A_1608, %parallel_loop3A_1640 : vector<16xi32>
      %parallel_loop3A_1642 = arith.minsi %parallel_loop3A_1608, %parallel_loop3A_1640 : vector<16xi32>
      %parallel_loop3A_1643 = arith.constant 49 : i32
      %parallel_loop3A_1644 = vector.broadcast %parallel_loop3A_1643 : i32 to vector<16xi32>
      %parallel_loop3A_1645 = tpu.vector_load_idx %arg6[%parallel_loop3A_1644, %parallel_loop3A_25] : memref<64x1024xf32, #tpu.memory_space<vmem>>[vector<16xi32>, vector<16xi32>], vector<16xf32>,
      %parallel_loop3A_1646 = vector.bitcast %parallel_loop3A_1645 : vector<16xf32> to vector<16xi32>
      %parallel_loop3A_1647 = arith.constant 31 : i32
      %parallel_loop3A_1648 = vector.broadcast %parallel_loop3A_1647 : i32 to vector<16xi32>
      %parallel_loop3A_1649 = arith.shrsi %parallel_loop3A_1646, %parallel_loop3A_1648 : vector<16xi32>
      %parallel_loop3A_1650 = vector.broadcast %parallel_loop3A_11 : i32 to vector<16xi32>
      %parallel_loop3A_1651 = arith.andi %parallel_loop3A_1649, %parallel_loop3A_1650 : vector<16xi32>
      %parallel_loop3A_1652 = arith.xori %parallel_loop3A_1646, %parallel_loop3A_1651 : vector<16xi32>
      %parallel_loop3A_1653 = vector.broadcast %parallel_loop3A_12 : i32 to vector<16xi32>
      %parallel_loop3A_1654 = arith.andi %parallel_loop3A_1652, %parallel_loop3A_1653 : vector<16xi32>
      %parallel_loop3A_1655 = arith.constant 14 : i32
      %parallel_loop3A_1656 = vector.broadcast %parallel_loop3A_1655 : i32 to vector<16xi32>
      %parallel_loop3A_1657 = arith.ori %parallel_loop3A_1654, %parallel_loop3A_1656 : vector<16xi32>
      %parallel_loop3A_1658 = arith.maxsi %parallel_loop3A_1625, %parallel_loop3A_1657 : vector<16xi32>
      %parallel_loop3A_1659 = arith.minsi %parallel_loop3A_1625, %parallel_loop3A_1657 : vector<16xi32>
      %parallel_loop3A_1660 = arith.maxsi %parallel_loop3A_1627, %parallel_loop3A_1659 : vector<16xi32>
      %parallel_loop3A_1661 = arith.minsi %parallel_loop3A_1627, %parallel_loop3A_1659 : vector<16xi32>
      %parallel_loop3A_1662 = arith.maxsi %parallel_loop3A_1629, %parallel_loop3A_1661 : vector<16xi32>
      %parallel_loop3A_1663 = arith.minsi %parallel_loop3A_1629, %parallel_loop3A_1661 : vector<16xi32>
      %parallel_loop3A_1664 = arith.maxsi %parallel_loop3A_1631, %parallel_loop3A_1663 : vector<16xi32>
      %parallel_loop3A_1665 = arith.minsi %parallel_loop3A_1631, %parallel_loop3A_1663 : vector<16xi32>
      %parallel_loop3A_1666 = arith.maxsi %parallel_loop3A_1633, %parallel_loop3A_1665 : vector<16xi32>
      %parallel_loop3A_1667 = arith.minsi %parallel_loop3A_1633, %parallel_loop3A_1665 : vector<16xi32>
      %parallel_loop3A_1668 = arith.maxsi %parallel_loop3A_1635, %parallel_loop3A_1667 : vector<16xi32>
      %parallel_loop3A_1669 = arith.minsi %parallel_loop3A_1635, %parallel_loop3A_1667 : vector<16xi32>
      %parallel_loop3A_1670 = arith.maxsi %parallel_loop3A_1637, %parallel_loop3A_1669 : vector<16xi32>
      %parallel_loop3A_1671 = arith.minsi %parallel_loop3A_1637, %parallel_loop3A_1669 : vector<16xi32>
      %parallel_loop3A_1672 = arith.maxsi %parallel_loop3A_1639, %parallel_loop3A_1671 : vector<16xi32>
      %parallel_loop3A_1673 = arith.minsi %parallel_loop3A_1639, %parallel_loop3A_1671 : vector<16xi32>
      %parallel_loop3A_1674 = arith.maxsi %parallel_loop3A_1641, %parallel_loop3A_1673 : vector<16xi32>
      %parallel_loop3A_1675 = arith.minsi %parallel_loop3A_1641, %parallel_loop3A_1673 : vector<16xi32>
      %parallel_loop3A_1676 = arith.constant 50 : i32
      %parallel_loop3A_1677 = vector.broadcast %parallel_loop3A_1676 : i32 to vector<16xi32>
      %parallel_loop3A_1678 = tpu.vector_load_idx %arg6[%parallel_loop3A_1677, %parallel_loop3A_25] : memref<64x1024xf32, #tpu.memory_space<vmem>>[vector<16xi32>, vector<16xi32>], vector<16xf32>,
      %parallel_loop3A_1679 = vector.bitcast %parallel_loop3A_1678 : vector<16xf32> to vector<16xi32>
      %parallel_loop3A_1680 = arith.constant 31 : i32
      %parallel_loop3A_1681 = vector.broadcast %parallel_loop3A_1680 : i32 to vector<16xi32>
      %parallel_loop3A_1682 = arith.shrsi %parallel_loop3A_1679, %parallel_loop3A_1681 : vector<16xi32>
      %parallel_loop3A_1683 = vector.broadcast %parallel_loop3A_11 : i32 to vector<16xi32>
      %parallel_loop3A_1684 = arith.andi %parallel_loop3A_1682, %parallel_loop3A_1683 : vector<16xi32>
      %parallel_loop3A_1685 = arith.xori %parallel_loop3A_1679, %parallel_loop3A_1684 : vector<16xi32>
      %parallel_loop3A_1686 = vector.broadcast %parallel_loop3A_12 : i32 to vector<16xi32>
      %parallel_loop3A_1687 = arith.andi %parallel_loop3A_1685, %parallel_loop3A_1686 : vector<16xi32>
      %parallel_loop3A_1688 = arith.constant 13 : i32
      %parallel_loop3A_1689 = vector.broadcast %parallel_loop3A_1688 : i32 to vector<16xi32>
      %parallel_loop3A_1690 = arith.ori %parallel_loop3A_1687, %parallel_loop3A_1689 : vector<16xi32>
      %parallel_loop3A_1691 = arith.maxsi %parallel_loop3A_1658, %parallel_loop3A_1690 : vector<16xi32>
      %parallel_loop3A_1692 = arith.minsi %parallel_loop3A_1658, %parallel_loop3A_1690 : vector<16xi32>
      %parallel_loop3A_1693 = arith.maxsi %parallel_loop3A_1660, %parallel_loop3A_1692 : vector<16xi32>
      %parallel_loop3A_1694 = arith.minsi %parallel_loop3A_1660, %parallel_loop3A_1692 : vector<16xi32>
      %parallel_loop3A_1695 = arith.maxsi %parallel_loop3A_1662, %parallel_loop3A_1694 : vector<16xi32>
      %parallel_loop3A_1696 = arith.minsi %parallel_loop3A_1662, %parallel_loop3A_1694 : vector<16xi32>
      %parallel_loop3A_1697 = arith.maxsi %parallel_loop3A_1664, %parallel_loop3A_1696 : vector<16xi32>
      %parallel_loop3A_1698 = arith.minsi %parallel_loop3A_1664, %parallel_loop3A_1696 : vector<16xi32>
      %parallel_loop3A_1699 = arith.maxsi %parallel_loop3A_1666, %parallel_loop3A_1698 : vector<16xi32>
      %parallel_loop3A_1700 = arith.minsi %parallel_loop3A_1666, %parallel_loop3A_1698 : vector<16xi32>
      %parallel_loop3A_1701 = arith.maxsi %parallel_loop3A_1668, %parallel_loop3A_1700 : vector<16xi32>
      %parallel_loop3A_1702 = arith.minsi %parallel_loop3A_1668, %parallel_loop3A_1700 : vector<16xi32>
      %parallel_loop3A_1703 = arith.maxsi %parallel_loop3A_1670, %parallel_loop3A_1702 : vector<16xi32>
      %parallel_loop3A_1704 = arith.minsi %parallel_loop3A_1670, %parallel_loop3A_1702 : vector<16xi32>
      %parallel_loop3A_1705 = arith.maxsi %parallel_loop3A_1672, %parallel_loop3A_1704 : vector<16xi32>
      %parallel_loop3A_1706 = arith.minsi %parallel_loop3A_1672, %parallel_loop3A_1704 : vector<16xi32>
      %parallel_loop3A_1707 = arith.maxsi %parallel_loop3A_1674, %parallel_loop3A_1706 : vector<16xi32>
      %parallel_loop3A_1708 = arith.minsi %parallel_loop3A_1674, %parallel_loop3A_1706 : vector<16xi32>
      %parallel_loop3A_1709 = arith.constant 51 : i32
      %parallel_loop3A_1710 = vector.broadcast %parallel_loop3A_1709 : i32 to vector<16xi32>
      %parallel_loop3A_1711 = tpu.vector_load_idx %arg6[%parallel_loop3A_1710, %parallel_loop3A_25] : memref<64x1024xf32, #tpu.memory_space<vmem>>[vector<16xi32>, vector<16xi32>], vector<16xf32>,
      %parallel_loop3A_1712 = vector.bitcast %parallel_loop3A_1711 : vector<16xf32> to vector<16xi32>
      %parallel_loop3A_1713 = arith.constant 31 : i32
      %parallel_loop3A_1714 = vector.broadcast %parallel_loop3A_1713 : i32 to vector<16xi32>
      %parallel_loop3A_1715 = arith.shrsi %parallel_loop3A_1712, %parallel_loop3A_1714 : vector<16xi32>
      %parallel_loop3A_1716 = vector.broadcast %parallel_loop3A_11 : i32 to vector<16xi32>
      %parallel_loop3A_1717 = arith.andi %parallel_loop3A_1715, %parallel_loop3A_1716 : vector<16xi32>
      %parallel_loop3A_1718 = arith.xori %parallel_loop3A_1712, %parallel_loop3A_1717 : vector<16xi32>
      %parallel_loop3A_1719 = vector.broadcast %parallel_loop3A_12 : i32 to vector<16xi32>
      %parallel_loop3A_1720 = arith.andi %parallel_loop3A_1718, %parallel_loop3A_1719 : vector<16xi32>
      %parallel_loop3A_1721 = arith.constant 12 : i32
      %parallel_loop3A_1722 = vector.broadcast %parallel_loop3A_1721 : i32 to vector<16xi32>
      %parallel_loop3A_1723 = arith.ori %parallel_loop3A_1720, %parallel_loop3A_1722 : vector<16xi32>
      %parallel_loop3A_1724 = arith.maxsi %parallel_loop3A_1691, %parallel_loop3A_1723 : vector<16xi32>
      %parallel_loop3A_1725 = arith.minsi %parallel_loop3A_1691, %parallel_loop3A_1723 : vector<16xi32>
      %parallel_loop3A_1726 = arith.maxsi %parallel_loop3A_1693, %parallel_loop3A_1725 : vector<16xi32>
      %parallel_loop3A_1727 = arith.minsi %parallel_loop3A_1693, %parallel_loop3A_1725 : vector<16xi32>
      %parallel_loop3A_1728 = arith.maxsi %parallel_loop3A_1695, %parallel_loop3A_1727 : vector<16xi32>
      %parallel_loop3A_1729 = arith.minsi %parallel_loop3A_1695, %parallel_loop3A_1727 : vector<16xi32>
      %parallel_loop3A_1730 = arith.maxsi %parallel_loop3A_1697, %parallel_loop3A_1729 : vector<16xi32>
      %parallel_loop3A_1731 = arith.minsi %parallel_loop3A_1697, %parallel_loop3A_1729 : vector<16xi32>
      %parallel_loop3A_1732 = arith.maxsi %parallel_loop3A_1699, %parallel_loop3A_1731 : vector<16xi32>
      %parallel_loop3A_1733 = arith.minsi %parallel_loop3A_1699, %parallel_loop3A_1731 : vector<16xi32>
      %parallel_loop3A_1734 = arith.maxsi %parallel_loop3A_1701, %parallel_loop3A_1733 : vector<16xi32>
      %parallel_loop3A_1735 = arith.minsi %parallel_loop3A_1701, %parallel_loop3A_1733 : vector<16xi32>
      %parallel_loop3A_1736 = arith.maxsi %parallel_loop3A_1703, %parallel_loop3A_1735 : vector<16xi32>
      %parallel_loop3A_1737 = arith.minsi %parallel_loop3A_1703, %parallel_loop3A_1735 : vector<16xi32>
      %parallel_loop3A_1738 = arith.maxsi %parallel_loop3A_1705, %parallel_loop3A_1737 : vector<16xi32>
      %parallel_loop3A_1739 = arith.minsi %parallel_loop3A_1705, %parallel_loop3A_1737 : vector<16xi32>
      %parallel_loop3A_1740 = arith.maxsi %parallel_loop3A_1707, %parallel_loop3A_1739 : vector<16xi32>
      %parallel_loop3A_1741 = arith.minsi %parallel_loop3A_1707, %parallel_loop3A_1739 : vector<16xi32>
      %parallel_loop3A_1742 = arith.constant 52 : i32
      %parallel_loop3A_1743 = vector.broadcast %parallel_loop3A_1742 : i32 to vector<16xi32>
      %parallel_loop3A_1744 = tpu.vector_load_idx %arg6[%parallel_loop3A_1743, %parallel_loop3A_25] : memref<64x1024xf32, #tpu.memory_space<vmem>>[vector<16xi32>, vector<16xi32>], vector<16xf32>,
      %parallel_loop3A_1745 = vector.bitcast %parallel_loop3A_1744 : vector<16xf32> to vector<16xi32>
      %parallel_loop3A_1746 = arith.constant 31 : i32
      %parallel_loop3A_1747 = vector.broadcast %parallel_loop3A_1746 : i32 to vector<16xi32>
      %parallel_loop3A_1748 = arith.shrsi %parallel_loop3A_1745, %parallel_loop3A_1747 : vector<16xi32>
      %parallel_loop3A_1749 = vector.broadcast %parallel_loop3A_11 : i32 to vector<16xi32>
      %parallel_loop3A_1750 = arith.andi %parallel_loop3A_1748, %parallel_loop3A_1749 : vector<16xi32>
      %parallel_loop3A_1751 = arith.xori %parallel_loop3A_1745, %parallel_loop3A_1750 : vector<16xi32>
      %parallel_loop3A_1752 = vector.broadcast %parallel_loop3A_12 : i32 to vector<16xi32>
      %parallel_loop3A_1753 = arith.andi %parallel_loop3A_1751, %parallel_loop3A_1752 : vector<16xi32>
      %parallel_loop3A_1754 = arith.constant 11 : i32
      %parallel_loop3A_1755 = vector.broadcast %parallel_loop3A_1754 : i32 to vector<16xi32>
      %parallel_loop3A_1756 = arith.ori %parallel_loop3A_1753, %parallel_loop3A_1755 : vector<16xi32>
      %parallel_loop3A_1757 = arith.maxsi %parallel_loop3A_1724, %parallel_loop3A_1756 : vector<16xi32>
      %parallel_loop3A_1758 = arith.minsi %parallel_loop3A_1724, %parallel_loop3A_1756 : vector<16xi32>
      %parallel_loop3A_1759 = arith.maxsi %parallel_loop3A_1726, %parallel_loop3A_1758 : vector<16xi32>
      %parallel_loop3A_1760 = arith.minsi %parallel_loop3A_1726, %parallel_loop3A_1758 : vector<16xi32>
      %parallel_loop3A_1761 = arith.maxsi %parallel_loop3A_1728, %parallel_loop3A_1760 : vector<16xi32>
      %parallel_loop3A_1762 = arith.minsi %parallel_loop3A_1728, %parallel_loop3A_1760 : vector<16xi32>
      %parallel_loop3A_1763 = arith.maxsi %parallel_loop3A_1730, %parallel_loop3A_1762 : vector<16xi32>
      %parallel_loop3A_1764 = arith.minsi %parallel_loop3A_1730, %parallel_loop3A_1762 : vector<16xi32>
      %parallel_loop3A_1765 = arith.maxsi %parallel_loop3A_1732, %parallel_loop3A_1764 : vector<16xi32>
      %parallel_loop3A_1766 = arith.minsi %parallel_loop3A_1732, %parallel_loop3A_1764 : vector<16xi32>
      %parallel_loop3A_1767 = arith.maxsi %parallel_loop3A_1734, %parallel_loop3A_1766 : vector<16xi32>
      %parallel_loop3A_1768 = arith.minsi %parallel_loop3A_1734, %parallel_loop3A_1766 : vector<16xi32>
      %parallel_loop3A_1769 = arith.maxsi %parallel_loop3A_1736, %parallel_loop3A_1768 : vector<16xi32>
      %parallel_loop3A_1770 = arith.minsi %parallel_loop3A_1736, %parallel_loop3A_1768 : vector<16xi32>
      %parallel_loop3A_1771 = arith.maxsi %parallel_loop3A_1738, %parallel_loop3A_1770 : vector<16xi32>
      %parallel_loop3A_1772 = arith.minsi %parallel_loop3A_1738, %parallel_loop3A_1770 : vector<16xi32>
      %parallel_loop3A_1773 = arith.maxsi %parallel_loop3A_1740, %parallel_loop3A_1772 : vector<16xi32>
      %parallel_loop3A_1774 = arith.minsi %parallel_loop3A_1740, %parallel_loop3A_1772 : vector<16xi32>
      %parallel_loop3A_1775 = arith.constant 53 : i32
      %parallel_loop3A_1776 = vector.broadcast %parallel_loop3A_1775 : i32 to vector<16xi32>
      %parallel_loop3A_1777 = tpu.vector_load_idx %arg6[%parallel_loop3A_1776, %parallel_loop3A_25] : memref<64x1024xf32, #tpu.memory_space<vmem>>[vector<16xi32>, vector<16xi32>], vector<16xf32>,
      %parallel_loop3A_1778 = vector.bitcast %parallel_loop3A_1777 : vector<16xf32> to vector<16xi32>
      %parallel_loop3A_1779 = arith.constant 31 : i32
      %parallel_loop3A_1780 = vector.broadcast %parallel_loop3A_1779 : i32 to vector<16xi32>
      %parallel_loop3A_1781 = arith.shrsi %parallel_loop3A_1778, %parallel_loop3A_1780 : vector<16xi32>
      %parallel_loop3A_1782 = vector.broadcast %parallel_loop3A_11 : i32 to vector<16xi32>
      %parallel_loop3A_1783 = arith.andi %parallel_loop3A_1781, %parallel_loop3A_1782 : vector<16xi32>
      %parallel_loop3A_1784 = arith.xori %parallel_loop3A_1778, %parallel_loop3A_1783 : vector<16xi32>
      %parallel_loop3A_1785 = vector.broadcast %parallel_loop3A_12 : i32 to vector<16xi32>
      %parallel_loop3A_1786 = arith.andi %parallel_loop3A_1784, %parallel_loop3A_1785 : vector<16xi32>
      %parallel_loop3A_1787 = arith.constant 10 : i32
      %parallel_loop3A_1788 = vector.broadcast %parallel_loop3A_1787 : i32 to vector<16xi32>
      %parallel_loop3A_1789 = arith.ori %parallel_loop3A_1786, %parallel_loop3A_1788 : vector<16xi32>
      %parallel_loop3A_1790 = arith.maxsi %parallel_loop3A_1757, %parallel_loop3A_1789 : vector<16xi32>
      %parallel_loop3A_1791 = arith.minsi %parallel_loop3A_1757, %parallel_loop3A_1789 : vector<16xi32>
      %parallel_loop3A_1792 = arith.maxsi %parallel_loop3A_1759, %parallel_loop3A_1791 : vector<16xi32>
      %parallel_loop3A_1793 = arith.minsi %parallel_loop3A_1759, %parallel_loop3A_1791 : vector<16xi32>
      %parallel_loop3A_1794 = arith.maxsi %parallel_loop3A_1761, %parallel_loop3A_1793 : vector<16xi32>
      %parallel_loop3A_1795 = arith.minsi %parallel_loop3A_1761, %parallel_loop3A_1793 : vector<16xi32>
      %parallel_loop3A_1796 = arith.maxsi %parallel_loop3A_1763, %parallel_loop3A_1795 : vector<16xi32>
      %parallel_loop3A_1797 = arith.minsi %parallel_loop3A_1763, %parallel_loop3A_1795 : vector<16xi32>
      %parallel_loop3A_1798 = arith.maxsi %parallel_loop3A_1765, %parallel_loop3A_1797 : vector<16xi32>
      %parallel_loop3A_1799 = arith.minsi %parallel_loop3A_1765, %parallel_loop3A_1797 : vector<16xi32>
      %parallel_loop3A_1800 = arith.maxsi %parallel_loop3A_1767, %parallel_loop3A_1799 : vector<16xi32>
      %parallel_loop3A_1801 = arith.minsi %parallel_loop3A_1767, %parallel_loop3A_1799 : vector<16xi32>
      %parallel_loop3A_1802 = arith.maxsi %parallel_loop3A_1769, %parallel_loop3A_1801 : vector<16xi32>
      %parallel_loop3A_1803 = arith.minsi %parallel_loop3A_1769, %parallel_loop3A_1801 : vector<16xi32>
      %parallel_loop3A_1804 = arith.maxsi %parallel_loop3A_1771, %parallel_loop3A_1803 : vector<16xi32>
      %parallel_loop3A_1805 = arith.minsi %parallel_loop3A_1771, %parallel_loop3A_1803 : vector<16xi32>
      %parallel_loop3A_1806 = arith.maxsi %parallel_loop3A_1773, %parallel_loop3A_1805 : vector<16xi32>
      %parallel_loop3A_1807 = arith.minsi %parallel_loop3A_1773, %parallel_loop3A_1805 : vector<16xi32>
      %parallel_loop3A_1808 = arith.constant 54 : i32
      %parallel_loop3A_1809 = vector.broadcast %parallel_loop3A_1808 : i32 to vector<16xi32>
      %parallel_loop3A_1810 = tpu.vector_load_idx %arg6[%parallel_loop3A_1809, %parallel_loop3A_25] : memref<64x1024xf32, #tpu.memory_space<vmem>>[vector<16xi32>, vector<16xi32>], vector<16xf32>,
      %parallel_loop3A_1811 = vector.bitcast %parallel_loop3A_1810 : vector<16xf32> to vector<16xi32>
      %parallel_loop3A_1812 = arith.constant 31 : i32
      %parallel_loop3A_1813 = vector.broadcast %parallel_loop3A_1812 : i32 to vector<16xi32>
      %parallel_loop3A_1814 = arith.shrsi %parallel_loop3A_1811, %parallel_loop3A_1813 : vector<16xi32>
      %parallel_loop3A_1815 = vector.broadcast %parallel_loop3A_11 : i32 to vector<16xi32>
      %parallel_loop3A_1816 = arith.andi %parallel_loop3A_1814, %parallel_loop3A_1815 : vector<16xi32>
      %parallel_loop3A_1817 = arith.xori %parallel_loop3A_1811, %parallel_loop3A_1816 : vector<16xi32>
      %parallel_loop3A_1818 = vector.broadcast %parallel_loop3A_12 : i32 to vector<16xi32>
      %parallel_loop3A_1819 = arith.andi %parallel_loop3A_1817, %parallel_loop3A_1818 : vector<16xi32>
      %parallel_loop3A_1820 = arith.constant 9 : i32
      %parallel_loop3A_1821 = vector.broadcast %parallel_loop3A_1820 : i32 to vector<16xi32>
      %parallel_loop3A_1822 = arith.ori %parallel_loop3A_1819, %parallel_loop3A_1821 : vector<16xi32>
      %parallel_loop3A_1823 = arith.maxsi %parallel_loop3A_1790, %parallel_loop3A_1822 : vector<16xi32>
      %parallel_loop3A_1824 = arith.minsi %parallel_loop3A_1790, %parallel_loop3A_1822 : vector<16xi32>
      %parallel_loop3A_1825 = arith.maxsi %parallel_loop3A_1792, %parallel_loop3A_1824 : vector<16xi32>
      %parallel_loop3A_1826 = arith.minsi %parallel_loop3A_1792, %parallel_loop3A_1824 : vector<16xi32>
      %parallel_loop3A_1827 = arith.maxsi %parallel_loop3A_1794, %parallel_loop3A_1826 : vector<16xi32>
      %parallel_loop3A_1828 = arith.minsi %parallel_loop3A_1794, %parallel_loop3A_1826 : vector<16xi32>
      %parallel_loop3A_1829 = arith.maxsi %parallel_loop3A_1796, %parallel_loop3A_1828 : vector<16xi32>
      %parallel_loop3A_1830 = arith.minsi %parallel_loop3A_1796, %parallel_loop3A_1828 : vector<16xi32>
      %parallel_loop3A_1831 = arith.maxsi %parallel_loop3A_1798, %parallel_loop3A_1830 : vector<16xi32>
      %parallel_loop3A_1832 = arith.minsi %parallel_loop3A_1798, %parallel_loop3A_1830 : vector<16xi32>
      %parallel_loop3A_1833 = arith.maxsi %parallel_loop3A_1800, %parallel_loop3A_1832 : vector<16xi32>
      %parallel_loop3A_1834 = arith.minsi %parallel_loop3A_1800, %parallel_loop3A_1832 : vector<16xi32>
      %parallel_loop3A_1835 = arith.maxsi %parallel_loop3A_1802, %parallel_loop3A_1834 : vector<16xi32>
      %parallel_loop3A_1836 = arith.minsi %parallel_loop3A_1802, %parallel_loop3A_1834 : vector<16xi32>
      %parallel_loop3A_1837 = arith.maxsi %parallel_loop3A_1804, %parallel_loop3A_1836 : vector<16xi32>
      %parallel_loop3A_1838 = arith.minsi %parallel_loop3A_1804, %parallel_loop3A_1836 : vector<16xi32>
      %parallel_loop3A_1839 = arith.maxsi %parallel_loop3A_1806, %parallel_loop3A_1838 : vector<16xi32>
      %parallel_loop3A_1840 = arith.minsi %parallel_loop3A_1806, %parallel_loop3A_1838 : vector<16xi32>
      %parallel_loop3A_1841 = arith.constant 55 : i32
      %parallel_loop3A_1842 = vector.broadcast %parallel_loop3A_1841 : i32 to vector<16xi32>
      %parallel_loop3A_1843 = tpu.vector_load_idx %arg6[%parallel_loop3A_1842, %parallel_loop3A_25] : memref<64x1024xf32, #tpu.memory_space<vmem>>[vector<16xi32>, vector<16xi32>], vector<16xf32>,
      %parallel_loop3A_1844 = vector.bitcast %parallel_loop3A_1843 : vector<16xf32> to vector<16xi32>
      %parallel_loop3A_1845 = arith.constant 31 : i32
      %parallel_loop3A_1846 = vector.broadcast %parallel_loop3A_1845 : i32 to vector<16xi32>
      %parallel_loop3A_1847 = arith.shrsi %parallel_loop3A_1844, %parallel_loop3A_1846 : vector<16xi32>
      %parallel_loop3A_1848 = vector.broadcast %parallel_loop3A_11 : i32 to vector<16xi32>
      %parallel_loop3A_1849 = arith.andi %parallel_loop3A_1847, %parallel_loop3A_1848 : vector<16xi32>
      %parallel_loop3A_1850 = arith.xori %parallel_loop3A_1844, %parallel_loop3A_1849 : vector<16xi32>
      %parallel_loop3A_1851 = vector.broadcast %parallel_loop3A_12 : i32 to vector<16xi32>
      %parallel_loop3A_1852 = arith.andi %parallel_loop3A_1850, %parallel_loop3A_1851 : vector<16xi32>
      %parallel_loop3A_1853 = arith.constant 8 : i32
      %parallel_loop3A_1854 = vector.broadcast %parallel_loop3A_1853 : i32 to vector<16xi32>
      %parallel_loop3A_1855 = arith.ori %parallel_loop3A_1852, %parallel_loop3A_1854 : vector<16xi32>
      %parallel_loop3A_1856 = arith.maxsi %parallel_loop3A_1823, %parallel_loop3A_1855 : vector<16xi32>
      %parallel_loop3A_1857 = arith.minsi %parallel_loop3A_1823, %parallel_loop3A_1855 : vector<16xi32>
      %parallel_loop3A_1858 = arith.maxsi %parallel_loop3A_1825, %parallel_loop3A_1857 : vector<16xi32>
      %parallel_loop3A_1859 = arith.minsi %parallel_loop3A_1825, %parallel_loop3A_1857 : vector<16xi32>
      %parallel_loop3A_1860 = arith.maxsi %parallel_loop3A_1827, %parallel_loop3A_1859 : vector<16xi32>
      %parallel_loop3A_1861 = arith.minsi %parallel_loop3A_1827, %parallel_loop3A_1859 : vector<16xi32>
      %parallel_loop3A_1862 = arith.maxsi %parallel_loop3A_1829, %parallel_loop3A_1861 : vector<16xi32>
      %parallel_loop3A_1863 = arith.minsi %parallel_loop3A_1829, %parallel_loop3A_1861 : vector<16xi32>
      %parallel_loop3A_1864 = arith.maxsi %parallel_loop3A_1831, %parallel_loop3A_1863 : vector<16xi32>
      %parallel_loop3A_1865 = arith.minsi %parallel_loop3A_1831, %parallel_loop3A_1863 : vector<16xi32>
      %parallel_loop3A_1866 = arith.maxsi %parallel_loop3A_1833, %parallel_loop3A_1865 : vector<16xi32>
      %parallel_loop3A_1867 = arith.minsi %parallel_loop3A_1833, %parallel_loop3A_1865 : vector<16xi32>
      %parallel_loop3A_1868 = arith.maxsi %parallel_loop3A_1835, %parallel_loop3A_1867 : vector<16xi32>
      %parallel_loop3A_1869 = arith.minsi %parallel_loop3A_1835, %parallel_loop3A_1867 : vector<16xi32>
      %parallel_loop3A_1870 = arith.maxsi %parallel_loop3A_1837, %parallel_loop3A_1869 : vector<16xi32>
      %parallel_loop3A_1871 = arith.minsi %parallel_loop3A_1837, %parallel_loop3A_1869 : vector<16xi32>
      %parallel_loop3A_1872 = arith.maxsi %parallel_loop3A_1839, %parallel_loop3A_1871 : vector<16xi32>
      %parallel_loop3A_1873 = arith.minsi %parallel_loop3A_1839, %parallel_loop3A_1871 : vector<16xi32>
      %parallel_loop3A_1874 = arith.constant 56 : i32
      %parallel_loop3A_1875 = vector.broadcast %parallel_loop3A_1874 : i32 to vector<16xi32>
      %parallel_loop3A_1876 = tpu.vector_load_idx %arg6[%parallel_loop3A_1875, %parallel_loop3A_25] : memref<64x1024xf32, #tpu.memory_space<vmem>>[vector<16xi32>, vector<16xi32>], vector<16xf32>,
      %parallel_loop3A_1877 = vector.bitcast %parallel_loop3A_1876 : vector<16xf32> to vector<16xi32>
      %parallel_loop3A_1878 = arith.constant 31 : i32
      %parallel_loop3A_1879 = vector.broadcast %parallel_loop3A_1878 : i32 to vector<16xi32>
      %parallel_loop3A_1880 = arith.shrsi %parallel_loop3A_1877, %parallel_loop3A_1879 : vector<16xi32>
      %parallel_loop3A_1881 = vector.broadcast %parallel_loop3A_11 : i32 to vector<16xi32>
      %parallel_loop3A_1882 = arith.andi %parallel_loop3A_1880, %parallel_loop3A_1881 : vector<16xi32>
      %parallel_loop3A_1883 = arith.xori %parallel_loop3A_1877, %parallel_loop3A_1882 : vector<16xi32>
      %parallel_loop3A_1884 = vector.broadcast %parallel_loop3A_12 : i32 to vector<16xi32>
      %parallel_loop3A_1885 = arith.andi %parallel_loop3A_1883, %parallel_loop3A_1884 : vector<16xi32>
      %parallel_loop3A_1886 = arith.constant 7 : i32
      %parallel_loop3A_1887 = vector.broadcast %parallel_loop3A_1886 : i32 to vector<16xi32>
      %parallel_loop3A_1888 = arith.ori %parallel_loop3A_1885, %parallel_loop3A_1887 : vector<16xi32>
      %parallel_loop3A_1889 = arith.maxsi %parallel_loop3A_1856, %parallel_loop3A_1888 : vector<16xi32>
      %parallel_loop3A_1890 = arith.minsi %parallel_loop3A_1856, %parallel_loop3A_1888 : vector<16xi32>
      %parallel_loop3A_1891 = arith.maxsi %parallel_loop3A_1858, %parallel_loop3A_1890 : vector<16xi32>
      %parallel_loop3A_1892 = arith.minsi %parallel_loop3A_1858, %parallel_loop3A_1890 : vector<16xi32>
      %parallel_loop3A_1893 = arith.maxsi %parallel_loop3A_1860, %parallel_loop3A_1892 : vector<16xi32>
      %parallel_loop3A_1894 = arith.minsi %parallel_loop3A_1860, %parallel_loop3A_1892 : vector<16xi32>
      %parallel_loop3A_1895 = arith.maxsi %parallel_loop3A_1862, %parallel_loop3A_1894 : vector<16xi32>
      %parallel_loop3A_1896 = arith.minsi %parallel_loop3A_1862, %parallel_loop3A_1894 : vector<16xi32>
      %parallel_loop3A_1897 = arith.maxsi %parallel_loop3A_1864, %parallel_loop3A_1896 : vector<16xi32>
      %parallel_loop3A_1898 = arith.minsi %parallel_loop3A_1864, %parallel_loop3A_1896 : vector<16xi32>
      %parallel_loop3A_1899 = arith.maxsi %parallel_loop3A_1866, %parallel_loop3A_1898 : vector<16xi32>
      %parallel_loop3A_1900 = arith.minsi %parallel_loop3A_1866, %parallel_loop3A_1898 : vector<16xi32>
      %parallel_loop3A_1901 = arith.maxsi %parallel_loop3A_1868, %parallel_loop3A_1900 : vector<16xi32>
      %parallel_loop3A_1902 = arith.minsi %parallel_loop3A_1868, %parallel_loop3A_1900 : vector<16xi32>
      %parallel_loop3A_1903 = arith.maxsi %parallel_loop3A_1870, %parallel_loop3A_1902 : vector<16xi32>
      %parallel_loop3A_1904 = arith.minsi %parallel_loop3A_1870, %parallel_loop3A_1902 : vector<16xi32>
      %parallel_loop3A_1905 = arith.maxsi %parallel_loop3A_1872, %parallel_loop3A_1904 : vector<16xi32>
      %parallel_loop3A_1906 = arith.minsi %parallel_loop3A_1872, %parallel_loop3A_1904 : vector<16xi32>
      %parallel_loop3A_1907 = arith.constant 57 : i32
      %parallel_loop3A_1908 = vector.broadcast %parallel_loop3A_1907 : i32 to vector<16xi32>
      %parallel_loop3A_1909 = tpu.vector_load_idx %arg6[%parallel_loop3A_1908, %parallel_loop3A_25] : memref<64x1024xf32, #tpu.memory_space<vmem>>[vector<16xi32>, vector<16xi32>], vector<16xf32>,
      %parallel_loop3A_1910 = vector.bitcast %parallel_loop3A_1909 : vector<16xf32> to vector<16xi32>
      %parallel_loop3A_1911 = arith.constant 31 : i32
      %parallel_loop3A_1912 = vector.broadcast %parallel_loop3A_1911 : i32 to vector<16xi32>
      %parallel_loop3A_1913 = arith.shrsi %parallel_loop3A_1910, %parallel_loop3A_1912 : vector<16xi32>
      %parallel_loop3A_1914 = vector.broadcast %parallel_loop3A_11 : i32 to vector<16xi32>
      %parallel_loop3A_1915 = arith.andi %parallel_loop3A_1913, %parallel_loop3A_1914 : vector<16xi32>
      %parallel_loop3A_1916 = arith.xori %parallel_loop3A_1910, %parallel_loop3A_1915 : vector<16xi32>
      %parallel_loop3A_1917 = vector.broadcast %parallel_loop3A_12 : i32 to vector<16xi32>
      %parallel_loop3A_1918 = arith.andi %parallel_loop3A_1916, %parallel_loop3A_1917 : vector<16xi32>
      %parallel_loop3A_1919 = arith.constant 6 : i32
      %parallel_loop3A_1920 = vector.broadcast %parallel_loop3A_1919 : i32 to vector<16xi32>
      %parallel_loop3A_1921 = arith.ori %parallel_loop3A_1918, %parallel_loop3A_1920 : vector<16xi32>
      %parallel_loop3A_1922 = arith.maxsi %parallel_loop3A_1889, %parallel_loop3A_1921 : vector<16xi32>
      %parallel_loop3A_1923 = arith.minsi %parallel_loop3A_1889, %parallel_loop3A_1921 : vector<16xi32>
      %parallel_loop3A_1924 = arith.maxsi %parallel_loop3A_1891, %parallel_loop3A_1923 : vector<16xi32>
      %parallel_loop3A_1925 = arith.minsi %parallel_loop3A_1891, %parallel_loop3A_1923 : vector<16xi32>
      %parallel_loop3A_1926 = arith.maxsi %parallel_loop3A_1893, %parallel_loop3A_1925 : vector<16xi32>
      %parallel_loop3A_1927 = arith.minsi %parallel_loop3A_1893, %parallel_loop3A_1925 : vector<16xi32>
      %parallel_loop3A_1928 = arith.maxsi %parallel_loop3A_1895, %parallel_loop3A_1927 : vector<16xi32>
      %parallel_loop3A_1929 = arith.minsi %parallel_loop3A_1895, %parallel_loop3A_1927 : vector<16xi32>
      %parallel_loop3A_1930 = arith.maxsi %parallel_loop3A_1897, %parallel_loop3A_1929 : vector<16xi32>
      %parallel_loop3A_1931 = arith.minsi %parallel_loop3A_1897, %parallel_loop3A_1929 : vector<16xi32>
      %parallel_loop3A_1932 = arith.maxsi %parallel_loop3A_1899, %parallel_loop3A_1931 : vector<16xi32>
      %parallel_loop3A_1933 = arith.minsi %parallel_loop3A_1899, %parallel_loop3A_1931 : vector<16xi32>
      %parallel_loop3A_1934 = arith.maxsi %parallel_loop3A_1901, %parallel_loop3A_1933 : vector<16xi32>
      %parallel_loop3A_1935 = arith.minsi %parallel_loop3A_1901, %parallel_loop3A_1933 : vector<16xi32>
      %parallel_loop3A_1936 = arith.maxsi %parallel_loop3A_1903, %parallel_loop3A_1935 : vector<16xi32>
      %parallel_loop3A_1937 = arith.minsi %parallel_loop3A_1903, %parallel_loop3A_1935 : vector<16xi32>
      %parallel_loop3A_1938 = arith.maxsi %parallel_loop3A_1905, %parallel_loop3A_1937 : vector<16xi32>
      %parallel_loop3A_1939 = arith.minsi %parallel_loop3A_1905, %parallel_loop3A_1937 : vector<16xi32>
      %parallel_loop3A_1940 = arith.constant 58 : i32
      %parallel_loop3A_1941 = vector.broadcast %parallel_loop3A_1940 : i32 to vector<16xi32>
      %parallel_loop3A_1942 = tpu.vector_load_idx %arg6[%parallel_loop3A_1941, %parallel_loop3A_25] : memref<64x1024xf32, #tpu.memory_space<vmem>>[vector<16xi32>, vector<16xi32>], vector<16xf32>,
      %parallel_loop3A_1943 = vector.bitcast %parallel_loop3A_1942 : vector<16xf32> to vector<16xi32>
      %parallel_loop3A_1944 = arith.constant 31 : i32
      %parallel_loop3A_1945 = vector.broadcast %parallel_loop3A_1944 : i32 to vector<16xi32>
      %parallel_loop3A_1946 = arith.shrsi %parallel_loop3A_1943, %parallel_loop3A_1945 : vector<16xi32>
      %parallel_loop3A_1947 = vector.broadcast %parallel_loop3A_11 : i32 to vector<16xi32>
      %parallel_loop3A_1948 = arith.andi %parallel_loop3A_1946, %parallel_loop3A_1947 : vector<16xi32>
      %parallel_loop3A_1949 = arith.xori %parallel_loop3A_1943, %parallel_loop3A_1948 : vector<16xi32>
      %parallel_loop3A_1950 = vector.broadcast %parallel_loop3A_12 : i32 to vector<16xi32>
      %parallel_loop3A_1951 = arith.andi %parallel_loop3A_1949, %parallel_loop3A_1950 : vector<16xi32>
      %parallel_loop3A_1952 = arith.constant 5 : i32
      %parallel_loop3A_1953 = vector.broadcast %parallel_loop3A_1952 : i32 to vector<16xi32>
      %parallel_loop3A_1954 = arith.ori %parallel_loop3A_1951, %parallel_loop3A_1953 : vector<16xi32>
      %parallel_loop3A_1955 = arith.maxsi %parallel_loop3A_1922, %parallel_loop3A_1954 : vector<16xi32>
      %parallel_loop3A_1956 = arith.minsi %parallel_loop3A_1922, %parallel_loop3A_1954 : vector<16xi32>
      %parallel_loop3A_1957 = arith.maxsi %parallel_loop3A_1924, %parallel_loop3A_1956 : vector<16xi32>
      %parallel_loop3A_1958 = arith.minsi %parallel_loop3A_1924, %parallel_loop3A_1956 : vector<16xi32>
      %parallel_loop3A_1959 = arith.maxsi %parallel_loop3A_1926, %parallel_loop3A_1958 : vector<16xi32>
      %parallel_loop3A_1960 = arith.minsi %parallel_loop3A_1926, %parallel_loop3A_1958 : vector<16xi32>
      %parallel_loop3A_1961 = arith.maxsi %parallel_loop3A_1928, %parallel_loop3A_1960 : vector<16xi32>
      %parallel_loop3A_1962 = arith.minsi %parallel_loop3A_1928, %parallel_loop3A_1960 : vector<16xi32>
      %parallel_loop3A_1963 = arith.maxsi %parallel_loop3A_1930, %parallel_loop3A_1962 : vector<16xi32>
      %parallel_loop3A_1964 = arith.minsi %parallel_loop3A_1930, %parallel_loop3A_1962 : vector<16xi32>
      %parallel_loop3A_1965 = arith.maxsi %parallel_loop3A_1932, %parallel_loop3A_1964 : vector<16xi32>
      %parallel_loop3A_1966 = arith.minsi %parallel_loop3A_1932, %parallel_loop3A_1964 : vector<16xi32>
      %parallel_loop3A_1967 = arith.maxsi %parallel_loop3A_1934, %parallel_loop3A_1966 : vector<16xi32>
      %parallel_loop3A_1968 = arith.minsi %parallel_loop3A_1934, %parallel_loop3A_1966 : vector<16xi32>
      %parallel_loop3A_1969 = arith.maxsi %parallel_loop3A_1936, %parallel_loop3A_1968 : vector<16xi32>
      %parallel_loop3A_1970 = arith.minsi %parallel_loop3A_1936, %parallel_loop3A_1968 : vector<16xi32>
      %parallel_loop3A_1971 = arith.maxsi %parallel_loop3A_1938, %parallel_loop3A_1970 : vector<16xi32>
      %parallel_loop3A_1972 = arith.minsi %parallel_loop3A_1938, %parallel_loop3A_1970 : vector<16xi32>
      %parallel_loop3A_1973 = arith.constant 59 : i32
      %parallel_loop3A_1974 = vector.broadcast %parallel_loop3A_1973 : i32 to vector<16xi32>
      %parallel_loop3A_1975 = tpu.vector_load_idx %arg6[%parallel_loop3A_1974, %parallel_loop3A_25] : memref<64x1024xf32, #tpu.memory_space<vmem>>[vector<16xi32>, vector<16xi32>], vector<16xf32>,
      %parallel_loop3A_1976 = vector.bitcast %parallel_loop3A_1975 : vector<16xf32> to vector<16xi32>
      %parallel_loop3A_1977 = arith.constant 31 : i32
      %parallel_loop3A_1978 = vector.broadcast %parallel_loop3A_1977 : i32 to vector<16xi32>
      %parallel_loop3A_1979 = arith.shrsi %parallel_loop3A_1976, %parallel_loop3A_1978 : vector<16xi32>
      %parallel_loop3A_1980 = vector.broadcast %parallel_loop3A_11 : i32 to vector<16xi32>
      %parallel_loop3A_1981 = arith.andi %parallel_loop3A_1979, %parallel_loop3A_1980 : vector<16xi32>
      %parallel_loop3A_1982 = arith.xori %parallel_loop3A_1976, %parallel_loop3A_1981 : vector<16xi32>
      %parallel_loop3A_1983 = vector.broadcast %parallel_loop3A_12 : i32 to vector<16xi32>
      %parallel_loop3A_1984 = arith.andi %parallel_loop3A_1982, %parallel_loop3A_1983 : vector<16xi32>
      %parallel_loop3A_1985 = arith.constant 4 : i32
      %parallel_loop3A_1986 = vector.broadcast %parallel_loop3A_1985 : i32 to vector<16xi32>
      %parallel_loop3A_1987 = arith.ori %parallel_loop3A_1984, %parallel_loop3A_1986 : vector<16xi32>
      %parallel_loop3A_1988 = arith.maxsi %parallel_loop3A_1955, %parallel_loop3A_1987 : vector<16xi32>
      %parallel_loop3A_1989 = arith.minsi %parallel_loop3A_1955, %parallel_loop3A_1987 : vector<16xi32>
      %parallel_loop3A_1990 = arith.maxsi %parallel_loop3A_1957, %parallel_loop3A_1989 : vector<16xi32>
      %parallel_loop3A_1991 = arith.minsi %parallel_loop3A_1957, %parallel_loop3A_1989 : vector<16xi32>
      %parallel_loop3A_1992 = arith.maxsi %parallel_loop3A_1959, %parallel_loop3A_1991 : vector<16xi32>
      %parallel_loop3A_1993 = arith.minsi %parallel_loop3A_1959, %parallel_loop3A_1991 : vector<16xi32>
      %parallel_loop3A_1994 = arith.maxsi %parallel_loop3A_1961, %parallel_loop3A_1993 : vector<16xi32>
      %parallel_loop3A_1995 = arith.minsi %parallel_loop3A_1961, %parallel_loop3A_1993 : vector<16xi32>
      %parallel_loop3A_1996 = arith.maxsi %parallel_loop3A_1963, %parallel_loop3A_1995 : vector<16xi32>
      %parallel_loop3A_1997 = arith.minsi %parallel_loop3A_1963, %parallel_loop3A_1995 : vector<16xi32>
      %parallel_loop3A_1998 = arith.maxsi %parallel_loop3A_1965, %parallel_loop3A_1997 : vector<16xi32>
      %parallel_loop3A_1999 = arith.minsi %parallel_loop3A_1965, %parallel_loop3A_1997 : vector<16xi32>
      %parallel_loop3A_2000 = arith.maxsi %parallel_loop3A_1967, %parallel_loop3A_1999 : vector<16xi32>
      %parallel_loop3A_2001 = arith.minsi %parallel_loop3A_1967, %parallel_loop3A_1999 : vector<16xi32>
      %parallel_loop3A_2002 = arith.maxsi %parallel_loop3A_1969, %parallel_loop3A_2001 : vector<16xi32>
      %parallel_loop3A_2003 = arith.minsi %parallel_loop3A_1969, %parallel_loop3A_2001 : vector<16xi32>
      %parallel_loop3A_2004 = arith.maxsi %parallel_loop3A_1971, %parallel_loop3A_2003 : vector<16xi32>
      %parallel_loop3A_2005 = arith.minsi %parallel_loop3A_1971, %parallel_loop3A_2003 : vector<16xi32>
      %parallel_loop3A_2006 = arith.constant 60 : i32
      %parallel_loop3A_2007 = vector.broadcast %parallel_loop3A_2006 : i32 to vector<16xi32>
      %parallel_loop3A_2008 = tpu.vector_load_idx %arg6[%parallel_loop3A_2007, %parallel_loop3A_25] : memref<64x1024xf32, #tpu.memory_space<vmem>>[vector<16xi32>, vector<16xi32>], vector<16xf32>,
      %parallel_loop3A_2009 = vector.bitcast %parallel_loop3A_2008 : vector<16xf32> to vector<16xi32>
      %parallel_loop3A_2010 = arith.constant 31 : i32
      %parallel_loop3A_2011 = vector.broadcast %parallel_loop3A_2010 : i32 to vector<16xi32>
      %parallel_loop3A_2012 = arith.shrsi %parallel_loop3A_2009, %parallel_loop3A_2011 : vector<16xi32>
      %parallel_loop3A_2013 = vector.broadcast %parallel_loop3A_11 : i32 to vector<16xi32>
      %parallel_loop3A_2014 = arith.andi %parallel_loop3A_2012, %parallel_loop3A_2013 : vector<16xi32>
      %parallel_loop3A_2015 = arith.xori %parallel_loop3A_2009, %parallel_loop3A_2014 : vector<16xi32>
      %parallel_loop3A_2016 = vector.broadcast %parallel_loop3A_12 : i32 to vector<16xi32>
      %parallel_loop3A_2017 = arith.andi %parallel_loop3A_2015, %parallel_loop3A_2016 : vector<16xi32>
      %parallel_loop3A_2018 = arith.constant 3 : i32
      %parallel_loop3A_2019 = vector.broadcast %parallel_loop3A_2018 : i32 to vector<16xi32>
      %parallel_loop3A_2020 = arith.ori %parallel_loop3A_2017, %parallel_loop3A_2019 : vector<16xi32>
      %parallel_loop3A_2021 = arith.maxsi %parallel_loop3A_1988, %parallel_loop3A_2020 : vector<16xi32>
      %parallel_loop3A_2022 = arith.minsi %parallel_loop3A_1988, %parallel_loop3A_2020 : vector<16xi32>
      %parallel_loop3A_2023 = arith.maxsi %parallel_loop3A_1990, %parallel_loop3A_2022 : vector<16xi32>
      %parallel_loop3A_2024 = arith.minsi %parallel_loop3A_1990, %parallel_loop3A_2022 : vector<16xi32>
      %parallel_loop3A_2025 = arith.maxsi %parallel_loop3A_1992, %parallel_loop3A_2024 : vector<16xi32>
      %parallel_loop3A_2026 = arith.minsi %parallel_loop3A_1992, %parallel_loop3A_2024 : vector<16xi32>
      %parallel_loop3A_2027 = arith.maxsi %parallel_loop3A_1994, %parallel_loop3A_2026 : vector<16xi32>
      %parallel_loop3A_2028 = arith.minsi %parallel_loop3A_1994, %parallel_loop3A_2026 : vector<16xi32>
      %parallel_loop3A_2029 = arith.maxsi %parallel_loop3A_1996, %parallel_loop3A_2028 : vector<16xi32>
      %parallel_loop3A_2030 = arith.minsi %parallel_loop3A_1996, %parallel_loop3A_2028 : vector<16xi32>
      %parallel_loop3A_2031 = arith.maxsi %parallel_loop3A_1998, %parallel_loop3A_2030 : vector<16xi32>
      %parallel_loop3A_2032 = arith.minsi %parallel_loop3A_1998, %parallel_loop3A_2030 : vector<16xi32>
      %parallel_loop3A_2033 = arith.maxsi %parallel_loop3A_2000, %parallel_loop3A_2032 : vector<16xi32>
      %parallel_loop3A_2034 = arith.minsi %parallel_loop3A_2000, %parallel_loop3A_2032 : vector<16xi32>
      %parallel_loop3A_2035 = arith.maxsi %parallel_loop3A_2002, %parallel_loop3A_2034 : vector<16xi32>
      %parallel_loop3A_2036 = arith.minsi %parallel_loop3A_2002, %parallel_loop3A_2034 : vector<16xi32>
      %parallel_loop3A_2037 = arith.maxsi %parallel_loop3A_2004, %parallel_loop3A_2036 : vector<16xi32>
      %parallel_loop3A_2038 = arith.minsi %parallel_loop3A_2004, %parallel_loop3A_2036 : vector<16xi32>
      %parallel_loop3A_2039 = arith.constant 61 : i32
      %parallel_loop3A_2040 = vector.broadcast %parallel_loop3A_2039 : i32 to vector<16xi32>
      %parallel_loop3A_2041 = tpu.vector_load_idx %arg6[%parallel_loop3A_2040, %parallel_loop3A_25] : memref<64x1024xf32, #tpu.memory_space<vmem>>[vector<16xi32>, vector<16xi32>], vector<16xf32>,
      %parallel_loop3A_2042 = vector.bitcast %parallel_loop3A_2041 : vector<16xf32> to vector<16xi32>
      %parallel_loop3A_2043 = arith.constant 31 : i32
      %parallel_loop3A_2044 = vector.broadcast %parallel_loop3A_2043 : i32 to vector<16xi32>
      %parallel_loop3A_2045 = arith.shrsi %parallel_loop3A_2042, %parallel_loop3A_2044 : vector<16xi32>
      %parallel_loop3A_2046 = vector.broadcast %parallel_loop3A_11 : i32 to vector<16xi32>
      %parallel_loop3A_2047 = arith.andi %parallel_loop3A_2045, %parallel_loop3A_2046 : vector<16xi32>
      %parallel_loop3A_2048 = arith.xori %parallel_loop3A_2042, %parallel_loop3A_2047 : vector<16xi32>
      %parallel_loop3A_2049 = vector.broadcast %parallel_loop3A_12 : i32 to vector<16xi32>
      %parallel_loop3A_2050 = arith.andi %parallel_loop3A_2048, %parallel_loop3A_2049 : vector<16xi32>
      %parallel_loop3A_2051 = arith.constant 2 : i32
      %parallel_loop3A_2052 = vector.broadcast %parallel_loop3A_2051 : i32 to vector<16xi32>
      %parallel_loop3A_2053 = arith.ori %parallel_loop3A_2050, %parallel_loop3A_2052 : vector<16xi32>
      %parallel_loop3A_2054 = arith.maxsi %parallel_loop3A_2021, %parallel_loop3A_2053 : vector<16xi32>
      %parallel_loop3A_2055 = arith.minsi %parallel_loop3A_2021, %parallel_loop3A_2053 : vector<16xi32>
      %parallel_loop3A_2056 = arith.maxsi %parallel_loop3A_2023, %parallel_loop3A_2055 : vector<16xi32>
      %parallel_loop3A_2057 = arith.minsi %parallel_loop3A_2023, %parallel_loop3A_2055 : vector<16xi32>
      %parallel_loop3A_2058 = arith.maxsi %parallel_loop3A_2025, %parallel_loop3A_2057 : vector<16xi32>
      %parallel_loop3A_2059 = arith.minsi %parallel_loop3A_2025, %parallel_loop3A_2057 : vector<16xi32>
      %parallel_loop3A_2060 = arith.maxsi %parallel_loop3A_2027, %parallel_loop3A_2059 : vector<16xi32>
      %parallel_loop3A_2061 = arith.minsi %parallel_loop3A_2027, %parallel_loop3A_2059 : vector<16xi32>
      %parallel_loop3A_2062 = arith.maxsi %parallel_loop3A_2029, %parallel_loop3A_2061 : vector<16xi32>
      %parallel_loop3A_2063 = arith.minsi %parallel_loop3A_2029, %parallel_loop3A_2061 : vector<16xi32>
      %parallel_loop3A_2064 = arith.maxsi %parallel_loop3A_2031, %parallel_loop3A_2063 : vector<16xi32>
      %parallel_loop3A_2065 = arith.minsi %parallel_loop3A_2031, %parallel_loop3A_2063 : vector<16xi32>
      %parallel_loop3A_2066 = arith.maxsi %parallel_loop3A_2033, %parallel_loop3A_2065 : vector<16xi32>
      %parallel_loop3A_2067 = arith.minsi %parallel_loop3A_2033, %parallel_loop3A_2065 : vector<16xi32>
      %parallel_loop3A_2068 = arith.maxsi %parallel_loop3A_2035, %parallel_loop3A_2067 : vector<16xi32>
      %parallel_loop3A_2069 = arith.minsi %parallel_loop3A_2035, %parallel_loop3A_2067 : vector<16xi32>
      %parallel_loop3A_2070 = arith.maxsi %parallel_loop3A_2037, %parallel_loop3A_2069 : vector<16xi32>
      %parallel_loop3A_2071 = arith.minsi %parallel_loop3A_2037, %parallel_loop3A_2069 : vector<16xi32>
      %parallel_loop3A_2072 = arith.constant 62 : i32
      %parallel_loop3A_2073 = vector.broadcast %parallel_loop3A_2072 : i32 to vector<16xi32>
      %parallel_loop3A_2074 = tpu.vector_load_idx %arg6[%parallel_loop3A_2073, %parallel_loop3A_25] : memref<64x1024xf32, #tpu.memory_space<vmem>>[vector<16xi32>, vector<16xi32>], vector<16xf32>,
      %parallel_loop3A_2075 = vector.bitcast %parallel_loop3A_2074 : vector<16xf32> to vector<16xi32>
      %parallel_loop3A_2076 = arith.constant 31 : i32
      %parallel_loop3A_2077 = vector.broadcast %parallel_loop3A_2076 : i32 to vector<16xi32>
      %parallel_loop3A_2078 = arith.shrsi %parallel_loop3A_2075, %parallel_loop3A_2077 : vector<16xi32>
      %parallel_loop3A_2079 = vector.broadcast %parallel_loop3A_11 : i32 to vector<16xi32>
      %parallel_loop3A_2080 = arith.andi %parallel_loop3A_2078, %parallel_loop3A_2079 : vector<16xi32>
      %parallel_loop3A_2081 = arith.xori %parallel_loop3A_2075, %parallel_loop3A_2080 : vector<16xi32>
      %parallel_loop3A_2082 = vector.broadcast %parallel_loop3A_12 : i32 to vector<16xi32>
      %parallel_loop3A_2083 = arith.andi %parallel_loop3A_2081, %parallel_loop3A_2082 : vector<16xi32>
      %parallel_loop3A_2084 = arith.constant 1 : i32
      %parallel_loop3A_2085 = vector.broadcast %parallel_loop3A_2084 : i32 to vector<16xi32>
      %parallel_loop3A_2086 = arith.ori %parallel_loop3A_2083, %parallel_loop3A_2085 : vector<16xi32>
      %parallel_loop3A_2087 = arith.maxsi %parallel_loop3A_2054, %parallel_loop3A_2086 : vector<16xi32>
      %parallel_loop3A_2088 = arith.minsi %parallel_loop3A_2054, %parallel_loop3A_2086 : vector<16xi32>
      %parallel_loop3A_2089 = arith.maxsi %parallel_loop3A_2056, %parallel_loop3A_2088 : vector<16xi32>
      %parallel_loop3A_2090 = arith.minsi %parallel_loop3A_2056, %parallel_loop3A_2088 : vector<16xi32>
      %parallel_loop3A_2091 = arith.maxsi %parallel_loop3A_2058, %parallel_loop3A_2090 : vector<16xi32>
      %parallel_loop3A_2092 = arith.minsi %parallel_loop3A_2058, %parallel_loop3A_2090 : vector<16xi32>
      %parallel_loop3A_2093 = arith.maxsi %parallel_loop3A_2060, %parallel_loop3A_2092 : vector<16xi32>
      %parallel_loop3A_2094 = arith.minsi %parallel_loop3A_2060, %parallel_loop3A_2092 : vector<16xi32>
      %parallel_loop3A_2095 = arith.maxsi %parallel_loop3A_2062, %parallel_loop3A_2094 : vector<16xi32>
      %parallel_loop3A_2096 = arith.minsi %parallel_loop3A_2062, %parallel_loop3A_2094 : vector<16xi32>
      %parallel_loop3A_2097 = arith.maxsi %parallel_loop3A_2064, %parallel_loop3A_2096 : vector<16xi32>
      %parallel_loop3A_2098 = arith.minsi %parallel_loop3A_2064, %parallel_loop3A_2096 : vector<16xi32>
      %parallel_loop3A_2099 = arith.maxsi %parallel_loop3A_2066, %parallel_loop3A_2098 : vector<16xi32>
      %parallel_loop3A_2100 = arith.minsi %parallel_loop3A_2066, %parallel_loop3A_2098 : vector<16xi32>
      %parallel_loop3A_2101 = arith.maxsi %parallel_loop3A_2068, %parallel_loop3A_2100 : vector<16xi32>
      %parallel_loop3A_2102 = arith.minsi %parallel_loop3A_2068, %parallel_loop3A_2100 : vector<16xi32>
      %parallel_loop3A_2103 = arith.maxsi %parallel_loop3A_2070, %parallel_loop3A_2102 : vector<16xi32>
      %parallel_loop3A_2104 = arith.minsi %parallel_loop3A_2070, %parallel_loop3A_2102 : vector<16xi32>
      %parallel_loop3A_2105 = arith.constant 63 : i32
      %parallel_loop3A_2106 = vector.broadcast %parallel_loop3A_2105 : i32 to vector<16xi32>
      %parallel_loop3A_2107 = tpu.vector_load_idx %arg6[%parallel_loop3A_2106, %parallel_loop3A_25] : memref<64x1024xf32, #tpu.memory_space<vmem>>[vector<16xi32>, vector<16xi32>], vector<16xf32>,
      %parallel_loop3A_2108 = vector.bitcast %parallel_loop3A_2107 : vector<16xf32> to vector<16xi32>
      %parallel_loop3A_2109 = arith.constant 31 : i32
      %parallel_loop3A_2110 = vector.broadcast %parallel_loop3A_2109 : i32 to vector<16xi32>
      %parallel_loop3A_2111 = arith.shrsi %parallel_loop3A_2108, %parallel_loop3A_2110 : vector<16xi32>
      %parallel_loop3A_2112 = vector.broadcast %parallel_loop3A_11 : i32 to vector<16xi32>
      %parallel_loop3A_2113 = arith.andi %parallel_loop3A_2111, %parallel_loop3A_2112 : vector<16xi32>
      %parallel_loop3A_2114 = arith.xori %parallel_loop3A_2108, %parallel_loop3A_2113 : vector<16xi32>
      %parallel_loop3A_2115 = vector.broadcast %parallel_loop3A_12 : i32 to vector<16xi32>
      %parallel_loop3A_2116 = arith.andi %parallel_loop3A_2114, %parallel_loop3A_2115 : vector<16xi32>
      %parallel_loop3A_2117 = arith.constant 0 : i32
      %parallel_loop3A_2118 = vector.broadcast %parallel_loop3A_2117 : i32 to vector<16xi32>
      %parallel_loop3A_2119 = arith.ori %parallel_loop3A_2116, %parallel_loop3A_2118 : vector<16xi32>
      %parallel_loop3A_2120 = arith.maxsi %parallel_loop3A_2087, %parallel_loop3A_2119 : vector<16xi32>
      %parallel_loop3A_2121 = arith.minsi %parallel_loop3A_2087, %parallel_loop3A_2119 : vector<16xi32>
      %parallel_loop3A_2122 = arith.maxsi %parallel_loop3A_2089, %parallel_loop3A_2121 : vector<16xi32>
      %parallel_loop3A_2123 = arith.minsi %parallel_loop3A_2089, %parallel_loop3A_2121 : vector<16xi32>
      %parallel_loop3A_2124 = arith.maxsi %parallel_loop3A_2091, %parallel_loop3A_2123 : vector<16xi32>
      %parallel_loop3A_2125 = arith.minsi %parallel_loop3A_2091, %parallel_loop3A_2123 : vector<16xi32>
      %parallel_loop3A_2126 = arith.maxsi %parallel_loop3A_2093, %parallel_loop3A_2125 : vector<16xi32>
      %parallel_loop3A_2127 = arith.minsi %parallel_loop3A_2093, %parallel_loop3A_2125 : vector<16xi32>
      %parallel_loop3A_2128 = arith.maxsi %parallel_loop3A_2095, %parallel_loop3A_2127 : vector<16xi32>
      %parallel_loop3A_2129 = arith.minsi %parallel_loop3A_2095, %parallel_loop3A_2127 : vector<16xi32>
      %parallel_loop3A_2130 = arith.maxsi %parallel_loop3A_2097, %parallel_loop3A_2129 : vector<16xi32>
      %parallel_loop3A_2131 = arith.minsi %parallel_loop3A_2097, %parallel_loop3A_2129 : vector<16xi32>
      %parallel_loop3A_2132 = arith.maxsi %parallel_loop3A_2099, %parallel_loop3A_2131 : vector<16xi32>
      %parallel_loop3A_2133 = arith.minsi %parallel_loop3A_2099, %parallel_loop3A_2131 : vector<16xi32>
      %parallel_loop3A_2134 = arith.maxsi %parallel_loop3A_2101, %parallel_loop3A_2133 : vector<16xi32>
      %parallel_loop3A_2135 = arith.minsi %parallel_loop3A_2101, %parallel_loop3A_2133 : vector<16xi32>
      %parallel_loop3A_2136 = arith.maxsi %parallel_loop3A_2103, %parallel_loop3A_2135 : vector<16xi32>
      %parallel_loop3A_2137 = arith.minsi %parallel_loop3A_2103, %parallel_loop3A_2135 : vector<16xi32>
      %parallel_loop3A_2138 = arith.constant 63 : i32
      %parallel_loop3A_2139 = vector.broadcast %parallel_loop3A_2138 : i32 to vector<16xi32>
      %parallel_loop3A_2140 = arith.andi %parallel_loop3A_2120, %parallel_loop3A_2139 : vector<16xi32>
      %parallel_loop3A_2141 = arith.constant 63 : i32
      %parallel_loop3A_2142 = vector.broadcast %parallel_loop3A_2141 : i32 to vector<16xi32>
      %parallel_loop3A_2143 = arith.subi %parallel_loop3A_2142, %parallel_loop3A_2140 : vector<16xi32>
      %parallel_loop3A_2144 = arith.constant 63 : i32
      %parallel_loop3A_2145 = vector.broadcast %parallel_loop3A_2144 : i32 to vector<16xi32>
      %parallel_loop3A_2146 = arith.andi %parallel_loop3A_2122, %parallel_loop3A_2145 : vector<16xi32>
      %parallel_loop3A_2147 = arith.constant 63 : i32
      %parallel_loop3A_2148 = vector.broadcast %parallel_loop3A_2147 : i32 to vector<16xi32>
      %parallel_loop3A_2149 = arith.subi %parallel_loop3A_2148, %parallel_loop3A_2146 : vector<16xi32>
      %parallel_loop3A_2150 = arith.constant 63 : i32
      %parallel_loop3A_2151 = vector.broadcast %parallel_loop3A_2150 : i32 to vector<16xi32>
      %parallel_loop3A_2152 = arith.andi %parallel_loop3A_2124, %parallel_loop3A_2151 : vector<16xi32>
      %parallel_loop3A_2153 = arith.constant 63 : i32
      %parallel_loop3A_2154 = vector.broadcast %parallel_loop3A_2153 : i32 to vector<16xi32>
      %parallel_loop3A_2155 = arith.subi %parallel_loop3A_2154, %parallel_loop3A_2152 : vector<16xi32>
      %parallel_loop3A_2156 = arith.constant 63 : i32
      %parallel_loop3A_2157 = vector.broadcast %parallel_loop3A_2156 : i32 to vector<16xi32>
      %parallel_loop3A_2158 = arith.andi %parallel_loop3A_2126, %parallel_loop3A_2157 : vector<16xi32>
      %parallel_loop3A_2159 = arith.constant 63 : i32
      %parallel_loop3A_2160 = vector.broadcast %parallel_loop3A_2159 : i32 to vector<16xi32>
      %parallel_loop3A_2161 = arith.subi %parallel_loop3A_2160, %parallel_loop3A_2158 : vector<16xi32>
      %parallel_loop3A_2162 = arith.constant 63 : i32
      %parallel_loop3A_2163 = vector.broadcast %parallel_loop3A_2162 : i32 to vector<16xi32>
      %parallel_loop3A_2164 = arith.andi %parallel_loop3A_2128, %parallel_loop3A_2163 : vector<16xi32>
      %parallel_loop3A_2165 = arith.constant 63 : i32
      %parallel_loop3A_2166 = vector.broadcast %parallel_loop3A_2165 : i32 to vector<16xi32>
      %parallel_loop3A_2167 = arith.subi %parallel_loop3A_2166, %parallel_loop3A_2164 : vector<16xi32>
      %parallel_loop3A_2168 = arith.constant 63 : i32
      %parallel_loop3A_2169 = vector.broadcast %parallel_loop3A_2168 : i32 to vector<16xi32>
      %parallel_loop3A_2170 = arith.andi %parallel_loop3A_2130, %parallel_loop3A_2169 : vector<16xi32>
      %parallel_loop3A_2171 = arith.constant 63 : i32
      %parallel_loop3A_2172 = vector.broadcast %parallel_loop3A_2171 : i32 to vector<16xi32>
      %parallel_loop3A_2173 = arith.subi %parallel_loop3A_2172, %parallel_loop3A_2170 : vector<16xi32>
      %parallel_loop3A_2174 = arith.constant 63 : i32
      %parallel_loop3A_2175 = vector.broadcast %parallel_loop3A_2174 : i32 to vector<16xi32>
      %parallel_loop3A_2176 = arith.andi %parallel_loop3A_2132, %parallel_loop3A_2175 : vector<16xi32>
      %parallel_loop3A_2177 = arith.constant 63 : i32
      %parallel_loop3A_2178 = vector.broadcast %parallel_loop3A_2177 : i32 to vector<16xi32>
      %parallel_loop3A_2179 = arith.subi %parallel_loop3A_2178, %parallel_loop3A_2176 : vector<16xi32>
      %parallel_loop3A_2180 = arith.constant 63 : i32
      %parallel_loop3A_2181 = vector.broadcast %parallel_loop3A_2180 : i32 to vector<16xi32>
      %parallel_loop3A_2182 = arith.andi %parallel_loop3A_2134, %parallel_loop3A_2181 : vector<16xi32>
      %parallel_loop3A_2183 = arith.constant 63 : i32
      %parallel_loop3A_2184 = vector.broadcast %parallel_loop3A_2183 : i32 to vector<16xi32>
      %parallel_loop3A_2185 = arith.subi %parallel_loop3A_2184, %parallel_loop3A_2182 : vector<16xi32>
      %parallel_loop3A_2186 = arith.constant 63 : i32
      %parallel_loop3A_2187 = vector.broadcast %parallel_loop3A_2186 : i32 to vector<16xi32>
      %parallel_loop3A_2188 = arith.andi %parallel_loop3A_2136, %parallel_loop3A_2187 : vector<16xi32>
      %parallel_loop3A_2189 = arith.constant 63 : i32
      %parallel_loop3A_2190 = vector.broadcast %parallel_loop3A_2189 : i32 to vector<16xi32>
      %parallel_loop3A_2191 = arith.subi %parallel_loop3A_2190, %parallel_loop3A_2188 : vector<16xi32>
      %parallel_loop3A_2192 = tpu.vector_load_idx %arg6[%parallel_loop3A_2143, %parallel_loop3A_25] : memref<64x1024xf32, #tpu.memory_space<vmem>>[vector<16xi32>, vector<16xi32>], vector<16xf32>,
      %parallel_loop3A_2193 = tpu.vector_load_idx %arg6[%parallel_loop3A_2149, %parallel_loop3A_25] : memref<64x1024xf32, #tpu.memory_space<vmem>>[vector<16xi32>, vector<16xi32>], vector<16xf32>,
      %parallel_loop3A_2194 = tpu.vector_load_idx %arg6[%parallel_loop3A_2155, %parallel_loop3A_25] : memref<64x1024xf32, #tpu.memory_space<vmem>>[vector<16xi32>, vector<16xi32>], vector<16xf32>,
      %parallel_loop3A_2195 = tpu.vector_load_idx %arg6[%parallel_loop3A_2161, %parallel_loop3A_25] : memref<64x1024xf32, #tpu.memory_space<vmem>>[vector<16xi32>, vector<16xi32>], vector<16xf32>,
      %parallel_loop3A_2196 = tpu.vector_load_idx %arg6[%parallel_loop3A_2167, %parallel_loop3A_25] : memref<64x1024xf32, #tpu.memory_space<vmem>>[vector<16xi32>, vector<16xi32>], vector<16xf32>,
      %parallel_loop3A_2197 = tpu.vector_load_idx %arg6[%parallel_loop3A_2173, %parallel_loop3A_25] : memref<64x1024xf32, #tpu.memory_space<vmem>>[vector<16xi32>, vector<16xi32>], vector<16xf32>,
      %parallel_loop3A_2198 = tpu.vector_load_idx %arg6[%parallel_loop3A_2179, %parallel_loop3A_25] : memref<64x1024xf32, #tpu.memory_space<vmem>>[vector<16xi32>, vector<16xi32>], vector<16xf32>,
      %parallel_loop3A_2199 = tpu.vector_load_idx %arg6[%parallel_loop3A_2185, %parallel_loop3A_25] : memref<64x1024xf32, #tpu.memory_space<vmem>>[vector<16xi32>, vector<16xi32>], vector<16xf32>,
      %parallel_loop3A_2200 = tpu.vector_load_idx %arg6[%parallel_loop3A_2191, %parallel_loop3A_25] : memref<64x1024xf32, #tpu.memory_space<vmem>>[vector<16xi32>, vector<16xi32>], vector<16xf32>,
      %parallel_loop3A_2201 = arith.cmpf ogt, %parallel_loop3A_2193, %parallel_loop3A_2192 : vector<16xf32>
      %parallel_loop3A_2202 = arith.cmpf oeq, %parallel_loop3A_2193, %parallel_loop3A_2192 : vector<16xf32>
      %parallel_loop3A_2203 = arith.cmpi slt, %parallel_loop3A_2149, %parallel_loop3A_2143 : vector<16xi32>
      %parallel_loop3A_2204 = arith.andi %parallel_loop3A_2202, %parallel_loop3A_2203 : vector<16xi1>
      %parallel_loop3A_2205 = arith.ori %parallel_loop3A_2201, %parallel_loop3A_2204 : vector<16xi1>
      %parallel_loop3A_2206 = arith.select %parallel_loop3A_2205, %parallel_loop3A_2193, %parallel_loop3A_2192 : vector<16xi1>, vector<16xf32>
      %parallel_loop3A_2207 = arith.select %parallel_loop3A_2205, %parallel_loop3A_2192, %parallel_loop3A_2193 : vector<16xi1>, vector<16xf32>
      %parallel_loop3A_2208 = arith.select %parallel_loop3A_2205, %parallel_loop3A_2149, %parallel_loop3A_2143 : vector<16xi1>, vector<16xi32>
      %parallel_loop3A_2209 = arith.select %parallel_loop3A_2205, %parallel_loop3A_2143, %parallel_loop3A_2149 : vector<16xi1>, vector<16xi32>
      %parallel_loop3A_2210 = arith.cmpf ogt, %parallel_loop3A_2194, %parallel_loop3A_2207 : vector<16xf32>
      %parallel_loop3A_2211 = arith.cmpf oeq, %parallel_loop3A_2194, %parallel_loop3A_2207 : vector<16xf32>
      %parallel_loop3A_2212 = arith.cmpi slt, %parallel_loop3A_2155, %parallel_loop3A_2209 : vector<16xi32>
      %parallel_loop3A_2213 = arith.andi %parallel_loop3A_2211, %parallel_loop3A_2212 : vector<16xi1>
      %parallel_loop3A_2214 = arith.ori %parallel_loop3A_2210, %parallel_loop3A_2213 : vector<16xi1>
      %parallel_loop3A_2215 = arith.select %parallel_loop3A_2214, %parallel_loop3A_2194, %parallel_loop3A_2207 : vector<16xi1>, vector<16xf32>
      %parallel_loop3A_2216 = arith.select %parallel_loop3A_2214, %parallel_loop3A_2207, %parallel_loop3A_2194 : vector<16xi1>, vector<16xf32>
      %parallel_loop3A_2217 = arith.select %parallel_loop3A_2214, %parallel_loop3A_2155, %parallel_loop3A_2209 : vector<16xi1>, vector<16xi32>
      %parallel_loop3A_2218 = arith.select %parallel_loop3A_2214, %parallel_loop3A_2209, %parallel_loop3A_2155 : vector<16xi1>, vector<16xi32>
      %parallel_loop3A_2219 = arith.cmpf ogt, %parallel_loop3A_2195, %parallel_loop3A_2216 : vector<16xf32>
      %parallel_loop3A_2220 = arith.cmpf oeq, %parallel_loop3A_2195, %parallel_loop3A_2216 : vector<16xf32>
      %parallel_loop3A_2221 = arith.cmpi slt, %parallel_loop3A_2161, %parallel_loop3A_2218 : vector<16xi32>
      %parallel_loop3A_2222 = arith.andi %parallel_loop3A_2220, %parallel_loop3A_2221 : vector<16xi1>
      %parallel_loop3A_2223 = arith.ori %parallel_loop3A_2219, %parallel_loop3A_2222 : vector<16xi1>
      %parallel_loop3A_2224 = arith.select %parallel_loop3A_2223, %parallel_loop3A_2195, %parallel_loop3A_2216 : vector<16xi1>, vector<16xf32>
      %parallel_loop3A_2225 = arith.select %parallel_loop3A_2223, %parallel_loop3A_2216, %parallel_loop3A_2195 : vector<16xi1>, vector<16xf32>
      %parallel_loop3A_2226 = arith.select %parallel_loop3A_2223, %parallel_loop3A_2161, %parallel_loop3A_2218 : vector<16xi1>, vector<16xi32>
      %parallel_loop3A_2227 = arith.select %parallel_loop3A_2223, %parallel_loop3A_2218, %parallel_loop3A_2161 : vector<16xi1>, vector<16xi32>
      %parallel_loop3A_2228 = arith.cmpf ogt, %parallel_loop3A_2196, %parallel_loop3A_2225 : vector<16xf32>
      %parallel_loop3A_2229 = arith.cmpf oeq, %parallel_loop3A_2196, %parallel_loop3A_2225 : vector<16xf32>
      %parallel_loop3A_2230 = arith.cmpi slt, %parallel_loop3A_2167, %parallel_loop3A_2227 : vector<16xi32>
      %parallel_loop3A_2231 = arith.andi %parallel_loop3A_2229, %parallel_loop3A_2230 : vector<16xi1>
      %parallel_loop3A_2232 = arith.ori %parallel_loop3A_2228, %parallel_loop3A_2231 : vector<16xi1>
      %parallel_loop3A_2233 = arith.select %parallel_loop3A_2232, %parallel_loop3A_2196, %parallel_loop3A_2225 : vector<16xi1>, vector<16xf32>
      %parallel_loop3A_2234 = arith.select %parallel_loop3A_2232, %parallel_loop3A_2225, %parallel_loop3A_2196 : vector<16xi1>, vector<16xf32>
      %parallel_loop3A_2235 = arith.select %parallel_loop3A_2232, %parallel_loop3A_2167, %parallel_loop3A_2227 : vector<16xi1>, vector<16xi32>
      %parallel_loop3A_2236 = arith.select %parallel_loop3A_2232, %parallel_loop3A_2227, %parallel_loop3A_2167 : vector<16xi1>, vector<16xi32>
      %parallel_loop3A_2237 = arith.cmpf ogt, %parallel_loop3A_2197, %parallel_loop3A_2234 : vector<16xf32>
      %parallel_loop3A_2238 = arith.cmpf oeq, %parallel_loop3A_2197, %parallel_loop3A_2234 : vector<16xf32>
      %parallel_loop3A_2239 = arith.cmpi slt, %parallel_loop3A_2173, %parallel_loop3A_2236 : vector<16xi32>
      %parallel_loop3A_2240 = arith.andi %parallel_loop3A_2238, %parallel_loop3A_2239 : vector<16xi1>
      %parallel_loop3A_2241 = arith.ori %parallel_loop3A_2237, %parallel_loop3A_2240 : vector<16xi1>
      %parallel_loop3A_2242 = arith.select %parallel_loop3A_2241, %parallel_loop3A_2197, %parallel_loop3A_2234 : vector<16xi1>, vector<16xf32>
      %parallel_loop3A_2243 = arith.select %parallel_loop3A_2241, %parallel_loop3A_2234, %parallel_loop3A_2197 : vector<16xi1>, vector<16xf32>
      %parallel_loop3A_2244 = arith.select %parallel_loop3A_2241, %parallel_loop3A_2173, %parallel_loop3A_2236 : vector<16xi1>, vector<16xi32>
      %parallel_loop3A_2245 = arith.select %parallel_loop3A_2241, %parallel_loop3A_2236, %parallel_loop3A_2173 : vector<16xi1>, vector<16xi32>
      %parallel_loop3A_2246 = arith.cmpf ogt, %parallel_loop3A_2198, %parallel_loop3A_2243 : vector<16xf32>
      %parallel_loop3A_2247 = arith.cmpf oeq, %parallel_loop3A_2198, %parallel_loop3A_2243 : vector<16xf32>
      %parallel_loop3A_2248 = arith.cmpi slt, %parallel_loop3A_2179, %parallel_loop3A_2245 : vector<16xi32>
      %parallel_loop3A_2249 = arith.andi %parallel_loop3A_2247, %parallel_loop3A_2248 : vector<16xi1>
      %parallel_loop3A_2250 = arith.ori %parallel_loop3A_2246, %parallel_loop3A_2249 : vector<16xi1>
      %parallel_loop3A_2251 = arith.select %parallel_loop3A_2250, %parallel_loop3A_2198, %parallel_loop3A_2243 : vector<16xi1>, vector<16xf32>
      %parallel_loop3A_2252 = arith.select %parallel_loop3A_2250, %parallel_loop3A_2243, %parallel_loop3A_2198 : vector<16xi1>, vector<16xf32>
      %parallel_loop3A_2253 = arith.select %parallel_loop3A_2250, %parallel_loop3A_2179, %parallel_loop3A_2245 : vector<16xi1>, vector<16xi32>
      %parallel_loop3A_2254 = arith.select %parallel_loop3A_2250, %parallel_loop3A_2245, %parallel_loop3A_2179 : vector<16xi1>, vector<16xi32>
      %parallel_loop3A_2255 = arith.cmpf ogt, %parallel_loop3A_2199, %parallel_loop3A_2252 : vector<16xf32>
      %parallel_loop3A_2256 = arith.cmpf oeq, %parallel_loop3A_2199, %parallel_loop3A_2252 : vector<16xf32>
      %parallel_loop3A_2257 = arith.cmpi slt, %parallel_loop3A_2185, %parallel_loop3A_2254 : vector<16xi32>
      %parallel_loop3A_2258 = arith.andi %parallel_loop3A_2256, %parallel_loop3A_2257 : vector<16xi1>
      %parallel_loop3A_2259 = arith.ori %parallel_loop3A_2255, %parallel_loop3A_2258 : vector<16xi1>
      %parallel_loop3A_2260 = arith.select %parallel_loop3A_2259, %parallel_loop3A_2199, %parallel_loop3A_2252 : vector<16xi1>, vector<16xf32>
      %parallel_loop3A_2261 = arith.select %parallel_loop3A_2259, %parallel_loop3A_2252, %parallel_loop3A_2199 : vector<16xi1>, vector<16xf32>
      %parallel_loop3A_2262 = arith.select %parallel_loop3A_2259, %parallel_loop3A_2185, %parallel_loop3A_2254 : vector<16xi1>, vector<16xi32>
      %parallel_loop3A_2263 = arith.select %parallel_loop3A_2259, %parallel_loop3A_2254, %parallel_loop3A_2185 : vector<16xi1>, vector<16xi32>
      %parallel_loop3A_2264 = arith.cmpf ogt, %parallel_loop3A_2200, %parallel_loop3A_2261 : vector<16xf32>
      %parallel_loop3A_2265 = arith.cmpf oeq, %parallel_loop3A_2200, %parallel_loop3A_2261 : vector<16xf32>
      %parallel_loop3A_2266 = arith.cmpi slt, %parallel_loop3A_2191, %parallel_loop3A_2263 : vector<16xi32>
      %parallel_loop3A_2267 = arith.andi %parallel_loop3A_2265, %parallel_loop3A_2266 : vector<16xi1>
      %parallel_loop3A_2268 = arith.ori %parallel_loop3A_2264, %parallel_loop3A_2267 : vector<16xi1>
      %parallel_loop3A_2269 = arith.select %parallel_loop3A_2268, %parallel_loop3A_2200, %parallel_loop3A_2261 : vector<16xi1>, vector<16xf32>
      %parallel_loop3A_2270 = arith.select %parallel_loop3A_2268, %parallel_loop3A_2261, %parallel_loop3A_2200 : vector<16xi1>, vector<16xf32>
      %parallel_loop3A_2271 = arith.select %parallel_loop3A_2268, %parallel_loop3A_2191, %parallel_loop3A_2263 : vector<16xi1>, vector<16xi32>
      %parallel_loop3A_2272 = arith.select %parallel_loop3A_2268, %parallel_loop3A_2263, %parallel_loop3A_2191 : vector<16xi1>, vector<16xi32>
      %parallel_loop3A_2273 = arith.cmpf ogt, %parallel_loop3A_2215, %parallel_loop3A_2206 : vector<16xf32>
      %parallel_loop3A_2274 = arith.cmpf oeq, %parallel_loop3A_2215, %parallel_loop3A_2206 : vector<16xf32>
      %parallel_loop3A_2275 = arith.cmpi slt, %parallel_loop3A_2217, %parallel_loop3A_2208 : vector<16xi32>
      %parallel_loop3A_2276 = arith.andi %parallel_loop3A_2274, %parallel_loop3A_2275 : vector<16xi1>
      %parallel_loop3A_2277 = arith.ori %parallel_loop3A_2273, %parallel_loop3A_2276 : vector<16xi1>
      %parallel_loop3A_2278 = arith.select %parallel_loop3A_2277, %parallel_loop3A_2215, %parallel_loop3A_2206 : vector<16xi1>, vector<16xf32>
      %parallel_loop3A_2279 = arith.select %parallel_loop3A_2277, %parallel_loop3A_2206, %parallel_loop3A_2215 : vector<16xi1>, vector<16xf32>
      %parallel_loop3A_2280 = arith.select %parallel_loop3A_2277, %parallel_loop3A_2217, %parallel_loop3A_2208 : vector<16xi1>, vector<16xi32>
      %parallel_loop3A_2281 = arith.select %parallel_loop3A_2277, %parallel_loop3A_2208, %parallel_loop3A_2217 : vector<16xi1>, vector<16xi32>
      %parallel_loop3A_2282 = arith.cmpf ogt, %parallel_loop3A_2224, %parallel_loop3A_2279 : vector<16xf32>
      %parallel_loop3A_2283 = arith.cmpf oeq, %parallel_loop3A_2224, %parallel_loop3A_2279 : vector<16xf32>
      %parallel_loop3A_2284 = arith.cmpi slt, %parallel_loop3A_2226, %parallel_loop3A_2281 : vector<16xi32>
      %parallel_loop3A_2285 = arith.andi %parallel_loop3A_2283, %parallel_loop3A_2284 : vector<16xi1>
      %parallel_loop3A_2286 = arith.ori %parallel_loop3A_2282, %parallel_loop3A_2285 : vector<16xi1>
      %parallel_loop3A_2287 = arith.select %parallel_loop3A_2286, %parallel_loop3A_2224, %parallel_loop3A_2279 : vector<16xi1>, vector<16xf32>
      %parallel_loop3A_2288 = arith.select %parallel_loop3A_2286, %parallel_loop3A_2279, %parallel_loop3A_2224 : vector<16xi1>, vector<16xf32>
      %parallel_loop3A_2289 = arith.select %parallel_loop3A_2286, %parallel_loop3A_2226, %parallel_loop3A_2281 : vector<16xi1>, vector<16xi32>
      %parallel_loop3A_2290 = arith.select %parallel_loop3A_2286, %parallel_loop3A_2281, %parallel_loop3A_2226 : vector<16xi1>, vector<16xi32>
      %parallel_loop3A_2291 = arith.cmpf ogt, %parallel_loop3A_2233, %parallel_loop3A_2288 : vector<16xf32>
      %parallel_loop3A_2292 = arith.cmpf oeq, %parallel_loop3A_2233, %parallel_loop3A_2288 : vector<16xf32>
      %parallel_loop3A_2293 = arith.cmpi slt, %parallel_loop3A_2235, %parallel_loop3A_2290 : vector<16xi32>
      %parallel_loop3A_2294 = arith.andi %parallel_loop3A_2292, %parallel_loop3A_2293 : vector<16xi1>
      %parallel_loop3A_2295 = arith.ori %parallel_loop3A_2291, %parallel_loop3A_2294 : vector<16xi1>
      %parallel_loop3A_2296 = arith.select %parallel_loop3A_2295, %parallel_loop3A_2233, %parallel_loop3A_2288 : vector<16xi1>, vector<16xf32>
      %parallel_loop3A_2297 = arith.select %parallel_loop3A_2295, %parallel_loop3A_2288, %parallel_loop3A_2233 : vector<16xi1>, vector<16xf32>
      %parallel_loop3A_2298 = arith.select %parallel_loop3A_2295, %parallel_loop3A_2235, %parallel_loop3A_2290 : vector<16xi1>, vector<16xi32>
      %parallel_loop3A_2299 = arith.select %parallel_loop3A_2295, %parallel_loop3A_2290, %parallel_loop3A_2235 : vector<16xi1>, vector<16xi32>
      %parallel_loop3A_2300 = arith.cmpf ogt, %parallel_loop3A_2242, %parallel_loop3A_2297 : vector<16xf32>
      %parallel_loop3A_2301 = arith.cmpf oeq, %parallel_loop3A_2242, %parallel_loop3A_2297 : vector<16xf32>
      %parallel_loop3A_2302 = arith.cmpi slt, %parallel_loop3A_2244, %parallel_loop3A_2299 : vector<16xi32>
      %parallel_loop3A_2303 = arith.andi %parallel_loop3A_2301, %parallel_loop3A_2302 : vector<16xi1>
      %parallel_loop3A_2304 = arith.ori %parallel_loop3A_2300, %parallel_loop3A_2303 : vector<16xi1>
      %parallel_loop3A_2305 = arith.select %parallel_loop3A_2304, %parallel_loop3A_2242, %parallel_loop3A_2297 : vector<16xi1>, vector<16xf32>
      %parallel_loop3A_2306 = arith.select %parallel_loop3A_2304, %parallel_loop3A_2297, %parallel_loop3A_2242 : vector<16xi1>, vector<16xf32>
      %parallel_loop3A_2307 = arith.select %parallel_loop3A_2304, %parallel_loop3A_2244, %parallel_loop3A_2299 : vector<16xi1>, vector<16xi32>
      %parallel_loop3A_2308 = arith.select %parallel_loop3A_2304, %parallel_loop3A_2299, %parallel_loop3A_2244 : vector<16xi1>, vector<16xi32>
      %parallel_loop3A_2309 = arith.cmpf ogt, %parallel_loop3A_2251, %parallel_loop3A_2306 : vector<16xf32>
      %parallel_loop3A_2310 = arith.cmpf oeq, %parallel_loop3A_2251, %parallel_loop3A_2306 : vector<16xf32>
      %parallel_loop3A_2311 = arith.cmpi slt, %parallel_loop3A_2253, %parallel_loop3A_2308 : vector<16xi32>
      %parallel_loop3A_2312 = arith.andi %parallel_loop3A_2310, %parallel_loop3A_2311 : vector<16xi1>
      %parallel_loop3A_2313 = arith.ori %parallel_loop3A_2309, %parallel_loop3A_2312 : vector<16xi1>
      %parallel_loop3A_2314 = arith.select %parallel_loop3A_2313, %parallel_loop3A_2251, %parallel_loop3A_2306 : vector<16xi1>, vector<16xf32>
      %parallel_loop3A_2315 = arith.select %parallel_loop3A_2313, %parallel_loop3A_2306, %parallel_loop3A_2251 : vector<16xi1>, vector<16xf32>
      %parallel_loop3A_2316 = arith.select %parallel_loop3A_2313, %parallel_loop3A_2253, %parallel_loop3A_2308 : vector<16xi1>, vector<16xi32>
      %parallel_loop3A_2317 = arith.select %parallel_loop3A_2313, %parallel_loop3A_2308, %parallel_loop3A_2253 : vector<16xi1>, vector<16xi32>
      %parallel_loop3A_2318 = arith.cmpf ogt, %parallel_loop3A_2260, %parallel_loop3A_2315 : vector<16xf32>
      %parallel_loop3A_2319 = arith.cmpf oeq, %parallel_loop3A_2260, %parallel_loop3A_2315 : vector<16xf32>
      %parallel_loop3A_2320 = arith.cmpi slt, %parallel_loop3A_2262, %parallel_loop3A_2317 : vector<16xi32>
      %parallel_loop3A_2321 = arith.andi %parallel_loop3A_2319, %parallel_loop3A_2320 : vector<16xi1>
      %parallel_loop3A_2322 = arith.ori %parallel_loop3A_2318, %parallel_loop3A_2321 : vector<16xi1>
      %parallel_loop3A_2323 = arith.select %parallel_loop3A_2322, %parallel_loop3A_2260, %parallel_loop3A_2315 : vector<16xi1>, vector<16xf32>
      %parallel_loop3A_2324 = arith.select %parallel_loop3A_2322, %parallel_loop3A_2315, %parallel_loop3A_2260 : vector<16xi1>, vector<16xf32>
      %parallel_loop3A_2325 = arith.select %parallel_loop3A_2322, %parallel_loop3A_2262, %parallel_loop3A_2317 : vector<16xi1>, vector<16xi32>
      %parallel_loop3A_2326 = arith.select %parallel_loop3A_2322, %parallel_loop3A_2317, %parallel_loop3A_2262 : vector<16xi1>, vector<16xi32>
      %parallel_loop3A_2327 = arith.cmpf ogt, %parallel_loop3A_2269, %parallel_loop3A_2324 : vector<16xf32>
      %parallel_loop3A_2328 = arith.cmpf oeq, %parallel_loop3A_2269, %parallel_loop3A_2324 : vector<16xf32>
      %parallel_loop3A_2329 = arith.cmpi slt, %parallel_loop3A_2271, %parallel_loop3A_2326 : vector<16xi32>
      %parallel_loop3A_2330 = arith.andi %parallel_loop3A_2328, %parallel_loop3A_2329 : vector<16xi1>
      %parallel_loop3A_2331 = arith.ori %parallel_loop3A_2327, %parallel_loop3A_2330 : vector<16xi1>
      %parallel_loop3A_2332 = arith.select %parallel_loop3A_2331, %parallel_loop3A_2269, %parallel_loop3A_2324 : vector<16xi1>, vector<16xf32>
      %parallel_loop3A_2333 = arith.select %parallel_loop3A_2331, %parallel_loop3A_2324, %parallel_loop3A_2269 : vector<16xi1>, vector<16xf32>
      %parallel_loop3A_2334 = arith.select %parallel_loop3A_2331, %parallel_loop3A_2271, %parallel_loop3A_2326 : vector<16xi1>, vector<16xi32>
      %parallel_loop3A_2335 = arith.select %parallel_loop3A_2331, %parallel_loop3A_2326, %parallel_loop3A_2271 : vector<16xi1>, vector<16xi32>
      %parallel_loop3A_2336 = arith.cmpf ogt, %parallel_loop3A_2270, %parallel_loop3A_2333 : vector<16xf32>
      %parallel_loop3A_2337 = arith.cmpf oeq, %parallel_loop3A_2270, %parallel_loop3A_2333 : vector<16xf32>
      %parallel_loop3A_2338 = arith.cmpi slt, %parallel_loop3A_2272, %parallel_loop3A_2335 : vector<16xi32>
      %parallel_loop3A_2339 = arith.andi %parallel_loop3A_2337, %parallel_loop3A_2338 : vector<16xi1>
      %parallel_loop3A_2340 = arith.ori %parallel_loop3A_2336, %parallel_loop3A_2339 : vector<16xi1>
      %parallel_loop3A_2341 = arith.select %parallel_loop3A_2340, %parallel_loop3A_2270, %parallel_loop3A_2333 : vector<16xi1>, vector<16xf32>
      %parallel_loop3A_2342 = arith.select %parallel_loop3A_2340, %parallel_loop3A_2333, %parallel_loop3A_2270 : vector<16xi1>, vector<16xf32>
      %parallel_loop3A_2343 = arith.select %parallel_loop3A_2340, %parallel_loop3A_2272, %parallel_loop3A_2335 : vector<16xi1>, vector<16xi32>
      %parallel_loop3A_2344 = arith.select %parallel_loop3A_2340, %parallel_loop3A_2335, %parallel_loop3A_2272 : vector<16xi1>, vector<16xi32>
      %parallel_loop3A_2345 = arith.subf %parallel_loop3A_2278, %parallel_loop3A_2278 : vector<16xf32>
      %parallel_loop3A_2346 = math.exp %parallel_loop3A_2345 : vector<16xf32>
      %parallel_loop3A_2347 = arith.subf %parallel_loop3A_2287, %parallel_loop3A_2278 : vector<16xf32>
      %parallel_loop3A_2348 = math.exp %parallel_loop3A_2347 : vector<16xf32>
      %parallel_loop3A_2349 = arith.subf %parallel_loop3A_2296, %parallel_loop3A_2278 : vector<16xf32>
      %parallel_loop3A_2350 = math.exp %parallel_loop3A_2349 : vector<16xf32>
      %parallel_loop3A_2351 = arith.subf %parallel_loop3A_2305, %parallel_loop3A_2278 : vector<16xf32>
      %parallel_loop3A_2352 = math.exp %parallel_loop3A_2351 : vector<16xf32>
      %parallel_loop3A_2353 = arith.subf %parallel_loop3A_2314, %parallel_loop3A_2278 : vector<16xf32>
      %parallel_loop3A_2354 = math.exp %parallel_loop3A_2353 : vector<16xf32>
      %parallel_loop3A_2355 = arith.subf %parallel_loop3A_2323, %parallel_loop3A_2278 : vector<16xf32>
      %parallel_loop3A_2356 = math.exp %parallel_loop3A_2355 : vector<16xf32>
      %parallel_loop3A_2357 = arith.subf %parallel_loop3A_2332, %parallel_loop3A_2278 : vector<16xf32>
      %parallel_loop3A_2358 = math.exp %parallel_loop3A_2357 : vector<16xf32>
      %parallel_loop3A_2359 = arith.subf %parallel_loop3A_2341, %parallel_loop3A_2278 : vector<16xf32>
      %parallel_loop3A_2360 = math.exp %parallel_loop3A_2359 : vector<16xf32>
      %parallel_loop3A_2361 = arith.addf %parallel_loop3A_2346, %parallel_loop3A_2348 : vector<16xf32>
      %parallel_loop3A_2362 = arith.addf %parallel_loop3A_2361, %parallel_loop3A_2350 : vector<16xf32>
      %parallel_loop3A_2363 = arith.addf %parallel_loop3A_2362, %parallel_loop3A_2352 : vector<16xf32>
      %parallel_loop3A_2364 = arith.addf %parallel_loop3A_2363, %parallel_loop3A_2354 : vector<16xf32>
      %parallel_loop3A_2365 = arith.addf %parallel_loop3A_2364, %parallel_loop3A_2356 : vector<16xf32>
      %parallel_loop3A_2366 = arith.addf %parallel_loop3A_2365, %parallel_loop3A_2358 : vector<16xf32>
      %parallel_loop3A_2367 = arith.addf %parallel_loop3A_2366, %parallel_loop3A_2360 : vector<16xf32>
      %parallel_loop3A_2368 = arith.constant 1.000000e+00 : f32
      %parallel_loop3A_2369 = vector.broadcast %parallel_loop3A_2368 : f32 to vector<16xf32>
      %parallel_loop3A_2370 = arith.divf %parallel_loop3A_2369, %parallel_loop3A_2367 : vector<16xf32>
      %parallel_loop3A_2371 = arith.constant 8 : i32
      %parallel_loop3A_2372 = vector.broadcast %parallel_loop3A_2371 : i32 to vector<16xi32>
      %parallel_loop3A_2373 = arith.muli %parallel_loop3A_25, %parallel_loop3A_2372 : vector<16xi32>
      %parallel_loop3A_2374 = arith.mulf %parallel_loop3A_2346, %parallel_loop3A_2370 : vector<16xf32>
      %parallel_loop3A_2375 = arith.constant 0 : i32
      %parallel_loop3A_2376 = vector.broadcast %parallel_loop3A_2375 : i32 to vector<16xi32>
      %parallel_loop3A_2377 = arith.addi %parallel_loop3A_2373, %parallel_loop3A_2376 : vector<16xi32>
      tpu.vector_store_idx %arg7[%parallel_loop3A_2377], %parallel_loop3A_2374 : memref<8192xf32, #tpu.memory_space<vmem>>[vector<16xi32>], vector<16xf32>,
      %parallel_loop3A_2378 = arith.constant 0 : i32
      %parallel_loop3A_2379 = vector.broadcast %parallel_loop3A_2378 : i32 to vector<16xi32>
      %parallel_loop3A_2380 = arith.addi %parallel_loop3A_2373, %parallel_loop3A_2379 : vector<16xi32>
      tpu.vector_store_idx %arg8[%parallel_loop3A_2380], %parallel_loop3A_2280 : memref<8192xi32, #tpu.memory_space<vmem>>[vector<16xi32>], vector<16xi32>,
      %parallel_loop3A_2381 = arith.constant 16 : i32
      %parallel_loop3A_2382 = vector.broadcast %parallel_loop3A_2381 : i32 to vector<16xi32>
      %parallel_loop3A_2383 = arith.muli %parallel_loop3A_2280, %parallel_loop3A_2382 : vector<16xi32>
      %parallel_loop3A_2384 = arith.addi %parallel_loop3A_2383, %iota3A : vector<16xi32>
      tpu.vector_store_idx %arg9[%parallel_loop3A_2384], %parallel_loop3A_2374 {add = true} : memref<1024xf32, #tpu.memory_space<vmem>>[vector<16xi32>], vector<16xf32>,
      %parallel_loop3A_2385 = arith.mulf %parallel_loop3A_2348, %parallel_loop3A_2370 : vector<16xf32>
      %parallel_loop3A_2386 = arith.constant 1 : i32
      %parallel_loop3A_2387 = vector.broadcast %parallel_loop3A_2386 : i32 to vector<16xi32>
      %parallel_loop3A_2388 = arith.addi %parallel_loop3A_2373, %parallel_loop3A_2387 : vector<16xi32>
      tpu.vector_store_idx %arg7[%parallel_loop3A_2388], %parallel_loop3A_2385 : memref<8192xf32, #tpu.memory_space<vmem>>[vector<16xi32>], vector<16xf32>,
      %parallel_loop3A_2389 = arith.constant 1 : i32
      %parallel_loop3A_2390 = vector.broadcast %parallel_loop3A_2389 : i32 to vector<16xi32>
      %parallel_loop3A_2391 = arith.addi %parallel_loop3A_2373, %parallel_loop3A_2390 : vector<16xi32>
      tpu.vector_store_idx %arg8[%parallel_loop3A_2391], %parallel_loop3A_2289 : memref<8192xi32, #tpu.memory_space<vmem>>[vector<16xi32>], vector<16xi32>,
      %parallel_loop3A_2392 = arith.constant 16 : i32
      %parallel_loop3A_2393 = vector.broadcast %parallel_loop3A_2392 : i32 to vector<16xi32>
      %parallel_loop3A_2394 = arith.muli %parallel_loop3A_2289, %parallel_loop3A_2393 : vector<16xi32>
      %parallel_loop3A_2395 = arith.addi %parallel_loop3A_2394, %iota3A : vector<16xi32>
      tpu.vector_store_idx %arg9[%parallel_loop3A_2395], %parallel_loop3A_2385 {add = true} : memref<1024xf32, #tpu.memory_space<vmem>>[vector<16xi32>], vector<16xf32>,
      %parallel_loop3A_2396 = arith.mulf %parallel_loop3A_2350, %parallel_loop3A_2370 : vector<16xf32>
      %parallel_loop3A_2397 = arith.constant 2 : i32
      %parallel_loop3A_2398 = vector.broadcast %parallel_loop3A_2397 : i32 to vector<16xi32>
      %parallel_loop3A_2399 = arith.addi %parallel_loop3A_2373, %parallel_loop3A_2398 : vector<16xi32>
      tpu.vector_store_idx %arg7[%parallel_loop3A_2399], %parallel_loop3A_2396 : memref<8192xf32, #tpu.memory_space<vmem>>[vector<16xi32>], vector<16xf32>,
      %parallel_loop3A_2400 = arith.constant 2 : i32
      %parallel_loop3A_2401 = vector.broadcast %parallel_loop3A_2400 : i32 to vector<16xi32>
      %parallel_loop3A_2402 = arith.addi %parallel_loop3A_2373, %parallel_loop3A_2401 : vector<16xi32>
      tpu.vector_store_idx %arg8[%parallel_loop3A_2402], %parallel_loop3A_2298 : memref<8192xi32, #tpu.memory_space<vmem>>[vector<16xi32>], vector<16xi32>,
      %parallel_loop3A_2403 = arith.constant 16 : i32
      %parallel_loop3A_2404 = vector.broadcast %parallel_loop3A_2403 : i32 to vector<16xi32>
      %parallel_loop3A_2405 = arith.muli %parallel_loop3A_2298, %parallel_loop3A_2404 : vector<16xi32>
      %parallel_loop3A_2406 = arith.addi %parallel_loop3A_2405, %iota3A : vector<16xi32>
      tpu.vector_store_idx %arg9[%parallel_loop3A_2406], %parallel_loop3A_2396 {add = true} : memref<1024xf32, #tpu.memory_space<vmem>>[vector<16xi32>], vector<16xf32>,
      %parallel_loop3A_2407 = arith.mulf %parallel_loop3A_2352, %parallel_loop3A_2370 : vector<16xf32>
      %parallel_loop3A_2408 = arith.constant 3 : i32
      %parallel_loop3A_2409 = vector.broadcast %parallel_loop3A_2408 : i32 to vector<16xi32>
      %parallel_loop3A_2410 = arith.addi %parallel_loop3A_2373, %parallel_loop3A_2409 : vector<16xi32>
      tpu.vector_store_idx %arg7[%parallel_loop3A_2410], %parallel_loop3A_2407 : memref<8192xf32, #tpu.memory_space<vmem>>[vector<16xi32>], vector<16xf32>,
      %parallel_loop3A_2411 = arith.constant 3 : i32
      %parallel_loop3A_2412 = vector.broadcast %parallel_loop3A_2411 : i32 to vector<16xi32>
      %parallel_loop3A_2413 = arith.addi %parallel_loop3A_2373, %parallel_loop3A_2412 : vector<16xi32>
      tpu.vector_store_idx %arg8[%parallel_loop3A_2413], %parallel_loop3A_2307 : memref<8192xi32, #tpu.memory_space<vmem>>[vector<16xi32>], vector<16xi32>,
      %parallel_loop3A_2414 = arith.constant 16 : i32
      %parallel_loop3A_2415 = vector.broadcast %parallel_loop3A_2414 : i32 to vector<16xi32>
      %parallel_loop3A_2416 = arith.muli %parallel_loop3A_2307, %parallel_loop3A_2415 : vector<16xi32>
      %parallel_loop3A_2417 = arith.addi %parallel_loop3A_2416, %iota3A : vector<16xi32>
      tpu.vector_store_idx %arg9[%parallel_loop3A_2417], %parallel_loop3A_2407 {add = true} : memref<1024xf32, #tpu.memory_space<vmem>>[vector<16xi32>], vector<16xf32>,
      %parallel_loop3A_2418 = arith.mulf %parallel_loop3A_2354, %parallel_loop3A_2370 : vector<16xf32>
      %parallel_loop3A_2419 = arith.constant 4 : i32
      %parallel_loop3A_2420 = vector.broadcast %parallel_loop3A_2419 : i32 to vector<16xi32>
      %parallel_loop3A_2421 = arith.addi %parallel_loop3A_2373, %parallel_loop3A_2420 : vector<16xi32>
      tpu.vector_store_idx %arg7[%parallel_loop3A_2421], %parallel_loop3A_2418 : memref<8192xf32, #tpu.memory_space<vmem>>[vector<16xi32>], vector<16xf32>,
      %parallel_loop3A_2422 = arith.constant 4 : i32
      %parallel_loop3A_2423 = vector.broadcast %parallel_loop3A_2422 : i32 to vector<16xi32>
      %parallel_loop3A_2424 = arith.addi %parallel_loop3A_2373, %parallel_loop3A_2423 : vector<16xi32>
      tpu.vector_store_idx %arg8[%parallel_loop3A_2424], %parallel_loop3A_2316 : memref<8192xi32, #tpu.memory_space<vmem>>[vector<16xi32>], vector<16xi32>,
      %parallel_loop3A_2425 = arith.constant 16 : i32
      %parallel_loop3A_2426 = vector.broadcast %parallel_loop3A_2425 : i32 to vector<16xi32>
      %parallel_loop3A_2427 = arith.muli %parallel_loop3A_2316, %parallel_loop3A_2426 : vector<16xi32>
      %parallel_loop3A_2428 = arith.addi %parallel_loop3A_2427, %iota3A : vector<16xi32>
      tpu.vector_store_idx %arg9[%parallel_loop3A_2428], %parallel_loop3A_2418 {add = true} : memref<1024xf32, #tpu.memory_space<vmem>>[vector<16xi32>], vector<16xf32>,
      %parallel_loop3A_2429 = arith.mulf %parallel_loop3A_2356, %parallel_loop3A_2370 : vector<16xf32>
      %parallel_loop3A_2430 = arith.constant 5 : i32
      %parallel_loop3A_2431 = vector.broadcast %parallel_loop3A_2430 : i32 to vector<16xi32>
      %parallel_loop3A_2432 = arith.addi %parallel_loop3A_2373, %parallel_loop3A_2431 : vector<16xi32>
      tpu.vector_store_idx %arg7[%parallel_loop3A_2432], %parallel_loop3A_2429 : memref<8192xf32, #tpu.memory_space<vmem>>[vector<16xi32>], vector<16xf32>,
      %parallel_loop3A_2433 = arith.constant 5 : i32
      %parallel_loop3A_2434 = vector.broadcast %parallel_loop3A_2433 : i32 to vector<16xi32>
      %parallel_loop3A_2435 = arith.addi %parallel_loop3A_2373, %parallel_loop3A_2434 : vector<16xi32>
      tpu.vector_store_idx %arg8[%parallel_loop3A_2435], %parallel_loop3A_2325 : memref<8192xi32, #tpu.memory_space<vmem>>[vector<16xi32>], vector<16xi32>,
      %parallel_loop3A_2436 = arith.constant 16 : i32
      %parallel_loop3A_2437 = vector.broadcast %parallel_loop3A_2436 : i32 to vector<16xi32>
      %parallel_loop3A_2438 = arith.muli %parallel_loop3A_2325, %parallel_loop3A_2437 : vector<16xi32>
      %parallel_loop3A_2439 = arith.addi %parallel_loop3A_2438, %iota3A : vector<16xi32>
      tpu.vector_store_idx %arg9[%parallel_loop3A_2439], %parallel_loop3A_2429 {add = true} : memref<1024xf32, #tpu.memory_space<vmem>>[vector<16xi32>], vector<16xf32>,
      %parallel_loop3A_2440 = arith.mulf %parallel_loop3A_2358, %parallel_loop3A_2370 : vector<16xf32>
      %parallel_loop3A_2441 = arith.constant 6 : i32
      %parallel_loop3A_2442 = vector.broadcast %parallel_loop3A_2441 : i32 to vector<16xi32>
      %parallel_loop3A_2443 = arith.addi %parallel_loop3A_2373, %parallel_loop3A_2442 : vector<16xi32>
      tpu.vector_store_idx %arg7[%parallel_loop3A_2443], %parallel_loop3A_2440 : memref<8192xf32, #tpu.memory_space<vmem>>[vector<16xi32>], vector<16xf32>,
      %parallel_loop3A_2444 = arith.constant 6 : i32
      %parallel_loop3A_2445 = vector.broadcast %parallel_loop3A_2444 : i32 to vector<16xi32>
      %parallel_loop3A_2446 = arith.addi %parallel_loop3A_2373, %parallel_loop3A_2445 : vector<16xi32>
      tpu.vector_store_idx %arg8[%parallel_loop3A_2446], %parallel_loop3A_2334 : memref<8192xi32, #tpu.memory_space<vmem>>[vector<16xi32>], vector<16xi32>,
      %parallel_loop3A_2447 = arith.constant 16 : i32
      %parallel_loop3A_2448 = vector.broadcast %parallel_loop3A_2447 : i32 to vector<16xi32>
      %parallel_loop3A_2449 = arith.muli %parallel_loop3A_2334, %parallel_loop3A_2448 : vector<16xi32>
      %parallel_loop3A_2450 = arith.addi %parallel_loop3A_2449, %iota3A : vector<16xi32>
      tpu.vector_store_idx %arg9[%parallel_loop3A_2450], %parallel_loop3A_2440 {add = true} : memref<1024xf32, #tpu.memory_space<vmem>>[vector<16xi32>], vector<16xf32>,
      %parallel_loop3A_2451 = arith.mulf %parallel_loop3A_2360, %parallel_loop3A_2370 : vector<16xf32>
      %parallel_loop3A_2452 = arith.constant 7 : i32
      %parallel_loop3A_2453 = vector.broadcast %parallel_loop3A_2452 : i32 to vector<16xi32>
      %parallel_loop3A_2454 = arith.addi %parallel_loop3A_2373, %parallel_loop3A_2453 : vector<16xi32>
      tpu.vector_store_idx %arg7[%parallel_loop3A_2454], %parallel_loop3A_2451 : memref<8192xf32, #tpu.memory_space<vmem>>[vector<16xi32>], vector<16xf32>,
      %parallel_loop3A_2455 = arith.constant 7 : i32
      %parallel_loop3A_2456 = vector.broadcast %parallel_loop3A_2455 : i32 to vector<16xi32>
      %parallel_loop3A_2457 = arith.addi %parallel_loop3A_2373, %parallel_loop3A_2456 : vector<16xi32>
      tpu.vector_store_idx %arg8[%parallel_loop3A_2457], %parallel_loop3A_2343 : memref<8192xi32, #tpu.memory_space<vmem>>[vector<16xi32>], vector<16xi32>,
      %parallel_loop3A_2458 = arith.constant 16 : i32
      %parallel_loop3A_2459 = vector.broadcast %parallel_loop3A_2458 : i32 to vector<16xi32>
      %parallel_loop3A_2460 = arith.muli %parallel_loop3A_2343, %parallel_loop3A_2459 : vector<16xi32>
      %parallel_loop3A_2461 = arith.addi %parallel_loop3A_2460, %iota3A : vector<16xi32>
      tpu.vector_store_idx %arg9[%parallel_loop3A_2461], %parallel_loop3A_2451 {add = true} : memref<1024xf32, #tpu.memory_space<vmem>>[vector<16xi32>], vector<16xf32>,
    } {sc.loop_unroll_factor = 1 : i64, sc.parallel_access}
    %mul3A_13 = arith.constant 1024 : i32
    %mul3A_14 = arith.muli %add3A, %mul3A_13 : i32
    %mul3A_15 = arith.constant 8 : i32
    %mul3A_16 = arith.muli %mul3A_14, %mul3A_15 : i32
    "tpu.region"() ({
      %run_scoped3A = tpu.sem_alloc : memref<!tpu.dma_semaphore, #tpu.memory_space<semaphore_mem>>
      %dma_start3A = tpu.memref_slice %arg3[%mul3A_16] : memref<262144xf32, #tpu.memory_space<hbm>> -> memref<8192xf32, #tpu.memory_space<hbm>>
      %dma_start3A_21 = tpu.memref_slice %arg3[%mul3A_16] : memref<262144xf32, #tpu.memory_space<hbm>> -> memref<8192xf32, #tpu.memory_space<hbm>>
      tpu.enqueue_dma source(%arg7 : memref<8192xf32, #tpu.memory_space<vmem>>) target(%dma_start3A_21 : memref<8192xf32, #tpu.memory_space<hbm>>) target_semaphore(%run_scoped3A : memref<!tpu.dma_semaphore, #tpu.memory_space<semaphore_mem>>)
      %dma_wait3A = tpu.memref_slice %arg3[%mul3A_16] : memref<262144xf32, #tpu.memory_space<hbm>> -> memref<8192xf32, #tpu.memory_space<hbm>>
      %dma_wait3A_22 = tpu.memref_slice %arg3[%mul3A_16] : memref<262144xf32, #tpu.memory_space<hbm>> -> memref<8192xf32, #tpu.memory_space<hbm>>
      tpu.wait_dma2 semaphore(%run_scoped3A : memref<!tpu.dma_semaphore, #tpu.memory_space<semaphore_mem>>) src(%arg7 : memref<8192xf32, #tpu.memory_space<vmem>>) dst(%dma_wait3A_22 : memref<8192xf32, #tpu.memory_space<hbm>>)
      tpu.yield
    }) : () -> ()
    %mul3A_17 = arith.constant 1024 : i32
    %mul3A_18 = arith.muli %add3A, %mul3A_17 : i32
    %mul3A_19 = arith.constant 8 : i32
    %mul3A_20 = arith.muli %mul3A_18, %mul3A_19 : i32
    "tpu.region"() ({
      %run_scoped3A = tpu.sem_alloc : memref<!tpu.dma_semaphore, #tpu.memory_space<semaphore_mem>>
      %dma_start3A = tpu.memref_slice %arg4[%mul3A_20] : memref<262144xi32, #tpu.memory_space<hbm>> -> memref<8192xi32, #tpu.memory_space<hbm>>
      %dma_start3A_21 = tpu.memref_slice %arg4[%mul3A_20] : memref<262144xi32, #tpu.memory_space<hbm>> -> memref<8192xi32, #tpu.memory_space<hbm>>
      tpu.enqueue_dma source(%arg8 : memref<8192xi32, #tpu.memory_space<vmem>>) target(%dma_start3A_21 : memref<8192xi32, #tpu.memory_space<hbm>>) target_semaphore(%run_scoped3A : memref<!tpu.dma_semaphore, #tpu.memory_space<semaphore_mem>>)
      %dma_wait3A = tpu.memref_slice %arg4[%mul3A_20] : memref<262144xi32, #tpu.memory_space<hbm>> -> memref<8192xi32, #tpu.memory_space<hbm>>
      %dma_wait3A_22 = tpu.memref_slice %arg4[%mul3A_20] : memref<262144xi32, #tpu.memory_space<hbm>> -> memref<8192xi32, #tpu.memory_space<hbm>>
      tpu.wait_dma2 semaphore(%run_scoped3A : memref<!tpu.dma_semaphore, #tpu.memory_space<semaphore_mem>>) src(%arg8 : memref<8192xi32, #tpu.memory_space<vmem>>) dst(%dma_wait3A_22 : memref<8192xi32, #tpu.memory_space<hbm>>)
      tpu.yield
    }) : () -> ()
    "tpu.region"() ({
      %run_scoped3A = tpu.sem_alloc : memref<!tpu.dma_semaphore, #tpu.memory_space<semaphore_mem>>
      %dma_start3A = arith.constant 0 : i32
      %dma_start3A_21 = tpu.memref_slice %arg5[%add3A, %dma_start3A] : memref<32x1024xf32, #tpu.memory_space<hbm>> -> memref<1x1024xf32, #tpu.memory_space<hbm>>
      %dma_start3A_22 = tpu.memref_squeeze %dma_start3A_21 : memref<1x1024xf32, #tpu.memory_space<hbm>> -> memref<1024xf32, #tpu.memory_space<hbm>>
      %dma_start3A_23 = arith.constant 0 : i32
      %dma_start3A_24 = tpu.memref_slice %arg5[%add3A, %dma_start3A_23] : memref<32x1024xf32, #tpu.memory_space<hbm>> -> memref<1x1024xf32, #tpu.memory_space<hbm>>
      %dma_start3A_25 = tpu.memref_squeeze %dma_start3A_24 : memref<1x1024xf32, #tpu.memory_space<hbm>> -> memref<1024xf32, #tpu.memory_space<hbm>>
      tpu.enqueue_dma source(%arg9 : memref<1024xf32, #tpu.memory_space<vmem>>) target(%dma_start3A_25 : memref<1024xf32, #tpu.memory_space<hbm>>) target_semaphore(%run_scoped3A : memref<!tpu.dma_semaphore, #tpu.memory_space<semaphore_mem>>)
      %dma_wait3A = arith.constant 0 : i32
      %dma_wait3A_26 = tpu.memref_slice %arg5[%add3A, %dma_wait3A] : memref<32x1024xf32, #tpu.memory_space<hbm>> -> memref<1x1024xf32, #tpu.memory_space<hbm>>
      %dma_wait3A_27 = tpu.memref_squeeze %dma_wait3A_26 : memref<1x1024xf32, #tpu.memory_space<hbm>> -> memref<1024xf32, #tpu.memory_space<hbm>>
      %dma_wait3A_28 = arith.constant 0 : i32
      %dma_wait3A_29 = tpu.memref_slice %arg5[%add3A, %dma_wait3A_28] : memref<32x1024xf32, #tpu.memory_space<hbm>> -> memref<1x1024xf32, #tpu.memory_space<hbm>>
      %dma_wait3A_30 = tpu.memref_squeeze %dma_wait3A_29 : memref<1x1024xf32, #tpu.memory_space<hbm>> -> memref<1024xf32, #tpu.memory_space<hbm>>
      tpu.wait_dma2 semaphore(%run_scoped3A : memref<!tpu.dma_semaphore, #tpu.memory_space<semaphore_mem>>) src(%arg9 : memref<1024xf32, #tpu.memory_space<vmem>>) dst(%dma_wait3A_30 : memref<1024xf32, #tpu.memory_space<hbm>>)
      tpu.yield
    }) : () -> ()
    return
  }
}

module attributes {stable_mosaic.version = 14 : i64} {
  func.func @_tc_body(%arg0: i32, %arg1: memref<4096x768xf32, #tpu.memory_space<vmem>>, %arg2: memref<64x768xf32, #tpu.memory_space<vmem>>, %arg3: memref<64x1xf32, #tpu.memory_space<vmem>>, %arg4: memref<4x64x1024xf32, #tpu.memory_space<vmem>>) attributes {dimension_semantics = [#tpu.dimension_semantics<arbitrary>], iteration_bounds = array<i64: 8>, scalar_prefetch = 0 : i64, scratch_operands = 0 : i64, tpu.core_type = #tpu.core_type<tc>, window_params = [{transform_indices = @transform_0, window_bounds = array<i64: 4096, 768>}, {pipeline_mode = #tpu.pipeline_mode<synchronous>, transform_indices = @transform_1, window_bounds = array<i64: 64, 768>}, {pipeline_mode = #tpu.pipeline_mode<synchronous>, transform_indices = @transform_2, window_bounds = array<i64: 64, 1>}, {transform_indices = @transform_3, window_bounds = array<i64: 4, 64, 1024>}]} {
    %get3A = arith.constant 0 : index
    %get3A_0 = arith.constant 0 : index
    %get3A_1 = vector.load %arg2[%get3A, %get3A_0] : memref<64x768xf32, #tpu.memory_space<vmem>>, vector<64x768xf32>
    %get3A_2 = arith.constant 0 : index
    %get3A_3 = arith.constant 0 : index
    %get3A_4 = vector.load %arg1[%get3A_2, %get3A_3] : memref<4096x768xf32, #tpu.memory_space<vmem>>, vector<4096x768xf32>
    %dot_general3A = arith.constant dense<0.000000e+00> : vector<64x4096xf32>
    %dot_general3A_5 = tpu.matmul %get3A_1, %get3A_4, %dot_general3A {dimension_numbers = #tpu.dot_dimension_numbers<[1], [1], [0], [0], [0, 0, 1, 0], [], []>, transpose_lhs_hint = false} : vector<64x768xf32>, vector<4096x768xf32>, vector<64x4096xf32> -> vector<64x4096xf32>
    %get3A_6 = arith.constant 0 : index
    %get3A_7 = arith.constant 0 : index
    %get3A_8 = vector.load %arg3[%get3A_6, %get3A_7] : memref<64x1xf32, #tpu.memory_space<vmem>>, vector<64x1xf32>
    %add3A = vector.broadcast %get3A_8 : vector<64x1xf32> to vector<64x4096xf32>
    %add3A_9 = arith.addf %dot_general3A_5, %add3A : vector<64x4096xf32>
    %slice3A = vector.extract_strided_slice %add3A_9 {offsets = [0, 0], sizes = [64, 1024], strides = [1, 1]} : vector<64x4096xf32> to vector<64x1024xf32>
    %swap3A = arith.constant 0 : index
    %swap3A_10 = arith.constant 0 : index
    %swap3A_11 = arith.constant 0 : index
    %swap3A_12 = vector.load %arg4[%swap3A, %swap3A_10, %swap3A_11] : memref<4x64x1024xf32, #tpu.memory_space<vmem>>, vector<1x64x1024xf32>
    %swap3A_13 = vector.shape_cast %swap3A_12 : vector<1x64x1024xf32> to vector<64x1024xf32>
    %swap3A_14 = vector.shape_cast %slice3A : vector<64x1024xf32> to vector<1x64x1024xf32>
    tpu.vector_store %arg4[%swap3A, %swap3A_10, %swap3A_11], %swap3A_14 {strides = array<i32>} : memref<4x64x1024xf32, #tpu.memory_space<vmem>>, vector<1x64x1024xf32>,
    %slice3A_15 = vector.extract_strided_slice %add3A_9 {offsets = [0, 1024], sizes = [64, 1024], strides = [1, 1]} : vector<64x4096xf32> to vector<64x1024xf32>
    %swap3A_16 = arith.constant 1 : index
    %swap3A_17 = arith.constant 0 : index
    %swap3A_18 = arith.constant 0 : index
    %swap3A_19 = vector.load %arg4[%swap3A_16, %swap3A_17, %swap3A_18] : memref<4x64x1024xf32, #tpu.memory_space<vmem>>, vector<1x64x1024xf32>
    %swap3A_20 = vector.shape_cast %swap3A_19 : vector<1x64x1024xf32> to vector<64x1024xf32>
    %swap3A_21 = vector.shape_cast %slice3A_15 : vector<64x1024xf32> to vector<1x64x1024xf32>
    tpu.vector_store %arg4[%swap3A_16, %swap3A_17, %swap3A_18], %swap3A_21 {strides = array<i32>} : memref<4x64x1024xf32, #tpu.memory_space<vmem>>, vector<1x64x1024xf32>,
    %slice3A_22 = vector.extract_strided_slice %add3A_9 {offsets = [0, 2048], sizes = [64, 1024], strides = [1, 1]} : vector<64x4096xf32> to vector<64x1024xf32>
    %swap3A_23 = arith.constant 2 : index
    %swap3A_24 = arith.constant 0 : index
    %swap3A_25 = arith.constant 0 : index
    %swap3A_26 = vector.load %arg4[%swap3A_23, %swap3A_24, %swap3A_25] : memref<4x64x1024xf32, #tpu.memory_space<vmem>>, vector<1x64x1024xf32>
    %swap3A_27 = vector.shape_cast %swap3A_26 : vector<1x64x1024xf32> to vector<64x1024xf32>
    %swap3A_28 = vector.shape_cast %slice3A_22 : vector<64x1024xf32> to vector<1x64x1024xf32>
    tpu.vector_store %arg4[%swap3A_23, %swap3A_24, %swap3A_25], %swap3A_28 {strides = array<i32>} : memref<4x64x1024xf32, #tpu.memory_space<vmem>>, vector<1x64x1024xf32>,
    %slice3A_29 = vector.extract_strided_slice %add3A_9 {offsets = [0, 3072], sizes = [64, 1024], strides = [1, 1]} : vector<64x4096xf32> to vector<64x1024xf32>
    %swap3A_30 = arith.constant 3 : index
    %swap3A_31 = arith.constant 0 : index
    %swap3A_32 = arith.constant 0 : index
    %swap3A_33 = vector.load %arg4[%swap3A_30, %swap3A_31, %swap3A_32] : memref<4x64x1024xf32, #tpu.memory_space<vmem>>, vector<1x64x1024xf32>
    %swap3A_34 = vector.shape_cast %swap3A_33 : vector<1x64x1024xf32> to vector<64x1024xf32>
    %swap3A_35 = vector.shape_cast %slice3A_29 : vector<64x1024xf32> to vector<1x64x1024xf32>
    tpu.vector_store %arg4[%swap3A_30, %swap3A_31, %swap3A_32], %swap3A_35 {strides = array<i32>} : memref<4x64x1024xf32, #tpu.memory_space<vmem>>, vector<1x64x1024xf32>,
    return
  }
  func.func @transform_0(%arg0: i32) -> (i32, i32) {
    %c0_i32 = arith.constant 0 : i32
    %c0_i32_0 = arith.constant 0 : i32
    return %arg0, %c0_i32 : i32, i32
  }
  func.func @transform_1(%arg0: i32) -> (i32, i32) {
    %c0_i32 = arith.constant 0 : i32
    %c0_i32_0 = arith.constant 0 : i32
    %c0_i32_1 = arith.constant 0 : i32
    return %c0_i32, %c0_i32_0 : i32, i32
  }
  func.func @transform_2(%arg0: i32) -> (i32, i32) {
    %c0_i32 = arith.constant 0 : i32
    %c0_i32_0 = arith.constant 0 : i32
    %c0_i32_1 = arith.constant 0 : i32
    return %c0_i32, %c0_i32_0 : i32, i32
  }
  func.func @transform_3(%arg0: i32) -> (i32, i32, i32) {
    %c0_i32 = arith.constant 0 : i32
    %c0_i32_0 = arith.constant 0 : i32
    %c0_i32_1 = arith.constant 0 : i32
    return %arg0, %c0_i32, %c0_i32_0 : i32, i32, i32
  }
}

</mosaic_0001>

<sc_bundles>
// kernel: kernel.4.cloned.1.call-start
scs
__scs_entry_jumppad:
0x0: {  	(pc) =	sbr.rel $0x88, $3  }
0x1: {  	(tag) =	ssettag $0x0;
	lr =	simm.s32 $0x1  }
0x2: {  	[smem:$0x3F9C] =	sst lr;
	_ =	strace $0xD0000000  }
0x3: {  	_ = 	snop  }
0x4: {  	_ = 	snop  }
0x5: {  	_ = 	snop  }
0x6: {  	_ = 	snop  }
0x7: {  	_ = 	snop  }
__scs_overlays_trampoline_lowered:
0x8: {  	[smem:$0x3FAB] =	sst s0  }
0x9: {  	[smem:$0x3FAC] =	sst s1  }
0xa: {  	[smem:$0x3FAD] =	sst s2  }
0xb: {  	[smem:$0x3FAE] =	sst s3  }
0xc: {  	[smem:$0x3FAF] =	sst s4  }
0xd: {  	[smem:$0x3FB0] =	sst s5  }
0xe: {  	[smem:$0x3FB1] =	sst s6  }
0xf: {  	[smem:$0x3FB2] =	sst s7  }
0x10: {  	[smem:$0x3FB3] =	sst s8  }
0x11: {  	[smem:$0x3FB4] =	sst s9;
	s0 =	simm.s32 @!p0 $0x0  }
0x12: {  	s1 =	sld [smem:$0x3F9A];
	s0 =	simm.s32 @p0 $0x1  }
0x13: {  	[smem:$0x3FB5] =	sst s0;
	s0 =	simm.s32 @!p1 $0x0  }
0x14: {  	s2 =	sld [smem:$0x3F99];
	s0 =	simm.s32 @p1 $0x1  }
0x15: {  	[smem:$0x3FB6] =	sst s0;
	s0 =	simm.s32 @!p2 $0x0  }
0x16: {  	s3 =	sld [smem:$0x3FDB];
	s0 =	simm.s32 @p2 $0x1  }
0x17: {  	s4 =	simm.s32 $0x1BF5;
	[smem:$0x3FB8] =	sst s0  }
0x18: {  	s0 =	sld [smem:$0x3F9B];
	_ =	swait.ge [sflag:s4], $0x0  }
0x19: {  	s7 =	sld [smem:$0x3F9C]  }
0x1a: {  	s8 =	sadd.s32 $0xFFFFE003, lr  }
0x1b: {  	s9 =	sadd.s32 $0xFFFFFEF7, lr;
	s5 =	simm.s32 $0xFFFFFFFF;
	p2 =	slt.u32 s8, $0xFFFFF086  }
0x1c: {  	p1 =	slt.u32 s9, $0xF7A;
	s5 =	simm.s32 @!p2 $0x0  }
0x1d: {  	s5 =	simm.s32 @p1 $0x1;
	p0 =	seq.s32 s7, s2  }
0x1e: {  	s7 =	smul.u32 @!p0 $0xF7A, s2;
	p2 =	seq.s32 @!p0 s5, $0x0  }
0x1f: {  	s9 =	smul.u32 $0xF7A, s1;
	s8 =	simm.s32 @!p0 $0x1BF5;
	p2 =	por !p2, p0  }
0x20: {  	[sflag:s8] =	ssyncset.s32 @!p0 $0xFFFFF086;
	s6 =	sadd.s32 @!p0 s3, s7;
	s7 =	simm.s32 @!p0 $0x108  }
0x21: {  	s3 =	sadd.s32 s3, s9;
	s6 =	sadd.s32 @!p0 $0x88, s6;
	s7 =	simm.s32 @p2 $0x1082  }
0x22: {  	[simem:s7], [sflag:s8] =	dma.local @!p0 [hbm:s6], $0xF7A  }
0x23: {  	s9 =	sor.u32 $0xD0000000, s2;
	s6 =	simm.s32 $0x108;
	_ =	swait.ge @!p0 [sflag:s8], $0x0  }
0x24: {  	s3 =	sadd.s32 $0x88, s3;
	s6 =	simm.s32 @!p1 $0x1082;
	[sflag:s4] =	ssyncset.s32 $0xFFFFF086  }
0x25: {  	[simem:s6], [sflag:s4] =	dma.local [hbm:s3], $0xF7A  }
0x26: {  	[smem:$0x3F9C] =	sst s1;
	(tag) =	ssettag s2;
	_ =	strace s9  }
0x27: {  	s1 =	sld [smem:$0x3FAC]  }
0x28: {  	s2 =	sld [smem:$0x3FAD]  }
0x29: {  	s4 =	sld [smem:$0x3FAF]  }
0x2a: {  	p0 =	seq.s32 s5, $0x0;
	s5 =	sld [smem:$0x3FB0]  }
0x2b: {  	s6 =	sld [smem:$0x3FB1]  }
0x2c: {  	s7 =	sld [smem:$0x3FB2]  }
0x2d: {  	s3 =	simm.s32 $0x108;
	s8 =	sld [smem:$0x3FB3]  }
0x2e: {  	s3 =	simm.s32 @!p0 $0x1082;
	s9 =	sld [smem:$0x3FB4]  }
0x2f: {  	lr =	sadd.s32 s0, s3;
	s0 =	sld [smem:$0x3FAB]  }
0x30: {  	s3 =	sld [smem:$0x3FAE]  }
0x31: {  	[smem:$0x3FB7] =	sst s10  }
0x32: {  	s10 =	sld [smem:$0x3FB5];
	_ =	sdelay $0x3  }
0x33: {  	p0 =	seq.s32 s10, $0x1;
	s10 =	sld [smem:$0x3FB7];
	_ =	sdelay $0x3  }
0x34: {  	[smem:$0x3FB7] =	sst s10  }
0x35: {  	s10 =	sld [smem:$0x3FB6];
	_ =	sdelay $0x3  }
0x36: {  	p1 =	seq.s32 s10, $0x1;
	s10 =	sld [smem:$0x3FB7];
	_ =	sdelay $0x3  }
0x37: {  	[smem:$0x3FB7] =	sst s10  }
0x38: {  	s10 =	sld [smem:$0x3FB8]  }
0x39: {  	_ = 	snop;
	(pc) =	sbr.ind lr, $3  }
0x3a: {  	_ = 	snop  }
0x3b: {  	_ = 	snop  }
0x3c: {  	p2 =	seq.s32 s10, $0x1;
	s10 =	sld [smem:$0x3FB7]  }
0x3d: {  	_ =	shalt  }
0x3e: {  	_ =	shalt  }
0x3f: {  	_ =	shalt  }
0x40: {  	_ =	shalt  }
0x41: {  	_ =	shalt  }
0x42: {  	_ =	shalt  }
0x43: {  	_ =	shalt  }
0x44: {  	_ =	shalt  }
0x45: {  	_ =	shalt  }
0x46: {  	_ =	shalt  }
0x47: {  	_ =	shalt  }
0x48: {  	_ =	shalt  }
0x49: {  	_ =	shalt  }
0x4a: {  	_ =	shalt  }
0x4b: {  	_ =	shalt  }
0x4c: {  	_ =	shalt  }
0x4d: {  	_ =	shalt  }
0x4e: {  	_ =	shalt  }
0x4f: {  	_ =	shalt  }
0x50: {  	_ =	shalt  }
0x51: {  	_ =	shalt  }
0x52: {  	_ =	shalt  }
0x53: {  	_ =	shalt  }
0x54: {  	_ =	shalt  }
0x55: {  	_ =	shalt  }
0x56: {  	_ =	shalt  }
0x57: {  	_ =	shalt  }
0x58: {  	_ =	shalt  }
0x59: {  	_ =	shalt  }
0x5a: {  	_ =	shalt  }
0x5b: {  	_ =	shalt  }
0x5c: {  	_ =	shalt  }
0x5d: {  	_ =	shalt  }
0x5e: {  	_ =	shalt  }
0x5f: {  	_ =	shalt  }
0x60: {  	_ =	shalt  }
0x61: {  	_ =	shalt  }
0x62: {  	_ =	shalt  }
0x63: {  	_ =	shalt  }
0x64: {  	_ =	shalt  }
0x65: {  	_ =	shalt  }
0x66: {  	_ =	shalt  }
0x67: {  	_ =	shalt  }
0x68: {  	_ =	shalt  }
0x69: {  	_ =	shalt  }
0x6a: {  	_ =	shalt  }
0x6b: {  	_ =	shalt  }
0x6c: {  	_ =	shalt  }
0x6d: {  	_ =	shalt  }
0x6e: {  	_ =	shalt  }
0x6f: {  	_ =	shalt  }
0x70: {  	_ =	shalt  }
0x71: {  	_ =	shalt  }
0x72: {  	_ =	shalt  }
0x73: {  	_ =	shalt  }
0x74: {  	_ =	shalt  }
0x75: {  	_ =	shalt  }
0x76: {  	_ =	shalt  }
0x77: {  	_ =	shalt  }
0x78: {  	_ =	shalt  }
0x79: {  	_ =	shalt  }
0x7a: {  	_ =	shalt  }
0x7b: {  	_ =	shalt  }
0x7c: {  	_ =	shalt  }
0x7d: {  	_ =	shalt  }
0x7e: {  	_ =	shalt  }
0x7f: {  	_ =	shalt  }
0x80: {  	_ =	shalt  }
0x81: {  	_ =	shalt  }
0x82: {  	_ =	shalt  }
0x83: {  	_ =	shalt  }
0x84: {  	_ =	shalt  }
0x85: {  	_ =	shalt  }
0x86: {  	_ =	shalt  }
0x87: {  	_ =	shalt  }
.Lfunc_end0:
.L_simem_size_0:
called_computation_lowered:
.L_overlay_start_0:
0x88: {  	s2 =	sld [smem:$0x3FD9]  }
0x89: {  	s3 =	sld [smem:$0x3FFE];
	_ =	sdelay $0x1  }
0x8a: {  	s1 =	srdreg.scid  }
0x8b: {  	s0 =	sand.u32 $0x1, s1  }
0x8c: {  	s14 =	sshll.u32 s0, $0xA;
	s2 =	sadd.s32 s3, s2  }
0x8d: {  	s2 =	sadd.s32 s2, s14  }
0x8e: {  	[smem:$0x3FC3] =	sst s2  }
0x8f: {  	_ = 	snop  }
0x90: {  	s2 =	sld [smem:$0x3FD0];
	_ =	sdelay $0x2  }
0x91: {  	s15 =	simm.s32 $0xA;
	s4 =	simm.s32 $0x10  }
0x92: {  	[smem:s4], [sflag:s15] =	dma.local [hbm:s2], $0x1  }
0x93: {  	_ =	swait.eq [sflag:s15], $0x1  }
0x94: {  	[sflag:s15] =	ssyncset.done $0x0  }
0x95: {  	s16 =	sld [smem:$0x10];
	[sflag:s15] =	ssyncadd.s32 $0xFFFFFFFF  }
0x96: {  	s17 =	sld [smem:$0x11];
	(tm) =	ssettm $0x1  }
0x97: {  	s18 =	sld [smem:$0x3FFB];
	_ =	sdelay $0x3  }
0x98: {  	_ =	strace s18  }
0x99: {  	s4 =	sld [smem:$0x3FFC];
	_ =	sdelay $0x3  }
0x9a: {  	_ =	strace s4  }
0x9b: {  	s4 =	sld [smem:$0x3FFD];
	_ =	sdelay $0x3  }
0x9c: {  	_ =	strace s4  }
0x9d: {  	_ =	strace $0x8FFFFFFF  }
0x9e: {  	s19 =	sld [smem:$0x3FDB];
	_ =	sdelay $0x1  }
0x9f: {  	s5 =	simm.s32 $_scs_section_size  }
0xa0: {  	s6 =	simm.s32 $_size__tile_overlayer_lowered;
	s7 =	simm.s32 $_tile_overlayer_lowered  }
0xa1: {  	s22 =	simm.s32 $0x1BFF;
	s21 =	sshll.u32 s7, $0x1;
	s4 =	sadd.s32 s5, s19  }
0xa2: {  	s8 =	simm.s32 $0x0;
	s20 =	sshll.u32 s6, $0x1;
	s6 =	sadd.s32 s21, s4  }
0xa3: {  	[timem:s8], [sflag:s22] =	dma.local [hbm:s6], s20  }
0xa4: {  	_ =	swait.ge [sflag:s22], s20  }
0xa5: {  	s5 =	ssub.s32 $0x0, s20;
	[sflag:s22] =	ssyncset.done $0x0  }
0xa6: {  	[sflag:s22] =	ssyncadd.s32 s5;
	_ =	sdelay $0x1  }
0xa7: {  	s23 =	simm.s32 $0x1B8B  }
0xa8: {  	_ =	swait.ge [sflag:s23], $0x1  }
0xa9: {  	[sflag:s23] =	ssyncset.done $0x0  }
0xaa: {  	s25 =	simm.s32 $0x1B8E;
	s24 =	sld [smem:$0x3FFE];
	[sflag:s23] =	ssyncadd.s32 $0xFFFFFFFF  }
0xab: {  	s26 =	simm.s32 $execute0_lowered;
	[smem:$0x3FD2] =	sst s25  }
0xac: {  	s6 =	sshll.u32 s26, $0x1;
	_ =	strace $0x80000046;
	[dreg:$0x1] =	wrdreg $0xFFFFFFFF  }
0xad: {  	s28 =	simm.s32 $_size_execute0_lowered;
	s4 =	sadd.s32 s4, s6;
	[dreg:$0x0] =	wrdreg $0x0  }
0xae: {  	s6 =	sshll.u32 s28, $0x1;
	[dreg:$0x2] =	wrdreg s4  }
0xaf: {  	[dreg:$0x3] =	wrdreg s6  }
0xb0: {  	[dreg:$0x4] =	wrdreg $0xC0  }
0xb1: {  	_ =	task [dreg:s8], $0x5FFFF  }
0xb2: {  	[dreg:$0x1] =	wrdreg $0xFFFFFFFF  }
0xb3: {  	[dreg:$0x0] =	wrdreg $0x60  }
0xb4: {  	[dreg:$0x2] =	wrdreg s24  }
0xb5: {  	[dreg:$0x3] =	wrdreg s16  }
0xb6: {  	[dreg:$0x4] =	wrdreg s17  }
0xb7: {  	[dreg:$0x5] =	wrdreg $0x9  }
0xb8: {  	_ =	task.clear_ibuf [dreg:s8], $0x6FFFF;
	_ =	strace $0x90000046  }
0xb9: {  	s29 =	simm.s32 $0x9;
	_ =	strace $0x80000048  }
0xba: {  	_ =	swait.ge [sflag:s29], $0x1  }
0xbb: {  	[sflag:s29] =	ssyncadd.s32 $0xFFFFFFFF  }
0xbc: {  	_ =	strace $0x90000048  }
0xbd: {  	_ =	sfence  }
0xbe: {  	s30 =	sld [smem:$0x0];
	_ =	sdelay $0x2  }
0xbf: {  	s31 =	sshll.u32 s1, $0xD;
	s1 =	sshrl.u32 s1, $0x2  }
0xc0: {  	s3 =	sand.u32 $0x4000, s31;
	s1 =	sadd.s32 s1, s30  }
0xc1: {  	s0 =	sor.u32 s3, s0;
	s1 =	sshll.u32 s1, $0x11  }
0xc2: {  	s0 =	sor.u32 s1, s0  }
0xc3: {  	s0 =	sadd.s32 $0x8F2B, s0  }
0xc4: {  	[sflag:s0] =	ssyncadd.remote.s32 $0x1  }
0xc5: {  	_ =	sfence.sel $0xFFFF  }
0xc6: {  	[dreg:$0x0] =	wrdreg $0xFFFFFFFF;
	(pc) =	sbr.abs _section_cstart, $3  }
0xc7: {  	[dreg:$0x1] =	wrdreg $0xFFFFFFFF  }
0xc8: {  	_ =	task.clear_ibuf [dreg:s8], $0x2FFFF;
	_ =	strace $0x9FFFFFFF  }
0xc9: {  	(tm) =	ssettm $0x7FFFFFFF  }
tec
execute0_lowered:
.L_overlay_start_1:
0x0: {  	(tag) =	ssettag $0x1  }
0x1: {  	s3 =	rddreg [dreg:$0x0]  }
0x2: {  	s4 =	rddreg [dreg:$0x1];
	s1 =	srdreg.scid  }
0x3: {  	s0 =	stileid.u32;
	s5 =	rddreg [dreg:$0x2]  }
0x4: {  	s11 =	simm.s32 $0x12000;
	s12 =	simm.s32 $0x80;
	s13 =	simm.s32 $0x400  }
0x5: {  	s14 =	simm.s32 $0x0;
	s6 =	sand.u32 $0x1, s1;
	s2 =	sshll.u32 s0, $0x1  }
0x6: {  	s1 =	rddreg [dreg:$0x3];
	s7 =	sor.u32 s6, s2;
	s2 =	simm.s32 $0x0  }
0x7: {  	s6 =	ssub.s32 $0x2, s6;
	s8 =	sshll.u32 s7, $0xA;
	s9 =	sshll.u32 s7, $0x7  }
0x8: {  	[smem:$0x7FF] =	sst s2;
	s7 =	sshll.u32 s7, $0xD;
	s10 =	sshrl.u32 s6, $0x1  }
0x9: {  	s9 =	sor.u32 s9, s8;
	_ =	strace $0x80000047;
	s7 =	sadd.s32 s7, s3  }
0xa: {  	s10 =	ssub.s32 s6, s10;
	s4 =	sadd.s32 s4, s8;
	s9 =	sand.u32 $0x6380, s9  }
0xb: {  	s5 =	sadd.s32 s5, s8;
	s8 =	simm.s32 $0x1;
	s9 =	sshrl.u32 s9, $0x3  }
0xc: {  	s9 =	sadd.s32 s9, s3;
	s3 =	sadd.s32 $0x600, s7;
	s7 =	smax.u32 s10, $0x1  }
0xd: {  	v0 =	vlaneseq.u32;
	v1 =	vimm.f32 $0.0e+00;
	s10 =	simm.s32 $0x10000;
	s6 =	sadd.s32 $0x40600, s9;
	s9 =	simm.s32 $0x14000  }
.LBB2_1:
0xe: {  	[tilespmem:s2], [sflag:$0x1] =	stream.linear.gather [hbm4b:s3+s2], $0x10000, $0x38;
	[tilespmem:$0x14400] =	vst v63  }
0xf: {  	_ =	swait.ge [sflag:s8], $0x10000  }
0x10: {  	[sflag:s8] =	ssyncset.done $0x0  }
0x11: {  	s15 =	simm.s32 $0x0;
	[sflag:s8] =	ssyncadd.s32 $0xFFFF0000  }
.LBB2_2:
0x12: {  	v2 =	vor.u32 s15, v0;
	p0 =	sne.s32 s15, $0x3F0  }
.Ltmp0:
0x13: {  	_ = 	snop;
	(pc) =	sbr.rel @p0 .LBB2_2-.Ltmp0, $2  }
0x14: {  	_ =	sdelay $0x2  }
0x15: {  	s15 =	sadd.s32 $0x10, s15;
	[tilespmem:v2+s9+$0x0] =	vst.idx.msk $0xffff, v1  }
0x16: {  	s15 =	simm.s32 $0x0  }
.LBB2_4:
0x17: {  	v3 =	vmov s15  }
0x18: {  	v2 =	vor.u32 s15, v0;
	v4 =	vshll.u32 v3, $0x3  }
0x19: {  	v5 =	vand.u32 $0x7F, v2;
	v3 =	vand.u32 $0x1C00, v4  }
0x1a: {  	v3 =	vor.u32 v5, v3  }
0x1b: {  	v6 =	vor.u32 $0x80, v3  }
0x1c: {  	v7 =	vor.u32 $0x100, v3  }
0x1d: {  	v9 =	vor.u32 $0x180, v3  }
0x1e: {  	v12 =	vor.u32 $0x200, v3  }
0x1f: {  	v18 =	vor.u32 $0x280, v3;
	v8 =	vld.idx.msk [tilespmem:v3+s2+$0x0], $0xffff  }
0x20: {  	v4 =	vor.u32 v4, v5;
	v6 =	vld.idx.msk [tilespmem:v6+s2+$0x0], $0xffff  }
0x21: {  	v28 =	vor.u32 $0x380, v4;
	v7 =	vld.idx.msk [tilespmem:v7+s2+$0x0], $0xffff  }
0x22: {  	v9 =	vld.idx.msk [tilespmem:v9+s2+$0x0], $0xffff  }
0x23: {  	v16 =	vld.idx.msk [tilespmem:v12+s2+$0x0], $0xffff  }
0x24: {  	v47 =	vor.u32 $0x2080, v3;
	v12 =	vld.idx.msk [tilespmem:v18+s2+$0x0], $0xffff  }
0x25: {  	v22 =	vor.u32 $0x300, v3;
	v10 =	vshra.s32 v8, $0x1F  }
0x26: {  	v35 =	vor.u32 $0x2000, v3;
	v33 =	vld.idx.msk [tilespmem:v28+s2+$0x0], $0xffff;
	v10 =	vand.u32 $0x7FFFFFC0, v10;
	v11 =	vshra.s32 v6, $0x1F  }
0x27: {  	v6 =	vand.u32 $0xFFFFFFC0, v6;
	v62 =	vshra.s32 v7, $0x1F;
	v7 =	vand.u32 $0xFFFFFFC0, v7  }
0x28: {  	v17 =	vshra.s32 v9, $0x1F;
	v9 =	vand.u32 $0xFFFFFFC0, v9;
	v20 =	vshra.s32 v16, $0x1F  }
0x29: {  	v51 =	vld.idx.msk [tilespmem:v47+s2+$0x0], $0xffff;
	v26 =	vshra.s32 v12, $0x1F;
	v12 =	vand.u32 $0xFFFFFFC0, v12;
	v8 =	vxor.u32 v8, v10  }
0x2a: {  	v61 =	vand.u32 $0x7FFFFFC0, v11;
	v10 =	vand.u32 $0x7FFFFFC0, v62;
	v11 =	vand.u32 $0x7FFFFFC0, v17  }
0x2b: {  	v17 =	vshra.s32 v33, $0x1F;
	v8 =	vor.u32 $0x3F, v8;
	v6 =	vxor.u32 v6, v61  }
0x2c: {  	v7 =	vxor.u32 v7, v10;
	v9 =	vxor.u32 v9, v11;
	v6 =	vor.u32 $0x3E, v6  }
0x2d: {  	v11 =	vand.u32 $0x7FFFFFC0, v20;
	v17 =	vand.u32 $0x7FFFFFC0, v17;
	vm0 =	vlt.s32 v8, v6  }
0x2e: {  	v20 =	vshra.s32 v51, $0x1F;
	v7 =	vor.u32 $0x3D, v7;
	v63 =	vsel vm0, v6, v8  }
0x2f: {  	v9 =	vor.u32 $0x3C, v9;
	v6 =	vsel vm0, v8, v6;
	vm12 =	vlt.s32 v63, v7  }
0x30: {  	v8 =	vand.u32 $0xFFFFFFC0, v16;
	v13 =	vsel vm12, v63, v7;
	v7 =	vsel vm12, v7, v63  }
0x31: {  	v8 =	vxor.u32 v8, v11;
	v11 =	vld.idx.msk [tilespmem:v22+s2+$0x0], $0xffff;
	vm1 =	vlt.s32 v6, v13;
	vm0 =	vlt.s32 v7, v9  }
0x32: {  	v20 =	vand.u32 $0x7FFFFFC0, v20;
	v19 =	vsel vm1, v13, v6;
	v21 =	vsel vm0, v7, v9  }
0x33: {  	v8 =	vor.u32 $0x3B, v8;
	v7 =	vsel vm0, v9, v7;
	vm13 =	vlt.s32 v19, v21  }
0x34: {  	v6 =	vsel vm1, v6, v13;
	vm15 =	vlt.s32 v7, v8;
	v23 =	vsel vm13, v19, v21  }
0x35: {  	v10 =	vsel vm13, v21, v19;
	v25 =	vsel vm15, v7, v8;
	v7 =	vsel vm15, v8, v7  }
0x36: {  	v8 =	vand.u32 $0x7FFFFFC0, v26;
	v32 =	vshra.s32 v11, $0x1F;
	v11 =	vand.u32 $0xFFFFFFC0, v11  }
0x37: {  	v21 =	vor.u32 $0x2100, v3;
	vm14 =	vlt.s32 v6, v23;
	vm4 =	vlt.s32 v10, v25  }
0x38: {  	v8 =	vxor.u32 v12, v8;
	v24 =	vsel vm14, v23, v6;
	v14 =	vsel vm4, v10, v25  }
0x39: {  	v6 =	vsel vm14, v6, v23;
	v8 =	vor.u32 $0x3A, v8;
	vm5 =	vlt.s32 v24, v14  }
0x3a: {  	v12 =	vld.idx.msk [tilespmem:v35+s2+$0x0], $0xffff;
	v9 =	vsel vm4, v25, v10;
	vm2 =	vlt.s32 v7, v8;
	v27 =	vsel vm5, v24, v14  }
0x3b: {  	v29 =	vsel vm5, v14, v24;
	v31 =	vsel vm2, v7, v8;
	v7 =	vsel vm2, v8, v7  }
0x3c: {  	v8 =	vand.u32 $0xFFFFFFC0, v33;
	vm6 =	vlt.s32 v6, v27;
	vm7 =	vlt.s32 v9, v31  }
0x3d: {  	v8 =	vxor.u32 v8, v17;
	v30 =	vsel vm6, v27, v6;
	v5 =	vsel vm6, v6, v27  }
0x3e: {  	v15 =	vsel vm7, v9, v31;
	v6 =	vand.u32 $0x7FFFFFC0, v32;
	v9 =	vsel vm7, v31, v9  }
0x3f: {  	v61 =	vld.idx.msk [tilespmem:v21+s2+$0x0], $0xffff;
	v40 =	vor.u32 $0x38, v8;
	v46 =	vshra.s32 v12, $0x1F;
	vm1 =	vlt.s32 v29, v15  }
0x40: {  	v12 =	vand.u32 $0xFFFFFFC0, v12;
	v6 =	vxor.u32 v11, v6;
	v34 =	vsel vm1, v29, v15  }
0x41: {  	v27 =	vor.u32 $0x2180, v3;
	v6 =	vor.u32 $0x39, v6;
	vm8 =	vlt.s32 v30, v34  }
0x42: {  	v10 =	vsel vm1, v15, v29;
	vm2 =	vlt.s32 v7, v6;
	v36 =	vsel vm8, v30, v34  }
0x43: {  	v37 =	vsel vm2, v7, v6;
	v11 =	vsel vm8, v34, v30;
	v6 =	vsel vm2, v6, v7  }
0x44: {  	v29 =	vshra.s32 v61, $0x1F;
	v15 =	vand.u32 $0xFFFFFFC0, v61;
	v61 =	vor.u32 $0x2300, v3  }
0x45: {  	vm9 =	vlt.s32 v5, v36;
	vm10 =	vlt.s32 v9, v37;
	vm12 =	vlt.s32 v6, v40  }
0x46: {  	v38 =	vsel vm9, v36, v5;
	v16 =	vsel vm10, v9, v37;
	v5 =	vsel vm9, v5, v36  }
0x47: {  	v41 =	vsel vm10, v37, v9;
	v43 =	vsel vm12, v6, v40;
	vm3 =	vlt.s32 v10, v16  }
0x48: {  	v6 =	vsel vm12, v40, v6;
	vm14 =	vlt.s32 v41, v43;
	v39 =	vsel vm3, v10, v16  }
0x49: {  	v10 =	vsel vm3, v16, v10;
	v45 =	vsel vm14, v41, v43;
	v16 =	vand.u32 $0x7FFFFFC0, v46  }
0x4a: {  	v8 =	vsel vm14, v43, v41;
	vm11 =	vlt.s32 v11, v39;
	vm3 =	vlt.s32 v10, v45  }
0x4b: {  	v12 =	vxor.u32 v12, v16;
	v42 =	vsel vm11, v11, v39;
	v11 =	vsel vm11, v39, v11  }
0x4c: {  	v48 =	vsel vm3, v10, v45;
	v12 =	vor.u32 $0x37, v12;
	v10 =	vsel vm3, v45, v10  }
0x4d: {  	v39 =	vor.u32 $0x2200, v3;
	vm13 =	vlt.s32 v38, v42;
	vm15 =	vlt.s32 v11, v48  }
0x4e: {  	vm4 =	vlt.s32 v6, v12;
	v44 =	vsel vm13, v42, v38;
	v9 =	vsel vm13, v38, v42  }
0x4f: {  	v50 =	vsel vm15, v11, v48;
	v18 =	vsel vm4, v6, v12;
	v7 =	vsel vm15, v48, v11  }
0x50: {  	v6 =	vsel vm4, v12, v6;
	vm2 =	vlt.s32 v5, v9;
	vm7 =	vlt.s32 v44, v50  }
0x51: {  	vm8 =	vlt.s32 v8, v18;
	v49 =	vsel vm2, v9, v5;
	v5 =	vsel vm2, v5, v9  }
0x52: {  	v52 =	vsel vm7, v44, v50;
	v53 =	vsel vm8, v8, v18;
	v54 =	vsel vm7, v50, v44  }
0x53: {  	v9 =	vand.u32 $0xFFFFFFC0, v51;
	v8 =	vsel vm8, v18, v8;
	v51 =	vor.u32 $0x2280, v3  }
0x54: {  	vm9 =	vlt.s32 v49, v52;
	vm3 =	vlt.s32 v10, v53;
	v9 =	vxor.u32 v9, v20  }
0x55: {  	v20 =	vand.u32 $0x7FFFFFC0, v29;
	v55 =	vsel vm9, v49, v52;
	v56 =	vsel vm3, v10, v53  }
0x56: {  	v18 =	vld.idx.msk [tilespmem:v27+s2+$0x0], $0xffff;
	v13 =	vsel vm9, v52, v49;
	v9 =	vor.u32 $0x36, v9;
	v10 =	vsel vm3, v53, v10  }
0x57: {  	v15 =	vxor.u32 v15, v20;
	vm10 =	vlt.s32 v5, v55;
	vm11 =	vlt.s32 v7, v56  }
0x58: {  	vm4 =	vlt.s32 v6, v9;
	v15 =	vor.u32 $0x35, v15;
	v57 =	vsel vm10, v55, v5  }
0x59: {  	v45 =	vld.idx.msk [tilespmem:v39+s2+$0x0], $0xffff;
	v19 =	vsel vm11, v7, v56;
	v5 =	vsel vm10, v5, v55;
	v60 =	vsel vm4, v6, v9  }
0x5a: {  	v7 =	vsel vm11, v56, v7;
	v6 =	vsel vm4, v9, v6;
	vm12 =	vlt.s32 v54, v19  }
0x5b: {  	vm15 =	vlt.s32 v8, v60;
	vm10 =	vlt.s32 v6, v15;
	v37 =	vshra.s32 v18, $0x1F  }
0x5c: {  	v18 =	vand.u32 $0xFFFFFFC0, v18;
	v58 =	vsel vm12, v54, v19;
	v11 =	vsel vm12, v19, v54  }
0x5d: {  	v63 =	vsel vm15, v8, v60;
	v8 =	vsel vm15, v60, v8;
	v32 =	vsel vm10, v6, v15  }
0x5e: {  	v20 =	vand.u32 $0x7FFFFFC0, v37;
	v6 =	vsel vm10, v15, v6;
	v50 =	vshra.s32 v45, $0x1F  }
0x5f: {  	vm13 =	vlt.s32 v13, v58;
	vm6 =	vlt.s32 v10, v63;
	vm12 =	vlt.s32 v8, v32  }
0x60: {  	v18 =	vxor.u32 v18, v20;
	v16 =	vand.u32 $0x7FFFFFC0, v50;
	v59 =	vsel vm13, v13, v58  }
0x61: {  	v12 =	vsel vm13, v58, v13;
	v26 =	vsel vm6, v10, v63;
	v10 =	vsel vm6, v63, v10  }
0x62: {  	v34 =	vsel vm12, v8, v32;
	v40 =	vor.u32 $0x34, v18;
	v8 =	vsel vm12, v32, v8  }
0x63: {  	v18 =	vand.u32 $0xFFFFFFC0, v45;
	v45 =	vor.u32 $0x4000, v3;
	vm14 =	vlt.s32 v57, v59  }
0x64: {  	vm7 =	vlt.s32 v7, v26;
	vm3 =	vlt.s32 v6, v40;
	v16 =	vxor.u32 v18, v16  }
0x65: {  	v62 =	vsel vm14, v57, v59;
	v24 =	vsel vm14, v59, v57;
	v28 =	vsel vm7, v7, v26  }
0x66: {  	v7 =	vsel vm7, v26, v7;
	vm14 =	vlt.s32 v10, v34;
	v42 =	vsel vm3, v6, v40  }
0x67: {  	v6 =	vsel vm3, v40, v6;
	v53 =	vor.u32 $0x33, v16;
	vm5 =	vlt.s32 v5, v62  }
0x68: {  	v57 =	vld.idx.msk [tilespmem:v51+s2+$0x0], $0xffff;
	vm8 =	vlt.s32 v11, v28;
	v36 =	vsel vm14, v10, v34;
	v10 =	vsel vm14, v34, v10  }
0x69: {  	v25 =	vsel vm5, v62, v5;
	v5 =	vsel vm5, v5, v62;
	v30 =	vsel vm8, v11, v28  }
0x6a: {  	v9 =	vsel vm8, v28, v11;
	vm8 =	vlt.s32 v7, v36;
	vm9 =	vlt.s32 v12, v30  }
0x6b: {  	v16 =	vld.idx.msk [tilespmem:v61+s2+$0x0], $0xffff;
	v38 =	vsel vm8, v7, v36;
	v7 =	vsel vm8, v36, v7;
	v31 =	vsel vm9, v12, v30  }
0x6c: {  	v12 =	vsel vm9, v30, v12;
	vm9 =	vlt.s32 v9, v38;
	vm11 =	vlt.s32 v24, v31  }
0x6d: {  	v41 =	vsel vm9, v9, v38;
	v9 =	vsel vm9, v38, v9;
	v63 =	vshra.s32 v57, $0x1F  }
0x6e: {  	v18 =	vand.u32 $0xFFFFFFC0, v57;
	v33 =	vsel vm11, v24, v31;
	v13 =	vsel vm11, v31, v24  }
0x6f: {  	vm10 =	vlt.s32 v12, v41;
	vm11 =	vlt.s32 v8, v42;
	v20 =	vand.u32 $0x7FFFFFC0, v63  }
0x70: {  	v31 =	vshra.s32 v16, $0x1F;
	v16 =	vand.u32 $0xFFFFFFC0, v16;
	vm13 =	vlt.s32 v25, v33  }
0x71: {  	v51 =	vld.idx.msk [tilespmem:v45+s2+$0x0], $0xffff;
	v43 =	vsel vm10, v12, v41;
	v44 =	vsel vm11, v8, v42;
	v12 =	vsel vm10, v41, v12  }
0x72: {  	v8 =	vsel vm11, v42, v8;
	vm11 =	vlt.s32 v6, v53;
	v18 =	vxor.u32 v18, v20  }
0x73: {  	v20 =	vand.u32 $0x7FFFFFC0, v31;
	v35 =	vsel vm13, v33, v25;
	v14 =	vsel vm13, v25, v33  }
0x74: {  	vm12 =	vlt.s32 v13, v43;
	vm13 =	vlt.s32 v10, v44;
	v55 =	vsel vm11, v6, v53  }
0x75: {  	v6 =	vsel vm11, v53, v6;
	v24 =	vor.u32 $0x32, v18;
	v16 =	vxor.u32 v16, v20  }
0x76: {  	v33 =	vor.u32 $0x2380, v4;
	v57 =	vshra.s32 v51, $0x1F;
	vm15 =	vgt.s32 v5, v14  }
0x77: {  	v46 =	vsel vm12, v13, v43;
	v47 =	vsel vm13, v10, v44;
	v13 =	vsel vm12, v43, v13  }
0x78: {  	v10 =	vsel vm13, v44, v10;
	vm13 =	vlt.s32 v8, v55;
	v34 =	vor.u32 $0x31, v16  }
0x79: {  	v20 =	vand.u32 $0x7FFFFFC0, v57;
	v5 =	vsel vm15, v5, v14;
	vm14 =	vlt.s32 v35, v46  }
0x7a: {  	vm15 =	vlt.s32 v7, v47;
	v58 =	vsel vm13, v8, v55;
	v8 =	vsel vm13, v55, v8  }
0x7b: {  	v55 =	vor.u32 $0x4080, v3;
	v48 =	vsel vm14, v35, v46;
	v19 =	vsel vm14, v46, v35  }
0x7c: {  	v49 =	vsel vm15, v7, v47;
	v7 =	vsel vm15, v47, v7;
	vm15 =	vlt.s32 v10, v58  }
0x7d: {  	vm8 =	vgt.s32 v5, v48;
	vm9 =	vlt.s32 v9, v49;
	v60 =	vsel vm15, v10, v58  }
0x7e: {  	v10 =	vsel vm15, v58, v10;
	v5 =	vsel vm8, v5, v48;
	v52 =	vsel vm9, v9, v49  }
0x7f: {  	v9 =	vsel vm9, v49, v9;
	vm7 =	vlt.s32 v7, v60;
	vm10 =	vlt.s32 v12, v52  }
0x80: {  	v62 =	vsel vm7, v7, v60;
	v7 =	vsel vm7, v60, v7;
	v54 =	vsel vm10, v12, v52  }
0x81: {  	v12 =	vsel vm10, v52, v12;
	vm8 =	vlt.s32 v9, v62;
	vm10 =	vlt.s32 v6, v24  }
0x82: {  	v39 =	vld.idx.msk [tilespmem:v33+s2+$0x0], $0xffff;
	vm12 =	vlt.s32 v13, v54;
	v23 =	vsel vm8, v9, v62;
	v9 =	vsel vm8, v62, v9  }
0x83: {  	v26 =	vsel vm10, v6, v24;
	v6 =	vsel vm10, v24, v6;
	v56 =	vsel vm12, v13, v54  }
0x84: {  	v13 =	vsel vm12, v54, v13;
	vm9 =	vlt.s32 v12, v23;
	vm12 =	vlt.s32 v8, v26  }
0x85: {  	vm3 =	vlt.s32 v6, v34;
	vm14 =	vlt.s32 v19, v56;
	v25 =	vsel vm9, v12, v23  }
0x86: {  	v12 =	vsel vm9, v23, v12;
	v28 =	vsel vm12, v8, v26;
	v8 =	vsel vm12, v26, v8  }
0x87: {  	v36 =	vsel vm3, v6, v34;
	v44 =	vshra.s32 v39, $0x1F;
	v18 =	vand.u32 $0xFFFFFFC0, v39  }
0x88: {  	v6 =	vsel vm3, v34, v6;
	v59 =	vsel vm14, v19, v56;
	v17 =	vsel vm14, v56, v19  }
0x89: {  	vm11 =	vlt.s32 v13, v25;
	vm14 =	vlt.s32 v10, v28;
	v16 =	vand.u32 $0x7FFFFFC0, v44  }
0x8a: {  	vm6 =	vgt.s32 v5, v59;
	v27 =	vsel vm11, v13, v25;
	v13 =	vsel vm11, v25, v13  }
0x8b: {  	v30 =	vsel vm14, v10, v28;
	v10 =	vsel vm14, v28, v10;
	vm11 =	vlt.s32 v8, v36  }
0x8c: {  	v16 =	vxor.u32 v18, v16;
	v18 =	vand.u32 $0xFFFFFFC0, v51;
	v28 =	vor.u32 $0x4100, v3  }
0x8d: {  	v5 =	vsel vm6, v5, v59;
	vm13 =	vlt.s32 v17, v27;
	vm8 =	vlt.s32 v7, v30  }
0x8e: {  	v38 =	vsel vm11, v8, v36;
	v8 =	vsel vm11, v36, v8;
	v47 =	vor.u32 $0x30, v16  }
0x8f: {  	v18 =	vxor.u32 v18, v20;
	v29 =	vsel vm13, v27, v17;
	v14 =	vsel vm13, v17, v27  }
0x90: {  	v32 =	vsel vm8, v7, v30;
	v7 =	vsel vm8, v30, v7;
	vm13 =	vlt.s32 v10, v38  }
0x91: {  	vm11 =	vlt.s32 v6, v47;
	v59 =	vor.u32 $0x2F, v18;
	vm15 =	vgt.s32 v5, v14  }
0x92: {  	vm9 =	vlt.s32 v9, v32;
	v41 =	vsel vm13, v10, v38;
	v10 =	vsel vm13, v38, v10  }
0x93: {  	v16 =	vld.idx.msk [tilespmem:v55+s2+$0x0], $0xffff;
	v49 =	vsel vm11, v6, v47;
	v6 =	vsel vm11, v47, v6;
	v5 =	vsel vm15, v5, v14  }
0x94: {  	v35 =	vsel vm9, v9, v32;
	v9 =	vsel vm9, v32, v9;
	vm15 =	vlt.s32 v7, v41  }
0x95: {  	vm13 =	vlt.s32 v8, v49;
	vm10 =	vlt.s32 v12, v35;
	v43 =	vsel vm15, v7, v41  }
0x96: {  	v7 =	vsel vm15, v41, v7;
	v52 =	vsel vm13, v8, v49;
	v8 =	vsel vm13, v49, v8  }
0x97: {  	v37 =	vsel vm10, v12, v35;
	v12 =	vsel vm10, v35, v12;
	vm9 =	vlt.s32 v9, v43  }
0x98: {  	vm15 =	vlt.s32 v10, v52;
	v26 =	vshra.s32 v16, $0x1F;
	v16 =	vand.u32 $0xFFFFFFC0, v16  }
0x99: {  	vm12 =	vlt.s32 v13, v37;
	v46 =	vsel vm9, v9, v43;
	v9 =	vsel vm9, v43, v9  }
0x9a: {  	v54 =	vsel vm15, v10, v52;
	v10 =	vsel vm15, v52, v10;
	v20 =	vand.u32 $0x7FFFFFC0, v26  }
0x9b: {  	v34 =	vld.idx.msk [tilespmem:v28+s2+$0x0], $0xffff;
	v40 =	vsel vm12, v13, v37;
	v13 =	vsel vm12, v37, v13;
	vm10 =	vlt.s32 v12, v46  }
0x9c: {  	vm7 =	vlt.s32 v7, v54;
	v16 =	vxor.u32 v16, v20;
	vm14 =	vlt.s32 v29, v40  }
0x9d: {  	v48 =	vsel vm10, v12, v46;
	v12 =	vsel vm10, v46, v12;
	v56 =	vsel vm7, v7, v54  }
0x9e: {  	v7 =	vsel vm7, v54, v7;
	vm10 =	vlt.s32 v6, v59;
	v42 =	vsel vm14, v29, v40  }
0x9f: {  	v19 =	vsel vm14, v40, v29;
	vm12 =	vlt.s32 v13, v48;
	v61 =	vsel vm10, v6, v59  }
0xa0: {  	v6 =	vsel vm10, v59, v6;
	v29 =	vor.u32 $0x2E, v16;
	v39 =	vshra.s32 v34, $0x1F  }
0xa1: {  	v18 =	vand.u32 $0xFFFFFFC0, v34;
	v40 =	vor.u32 $0x4180, v3;
	vm8 =	vgt.s32 v5, v42  }
0xa2: {  	v50 =	vsel vm12, v13, v48;
	v13 =	vsel vm12, v48, v13;
	vm12 =	vlt.s32 v8, v61  }
0xa3: {  	vm3 =	vlt.s32 v6, v29;
	v16 =	vand.u32 $0x7FFFFFC0, v39;
	v5 =	vsel vm8, v5, v42  }
0xa4: {  	vm14 =	vlt.s32 v19, v50;
	vm8 =	vlt.s32 v9, v56;
	v63 =	vsel vm12, v8, v61  }
0xa5: {  	v8 =	vsel vm12, v61, v8;
	v31 =	vsel vm3, v6, v29;
	v6 =	vsel vm3, v29, v6  }
0xa6: {  	v16 =	vxor.u32 v18, v16;
	v53 =	vsel vm14, v19, v50;
	v17 =	vsel vm14, v50, v19  }
0xa7: {  	v58 =	vsel vm8, v9, v56;
	v9 =	vsel vm8, v56, v9;
	vm14 =	vlt.s32 v10, v63  }
0xa8: {  	v42 =	vor.u32 $0x2D, v16;
	v50 =	vor.u32 $0x4200, v3;
	vm6 =	vgt.s32 v5, v53  }
0xa9: {  	vm9 =	vlt.s32 v12, v58;
	v25 =	vsel vm14, v10, v63;
	v10 =	vsel vm14, v63, v10  }
0xaa: {  	v63 =	vor.u32 $0x4280, v3;
	v5 =	vsel vm6, v5, v53;
	v60 =	vsel vm9, v12, v58  }
0xab: {  	v12 =	vsel vm9, v58, v12;
	vm8 =	vlt.s32 v7, v25;
	vm11 =	vlt.s32 v13, v60  }
0xac: {  	v27 =	vsel vm8, v7, v25;
	v7 =	vsel vm8, v25, v7;
	v62 =	vsel vm11, v13, v60  }
0xad: {  	v13 =	vsel vm11, v60, v13;
	vm9 =	vlt.s32 v9, v27;
	vm11 =	vlt.s32 v8, v31  }
0xae: {  	vm13 =	vlt.s32 v17, v62;
	v30 =	vsel vm9, v9, v27;
	v33 =	vsel vm11, v8, v31  }
0xaf: {  	v46 =	vld.idx.msk [tilespmem:v40+s2+$0x0], $0xffff;
	v9 =	vsel vm9, v27, v9;
	v8 =	vsel vm11, v31, v8;
	vm11 =	vlt.s32 v6, v42  }
0xb0: {  	v24 =	vsel vm13, v62, v17;
	v14 =	vsel vm13, v17, v62;
	vm10 =	vlt.s32 v12, v30  }
0xb1: {  	vm13 =	vlt.s32 v10, v33;
	v44 =	vsel vm11, v6, v42;
	v6 =	vsel vm11, v42, v6  }
0xb2: {  	vm15 =	vgt.s32 v5, v14;
	v32 =	vsel vm10, v12, v30;
	v12 =	vsel vm10, v30, v12  }
0xb3: {  	v36 =	vsel vm13, v10, v33;
	v10 =	vsel vm13, v33, v10;
	vm13 =	vlt.s32 v8, v44  }
0xb4: {  	v52 =	vshra.s32 v46, $0x1F;
	v18 =	vand.u32 $0xFFFFFFC0, v46;
	v5 =	vsel vm15, v5, v14  }
0xb5: {  	v16 =	vld.idx.msk [tilespmem:v50+s2+$0x0], $0xffff;
	vm12 =	vlt.s32 v13, v32;
	vm15 =	vlt.s32 v7, v36;
	v47 =	vsel vm13, v8, v44  }
0xb6: {  	v20 =	vand.u32 $0x7FFFFFC0, v52;
	v8 =	vsel vm13, v44, v8;
	v35 =	vsel vm12, v13, v32  }
0xb7: {  	v13 =	vsel vm12, v32, v13;
	v38 =	vsel vm15, v7, v36;
	v7 =	vsel vm15, v36, v7  }
0xb8: {  	v29 =	vld.idx.msk [tilespmem:v63+s2+$0x0], $0xffff;
	vm15 =	vlt.s32 v10, v47;
	v18 =	vxor.u32 v18, v20;
	vm14 =	vlt.s32 v24, v35  }
0xb9: {  	vm9 =	vlt.s32 v9, v38;
	v49 =	vsel vm15, v10, v47;
	v10 =	vsel vm15, v47, v10  }
0xba: {  	v54 =	vor.u32 $0x2C, v18;
	v61 =	vshra.s32 v16, $0x1F;
	v16 =	vand.u32 $0xFFFFFFC0, v16  }
0xbb: {  	v37 =	vsel vm14, v24, v35;
	v19 =	vsel vm14, v35, v24;
	v41 =	vsel vm9, v9, v38  }
0xbc: {  	v9 =	vsel vm9, v38, v9;
	vm7 =	vlt.s32 v7, v49;
	v20 =	vand.u32 $0x7FFFFFC0, v61  }
0xbd: {  	v34 =	vshra.s32 v29, $0x1F;
	v18 =	vand.u32 $0xFFFFFFC0, v29;
	v35 =	vor.u32 $0x4300, v3  }
0xbe: {  	vm8 =	vgt.s32 v5, v37;
	vm10 =	vlt.s32 v12, v41;
	v51 =	vsel vm7, v7, v49  }
0xbf: {  	v7 =	vsel vm7, v49, v7;
	v16 =	vxor.u32 v16, v20;
	v5 =	vsel vm8, v5, v37  }
0xc0: {  	v43 =	vsel vm10, v12, v41;
	v12 =	vsel vm10, v41, v12;
	vm8 =	vlt.s32 v9, v51  }
0xc1: {  	vm10 =	vlt.s32 v6, v54;
	v24 =	vor.u32 $0x2B, v16;
	v16 =	vand.u32 $0x7FFFFFC0, v34  }
0xc2: {  	vm12 =	vlt.s32 v13, v43;
	v53 =	vsel vm8, v9, v51;
	v9 =	vsel vm8, v51, v9  }
0xc3: {  	v56 =	vsel vm10, v6, v54;
	v6 =	vsel vm10, v54, v6;
	v16 =	vxor.u32 v18, v16  }
0xc4: {  	v45 =	vsel vm12, v13, v43;
	v13 =	vsel vm12, v43, v13;
	vm9 =	vlt.s32 v12, v53  }
0xc5: {  	vm12 =	vlt.s32 v8, v56;
	vm3 =	vlt.s32 v6, v24;
	v37 =	vor.u32 $0x2A, v16  }
0xc6: {  	vm14 =	vlt.s32 v19, v45;
	v55 =	vsel vm9, v12, v53;
	v12 =	vsel vm9, v53, v12  }
0xc7: {  	v58 =	vsel vm12, v8, v56;
	v8 =	vsel vm12, v56, v8;
	v26 =	vsel vm3, v6, v24  }
0xc8: {  	v6 =	vsel vm3, v24, v6;
	v48 =	vsel vm14, v19, v45;
	v17 =	vsel vm14, v45, v19  }
0xc9: {  	vm11 =	vlt.s32 v13, v55;
	vm14 =	vlt.s32 v10, v58;
	v45 =	vor.u32 $0x4380, v4  }
0xca: {  	vm6 =	vgt.s32 v5, v48;
	v57 =	vsel vm11, v13, v55;
	v13 =	vsel vm11, v55, v13  }
0xcb: {  	v60 =	vsel vm14, v10, v58;
	v10 =	vsel vm14, v58, v10;
	vm11 =	vlt.s32 v8, v26  }
0xcc: {  	v58 =	vor.u32 $0x6000, v3;
	v5 =	vsel vm6, v5, v48;
	vm13 =	vlt.s32 v17, v57  }
0xcd: {  	v41 =	vld.idx.msk [tilespmem:v35+s2+$0x0], $0xffff;
	vm8 =	vlt.s32 v7, v60;
	v28 =	vsel vm11, v8, v26;
	v8 =	vsel vm11, v26, v8  }
0xce: {  	vm11 =	vlt.s32 v6, v37;
	v59 =	vsel vm13, v57, v17;
	v14 =	vsel vm13, v17, v57  }
0xcf: {  	v62 =	vsel vm8, v7, v60;
	v7 =	vsel vm8, v60, v7;
	vm13 =	vlt.s32 v10, v28  }
0xd0: {  	v39 =	vsel vm11, v6, v37;
	v6 =	vsel vm11, v37, v6;
	vm15 =	vgt.s32 v5, v14  }
0xd1: {  	vm9 =	vlt.s32 v9, v62;
	v31 =	vsel vm13, v10, v28;
	v10 =	vsel vm13, v28, v10  }
0xd2: {  	vm13 =	vlt.s32 v8, v39;
	v47 =	vshra.s32 v41, $0x1F;
	v18 =	vand.u32 $0xFFFFFFC0, v41  }
0xd3: {  	v5 =	vsel vm15, v5, v14;
	v25 =	vsel vm9, v9, v62;
	v9 =	vsel vm9, v62, v9  }
0xd4: {  	vm15 =	vlt.s32 v7, v31;
	v42 =	vsel vm13, v8, v39;
	v20 =	vand.u32 $0x7FFFFFC0, v47  }
0xd5: {  	v8 =	vsel vm13, v39, v8;
	vm10 =	vlt.s32 v12, v25;
	v33 =	vsel vm15, v7, v31  }
0xd6: {  	v7 =	vsel vm15, v31, v7;
	vm15 =	vlt.s32 v10, v42;
	v18 =	vxor.u32 v18, v20  }
0xd7: {  	v27 =	vsel vm10, v12, v25;
	v12 =	vsel vm10, v25, v12;
	vm9 =	vlt.s32 v9, v33  }
0xd8: {  	v16 =	vld.idx.msk [tilespmem:v45+s2+$0x0], $0xffff;
	v44 =	vsel vm15, v10, v42;
	v10 =	vsel vm15, v42, v10;
	v49 =	vor.u32 $0x29, v18  }
0xd9: {  	vm12 =	vlt.s32 v13, v27;
	v36 =	vsel vm9, v9, v33;
	v9 =	vsel vm9, v33, v9  }
0xda: {  	vm7 =	vlt.s32 v7, v44;
	v30 =	vsel vm12, v13, v27;
	v13 =	vsel vm12, v27, v13  }
0xdb: {  	v24 =	vld.idx.msk [tilespmem:v58+s2+$0x0], $0xffff;
	vm10 =	vlt.s32 v12, v36;
	v46 =	vsel vm7, v7, v44;
	v7 =	vsel vm7, v44, v7  }
0xdc: {  	vm14 =	vlt.s32 v59, v30;
	v38 =	vsel vm10, v12, v36;
	v12 =	vsel vm10, v36, v12  }
0xdd: {  	vm10 =	vlt.s32 v6, v49;
	v56 =	vshra.s32 v16, $0x1F;
	v16 =	vand.u32 $0xFFFFFFC0, v16  }
0xde: {  	v32 =	vsel vm14, v59, v30;
	v19 =	vsel vm14, v30, v59;
	vm12 =	vlt.s32 v13, v38  }
0xdf: {  	v51 =	vsel vm10, v6, v49;
	v20 =	vand.u32 $0x7FFFFFC0, v56;
	v6 =	vsel vm10, v49, v6  }
0xe0: {  	v29 =	vshra.s32 v24, $0x1F;
	v18 =	vand.u32 $0xFFFFFFC0, v24;
	v30 =	vor.u32 $0x6080, v3  }
0xe1: {  	v24 =	vor.u32 $0x6200, v3;
	vm8 =	vgt.s32 v5, v32;
	v40 =	vsel vm12, v13, v38  }
0xe2: {  	v13 =	vsel vm12, v38, v13;
	vm12 =	vlt.s32 v8, v51;
	v16 =	vxor.u32 v16, v20  }
0xe3: {  	v5 =	vsel vm8, v5, v32;
	vm14 =	vlt.s32 v19, v40;
	vm8 =	vlt.s32 v9, v46  }
0xe4: {  	v53 =	vsel vm12, v8, v51;
	v59 =	vor.u32 $0x28, v16;
	v8 =	vsel vm12, v51, v8  }
0xe5: {  	v16 =	vand.u32 $0x7FFFFFC0, v29;
	v43 =	vsel vm14, v19, v40;
	v17 =	vsel vm14, v40, v19  }
0xe6: {  	v48 =	vsel vm8, v9, v46;
	v9 =	vsel vm8, v46, v9;
	vm14 =	vlt.s32 v10, v53  }
0xe7: {  	vm3 =	vlt.s32 v6, v59;
	v16 =	vxor.u32 v18, v16;
	v40 =	vor.u32 $0x6100, v3  }
0xe8: {  	vm6 =	vgt.s32 v5, v43;
	vm9 =	vlt.s32 v12, v48;
	v55 =	vsel vm14, v10, v53  }
0xe9: {  	v61 =	vsel vm3, v6, v59;
	v10 =	vsel vm14, v53, v10;
	v6 =	vsel vm3, v59, v6  }
0xea: {  	v32 =	vor.u32 $0x27, v16;
	v53 =	vor.u32 $0x6180, v3;
	v5 =	vsel vm6, v5, v43  }
0xeb: {  	v50 =	vsel vm9, v12, v48;
	v12 =	vsel vm9, v48, v12;
	vm8 =	vlt.s32 v7, v55  }
0xec: {  	vm11 =	vlt.s32 v13, v50;
	v57 =	vsel vm8, v7, v55;
	v7 =	vsel vm8, v55, v7  }
0xed: {  	v52 =	vsel vm11, v13, v50;
	v13 =	vsel vm11, v50, v13;
	vm9 =	vlt.s32 v9, v57  }
0xee: {  	vm11 =	vlt.s32 v8, v61;
	vm13 =	vlt.s32 v17, v52;
	v60 =	vsel vm9, v9, v57  }
0xef: {  	v36 =	vld.idx.msk [tilespmem:v30+s2+$0x0], $0xffff;
	v63 =	vsel vm11, v8, v61;
	v9 =	vsel vm9, v57, v9;
	v8 =	vsel vm11, v61, v8  }
0xf0: {  	v30 =	vld.idx.msk [tilespmem:v24+s2+$0x0], $0xffff;
	vm11 =	vlt.s32 v6, v32;
	v54 =	vsel vm13, v52, v17;
	v14 =	vsel vm13, v17, v52  }
0xf1: {  	vm10 =	vlt.s32 v12, v60;
	vm13 =	vlt.s32 v10, v63;
	v34 =	vsel vm11, v6, v32  }
0xf2: {  	v6 =	vsel vm11, v32, v6;
	vm15 =	vgt.s32 v5, v14;
	v62 =	vsel vm10, v12, v60  }
0xf3: {  	v12 =	vsel vm10, v60, v12;
	v26 =	vsel vm13, v10, v63;
	v10 =	vsel vm13, v63, v10  }
0xf4: {  	vm13 =	vlt.s32 v8, v34;
	v42 =	vshra.s32 v36, $0x1F;
	v18 =	vand.u32 $0xFFFFFFC0, v36  }
0xf5: {  	v36 =	vshra.s32 v30, $0x1F;
	v5 =	vsel vm15, v5, v14;
	vm12 =	vlt.s32 v13, v62  }
0xf6: {  	v16 =	vld.idx.msk [tilespmem:v40+s2+$0x0], $0xffff;
	vm15 =	vlt.s32 v7, v26;
	v37 =	vsel vm13, v8, v34;
	v20 =	vand.u32 $0x7FFFFFC0, v42  }
0xf7: {  	v8 =	vsel vm13, v34, v8;
	v34 =	vor.u32 $0x6280, v3;
	v25 =	vsel vm12, v13, v62  }
0xf8: {  	v13 =	vsel vm12, v62, v13;
	v28 =	vsel vm15, v7, v26;
	v7 =	vsel vm15, v26, v7  }
0xf9: {  	v59 =	vld.idx.msk [tilespmem:v53+s2+$0x0], $0xffff;
	vm15 =	vlt.s32 v10, v37;
	v18 =	vxor.u32 v18, v20;
	vm14 =	vlt.s32 v54, v25  }
0xfa: {  	vm9 =	vlt.s32 v9, v28;
	v39 =	vsel vm15, v10, v37;
	v10 =	vsel vm15, v37, v10  }
0xfb: {  	v44 =	vor.u32 $0x26, v18;
	v51 =	vshra.s32 v16, $0x1F;
	v16 =	vand.u32 $0xFFFFFFC0, v16  }
0xfc: {  	v27 =	vsel vm14, v54, v25;
	v19 =	vsel vm14, v25, v54;
	v31 =	vsel vm9, v9, v28  }
0xfd: {  	v9 =	vsel vm9, v28, v9;
	vm7 =	vlt.s32 v7, v39;
	v20 =	vand.u32 $0x7FFFFFC0, v51  }
0xfe: {  	v23 =	vshra.s32 v59, $0x1F;
	v18 =	vand.u32 $0xFFFFFFC0, v59;
	v59 =	vor.u32 $0x6380, v4  }
0xff: {  	vm8 =	vgt.s32 v5, v27;
	vm10 =	vlt.s32 v12, v31;
	v41 =	vsel vm7, v7, v39  }
0x100: {  	v7 =	vsel vm7, v39, v7;
	v16 =	vxor.u32 v16, v20;
	v20 =	vand.u32 $0x7FFFFFC0, v36  }
0x101: {  	v5 =	vsel vm8, v5, v27;
	v33 =	vsel vm10, v12, v31;
	v12 =	vsel vm10, v31, v12  }
0x102: {  	vm8 =	vlt.s32 v9, v41;
	vm10 =	vlt.s32 v6, v44;
	v54 =	vor.u32 $0x25, v16  }
0x103: {  	v16 =	vand.u32 $0x7FFFFFC0, v23;
	vm12 =	vlt.s32 v13, v33;
	v43 =	vsel vm8, v9, v41  }
0x104: {  	v9 =	vsel vm8, v41, v9;
	v46 =	vsel vm10, v6, v44;
	v6 =	vsel vm10, v44, v6  }
0x105: {  	v16 =	vxor.u32 v18, v16;
	v18 =	vand.u32 $0xFFFFFFC0, v30;
	v35 =	vsel vm12, v13, v33  }
0x106: {  	v13 =	vsel vm12, v33, v13;
	vm9 =	vlt.s32 v12, v43;
	vm12 =	vlt.s32 v8, v46  }
0x107: {  	vm3 =	vlt.s32 v6, v54;
	v26 =	vor.u32 $0x24, v16;
	v18 =	vxor.u32 v18, v20  }
0x108: {  	vm14 =	vlt.s32 v19, v35;
	v45 =	vsel vm9, v12, v43;
	v12 =	vsel vm9, v43, v12  }
0x109: {  	v48 =	vsel vm12, v8, v46;
	v8 =	vsel vm12, v46, v8;
	v56 =	vsel vm3, v6, v54  }
0x10a: {  	v6 =	vsel vm3, v54, v6;
	v38 =	vsel vm14, v19, v35;
	v17 =	vsel vm14, v35, v19  }
0x10b: {  	vm11 =	vlt.s32 v13, v45;
	vm14 =	vlt.s32 v10, v48;
	vm6 =	vgt.s32 v5, v38  }
0x10c: {  	v47 =	vsel vm11, v13, v45;
	v13 =	vsel vm11, v45, v13;
	v50 =	vsel vm14, v10, v48  }
0x10d: {  	v16 =	vld.idx.msk [tilespmem:v34+s2+$0x0], $0xffff;
	v10 =	vsel vm14, v48, v10;
	vm11 =	vlt.s32 v8, v56;
	v5 =	vsel vm6, v5, v38  }
0x10e: {  	vm13 =	vlt.s32 v17, v47;
	vm8 =	vlt.s32 v7, v50;
	v58 =	vsel vm11, v8, v56  }
0x10f: {  	v8 =	vsel vm11, v56, v8;
	vm11 =	vlt.s32 v6, v26;
	v38 =	vor.u32 $0x23, v18  }
0x110: {  	v49 =	vsel vm13, v47, v17;
	v14 =	vsel vm13, v17, v47;
	v52 =	vsel vm8, v7, v50  }
0x111: {  	v7 =	vsel vm8, v50, v7;
	vm13 =	vlt.s32 v10, v58;
	v28 =	vsel vm11, v6, v26  }
0x112: {  	v6 =	vsel vm11, v26, v6;
	v45 =	vshra.s32 v16, $0x1F;
	v16 =	vand.u32 $0xFFFFFFC0, v16  }
0x113: {  	v47 =	vor.u32 $0x6300, v3;
	vm15 =	vgt.s32 v5, v14;
	vm9 =	vlt.s32 v9, v52  }
0x114: {  	v61 =	vsel vm13, v10, v58;
	v10 =	vsel vm13, v58, v10;
	vm13 =	vlt.s32 v8, v28  }
0x115: {  	v20 =	vand.u32 $0x7FFFFFC0, v45;
	v5 =	vsel vm15, v5, v14;
	v55 =	vsel vm9, v9, v52  }
0x116: {  	v9 =	vsel vm9, v52, v9;
	vm15 =	vlt.s32 v7, v61;
	v31 =	vsel vm13, v8, v28  }
0x117: {  	v8 =	vsel vm13, v28, v8;
	v16 =	vxor.u32 v16, v20;
	vm10 =	vlt.s32 v12, v55  }
0x118: {  	v63 =	vsel vm15, v7, v61;
	v7 =	vsel vm15, v61, v7;
	vm15 =	vlt.s32 v10, v31  }
0x119: {  	v48 =	vor.u32 $0x22, v16;
	v57 =	vsel vm10, v12, v55;
	v12 =	vsel vm10, v55, v12  }
0x11a: {  	vm9 =	vlt.s32 v9, v63;
	v33 =	vsel vm15, v10, v31;
	v10 =	vsel vm15, v31, v10  }
0x11b: {  	vm12 =	vlt.s32 v13, v57;
	v25 =	vsel vm9, v9, v63;
	v9 =	vsel vm9, v63, v9  }
0x11c: {  	vm7 =	vlt.s32 v7, v33;
	v60 =	vsel vm12, v13, v57;
	v13 =	vsel vm12, v57, v13  }
0x11d: {  	vm10 =	vlt.s32 v12, v25;
	v35 =	vsel vm7, v7, v33;
	v7 =	vsel vm7, v33, v7  }
0x11e: {  	vm14 =	vlt.s32 v49, v60;
	v27 =	vsel vm10, v12, v25;
	v12 =	vsel vm10, v25, v12  }
0x11f: {  	v53 =	vld.idx.msk [tilespmem:v47+s2+$0x0], $0xffff;
	vm10 =	vlt.s32 v6, v38;
	v62 =	vsel vm14, v49, v60;
	v19 =	vsel vm14, v60, v49  }
0x120: {  	vm12 =	vlt.s32 v13, v27;
	v40 =	vsel vm10, v6, v38;
	v6 =	vsel vm10, v38, v6  }
0x121: {  	vm8 =	vgt.s32 v5, v62;
	v29 =	vsel vm12, v13, v27;
	v13 =	vsel vm12, v27, v13  }
0x122: {  	vm12 =	vlt.s32 v8, v40;
	vm3 =	vlt.s32 v6, v48;
	v5 =	vsel vm8, v5, v62  }
0x123: {  	vm14 =	vlt.s32 v19, v29;
	vm8 =	vlt.s32 v9, v35;
	v42 =	vsel vm12, v8, v40  }
0x124: {  	v25 =	vld.idx.msk [tilespmem:v59+s2+$0x0], $0xffff;
	v8 =	vsel vm12, v40, v8;
	v50 =	vsel vm3, v6, v48;
	v58 =	vshra.s32 v53, $0x1F  }
0x125: {  	v18 =	vand.u32 $0xFFFFFFC0, v53;
	v6 =	vsel vm3, v48, v6;
	v32 =	vsel vm14, v19, v29  }
0x126: {  	v17 =	vsel vm14, v29, v19;
	v37 =	vsel vm8, v9, v35;
	v9 =	vsel vm8, v35, v9  }
0x127: {  	vm14 =	vlt.s32 v10, v42;
	v16 =	vand.u32 $0x7FFFFFC0, v58;
	v29 =	vor.u32 $0x8000, v3  }
0x128: {  	vm6 =	vgt.s32 v5, v32;
	vm9 =	vlt.s32 v12, v37;
	v44 =	vsel vm14, v10, v42  }
0x129: {  	v10 =	vsel vm14, v42, v10;
	v16 =	vxor.u32 v18, v16;
	v31 =	vshra.s32 v25, $0x1F  }
0x12a: {  	v18 =	vand.u32 $0xFFFFFFC0, v25;
	v42 =	vor.u32 $0x8080, v3;
	v5 =	vsel vm6, v5, v32  }
0x12b: {  	v39 =	vsel vm9, v12, v37;
	v12 =	vsel vm9, v37, v12;
	vm8 =	vlt.s32 v7, v44  }
0x12c: {  	v61 =	vor.u32 $0x21, v16;
	v20 =	vand.u32 $0x7FFFFFC0, v31;
	vm11 =	vlt.s32 v13, v39  }
0x12d: {  	v46 =	vsel vm8, v7, v44;
	v7 =	vsel vm8, v44, v7;
	v18 =	vxor.u32 v18, v20  }
0x12e: {  	v41 =	vsel vm11, v13, v39;
	v13 =	vsel vm11, v39, v13;
	vm9 =	vlt.s32 v9, v46  }
0x12f: {  	vm11 =	vlt.s32 v8, v50;
	v33 =	vor.u32 $0x20, v18;
	vm13 =	vlt.s32 v17, v41  }
0x130: {  	v49 =	vsel vm9, v9, v46;
	v52 =	vsel vm11, v8, v50;
	v9 =	vsel vm9, v46, v9  }
0x131: {  	v8 =	vsel vm11, v50, v8;
	vm11 =	vlt.s32 v6, v61;
	v43 =	vsel vm13, v41, v17  }
0x132: {  	v14 =	vsel vm13, v17, v41;
	vm10 =	vlt.s32 v12, v49;
	vm13 =	vlt.s32 v10, v52  }
0x133: {  	v63 =	vsel vm11, v6, v61;
	v6 =	vsel vm11, v61, v6;
	vm15 =	vgt.s32 v5, v14  }
0x134: {  	v51 =	vsel vm10, v12, v49;
	v12 =	vsel vm10, v49, v12;
	v55 =	vsel vm13, v10, v52  }
0x135: {  	v16 =	vld.idx.msk [tilespmem:v29+s2+$0x0], $0xffff;
	v10 =	vsel vm13, v52, v10;
	vm13 =	vlt.s32 v8, v63;
	v5 =	vsel vm15, v5, v14  }
0x136: {  	vm12 =	vlt.s32 v13, v51;
	vm15 =	vlt.s32 v7, v55;
	v26 =	vsel vm13, v8, v63  }
0x137: {  	v8 =	vsel vm13, v63, v8;
	v54 =	vsel vm12, v13, v51;
	v13 =	vsel vm12, v51, v13  }
0x138: {  	v48 =	vld.idx.msk [tilespmem:v42+s2+$0x0], $0xffff;
	v57 =	vsel vm15, v7, v55;
	v7 =	vsel vm15, v55, v7;
	vm15 =	vlt.s32 v10, v26  }
0x139: {  	vm14 =	vlt.s32 v43, v54;
	vm9 =	vlt.s32 v9, v57;
	v28 =	vsel vm15, v10, v26  }
0x13a: {  	v10 =	vsel vm15, v26, v10;
	v40 =	vshra.s32 v16, $0x1F;
	v16 =	vand.u32 $0xFFFFFFC0, v16  }
0x13b: {  	v56 =	vsel vm14, v43, v54;
	v19 =	vsel vm14, v54, v43;
	v60 =	vsel vm9, v9, v57  }
0x13c: {  	v9 =	vsel vm9, v57, v9;
	vm7 =	vlt.s32 v7, v28;
	v20 =	vand.u32 $0x7FFFFFC0, v40  }
0x13d: {  	v53 =	vshra.s32 v48, $0x1F;
	v18 =	vand.u32 $0xFFFFFFC0, v48;
	v54 =	vor.u32 $0x8100, v3  }
0x13e: {  	vm8 =	vgt.s32 v5, v56;
	vm10 =	vlt.s32 v12, v60;
	v30 =	vsel vm7, v7, v28  }
0x13f: {  	v7 =	vsel vm7, v28, v7;
	v16 =	vxor.u32 v16, v20;
	v5 =	vsel vm8, v5, v56  }
0x140: {  	v62 =	vsel vm10, v12, v60;
	v12 =	vsel vm10, v60, v12;
	vm8 =	vlt.s32 v9, v30  }
0x141: {  	vm10 =	vlt.s32 v6, v33;
	v43 =	vor.u32 $0x1F, v16;
	v16 =	vand.u32 $0x7FFFFFC0, v53  }
0x142: {  	vm12 =	vlt.s32 v13, v62;
	v32 =	vsel vm8, v9, v30;
	v9 =	vsel vm8, v30, v9  }
0x143: {  	v35 =	vsel vm10, v6, v33;
	v6 =	vsel vm10, v33, v6;
	v16 =	vxor.u32 v18, v16  }
0x144: {  	v24 =	vsel vm12, v13, v62;
	v13 =	vsel vm12, v62, v13;
	vm9 =	vlt.s32 v12, v32  }
0x145: {  	vm12 =	vlt.s32 v8, v35;
	vm3 =	vlt.s32 v6, v43;
	v56 =	vor.u32 $0x1E, v16  }
0x146: {  	vm14 =	vlt.s32 v19, v24;
	v34 =	vsel vm9, v12, v32;
	v12 =	vsel vm9, v32, v12  }
0x147: {  	v37 =	vsel vm12, v8, v35;
	v8 =	vsel vm12, v35, v8;
	v45 =	vsel vm3, v6, v43  }
0x148: {  	v6 =	vsel vm3, v43, v6;
	v27 =	vsel vm14, v19, v24;
	v17 =	vsel vm14, v24, v19  }
0x149: {  	vm11 =	vlt.s32 v13, v34;
	vm14 =	vlt.s32 v10, v37;
	v24 =	vor.u32 $0x8180, v3  }
0x14a: {  	vm6 =	vgt.s32 v5, v27;
	v36 =	vsel vm11, v13, v34;
	v13 =	vsel vm11, v34, v13  }
0x14b: {  	v39 =	vsel vm14, v10, v37;
	v10 =	vsel vm14, v37, v10;
	vm11 =	vlt.s32 v8, v45  }
0x14c: {  	v37 =	vor.u32 $0x8200, v3;
	v5 =	vsel vm6, v5, v27;
	vm13 =	vlt.s32 v17, v36  }
0x14d: {  	v60 =	vld.idx.msk [tilespmem:v54+s2+$0x0], $0xffff;
	vm8 =	vlt.s32 v7, v39;
	v47 =	vsel vm11, v8, v45;
	v8 =	vsel vm11, v45, v8  }
0x14e: {  	vm11 =	vlt.s32 v6, v56;
	v38 =	vsel vm13, v36, v17;
	v14 =	vsel vm13, v17, v36  }
0x14f: {  	v41 =	vsel vm8, v7, v39;
	v7 =	vsel vm8, v39, v7;
	vm13 =	vlt.s32 v10, v47  }
0x150: {  	v58 =	vsel vm11, v6, v56;
	v6 =	vsel vm11, v56, v6;
	vm15 =	vgt.s32 v5, v14  }
0x151: {  	vm9 =	vlt.s32 v9, v41;
	v50 =	vsel vm13, v10, v47;
	v10 =	vsel vm13, v47, v10  }
0x152: {  	vm13 =	vlt.s32 v8, v58;
	v26 =	vshra.s32 v60, $0x1F;
	v18 =	vand.u32 $0xFFFFFFC0, v60  }
0x153: {  	v5 =	vsel vm15, v5, v14;
	v44 =	vsel vm9, v9, v41;
	v9 =	vsel vm9, v41, v9  }
0x154: {  	vm15 =	vlt.s32 v7, v50;
	v61 =	vsel vm13, v8, v58;
	v20 =	vand.u32 $0x7FFFFFC0, v26  }
0x155: {  	v8 =	vsel vm13, v58, v8;
	vm10 =	vlt.s32 v12, v44;
	v52 =	vsel vm15, v7, v50  }
0x156: {  	v7 =	vsel vm15, v50, v7;
	vm15 =	vlt.s32 v10, v61;
	v18 =	vxor.u32 v18, v20  }
0x157: {  	v46 =	vsel vm10, v12, v44;
	v12 =	vsel vm10, v44, v12;
	vm9 =	vlt.s32 v9, v52  }
0x158: {  	v16 =	vld.idx.msk [tilespmem:v24+s2+$0x0], $0xffff;
	v63 =	vsel vm15, v10, v61;
	v10 =	vsel vm15, v61, v10;
	v28 =	vor.u32 $0x1D, v18  }
0x159: {  	vm12 =	vlt.s32 v13, v46;
	v55 =	vsel vm9, v9, v52;
	v9 =	vsel vm9, v52, v9  }
0x15a: {  	vm7 =	vlt.s32 v7, v63;
	v49 =	vsel vm12, v13, v46;
	v13 =	vsel vm12, v46, v13  }
0x15b: {  	v43 =	vld.idx.msk [tilespmem:v37+s2+$0x0], $0xffff;
	vm10 =	vlt.s32 v12, v55;
	v25 =	vsel vm7, v7, v63;
	v7 =	vsel vm7, v63, v7  }
0x15c: {  	vm14 =	vlt.s32 v38, v49;
	v57 =	vsel vm10, v12, v55;
	v12 =	vsel vm10, v55, v12  }
0x15d: {  	vm10 =	vlt.s32 v6, v28;
	v35 =	vshra.s32 v16, $0x1F;
	v16 =	vand.u32 $0xFFFFFFC0, v16  }
0x15e: {  	v51 =	vsel vm14, v38, v49;
	v19 =	vsel vm14, v49, v38;
	vm12 =	vlt.s32 v13, v57  }
0x15f: {  	v30 =	vsel vm10, v6, v28;
	v20 =	vand.u32 $0x7FFFFFC0, v35;
	v6 =	vsel vm10, v28, v6  }
0x160: {  	v48 =	vshra.s32 v43, $0x1F;
	v18 =	vand.u32 $0xFFFFFFC0, v43;
	v49 =	vor.u32 $0x8280, v3  }
0x161: {  	v43 =	vor.u32 $0xA000, v3;
	vm8 =	vgt.s32 v5, v51;
	v59 =	vsel vm12, v13, v57  }
0x162: {  	v13 =	vsel vm12, v57, v13;
	vm12 =	vlt.s32 v8, v30;
	v16 =	vxor.u32 v16, v20  }
0x163: {  	v5 =	vsel vm8, v5, v51;
	vm14 =	vlt.s32 v19, v59;
	vm8 =	vlt.s32 v9, v25  }
0x164: {  	v32 =	vsel vm12, v8, v30;
	v38 =	vor.u32 $0x1C, v16;
	v8 =	vsel vm12, v30, v8  }
0x165: {  	v16 =	vand.u32 $0x7FFFFFC0, v48;
	v62 =	vsel vm14, v19, v59;
	v17 =	vsel vm14, v59, v19  }
0x166: {  	v27 =	vsel vm8, v9, v25;
	v9 =	vsel vm8, v25, v9;
	vm14 =	vlt.s32 v10, v32  }
0x167: {  	vm3 =	vlt.s32 v6, v38;
	v16 =	vxor.u32 v18, v16;
	v59 =	vor.u32 $0x8300, v3  }
0x168: {  	vm6 =	vgt.s32 v5, v62;
	vm9 =	vlt.s32 v12, v27;
	v34 =	vsel vm14, v10, v32  }
0x169: {  	v40 =	vsel vm3, v6, v38;
	v10 =	vsel vm14, v32, v10;
	v6 =	vsel vm3, v38, v6  }
0x16a: {  	v51 =	vor.u32 $0x1B, v16;
	v5 =	vsel vm6, v5, v62;
	v29 =	vsel vm9, v12, v27  }
0x16b: {  	v12 =	vsel vm9, v27, v12;
	vm8 =	vlt.s32 v7, v34;
	vm11 =	vlt.s32 v13, v29  }
0x16c: {  	v36 =	vsel vm8, v7, v34;
	v7 =	vsel vm8, v34, v7;
	v31 =	vsel vm11, v13, v29  }
0x16d: {  	v13 =	vsel vm11, v29, v13;
	vm9 =	vlt.s32 v9, v36;
	vm11 =	vlt.s32 v8, v40  }
0x16e: {  	vm13 =	vlt.s32 v17, v31;
	v39 =	vsel vm9, v9, v36;
	v42 =	vsel vm11, v8, v40  }
0x16f: {  	v55 =	vld.idx.msk [tilespmem:v49+s2+$0x0], $0xffff;
	v9 =	vsel vm9, v36, v9;
	v8 =	vsel vm11, v40, v8;
	vm11 =	vlt.s32 v6, v51  }
0x170: {  	v49 =	vld.idx.msk [tilespmem:v43+s2+$0x0], $0xffff;
	v33 =	vsel vm13, v31, v17;
	v14 =	vsel vm13, v17, v31;
	vm10 =	vlt.s32 v12, v39  }
0x171: {  	vm13 =	vlt.s32 v10, v42;
	v53 =	vsel vm11, v6, v51;
	v6 =	vsel vm11, v51, v6  }
0x172: {  	v31 =	vor.u32 $0x8380, v4;
	vm15 =	vgt.s32 v5, v14;
	v41 =	vsel vm10, v12, v39  }
0x173: {  	v12 =	vsel vm10, v39, v12;
	v45 =	vsel vm13, v10, v42;
	v10 =	vsel vm13, v42, v10  }
0x174: {  	vm13 =	vlt.s32 v8, v53;
	v61 =	vshra.s32 v55, $0x1F;
	v18 =	vand.u32 $0xFFFFFFC0, v55  }
0x175: {  	v55 =	vshra.s32 v49, $0x1F;
	v5 =	vsel vm15, v5, v14;
	vm12 =	vlt.s32 v13, v41  }
0x176: {  	v16 =	vld.idx.msk [tilespmem:v59+s2+$0x0], $0xffff;
	vm15 =	vlt.s32 v7, v45;
	v56 =	vsel vm13, v8, v53;
	v20 =	vand.u32 $0x7FFFFFC0, v61  }
0x177: {  	v8 =	vsel vm13, v53, v8;
	v53 =	vor.u32 $0xA080, v3;
	v44 =	vsel vm12, v13, v41  }
0x178: {  	v13 =	vsel vm12, v41, v13;
	v47 =	vsel vm15, v7, v45;
	v7 =	vsel vm15, v45, v7  }
0x179: {  	vm15 =	vlt.s32 v10, v56;
	v18 =	vxor.u32 v18, v20;
	vm14 =	vlt.s32 v33, v44  }
0x17a: {  	vm9 =	vlt.s32 v9, v47;
	v58 =	vsel vm15, v10, v56;
	v10 =	vsel vm15, v56, v10  }
0x17b: {  	v63 =	vor.u32 $0x1A, v18;
	v29 =	vshra.s32 v16, $0x1F;
	v16 =	vand.u32 $0xFFFFFFC0, v16  }
0x17c: {  	v46 =	vsel vm14, v33, v44;
	v19 =	vsel vm14, v44, v33;
	v50 =	vsel vm9, v9, v47  }
0x17d: {  	v9 =	vsel vm9, v47, v9;
	vm7 =	vlt.s32 v7, v58;
	v20 =	vand.u32 $0x7FFFFFC0, v29  }
0x17e: {  	vm8 =	vgt.s32 v5, v46;
	vm10 =	vlt.s32 v12, v50;
	v60 =	vsel vm7, v7, v58  }
0x17f: {  	v7 =	vsel vm7, v58, v7;
	v16 =	vxor.u32 v16, v20;
	v20 =	vand.u32 $0x7FFFFFC0, v55  }
0x180: {  	v5 =	vsel vm8, v5, v46;
	v52 =	vsel vm10, v12, v50;
	v12 =	vsel vm10, v50, v12  }
0x181: {  	vm8 =	vlt.s32 v9, v60;
	vm10 =	vlt.s32 v6, v63;
	v32 =	vor.u32 $0x19, v16  }
0x182: {  	v37 =	vld.idx.msk [tilespmem:v31+s2+$0x0], $0xffff;
	vm12 =	vlt.s32 v13, v52;
	v62 =	vsel vm8, v9, v60;
	v9 =	vsel vm8, v60, v9  }
0x183: {  	v24 =	vsel vm10, v6, v63;
	v6 =	vsel vm10, v63, v6;
	v54 =	vsel vm12, v13, v52  }
0x184: {  	v13 =	vsel vm12, v52, v13;
	vm9 =	vlt.s32 v12, v62;
	vm12 =	vlt.s32 v8, v24  }
0x185: {  	vm3 =	vlt.s32 v6, v32;
	vm14 =	vlt.s32 v19, v54;
	v23 =	vsel vm9, v12, v62  }
0x186: {  	v12 =	vsel vm9, v62, v12;
	v26 =	vsel vm12, v8, v24;
	v8 =	vsel vm12, v24, v8  }
0x187: {  	v34 =	vsel vm3, v6, v32;
	v42 =	vshra.s32 v37, $0x1F;
	v18 =	vand.u32 $0xFFFFFFC0, v37  }
0x188: {  	v6 =	vsel vm3, v32, v6;
	v57 =	vsel vm14, v19, v54;
	v17 =	vsel vm14, v54, v19  }
0x189: {  	vm11 =	vlt.s32 v13, v23;
	vm14 =	vlt.s32 v10, v26;
	v16 =	vand.u32 $0x7FFFFFC0, v42  }
0x18a: {  	vm6 =	vgt.s32 v5, v57;
	v25 =	vsel vm11, v13, v23;
	v13 =	vsel vm11, v23, v13  }
0x18b: {  	v28 =	vsel vm14, v10, v26;
	v10 =	vsel vm14, v26, v10;
	vm11 =	vlt.s32 v8, v34  }
0x18c: {  	v16 =	vxor.u32 v18, v16;
	v18 =	vand.u32 $0xFFFFFFC0, v49;
	v26 =	vor.u32 $0xA100, v3  }
0x18d: {  	v5 =	vsel vm6, v5, v57;
	vm13 =	vlt.s32 v17, v25;
	vm8 =	vlt.s32 v7, v28  }
0x18e: {  	v36 =	vsel vm11, v8, v34;
	v8 =	vsel vm11, v34, v8;
	v45 =	vor.u32 $0x18, v16  }
0x18f: {  	v18 =	vxor.u32 v18, v20;
	v27 =	vsel vm13, v25, v17;
	v14 =	vsel vm13, v17, v25  }
0x190: {  	v30 =	vsel vm8, v7, v28;
	v7 =	vsel vm8, v28, v7;
	vm13 =	vlt.s32 v10, v36  }
0x191: {  	vm11 =	vlt.s32 v6, v45;
	v57 =	vor.u32 $0x17, v18;
	vm15 =	vgt.s32 v5, v14  }
0x192: {  	vm9 =	vlt.s32 v9, v30;
	v39 =	vsel vm13, v10, v36;
	v10 =	vsel vm13, v36, v10  }
0x193: {  	v16 =	vld.idx.msk [tilespmem:v53+s2+$0x0], $0xffff;
	v47 =	vsel vm11, v6, v45;
	v6 =	vsel vm11, v45, v6;
	v5 =	vsel vm15, v5, v14  }
0x194: {  	v33 =	vsel vm9, v9, v30;
	v9 =	vsel vm9, v30, v9;
	vm15 =	vlt.s32 v7, v39  }
0x195: {  	vm13 =	vlt.s32 v8, v47;
	vm10 =	vlt.s32 v12, v33;
	v41 =	vsel vm15, v7, v39  }
0x196: {  	v7 =	vsel vm15, v39, v7;
	v50 =	vsel vm13, v8, v47;
	v8 =	vsel vm13, v47, v8  }
0x197: {  	v35 =	vsel vm10, v12, v33;
	v12 =	vsel vm10, v33, v12;
	vm9 =	vlt.s32 v9, v41  }
0x198: {  	vm15 =	vlt.s32 v10, v50;
	v24 =	vshra.s32 v16, $0x1F;
	v16 =	vand.u32 $0xFFFFFFC0, v16  }
0x199: {  	vm12 =	vlt.s32 v13, v35;
	v44 =	vsel vm9, v9, v41;
	v9 =	vsel vm9, v41, v9  }
0x19a: {  	v52 =	vsel vm15, v10, v50;
	v10 =	vsel vm15, v50, v10;
	v20 =	vand.u32 $0x7FFFFFC0, v24  }
0x19b: {  	v32 =	vld.idx.msk [tilespmem:v26+s2+$0x0], $0xffff;
	v38 =	vsel vm12, v13, v35;
	v13 =	vsel vm12, v35, v13;
	vm10 =	vlt.s32 v12, v44  }
0x19c: {  	vm7 =	vlt.s32 v7, v52;
	v16 =	vxor.u32 v16, v20;
	vm14 =	vlt.s32 v27, v38  }
0x19d: {  	v46 =	vsel vm10, v12, v44;
	v12 =	vsel vm10, v44, v12;
	v54 =	vsel vm7, v7, v52  }
0x19e: {  	v7 =	vsel vm7, v52, v7;
	vm10 =	vlt.s32 v6, v57;
	v40 =	vsel vm14, v27, v38  }
0x19f: {  	v19 =	vsel vm14, v38, v27;
	vm12 =	vlt.s32 v13, v46;
	v59 =	vsel vm10, v6, v57  }
0x1a0: {  	v6 =	vsel vm10, v57, v6;
	v27 =	vor.u32 $0x16, v16;
	v37 =	vshra.s32 v32, $0x1F  }
0x1a1: {  	v18 =	vand.u32 $0xFFFFFFC0, v32;
	v38 =	vor.u32 $0xA180, v3;
	vm8 =	vgt.s32 v5, v40  }
0x1a2: {  	v48 =	vsel vm12, v13, v46;
	v13 =	vsel vm12, v46, v13;
	vm12 =	vlt.s32 v8, v59  }
0x1a3: {  	vm3 =	vlt.s32 v6, v27;
	v16 =	vand.u32 $0x7FFFFFC0, v37;
	v5 =	vsel vm8, v5, v40  }
0x1a4: {  	vm14 =	vlt.s32 v19, v48;
	vm8 =	vlt.s32 v9, v54;
	v61 =	vsel vm12, v8, v59  }
0x1a5: {  	v8 =	vsel vm12, v59, v8;
	v29 =	vsel vm3, v6, v27;
	v6 =	vsel vm3, v27, v6  }
0x1a6: {  	v16 =	vxor.u32 v18, v16;
	v51 =	vsel vm14, v19, v48;
	v17 =	vsel vm14, v48, v19  }
0x1a7: {  	v56 =	vsel vm8, v9, v54;
	v9 =	vsel vm8, v54, v9;
	vm14 =	vlt.s32 v10, v61  }
0x1a8: {  	v40 =	vor.u32 $0x15, v16;
	v48 =	vor.u32 $0xA200, v3;
	vm6 =	vgt.s32 v5, v51  }
0x1a9: {  	vm9 =	vlt.s32 v12, v56;
	v63 =	vsel vm14, v10, v61;
	v10 =	vsel vm14, v61, v10  }
0x1aa: {  	v61 =	vor.u32 $0xA280, v3;
	v5 =	vsel vm6, v5, v51;
	v58 =	vsel vm9, v12, v56  }
0x1ab: {  	v12 =	vsel vm9, v56, v12;
	vm8 =	vlt.s32 v7, v63;
	vm11 =	vlt.s32 v13, v58  }
0x1ac: {  	v25 =	vsel vm8, v7, v63;
	v7 =	vsel vm8, v63, v7;
	v60 =	vsel vm11, v13, v58  }
0x1ad: {  	v13 =	vsel vm11, v58, v13;
	vm9 =	vlt.s32 v9, v25;
	vm11 =	vlt.s32 v8, v29  }
0x1ae: {  	vm13 =	vlt.s32 v17, v60;
	v28 =	vsel vm9, v9, v25;
	v31 =	vsel vm11, v8, v29  }
0x1af: {  	v44 =	vld.idx.msk [tilespmem:v38+s2+$0x0], $0xffff;
	v9 =	vsel vm9, v25, v9;
	v8 =	vsel vm11, v29, v8;
	vm11 =	vlt.s32 v6, v40  }
0x1b0: {  	v62 =	vsel vm13, v60, v17;
	v14 =	vsel vm13, v17, v60;
	vm10 =	vlt.s32 v12, v28  }
0x1b1: {  	vm13 =	vlt.s32 v10, v31;
	v42 =	vsel vm11, v6, v40;
	v6 =	vsel vm11, v40, v6  }
0x1b2: {  	vm15 =	vgt.s32 v5, v14;
	v30 =	vsel vm10, v12, v28;
	v12 =	vsel vm10, v28, v12  }
0x1b3: {  	v34 =	vsel vm13, v10, v31;
	v10 =	vsel vm13, v31, v10;
	vm13 =	vlt.s32 v8, v42  }
0x1b4: {  	v50 =	vshra.s32 v44, $0x1F;
	v18 =	vand.u32 $0xFFFFFFC0, v44;
	v5 =	vsel vm15, v5, v14  }
0x1b5: {  	v16 =	vld.idx.msk [tilespmem:v48+s2+$0x0], $0xffff;
	vm12 =	vlt.s32 v13, v30;
	vm15 =	vlt.s32 v7, v34;
	v45 =	vsel vm13, v8, v42  }
0x1b6: {  	v20 =	vand.u32 $0x7FFFFFC0, v50;
	v8 =	vsel vm13, v42, v8;
	v33 =	vsel vm12, v13, v30  }
0x1b7: {  	v13 =	vsel vm12, v30, v13;
	v36 =	vsel vm15, v7, v34;
	v7 =	vsel vm15, v34, v7  }
0x1b8: {  	v27 =	vld.idx.msk [tilespmem:v61+s2+$0x0], $0xffff;
	vm15 =	vlt.s32 v10, v45;
	v18 =	vxor.u32 v18, v20;
	vm14 =	vlt.s32 v62, v33  }
0x1b9: {  	vm9 =	vlt.s32 v9, v36;
	v47 =	vsel vm15, v10, v45;
	v10 =	vsel vm15, v45, v10  }
0x1ba: {  	v52 =	vor.u32 $0x14, v18;
	v59 =	vshra.s32 v16, $0x1F;
	v16 =	vand.u32 $0xFFFFFFC0, v16  }
0x1bb: {  	v35 =	vsel vm14, v62, v33;
	v19 =	vsel vm14, v33, v62;
	v39 =	vsel vm9, v9, v36  }
0x1bc: {  	v9 =	vsel vm9, v36, v9;
	vm7 =	vlt.s32 v7, v47;
	v20 =	vand.u32 $0x7FFFFFC0, v59  }
0x1bd: {  	v32 =	vshra.s32 v27, $0x1F;
	v18 =	vand.u32 $0xFFFFFFC0, v27;
	v33 =	vor.u32 $0xA300, v3  }
0x1be: {  	vm8 =	vgt.s32 v5, v35;
	vm10 =	vlt.s32 v12, v39;
	v49 =	vsel vm7, v7, v47  }
0x1bf: {  	v7 =	vsel vm7, v47, v7;
	v16 =	vxor.u32 v16, v20;
	v5 =	vsel vm8, v5, v35  }
0x1c0: {  	v41 =	vsel vm10, v12, v39;
	v12 =	vsel vm10, v39, v12;
	vm8 =	vlt.s32 v9, v49  }
0x1c1: {  	vm10 =	vlt.s32 v6, v52;
	v62 =	vor.u32 $0x13, v16;
	v16 =	vand.u32 $0x7FFFFFC0, v32  }
0x1c2: {  	vm12 =	vlt.s32 v13, v41;
	v51 =	vsel vm8, v9, v49;
	v9 =	vsel vm8, v49, v9  }
0x1c3: {  	v54 =	vsel vm10, v6, v52;
	v6 =	vsel vm10, v52, v6;
	v16 =	vxor.u32 v18, v16  }
0x1c4: {  	v43 =	vsel vm12, v13, v41;
	v13 =	vsel vm12, v41, v13;
	vm9 =	vlt.s32 v12, v51  }
0x1c5: {  	vm12 =	vlt.s32 v8, v54;
	vm3 =	vlt.s32 v6, v62;
	v35 =	vor.u32 $0x12, v16  }
0x1c6: {  	vm14 =	vlt.s32 v19, v43;
	v53 =	vsel vm9, v12, v51;
	v12 =	vsel vm9, v51, v12  }
0x1c7: {  	v56 =	vsel vm12, v8, v54;
	v8 =	vsel vm12, v54, v8;
	v24 =	vsel vm3, v6, v62  }
0x1c8: {  	v6 =	vsel vm3, v62, v6;
	v46 =	vsel vm14, v19, v43;
	v17 =	vsel vm14, v43, v19  }
0x1c9: {  	vm11 =	vlt.s32 v13, v53;
	vm14 =	vlt.s32 v10, v56;
	v43 =	vor.u32 $0xA380, v4  }
0x1ca: {  	vm6 =	vgt.s32 v5, v46;
	v55 =	vsel vm11, v13, v53;
	v13 =	vsel vm11, v53, v13  }
0x1cb: {  	v58 =	vsel vm14, v10, v56;
	v10 =	vsel vm14, v56, v10;
	vm11 =	vlt.s32 v8, v24  }
0x1cc: {  	v56 =	vor.u32 $0xC000, v3;
	v5 =	vsel vm6, v5, v46;
	vm13 =	vlt.s32 v17, v55  }
0x1cd: {  	v39 =	vld.idx.msk [tilespmem:v33+s2+$0x0], $0xffff;
	vm8 =	vlt.s32 v7, v58;
	v26 =	vsel vm11, v8, v24;
	v8 =	vsel vm11, v24, v8  }
0x1ce: {  	vm11 =	vlt.s32 v6, v35;
	v57 =	vsel vm13, v55, v17;
	v14 =	vsel vm13, v17, v55  }
0x1cf: {  	v60 =	vsel vm8, v7, v58;
	v7 =	vsel vm8, v58, v7;
	vm13 =	vlt.s32 v10, v26  }
0x1d0: {  	v37 =	vsel vm11, v6, v35;
	v6 =	vsel vm11, v35, v6;
	vm15 =	vgt.s32 v5, v14  }
0x1d1: {  	vm9 =	vlt.s32 v9, v60;
	v29 =	vsel vm13, v10, v26;
	v10 =	vsel vm13, v26, v10  }
0x1d2: {  	vm13 =	vlt.s32 v8, v37;
	v45 =	vshra.s32 v39, $0x1F;
	v18 =	vand.u32 $0xFFFFFFC0, v39  }
0x1d3: {  	v5 =	vsel vm15, v5, v14;
	v63 =	vsel vm9, v9, v60;
	v9 =	vsel vm9, v60, v9  }
0x1d4: {  	vm15 =	vlt.s32 v7, v29;
	v40 =	vsel vm13, v8, v37;
	v20 =	vand.u32 $0x7FFFFFC0, v45  }
0x1d5: {  	v8 =	vsel vm13, v37, v8;
	vm10 =	vlt.s32 v12, v63;
	v31 =	vsel vm15, v7, v29  }
0x1d6: {  	v7 =	vsel vm15, v29, v7;
	vm15 =	vlt.s32 v10, v40;
	v18 =	vxor.u32 v18, v20  }
0x1d7: {  	v25 =	vsel vm10, v12, v63;
	v12 =	vsel vm10, v63, v12;
	vm9 =	vlt.s32 v9, v31  }
0x1d8: {  	v16 =	vld.idx.msk [tilespmem:v43+s2+$0x0], $0xffff;
	v42 =	vsel vm15, v10, v40;
	v10 =	vsel vm15, v40, v10;
	v47 =	vor.u32 $0x11, v18  }
0x1d9: {  	vm12 =	vlt.s32 v13, v25;
	v34 =	vsel vm9, v9, v31;
	v9 =	vsel vm9, v31, v9  }
0x1da: {  	vm7 =	vlt.s32 v7, v42;
	v28 =	vsel vm12, v13, v25;
	v13 =	vsel vm12, v25, v13  }
0x1db: {  	v62 =	vld.idx.msk [tilespmem:v56+s2+$0x0], $0xffff;
	vm10 =	vlt.s32 v12, v34;
	v44 =	vsel vm7, v7, v42;
	v7 =	vsel vm7, v42, v7  }
0x1dc: {  	vm14 =	vlt.s32 v57, v28;
	v36 =	vsel vm10, v12, v34;
	v12 =	vsel vm10, v34, v12  }
0x1dd: {  	vm10 =	vlt.s32 v6, v47;
	v54 =	vshra.s32 v16, $0x1F;
	v16 =	vand.u32 $0xFFFFFFC0, v16  }
0x1de: {  	v30 =	vsel vm14, v57, v28;
	v19 =	vsel vm14, v28, v57;
	vm12 =	vlt.s32 v13, v36  }
0x1df: {  	v49 =	vsel vm10, v6, v47;
	v20 =	vand.u32 $0x7FFFFFC0, v54;
	v6 =	vsel vm10, v47, v6  }
0x1e0: {  	v27 =	vshra.s32 v62, $0x1F;
	v18 =	vand.u32 $0xFFFFFFC0, v62;
	v28 =	vor.u32 $0xC080, v3  }
0x1e1: {  	vm8 =	vgt.s32 v5, v30;
	v38 =	vsel vm12, v13, v36;
	v13 =	vsel vm12, v36, v13  }
0x1e2: {  	vm12 =	vlt.s32 v8, v49;
	v16 =	vxor.u32 v16, v20;
	v5 =	vsel vm8, v5, v30  }
0x1e3: {  	vm14 =	vlt.s32 v19, v38;
	vm8 =	vlt.s32 v9, v44;
	v51 =	vsel vm12, v8, v49  }
0x1e4: {  	v57 =	vor.u32 $0x10, v16;
	v8 =	vsel vm12, v49, v8;
	v16 =	vand.u32 $0x7FFFFFC0, v27  }
0x1e5: {  	v41 =	vsel vm14, v19, v38;
	v17 =	vsel vm14, v38, v19;
	v46 =	vsel vm8, v9, v44  }
0x1e6: {  	v9 =	vsel vm8, v44, v9;
	vm14 =	vlt.s32 v10, v51;
	vm3 =	vlt.s32 v6, v57  }
0x1e7: {  	v16 =	vxor.u32 v18, v16;
	v38 =	vor.u32 $0xC100, v3;
	vm6 =	vgt.s32 v5, v41  }
0x1e8: {  	vm9 =	vlt.s32 v12, v46;
	v53 =	vsel vm14, v10, v51;
	v59 =	vsel vm3, v6, v57  }
0x1e9: {  	v10 =	vsel vm14, v51, v10;
	v6 =	vsel vm3, v57, v6;
	v30 =	vor.u32 $0xF, v16  }
0x1ea: {  	v51 =	vor.u32 $0xC180, v3;
	v5 =	vsel vm6, v5, v41;
	v48 =	vsel vm9, v12, v46  }
0x1eb: {  	v12 =	vsel vm9, v46, v12;
	vm8 =	vlt.s32 v7, v53;
	vm11 =	vlt.s32 v13, v48  }
0x1ec: {  	v55 =	vsel vm8, v7, v53;
	v7 =	vsel vm8, v53, v7;
	v50 =	vsel vm11, v13, v48  }
0x1ed: {  	v13 =	vsel vm11, v48, v13;
	vm9 =	vlt.s32 v9, v55;
	vm11 =	vlt.s32 v8, v59  }
0x1ee: {  	vm13 =	vlt.s32 v17, v50;
	v58 =	vsel vm9, v9, v55;
	v61 =	vsel vm11, v8, v59  }
0x1ef: {  	v34 =	vld.idx.msk [tilespmem:v28+s2+$0x0], $0xffff;
	v9 =	vsel vm9, v55, v9;
	v8 =	vsel vm11, v59, v8;
	vm11 =	vlt.s32 v6, v30  }
0x1f0: {  	v52 =	vsel vm13, v50, v17;
	v14 =	vsel vm13, v17, v50;
	vm10 =	vlt.s32 v12, v58  }
0x1f1: {  	vm13 =	vlt.s32 v10, v61;
	v32 =	vsel vm11, v6, v30;
	v6 =	vsel vm11, v30, v6  }
0x1f2: {  	vm15 =	vgt.s32 v5, v14;
	v60 =	vsel vm10, v12, v58;
	v12 =	vsel vm10, v58, v12  }
0x1f3: {  	v24 =	vsel vm13, v10, v61;
	v10 =	vsel vm13, v61, v10;
	vm13 =	vlt.s32 v8, v32  }
0x1f4: {  	v40 =	vshra.s32 v34, $0x1F;
	v18 =	vand.u32 $0xFFFFFFC0, v34;
	v5 =	vsel vm15, v5, v14  }
0x1f5: {  	v16 =	vld.idx.msk [tilespmem:v38+s2+$0x0], $0xffff;
	vm12 =	vlt.s32 v13, v60;
	vm15 =	vlt.s32 v7, v24;
	v35 =	vsel vm13, v8, v32  }
0x1f6: {  	v20 =	vand.u32 $0x7FFFFFC0, v40;
	v8 =	vsel vm13, v32, v8;
	v63 =	vsel vm12, v13, v60  }
0x1f7: {  	v13 =	vsel vm12, v60, v13;
	v26 =	vsel vm15, v7, v24;
	v7 =	vsel vm15, v24, v7  }
0x1f8: {  	v57 =	vld.idx.msk [tilespmem:v51+s2+$0x0], $0xffff;
	vm15 =	vlt.s32 v10, v35;
	v18 =	vxor.u32 v18, v20;
	vm14 =	vlt.s32 v52, v63  }
0x1f9: {  	vm9 =	vlt.s32 v9, v26;
	v37 =	vsel vm15, v10, v35;
	v10 =	vsel vm15, v35, v10  }
0x1fa: {  	v42 =	vor.u32 $0xE, v18;
	v49 =	vshra.s32 v16, $0x1F;
	v16 =	vand.u32 $0xFFFFFFC0, v16  }
0x1fb: {  	v25 =	vsel vm14, v52, v63;
	v19 =	vsel vm14, v63, v52;
	v29 =	vsel vm9, v9, v26  }
0x1fc: {  	v9 =	vsel vm9, v26, v9;
	vm7 =	vlt.s32 v7, v37;
	v20 =	vand.u32 $0x7FFFFFC0, v49  }
0x1fd: {  	v62 =	vshra.s32 v57, $0x1F;
	v18 =	vand.u32 $0xFFFFFFC0, v57;
	v63 =	vor.u32 $0xC200, v3  }
0x1fe: {  	vm8 =	vgt.s32 v5, v25;
	vm10 =	vlt.s32 v12, v29;
	v39 =	vsel vm7, v7, v37  }
0x1ff: {  	v7 =	vsel vm7, v37, v7;
	v16 =	vxor.u32 v16, v20;
	v5 =	vsel vm8, v5, v25  }
0x200: {  	v31 =	vsel vm10, v12, v29;
	v12 =	vsel vm10, v29, v12;
	vm8 =	vlt.s32 v9, v39  }
0x201: {  	vm10 =	vlt.s32 v6, v42;
	v52 =	vor.u32 $0xD, v16;
	v16 =	vand.u32 $0x7FFFFFC0, v62  }
0x202: {  	vm12 =	vlt.s32 v13, v31;
	v41 =	vsel vm8, v9, v39;
	v9 =	vsel vm8, v39, v9  }
0x203: {  	v44 =	vsel vm10, v6, v42;
	v6 =	vsel vm10, v42, v6;
	v16 =	vxor.u32 v18, v16  }
0x204: {  	v33 =	vsel vm12, v13, v31;
	v13 =	vsel vm12, v31, v13;
	vm9 =	vlt.s32 v12, v41  }
0x205: {  	vm12 =	vlt.s32 v8, v44;
	vm3 =	vlt.s32 v6, v52;
	v23 =	vor.u32 $0xC, v16  }
0x206: {  	v31 =	vor.u32 $0xC280, v3;
	vm14 =	vlt.s32 v19, v33;
	v43 =	vsel vm9, v12, v41  }
0x207: {  	v12 =	vsel vm9, v41, v12;
	v46 =	vsel vm12, v8, v44;
	v8 =	vsel vm12, v44, v8  }
0x208: {  	v54 =	vsel vm3, v6, v52;
	v6 =	vsel vm3, v52, v6;
	v44 =	vor.u32 $0xC300, v3  }
0x209: {  	v36 =	vsel vm14, v19, v33;
	v17 =	vsel vm14, v33, v19;
	vm11 =	vlt.s32 v13, v43  }
0x20a: {  	vm14 =	vlt.s32 v10, v46;
	vm6 =	vgt.s32 v5, v36;
	v45 =	vsel vm11, v13, v43  }
0x20b: {  	v13 =	vsel vm11, v43, v13;
	v48 =	vsel vm14, v10, v46;
	v10 =	vsel vm14, v46, v10  }
0x20c: {  	vm11 =	vlt.s32 v8, v54;
	v5 =	vsel vm6, v5, v36;
	vm13 =	vlt.s32 v17, v45  }
0x20d: {  	v27 =	vld.idx.msk [tilespmem:v63+s2+$0x0], $0xffff;
	vm8 =	vlt.s32 v7, v48;
	v56 =	vsel vm11, v8, v54;
	v8 =	vsel vm11, v54, v8  }
0x20e: {  	vm11 =	vlt.s32 v6, v23;
	v47 =	vsel vm13, v45, v17;
	v14 =	vsel vm13, v17, v45  }
0x20f: {  	v50 =	vsel vm8, v7, v48;
	v7 =	vsel vm8, v48, v7;
	vm13 =	vlt.s32 v10, v56  }
0x210: {  	v25 =	vsel vm11, v6, v23;
	v6 =	vsel vm11, v23, v6;
	vm15 =	vgt.s32 v5, v14  }
0x211: {  	vm9 =	vlt.s32 v9, v50;
	v59 =	vsel vm13, v10, v56;
	v10 =	vsel vm13, v56, v10  }
0x212: {  	vm13 =	vlt.s32 v8, v25;
	v33 =	vshra.s32 v27, $0x1F;
	v18 =	vand.u32 $0xFFFFFFC0, v27  }
0x213: {  	v56 =	vor.u32 $0xC380, v4;
	v4 =	vor.u32 $0xE380, v4;
	v5 =	vsel vm15, v5, v14  }
0x214: {  	v53 =	vsel vm9, v9, v50;
	v9 =	vsel vm9, v50, v9;
	vm15 =	vlt.s32 v7, v59  }
0x215: {  	v28 =	vsel vm13, v8, v25;
	v20 =	vand.u32 $0x7FFFFFC0, v33;
	v8 =	vsel vm13, v25, v8  }
0x216: {  	v16 =	vld.idx.msk [tilespmem:v31+s2+$0x0], $0xffff;
	vm10 =	vlt.s32 v12, v53;
	v61 =	vsel vm15, v7, v59;
	v7 =	vsel vm15, v59, v7  }
0x217: {  	vm15 =	vlt.s32 v10, v28;
	v18 =	vxor.u32 v18, v20;
	v55 =	vsel vm10, v12, v53  }
0x218: {  	v12 =	vsel vm10, v53, v12;
	vm9 =	vlt.s32 v9, v61;
	v30 =	vsel vm15, v10, v28  }
0x219: {  	v10 =	vsel vm15, v28, v10;
	v35 =	vor.u32 $0xB, v18;
	vm12 =	vlt.s32 v13, v55  }
0x21a: {  	v50 =	vld.idx.msk [tilespmem:v44+s2+$0x0], $0xffff;
	v22 =	vsel vm9, v9, v61;
	v9 =	vsel vm9, v61, v9;
	vm7 =	vlt.s32 v7, v30  }
0x21b: {  	v42 =	vshra.s32 v16, $0x1F;
	v16 =	vand.u32 $0xFFFFFFC0, v16;
	v58 =	vsel vm12, v13, v55  }
0x21c: {  	v13 =	vsel vm12, v55, v13;
	vm10 =	vlt.s32 v12, v22;
	v32 =	vsel vm7, v7, v30  }
0x21d: {  	v7 =	vsel vm7, v30, v7;
	v20 =	vand.u32 $0x7FFFFFC0, v42;
	vm14 =	vlt.s32 v47, v58  }
0x21e: {  	v24 =	vsel vm10, v12, v22;
	v12 =	vsel vm10, v22, v12;
	vm10 =	vlt.s32 v6, v35  }
0x21f: {  	v16 =	vxor.u32 v16, v20;
	v55 =	vshra.s32 v50, $0x1F;
	v18 =	vand.u32 $0xFFFFFFC0, v50  }
0x220: {  	v60 =	vsel vm14, v47, v58;
	v19 =	vsel vm14, v58, v47;
	vm12 =	vlt.s32 v13, v24  }
0x221: {  	v37 =	vsel vm10, v6, v35;
	v6 =	vsel vm10, v35, v6;
	v45 =	vor.u32 $0xA, v16  }
0x222: {  	v16 =	vand.u32 $0x7FFFFFC0, v55;
	vm8 =	vgt.s32 v5, v60;
	v26 =	vsel vm12, v13, v24  }
0x223: {  	v13 =	vsel vm12, v24, v13;
	vm12 =	vlt.s32 v8, v37;
	vm3 =	vlt.s32 v6, v45  }
0x224: {  	v62 =	vld.idx.msk [tilespmem:v56+s2+$0x0], $0xffff;
	v16 =	vxor.u32 v18, v16;
	v5 =	vsel vm8, v5, v60;
	vm14 =	vlt.s32 v19, v26  }
0x225: {  	vm8 =	vlt.s32 v9, v32;
	v39 =	vsel vm12, v8, v37;
	v8 =	vsel vm12, v37, v8  }
0x226: {  	v47 =	vsel vm3, v6, v45;
	v6 =	vsel vm3, v45, v6;
	v58 =	vor.u32 $0x9, v16  }
0x227: {  	v29 =	vsel vm14, v19, v26;
	v17 =	vsel vm14, v26, v19;
	v34 =	vsel vm8, v9, v32  }
0x228: {  	v9 =	vsel vm8, v32, v9;
	vm14 =	vlt.s32 v10, v39;
	v26 =	vor.u32 $0xE000, v3  }
0x229: {  	v28 =	vshra.s32 v62, $0x1F;
	v18 =	vand.u32 $0xFFFFFFC0, v62;
	vm6 =	vgt.s32 v5, v29  }
0x22a: {  	vm9 =	vlt.s32 v12, v34;
	v41 =	vsel vm14, v10, v39;
	v10 =	vsel vm14, v39, v10  }
0x22b: {  	v20 =	vand.u32 $0x7FFFFFC0, v28;
	v39 =	vor.u32 $0xE080, v3;
	v5 =	vsel vm6, v5, v29  }
0x22c: {  	v36 =	vsel vm9, v12, v34;
	v12 =	vsel vm9, v34, v12;
	vm8 =	vlt.s32 v7, v41  }
0x22d: {  	v18 =	vxor.u32 v18, v20;
	vm11 =	vlt.s32 v13, v36;
	v43 =	vsel vm8, v7, v41  }
0x22e: {  	v7 =	vsel vm8, v41, v7;
	v30 =	vor.u32 $0x8, v18;
	v38 =	vsel vm11, v13, v36  }
0x22f: {  	v13 =	vsel vm11, v36, v13;
	vm9 =	vlt.s32 v9, v43;
	vm11 =	vlt.s32 v8, v47  }
0x230: {  	vm13 =	vlt.s32 v17, v38;
	v46 =	vsel vm9, v9, v43;
	v49 =	vsel vm11, v8, v47  }
0x231: {  	v9 =	vsel vm9, v43, v9;
	v8 =	vsel vm11, v47, v8;
	vm11 =	vlt.s32 v6, v58  }
0x232: {  	v40 =	vsel vm13, v38, v17;
	v14 =	vsel vm13, v17, v38;
	vm10 =	vlt.s32 v12, v46  }
0x233: {  	vm13 =	vlt.s32 v10, v49;
	v60 =	vsel vm11, v6, v58;
	v6 =	vsel vm11, v58, v6  }
0x234: {  	vm15 =	vgt.s32 v5, v14;
	v48 =	vsel vm10, v12, v46;
	v12 =	vsel vm10, v46, v12  }
0x235: {  	v16 =	vld.idx.msk [tilespmem:v26+s2+$0x0], $0xffff;
	v52 =	vsel vm13, v10, v49;
	v10 =	vsel vm13, v49, v10;
	vm13 =	vlt.s32 v8, v60  }
0x236: {  	v5 =	vsel vm15, v5, v14;
	vm12 =	vlt.s32 v13, v48;
	vm15 =	vlt.s32 v7, v52  }
0x237: {  	v63 =	vsel vm13, v8, v60;
	v8 =	vsel vm13, v60, v8;
	v51 =	vsel vm12, v13, v48  }
0x238: {  	v45 =	vld.idx.msk [tilespmem:v39+s2+$0x0], $0xffff;
	v13 =	vsel vm12, v48, v13;
	v54 =	vsel vm15, v7, v52;
	v7 =	vsel vm15, v52, v7  }
0x239: {  	vm15 =	vlt.s32 v10, v63;
	vm14 =	vlt.s32 v40, v51;
	vm9 =	vlt.s32 v9, v54  }
0x23a: {  	v25 =	vsel vm15, v10, v63;
	v10 =	vsel vm15, v63, v10;
	v37 =	vshra.s32 v16, $0x1F  }
0x23b: {  	v16 =	vand.u32 $0xFFFFFFC0, v16;
	v53 =	vsel vm14, v40, v51;
	v19 =	vsel vm14, v51, v40  }
0x23c: {  	v57 =	vsel vm9, v9, v54;
	v9 =	vsel vm9, v54, v9;
	vm7 =	vlt.s32 v7, v25  }
0x23d: {  	v20 =	vand.u32 $0x7FFFFFC0, v37;
	v50 =	vshra.s32 v45, $0x1F;
	v18 =	vand.u32 $0xFFFFFFC0, v45  }
0x23e: {  	v51 =	vor.u32 $0xE100, v3;
	vm8 =	vgt.s32 v5, v53;
	vm10 =	vlt.s32 v12, v57  }
0x23f: {  	v27 =	vsel vm7, v7, v25;
	v7 =	vsel vm7, v25, v7;
	v16 =	vxor.u32 v16, v20  }
0x240: {  	v5 =	vsel vm8, v5, v53;
	v59 =	vsel vm10, v12, v57;
	v12 =	vsel vm10, v57, v12  }
0x241: {  	vm8 =	vlt.s32 v9, v27;
	vm10 =	vlt.s32 v6, v30;
	v40 =	vor.u32 $0x7, v16  }
0x242: {  	v16 =	vand.u32 $0x7FFFFFC0, v50;
	vm12 =	vlt.s32 v13, v59;
	v29 =	vsel vm8, v9, v27  }
0x243: {  	v9 =	vsel vm8, v27, v9;
	v32 =	vsel vm10, v6, v30;
	v6 =	vsel vm10, v30, v6  }
0x244: {  	v16 =	vxor.u32 v18, v16;
	v61 =	vsel vm12, v13, v59;
	v13 =	vsel vm12, v59, v13  }
0x245: {  	vm9 =	vlt.s32 v12, v29;
	vm12 =	vlt.s32 v8, v32;
	vm3 =	vlt.s32 v6, v40  }
0x246: {  	v53 =	vor.u32 $0x6, v16;
	vm14 =	vlt.s32 v19, v61;
	v31 =	vsel vm9, v12, v29  }
0x247: {  	v12 =	vsel vm9, v29, v12;
	v34 =	vsel vm12, v8, v32;
	v8 =	vsel vm12, v32, v8  }
0x248: {  	v42 =	vsel vm3, v6, v40;
	v6 =	vsel vm3, v40, v6;
	v24 =	vsel vm14, v19, v61  }
0x249: {  	v17 =	vsel vm14, v61, v19;
	vm11 =	vlt.s32 v13, v31;
	vm14 =	vlt.s32 v10, v34  }
0x24a: {  	v61 =	vor.u32 $0xE180, v3;
	vm6 =	vgt.s32 v5, v24;
	v33 =	vsel vm11, v13, v31  }
0x24b: {  	v13 =	vsel vm11, v31, v13;
	v36 =	vsel vm14, v10, v34;
	v10 =	vsel vm14, v34, v10  }
0x24c: {  	vm11 =	vlt.s32 v8, v42;
	v34 =	vor.u32 $0xE200, v3;
	v5 =	vsel vm6, v5, v24  }
0x24d: {  	v57 =	vld.idx.msk [tilespmem:v51+s2+$0x0], $0xffff;
	vm13 =	vlt.s32 v17, v33;
	vm8 =	vlt.s32 v7, v36;
	v44 =	vsel vm11, v8, v42  }
0x24e: {  	v8 =	vsel vm11, v42, v8;
	vm11 =	vlt.s32 v6, v53;
	v35 =	vsel vm13, v33, v17  }
0x24f: {  	v14 =	vsel vm13, v17, v33;
	v38 =	vsel vm8, v7, v36;
	v7 =	vsel vm8, v36, v7  }
0x250: {  	vm13 =	vlt.s32 v10, v44;
	v55 =	vsel vm11, v6, v53;
	v6 =	vsel vm11, v53, v6  }
0x251: {  	vm15 =	vgt.s32 v5, v14;
	vm9 =	vlt.s32 v9, v38;
	v47 =	vsel vm13, v10, v44  }
0x252: {  	v10 =	vsel vm13, v44, v10;
	vm13 =	vlt.s32 v8, v55;
	v63 =	vshra.s32 v57, $0x1F  }
0x253: {  	v18 =	vand.u32 $0xFFFFFFC0, v57;
	v5 =	vsel vm15, v5, v14;
	v41 =	vsel vm9, v9, v38  }
0x254: {  	v9 =	vsel vm9, v38, v9;
	vm15 =	vlt.s32 v7, v47;
	v58 =	vsel vm13, v8, v55  }
0x255: {  	v20 =	vand.u32 $0x7FFFFFC0, v63;
	v8 =	vsel vm13, v55, v8;
	vm10 =	vlt.s32 v12, v41  }
0x256: {  	v49 =	vsel vm15, v7, v47;
	v7 =	vsel vm15, v47, v7;
	vm15 =	vlt.s32 v10, v58  }
0x257: {  	v18 =	vxor.u32 v18, v20;
	v43 =	vsel vm10, v12, v41;
	v12 =	vsel vm10, v41, v12  }
0x258: {  	vm9 =	vlt.s32 v9, v49;
	v60 =	vsel vm15, v10, v58;
	v10 =	vsel vm15, v58, v10  }
0x259: {  	v16 =	vld.idx.msk [tilespmem:v61+s2+$0x0], $0xffff;
	v25 =	vor.u32 $0x5, v18;
	v58 =	vor.u32 $0xE300, v3;
	vm12 =	vlt.s32 v13, v43  }
0x25a: {  	v52 =	vsel vm9, v9, v49;
	v9 =	vsel vm9, v49, v9;
	vm7 =	vlt.s32 v7, v60  }
0x25b: {  	v40 =	vld.idx.msk [tilespmem:v34+s2+$0x0], $0xffff;
	v46 =	vsel vm12, v13, v43;
	v13 =	vsel vm12, v43, v13;
	vm10 =	vlt.s32 v12, v52  }
0x25c: {  	v62 =	vsel vm7, v7, v60;
	v7 =	vsel vm7, v60, v7;
	vm14 =	vlt.s32 v35, v46  }
0x25d: {  	v54 =	vsel vm10, v12, v52;
	v12 =	vsel vm10, v52, v12;
	vm10 =	vlt.s32 v6, v25  }
0x25e: {  	v32 =	vshra.s32 v16, $0x1F;
	v16 =	vand.u32 $0xFFFFFFC0, v16;
	v48 =	vsel vm14, v35, v46  }
0x25f: {  	v19 =	vsel vm14, v46, v35;
	vm12 =	vlt.s32 v13, v54;
	v27 =	vsel vm10, v6, v25  }
0x260: {  	v20 =	vand.u32 $0x7FFFFFC0, v32;
	v6 =	vsel vm10, v25, v6;
	v45 =	vshra.s32 v40, $0x1F  }
0x261: {  	v18 =	vand.u32 $0xFFFFFFC0, v40;
	v46 =	vor.u32 $0xE280, v3;
	vm8 =	vgt.s32 v5, v48  }
0x262: {  	v56 =	vsel vm12, v13, v54;
	v13 =	vsel vm12, v54, v13;
	vm12 =	vlt.s32 v8, v27  }
0x263: {  	v16 =	vxor.u32 v16, v20;
	v5 =	vsel vm8, v5, v48;
	vm14 =	vlt.s32 v19, v56  }
0x264: {  	vm8 =	vlt.s32 v9, v62;
	v29 =	vsel vm12, v8, v27;
	v35 =	vor.u32 $0x4, v16  }
0x265: {  	v8 =	vsel vm12, v27, v8;
	v16 =	vand.u32 $0x7FFFFFC0, v45;
	v59 =	vsel vm14, v19, v56  }
0x266: {  	v17 =	vsel vm14, v56, v19;
	v24 =	vsel vm8, v9, v62;
	v9 =	vsel vm8, v62, v9  }
0x267: {  	vm14 =	vlt.s32 v10, v29;
	vm3 =	vlt.s32 v6, v35;
	v16 =	vxor.u32 v18, v16  }
0x268: {  	vm6 =	vgt.s32 v5, v59;
	vm9 =	vlt.s32 v12, v24;
	v31 =	vsel vm14, v10, v29  }
0x269: {  	v37 =	vsel vm3, v6, v35;
	v10 =	vsel vm14, v29, v10;
	v6 =	vsel vm3, v35, v6  }
0x26a: {  	v48 =	vor.u32 $0x3, v16;
	v5 =	vsel vm6, v5, v59;
	v26 =	vsel vm9, v12, v24  }
0x26b: {  	v4 =	vld.idx.msk [tilespmem:v4+s2+$0x0], $0xffff;
	v12 =	vsel vm9, v24, v12;
	vm8 =	vlt.s32 v7, v31;
	vm11 =	vlt.s32 v13, v26  }
0x26c: {  	v33 =	vsel vm8, v7, v31;
	v7 =	vsel vm8, v31, v7;
	v28 =	vsel vm11, v13, v26  }
0x26d: {  	v63 =	vld.idx.msk [tilespmem:v58+s2+$0x0], $0xffff;
	v13 =	vsel vm11, v26, v13;
	vm9 =	vlt.s32 v9, v33;
	vm11 =	vlt.s32 v8, v37  }
0x26e: {  	vm13 =	vlt.s32 v17, v28;
	v36 =	vsel vm9, v9, v33;
	v39 =	vsel vm11, v8, v37  }
0x26f: {  	v9 =	vsel vm9, v33, v9;
	v8 =	vsel vm11, v37, v8;
	vm11 =	vlt.s32 v6, v48  }
0x270: {  	v52 =	vld.idx.msk [tilespmem:v46+s2+$0x0], $0xffff;
	v37 =	vshra.s32 v4, $0x1F;
	v4 =	vand.u32 $0xFFFFFFC0, v4;
	v30 =	vsel vm13, v28, v17  }
0x271: {  	v14 =	vsel vm13, v17, v28;
	vm10 =	vlt.s32 v12, v36;
	vm13 =	vlt.s32 v10, v39  }
0x272: {  	v50 =	vsel vm11, v6, v48;
	v6 =	vsel vm11, v48, v6;
	v28 =	vshra.s32 v63, $0x1F  }
0x273: {  	v20 =	vand.u32 $0x7FFFFFC0, v37;
	vm15 =	vgt.s32 v5, v14;
	v38 =	vsel vm10, v12, v36  }
0x274: {  	v12 =	vsel vm10, v36, v12;
	v42 =	vsel vm13, v10, v39;
	v10 =	vsel vm13, v39, v10  }
0x275: {  	vm13 =	vlt.s32 v8, v50;
	v57 =	vshra.s32 v52, $0x1F;
	v18 =	vand.u32 $0xFFFFFFC0, v52  }
0x276: {  	v4 =	vxor.u32 v4, v20;
	v5 =	vsel vm15, v5, v14;
	vm12 =	vlt.s32 v13, v38  }
0x277: {  	vm15 =	vlt.s32 v7, v42;
	v53 =	vsel vm13, v8, v50;
	v16 =	vand.u32 $0x7FFFFFC0, v57  }
0x278: {  	v8 =	vsel vm13, v50, v8;
	v41 =	vsel vm12, v13, v38;
	v13 =	vsel vm12, v38, v13  }
0x279: {  	v44 =	vsel vm15, v7, v42;
	v7 =	vsel vm15, v42, v7;
	vm15 =	vlt.s32 v10, v53  }
0x27a: {  	v16 =	vxor.u32 v18, v16;
	v18 =	vand.u32 $0xFFFFFFC0, v63;
	vm14 =	vlt.s32 v30, v41  }
0x27b: {  	vm9 =	vlt.s32 v9, v44;
	v55 =	vsel vm15, v10, v53;
	v10 =	vsel vm15, v53, v10  }
0x27c: {  	v60 =	vor.u32 $0x2, v16;
	v43 =	vsel vm14, v30, v41;
	v19 =	vsel vm14, v41, v30  }
0x27d: {  	v47 =	vsel vm9, v9, v44;
	v9 =	vsel vm9, v44, v9;
	vm6 =	vlt.s32 v7, v55  }
0x27e: {  	vm9 =	vlt.s32 v6, v60;
	vm8 =	vgt.s32 v5, v43;
	vm10 =	vlt.s32 v12, v47  }
0x27f: {  	v56 =	vsel vm6, v7, v55;
	v7 =	vsel vm6, v55, v7;
	v62 =	vsel vm9, v6, v60  }
0x280: {  	v6 =	vsel vm9, v60, v6;
	v5 =	vsel vm8, v5, v43;
	v49 =	vsel vm10, v12, v47  }
0x281: {  	v12 =	vsel vm10, v47, v12;
	vm7 =	vlt.s32 v9, v56;
	vm11 =	vlt.s32 v8, v62  }
0x282: {  	vm12 =	vlt.s32 v13, v49;
	v59 =	vsel vm7, v9, v56;
	v9 =	vsel vm7, v56, v9  }
0x283: {  	v25 =	vsel vm11, v8, v62;
	v8 =	vsel vm11, v62, v8;
	v51 =	vsel vm12, v13, v49  }
0x284: {  	v13 =	vsel vm12, v49, v13;
	vm8 =	vlt.s32 v12, v59;
	vm13 =	vlt.s32 v10, v25  }
0x285: {  	vm14 =	vlt.s32 v19, v51;
	v61 =	vsel vm8, v12, v59;
	v12 =	vsel vm8, v59, v12  }
0x286: {  	v27 =	vsel vm13, v10, v25;
	v10 =	vsel vm13, v25, v10;
	v54 =	vsel vm14, v19, v51  }
0x287: {  	v17 =	vsel vm14, v51, v19;
	vm10 =	vlt.s32 v13, v61;
	vm15 =	vlt.s32 v7, v27  }
0x288: {  	vm5 =	vgt.s32 v5, v54;
	v24 =	vsel vm10, v13, v61;
	v29 =	vsel vm15, v7, v27  }
0x289: {  	v13 =	vsel vm10, v61, v13;
	vm12 =	vlt.s32 v17, v24;
	vm6 =	vlt.s32 v9, v29  }
0x28a: {  	v5 =	vsel vm5, v5, v54;
	v14 =	vsel vm12, v17, v24;
	v30 =	vsel vm6, v9, v29  }
0x28b: {  	v7 =	vsel vm15, v27, v7;
	vm14 =	vgt.s32 v5, v14;
	vm7 =	vlt.s32 v12, v30  }
0x28c: {  	v5 =	vsel vm14, v5, v14;
	v14 =	vand.u32 $0x7FFFFFC0, v28;
	v31 =	vsel vm7, v12, v30  }
0x28d: {  	v26 =	vsel vm12, v24, v17;
	v14 =	vxor.u32 v18, v14;
	vm9 =	vlt.s32 v13, v31  }
0x28e: {  	v9 =	vsel vm6, v29, v9;
	v14 =	vor.u32 $0x1, v14;
	v33 =	vsel vm9, v13, v31  }
0x28f: {  	v11 =	vsel vm7, v30, v12;
	vm8 =	vlt.s32 v6, v14;
	vm11 =	vlt.s32 v26, v33  }
0x290: {  	v13 =	vsel vm9, v31, v13;
	v32 =	vsel vm8, v6, v14;
	v35 =	vsel vm11, v33, v26  }
0x291: {  	v6 =	vsel vm8, v14, v6;
	v12 =	vsel vm11, v26, v33;
	vm10 =	vlt.s32 v8, v32  }
0x292: {  	vm2 =	vlt.s32 v6, v4;
	vm15 =	vgt.s32 v5, v12;
	v34 =	vsel vm10, v8, v32  }
0x293: {  	v8 =	vsel vm10, v32, v8;
	v40 =	vsel vm2, v6, v4;
	v5 =	vsel vm15, v5, v12  }
0x294: {  	v4 =	vsel vm2, v4, v6;
	vm12 =	vlt.s32 v10, v34;
	vm6 =	vlt.s32 v8, v40  }
0x295: {  	v49 =	vxor.u32 $0xFFFFFFFF, v4;
	v4 =	vandn.u32 $0x3F, v4;
	v36 =	vsel vm12, v10, v34  }
0x296: {  	v10 =	vsel vm12, v34, v10;
	v42 =	vsel vm6, v8, v40;
	v48 =	vsel vm6, v40, v8  }
0x297: {  	v58 =	vshll.u32 v49, $0xA;
	v8 =	vshll.u32 v49, $0x7;
	vm13 =	vlt.s32 v7, v36  }
0x298: {  	vm10 =	vlt.s32 v10, v42;
	v50 =	vxor.u32 $0xFFFFFFFF, v48;
	v6 =	vandn.u32 $0x3F, v48  }
0x299: {  	v8 =	vand.u32 $0x380, v8;
	v38 =	vsel vm13, v7, v36;
	v7 =	vsel vm13, v36, v7  }
0x29a: {  	v44 =	vsel vm10, v10, v42;
	v10 =	vsel vm10, v42, v10;
	v59 =	vshll.u32 v50, $0xA  }
0x29b: {  	v15 =	vshll.u32 v50, $0x7;
	vm7 =	vlt.u32 v6, v4;
	vm14 =	vlt.s32 v9, v38  }
0x29c: {  	vm4 =	vlt.s32 v7, v44;
	v52 =	vxor.u32 $0xFFFFFFFF, v10;
	v22 =	vandn.u32 $0x3F, v10  }
0x29d: {  	v60 =	vand.u32 $0xE000, v59;
	v61 =	vand.u32 $0x380, v15;
	v39 =	vsel vm14, v9, v38  }
0x29e: {  	v9 =	vsel vm14, v38, v9;
	v46 =	vsel vm4, v7, v44;
	v7 =	vsel vm4, v44, v7  }
0x29f: {  	v62 =	vshll.u32 v52, $0xA;
	v27 =	vshll.u32 v52, $0x7;
	vm5 =	vlt.s32 v11, v39  }
0x2a0: {  	vm13 =	vlt.s32 v9, v46;
	v53 =	vxor.u32 $0xFFFFFFFF, v7;
	v23 =	vandn.u32 $0x3F, v7  }
0x2a1: {  	v7 =	vand.u32 $0xE000, v58;
	v26 =	vand.u32 $0xE000, v62;
	v15 =	vand.u32 $0x380, v27  }
0x2a2: {  	v41 =	vsel vm5, v11, v39;
	v11 =	vsel vm5, v39, v11;
	v47 =	vsel vm13, v9, v46  }
0x2a3: {  	v9 =	vsel vm13, v46, v9;
	v7 =	vor.u32 v7, v8;
	v8 =	vor.u32 v60, v61  }
0x2a4: {  	v28 =	vshll.u32 v53, $0xA;
	v19 =	vshll.u32 v53, $0x7;
	vm9 =	vlt.s32 v13, v41  }
0x2a5: {  	vm14 =	vlt.s32 v11, v47;
	v55 =	vxor.u32 $0xFFFFFFFF, v9;
	v9 =	vandn.u32 $0x3F, v9  }
0x2a6: {  	v7 =	vor.u32 v7, v3;
	v8 =	vor.u32 v8, v3;
	v29 =	vand.u32 $0xE000, v28  }
0x2a7: {  	v30 =	vand.u32 $0x380, v19;
	v43 =	vsel vm9, v13, v41;
	v13 =	vsel vm9, v41, v13  }
0x2a8: {  	v51 =	vsel vm14, v11, v47;
	v11 =	vsel vm14, v47, v11;
	v32 =	vshll.u32 v55, $0xA  }
0x2a9: {  	v14 =	vshll.u32 v55, $0x7;
	vm11 =	vlt.s32 v35, v43;
	vm15 =	vlt.s32 v13, v51  }
0x2aa: {  	v56 =	vxor.u32 $0xFFFFFFFF, v11;
	v11 =	vandn.u32 $0x3F, v11;
	v36 =	vand.u32 $0xE000, v32  }
0x2ab: {  	v14 =	vand.u32 $0x380, v14;
	v45 =	vsel vm11, v35, v43;
	v12 =	vsel vm11, v43, v35  }
0x2ac: {  	v54 =	vsel vm15, v13, v51;
	v13 =	vsel vm15, v51, v13;
	v37 =	vshll.u32 v56, $0xA  }
0x2ad: {  	v16 =	vshll.u32 v56, $0x7;
	v14 =	vor.u32 v36, v14;
	vm4 =	vlt.s32 v12, v54  }
0x2ae: {  	vm12 =	vgt.s32 v5, v45;
	v57 =	vsel vm4, v12, v54;
	v12 =	vsel vm4, v54, v12  }
0x2af: {  	v20 =	vxor.u32 $0xFFFFFFFF, v12;
	v63 =	vandn.u32 $0x3F, v12;
	v12 =	vor.u32 v26, v15  }
0x2b0: {  	v17 =	vxor.u32 $0xFFFFFFFF, v13;
	v13 =	vandn.u32 $0x3F, v13;
	v31 =	vld.idx.msk [tilespmem:v7+s2+$0x0], $0xffff;
	v12 =	vor.u32 v12, v3  }
0x2b1: {  	v18 =	vand.u32 $0xE000, v37;
	v16 =	vand.u32 $0x380, v16;
	v14 =	vor.u32 v14, v3;
	v34 =	vld.idx.msk [tilespmem:v8+s2+$0x0], $0xffff  }
0x2b2: {  	v5 =	vsel vm12, v5, v45;
	v38 =	vor.u32 v18, v16;
	v39 =	vshll.u32 v17, $0xA  }
0x2b3: {  	v17 =	vshll.u32 v17, $0x7;
	vm5 =	vgt.s32 v5, v57;
	v15 =	vor.u32 v29, v30  }
0x2b4: {  	v16 =	vand.u32 $0xE000, v39;
	v17 =	vand.u32 $0x380, v17;
	v35 =	vor.u32 v15, v3  }
0x2b5: {  	v5 =	vsel vm5, v5, v57;
	v15 =	vor.u32 v38, v3;
	v16 =	vor.u32 v16, v17;
	v12 =	vld.idx.msk [tilespmem:v12+s2+$0x0], $0xffff  }
0x2b6: {  	v40 =	vshll.u32 v20, $0xA;
	v20 =	vshll.u32 v20, $0x7;
	vm6 =	veq.f32 v34, v31  }
0x2b7: {  	v21 =	vxor.u32 $0xFFFFFFFF, v5;
	vm8 =	vgt.f32 v34, v31;
	vm0 =	vmand vm6, vm7  }
0x2b8: {  	v33 =	vandn.u32 $0x3F, v5;
	v17 =	vand.u32 $0xE000, v40;
	vm0 =	vmor vm8, vm0  }
0x2b9: {  	v20 =	vand.u32 $0x380, v20;
	v8 =	vld.idx.msk [tilespmem:v35+s2+$0x0], $0xffff;
	v41 =	vsel vm0, v31, v34;
	v24 =	vsel vm0, v4, v6  }
0x2ba: {  	v16 =	vor.u32 v16, v3;
	vm10 =	vlt.u32 v22, v24;
	vm9 =	veq.f32 v12, v41  }
0x2bb: {  	v17 =	vor.u32 v17, v20;
	vm11 =	vgt.f32 v12, v41;
	vm1 =	vmand vm9, vm10  }
0x2bc: {  	v26 =	vshll.u32 v21, $0xA;
	v21 =	vshll.u32 v21, $0x7;
	vm1 =	vmor vm11, vm1  }
0x2bd: {  	v14 =	vld.idx.msk [tilespmem:v14+s2+$0x0], $0xffff;
	v26 =	vand.u32 $0xE000, v26;
	v42 =	vsel vm1, v41, v12;
	v25 =	vsel vm1, v24, v22  }
0x2be: {  	v21 =	vand.u32 $0x380, v21;
	vm12 =	veq.f32 v8, v42;
	vm13 =	vlt.u32 v23, v25  }
0x2bf: {  	v21 =	vor.u32 v26, v21;
	vm14 =	vgt.f32 v8, v42;
	vm2 =	vmand vm12, vm13  }
0x2c0: {  	v17 =	vor.u32 v17, v3;
	v21 =	vor.u32 v21, v3;
	vm2 =	vmor vm14, vm2  }
0x2c1: {  	v15 =	vld.idx.msk [tilespmem:v15+s2+$0x0], $0xffff;
	v19 =	vsel vm0, v34, v31;
	v43 =	vsel vm2, v42, v8;
	v27 =	vsel vm2, v25, v23  }
0x2c2: {  	v3 =	vsel vm0, v6, v4;
	vm15 =	veq.f32 v14, v43;
	vm8 =	vlt.u32 v9, v27  }
0x2c3: {  	v12 =	vsel vm1, v12, v41;
	vm9 =	vgt.f32 v14, v43;
	vm3 =	vmand vm15, vm8  }
0x2c4: {  	v5 =	vsel vm1, v22, v24;
	v20 =	vsel vm2, v8, v42;
	vm10 =	vmor vm9, vm3  }
0x2c5: {  	v6 =	vsel vm2, v23, v25;
	v44 =	vsel vm10, v43, v14;
	v45 =	vsel vm10, v27, v9  }
0x2c6: {  	v16 =	vld.idx.msk [tilespmem:v16+s2+$0x0], $0xffff;
	v14 =	vsel vm10, v14, v43;
	vm11 =	veq.f32 v15, v44;
	vm12 =	vlt.u32 v11, v45  }
0x2c7: {  	v4 =	vsel vm10, v9, v27;
	vm13 =	vgt.f32 v15, v44;
	vm1 =	vmand vm11, vm12  }
0x2c8: {  	vm10 =	veq.f32 v12, v19;
	vm11 =	vlt.u32 v5, v3;
	vm14 =	vmor vm13, vm1  }
0x2c9: {  	vm12 =	vgt.f32 v12, v19;
	vm3 =	vmand vm10, vm11;
	v46 =	vsel vm14, v15, v44  }
0x2ca: {  	v47 =	vsel vm14, v44, v15;
	v48 =	vsel vm14, v45, v11;
	v9 =	vsel vm14, v11, v45  }
0x2cb: {  	vm0 =	vmor vm12, vm3;
	vm15 =	vgt.f32 v16, v47;
	vm8 =	veq.f32 v16, v47  }
0x2cc: {  	v17 =	vld.idx.msk [tilespmem:v17+s2+$0x0], $0xffff;
	vm9 =	vlt.u32 v13, v48;
	v50 =	vsel vm0, v19, v12;
	v51 =	vsel vm0, v3, v5  }
0x2cd: {  	v12 =	vsel vm0, v12, v19;
	vm2 =	vmand vm8, vm9;
	vm13 =	veq.f32 v20, v50  }
0x2ce: {  	vm14 =	vlt.u32 v6, v51;
	v19 =	vsub.f32 v12, v12;
	vm1 =	vmor vm15, vm2  }
0x2cf: {  	vm15 =	vgt.f32 v20, v50;
	vm2 =	vmand vm13, vm14;
	v18 =	vsel vm1, v16, v47  }
0x2d0: {  	v49 =	vsel vm1, v47, v16;
	v52 =	vsel vm1, v13, v48;
	v13 =	vsel vm1, v48, v13  }
0x2d1: {  	vm1 =	vmor vm15, vm2;
	v19 =	vmul.f32 $1.442695020e+00, v19;
	vm8 =	vgt.f32 v17, v49  }
0x2d2: {  	vm9 =	veq.f32 v17, v49;
	vm10 =	vlt.u32 v63, v13;
	v53 =	vsel vm1, v50, v20  }
0x2d3: {  	v54 =	vsel vm1, v51, v6;
	v16 =	vsel vm1, v20, v50;
	vm2 =	vmand vm9, vm10  }
0x2d4: {  	v21 =	vld.idx.msk [tilespmem:v21+s2+$0x0], $0xffff;
	vm11 =	veq.f32 v14, v53;
	vm12 =	vlt.u32 v4, v54;
	vm13 =	vgt.f32 v14, v53  }
0x2d5: {  	v16 =	vsub.f32 v16, v12;
	(erf) = vpow2.f32 v19;
	vm3 =	vmor vm8, vm2  }
0x2d6: {  	vm4 =	vmand vm11, vm12;
	v55 =	vsel vm3, v17, v49;
	v17 =	vsel vm3, v49, v17  }
0x2d7: {  	vm2 =	vmor vm13, vm4;
	v56 =	vsel vm3, v63, v13;
	v10 =	vsel vm3, v13, v63  }
0x2d8: {  	v16 =	vmul.f32 $1.442695020e+00, v16;
	v26 =	vsel vm2, v53, v14;
	v27 =	vsel vm2, v54, v4  }
0x2d9: {  	vm9 =	vgt.f32 v21, v17;
	vm11 =	veq.f32 v21, v17;
	vm7 =	vlt.u32 v33, v10  }
0x2da: {  	v14 =	vsel vm2, v14, v53;
	vm14 =	veq.f32 v46, v26;
	vm15 =	vlt.u32 v9, v27  }
0x2db: {  	vm10 =	vgt.f32 v46, v26;
	vm4 =	vmand vm11, vm7;
	vm3 =	vmand vm14, vm15  }
0x2dc: {  	v14 =	vsub.f32 v14, v12;
	(erf) = vpow2.f32 v16;
	vm3 =	vmor vm10, vm3  }
0x2dd: {  	vm5 =	vmor vm9, vm4;
	v57 =	vsel vm3, v26, v46;
	v28 =	vsel vm3, v27, v9  }
0x2de: {  	v29 =	vsel vm5, v21, v17;
	vm12 =	veq.f32 v18, v57;
	vm13 =	vlt.u32 v52, v28  }
0x2df: {  	v17 =	vsel vm5, v17, v21;
	vm14 =	vgt.f32 v18, v57;
	vm4 =	vmand vm12, vm13  }
0x2e0: {  	v21 =	vsel vm5, v33, v10;
	v14 =	vmul.f32 $1.442695020e+00, v14;
	vm4 =	vmor vm14, vm4  }
0x2e1: {  	v59 =	vsel vm3, v46, v26;
	v58 =	vsel vm4, v57, v18;
	v30 =	vsel vm4, v28, v52  }
0x2e2: {  	v15 =	vsub.f32 v59, v12;
	vm15 =	veq.f32 v55, v58;
	vm9 =	vlt.u32 v56, v30  }
0x2e3: {  	v7 =	vsel vm5, v10, v33;
	vm10 =	vgt.f32 v55, v58;
	vm5 =	vmand vm15, vm9  }
0x2e4: {  	(erf) = vpow2.f32 v14;
	v26 =	vmul.f32 $1.442695020e+00, v15;
	vm5 =	vmor vm10, vm5  }
0x2e5: {  	v13 =	vsel vm4, v18, v57;
	v60 =	vsel vm5, v58, v55;
	v61 =	vsel vm5, v30, v56  }
0x2e6: {  	v13 =	vsub.f32 v13, v12;
	vm11 =	veq.f32 v29, v60;
	vm12 =	vlt.u32 v21, v61  }
0x2e7: {  	(erf) = vpow2.f32 v26;
	vm13 =	vgt.f32 v29, v60;
	vm6 =	vmand vm11, vm12  }
0x2e8: {  	v13 =	vmul.f32 $1.442695020e+00, v13;
	v10 =	vsel vm5, v55, v58;
	vm6 =	vmor vm13, vm6  }
0x2e9: {  	v10 =	vsub.f32 v10, v12;
	v62 =	vsel vm6, v60, v29;
	v63 =	vsel vm6, v61, v21  }
0x2ea: {  	(erf) = vpow2.f32 v13;
	vm14 =	veq.f32 v17, v62;
	vm8 =	vlt.u32 v7, v63  }
0x2eb: {  	v31 =	vsel vm6, v29, v60;
	vm15 =	vgt.f32 v17, v62;
	vm7 =	vmand vm14, vm8  }
0x2ec: {  	v10 =	vmul.f32 $1.442695020e+00, v10;
	v32 =	vsub.f32 v31, v12;
	vm7 =	vmor vm15, vm7  }
0x2ed: {  	v33 =	vsel vm7, v17, v62  }
0x2ee: {  	v34 =	vpop (erf);
	(erf) = vpow2.f32 v10;
	v35 =	vmul.f32 $1.442695020e+00, v32;
	v12 =	vsub.f32 v33, v12  }
0x2ef: {  	v36 =	vpop (erf)  }
0x2f0: {  	v38 =	vadd.f32 v36, v34;
	(erf) = vpow2.f32 v35;
	v37 =	vmul.f32 $1.442695020e+00, v12  }
0x2f1: {  	v39 =	vpop (erf)  }
0x2f2: {  	v40 =	vadd.f32 v39, v38;
	(erf) = vpow2.f32 v37  }
0x2f3: {  	v41 =	vpop (erf)  }
0x2f4: {  	v10 =	vadd.f32 v41, v40  }
0x2f5: {  	v42 =	vpop (erf)  }
0x2f6: {  	v10 =	vadd.f32 v42, v10  }
0x2f7: {  	v43 =	vpop (erf)  }
0x2f8: {  	v10 =	vadd.f32 v43, v10  }
0x2f9: {  	v44 =	vpop (erf)  }
0x2fa: {  	v10 =	vadd.f32 v44, v10  }
0x2fb: {  	v45 =	vpop (erf)  }
0x2fc: {  	v10 =	vadd.f32 v45, v10;
	_ =	sdelay $0x1  }
0x2fd: {  	(erf) = vrcp.f32 v10;
	_ =	sdelay $0x6  }
0x2fe: {  	v2 =	vshll.u32 v2, $0x3;
	v3 =	vsel vm0, v5, v3  }
0x2ff: {  	v5 =	vshll.u32 v3, $0x4  }
0x300: {  	v5 =	vor.u32 v0, v5;
	v10 =	vpop (erf)  }
0x301: {  	v6 =	vsel vm1, v6, v51;
	v46 =	vor.u32 $0x1, v2;
	v15 =	vmul.f32 v10, v34  }
0x302: {  	v47 =	vshll.u32 v6, $0x4  }
0x303: {  	v25 =	vor.u32 v0, v47;
	[tilespmem:v2+s10+$0x0] =	vst.idx.msk $0xffff, v15  }
0x304: {  	v48 =	vor.u32 $0x2, v2;
	v4 =	vsel vm2, v4, v54;
	[tilespmem:v2+s11+$0x0] =	vst.idx.msk $0xffff, v3;
	v3 =	vmul.f32 v10, v36  }
0x305: {  	v49 =	vshll.u32 v4, $0x4;
	[tilespmem:v5+s9+$0x0] =	vst.idx.add.f32.msk $0xffff, v15  }
0x306: {  	v5 =	vor.u32 v0, v49;
	[tilespmem:v46+s10+$0x0] =	vst.idx.msk $0xffff, v3  }
0x307: {  	v51 =	vor.u32 $0x3, v2;
	v9 =	vsel vm3, v9, v27;
	v50 =	vmul.f32 v10, v39;
	[tilespmem:v46+s11+$0x0] =	vst.idx.msk $0xffff, v6  }
0x308: {  	[tilespmem:v25+s9+$0x0] =	vst.idx.add.f32.msk $0xffff, v3;
	v3 =	vshll.u32 v9, $0x4  }
0x309: {  	[tilespmem:v48+s10+$0x0] =	vst.idx.msk $0xffff, v50;
	v3 =	vor.u32 v0, v3  }
0x30a: {  	v53 =	vor.u32 $0x4, v2;
	v8 =	vsel vm4, v52, v28;
	v52 =	vmul.f32 v10, v41;
	[tilespmem:v48+s11+$0x0] =	vst.idx.msk $0xffff, v4  }
0x30b: {  	v54 =	vshll.u32 v8, $0x4;
	[tilespmem:v5+s9+$0x0] =	vst.idx.add.f32.msk $0xffff, v50  }
0x30c: {  	v5 =	vor.u32 v0, v54;
	[tilespmem:v51+s10+$0x0] =	vst.idx.msk $0xffff, v52  }
0x30d: {  	v57 =	vor.u32 $0x5, v2;
	v55 =	vsel vm5, v56, v30;
	v56 =	vmul.f32 v10, v42;
	[tilespmem:v51+s11+$0x0] =	vst.idx.msk $0xffff, v9  }
0x30e: {  	[tilespmem:v3+s9+$0x0] =	vst.idx.add.f32.msk $0xffff, v52;
	v3 =	vshll.u32 v55, $0x4  }
0x30f: {  	[tilespmem:v53+s10+$0x0] =	vst.idx.msk $0xffff, v56;
	v3 =	vor.u32 v0, v3  }
0x310: {  	v58 =	vsel vm6, v21, v61;
	v60 =	vor.u32 $0x6, v2;
	v59 =	vmul.f32 v10, v43;
	[tilespmem:v53+s11+$0x0] =	vst.idx.msk $0xffff, v8  }
0x311: {  	v61 =	vshll.u32 v58, $0x4;
	[tilespmem:v5+s9+$0x0] =	vst.idx.add.f32.msk $0xffff, v56  }
0x312: {  	v5 =	vor.u32 v0, v61;
	[tilespmem:v57+s10+$0x0] =	vst.idx.msk $0xffff, v59  }
0x313: {  	v7 =	vsel vm7, v7, v63;
	v62 =	vmul.f32 v10, v44;
	v2 =	vor.u32 $0x7, v2;
	[tilespmem:v57+s11+$0x0] =	vst.idx.msk $0xffff, v55  }
0x314: {  	[tilespmem:v3+s9+$0x0] =	vst.idx.add.f32.msk $0xffff, v59;
	v3 =	vshll.u32 v7, $0x4  }
0x315: {  	p0 =	sne.s32 s15, $0x3F0;
	[tilespmem:v60+s10+$0x0] =	vst.idx.msk $0xffff, v62;
	v3 =	vor.u32 v0, v3  }
.Ltmp1:
0x316: {  	v63 =	vmul.f32 v10, v45;
	[tilespmem:v60+s11+$0x0] =	vst.idx.msk $0xffff, v58;
	(pc) =	sbr.rel @p0 .LBB2_4-.Ltmp1, $4  }
0x317: {  	[tilespmem:v5+s9+$0x0] =	vst.idx.add.f32.msk $0xffff, v62  }
0x318: {  	[tilespmem:v2+s10+$0x0] =	vst.idx.msk $0xffff, v63  }
0x319: {  	[tilespmem:v2+s11+$0x0] =	vst.idx.msk $0xffff, v7  }
0x31a: {  	s15 =	sadd.s32 $0x10, s15;
	[tilespmem:v3+s9+$0x0] =	vst.idx.add.f32.msk $0xffff, v63  }
0x31b: {  	[hbm4b:s4+s2] =	stream.linear.scatter [tilespmem:s10], [sflag:$0x1], $0x2000, $0x38;
	[tilespmem:$0x14400] =	vst v63  }
0x31c: {  	_ =	swait.ge [sflag:s8], $0x2000  }
0x31d: {  	[sflag:s8] =	ssyncset.done $0x0  }
0x31e: {  	[sflag:s8] =	ssyncadd.s32 $0xFFFFE000  }
0x31f: {  	[hbm4b:s5+s2] =	stream.linear.scatter [tilespmem:s11], [sflag:$0x1], $0x2000, $0x38;
	[tilespmem:$0x14400] =	vst v63  }
0x320: {  	s14 =	sadd.s32 $0x1, s14;
	_ =	swait.ge [sflag:s8], $0x2000  }
0x321: {  	p0 =	sne.s32 s14, s7;
	[sflag:s8] =	ssyncset.done $0x0  }
.Ltmp2:
0x322: {  	[sflag:s8] =	ssyncadd.s32 $0xFFFFE000;
	(pc) =	sbr.rel @p0 .LBB2_1-.Ltmp2, $4  }
0x323: {  	[hbm4b:s6+s12] =	stream.strided.scatter [tilespmem:s9], [sflag:$0x1], $0x400, s13, s12, $0x38;
	[tilespmem:$0x14400] =	vst v63  }
0x324: {  	_ =	swait.ge [sflag:s8], $0x400  }
0x325: {  	[sflag:s8] =	ssyncset.done $0x0  }
0x326: {  	[sflag:s8] =	ssyncadd.s32 $0xFFFFFC00  }
0x327: {  	_ =	sfence.sel $0x180000  }
0x328: {  	[bflag:$0x0] =	sbarrier.arrive $0xFFFF  }
0x329: {  	p0 =	sne.s32 s0, $0x0;
	_ =	strace $0x90000047  }
0x32a: {  	s0 =	sadd.s32 @!p0 $0x100000, s1;
	[bflag:$0x2] =	sbarrier.arrive $0xFFFF  }
0x32b: {  	[sflag:s0] =	ssyncadd.tile.s32 @!p0 $0x1;
	_ =	shalt  }
.Lfunc_end2:
_tile_overlayer_lowered:
.L_overlay_start_2:
0x32c: {  	(tag) =	ssettag $0x2  }
0x32d: {  	s0 =	rddreg [dreg:$0x0];
	s2 =	stileid.u32  }
0x32e: {  	s1 =	rddreg [dreg:$0x1];
	p0 =	sne.s32 s2, $0x0  }
0x32f: {  	s3 =	rddreg [dreg:$0x2];
	[bflag:$0x3] =	sbarrier.arrive $0xFFFF;
	s2 =	simm.s32 @!p0 $0x1C01  }
0x330: {  	[timem:s3], [sflag:s2] =	dma.local @!p0 [hbm:s0], s1  }
0x331: {  	s0 =	simm.s32 @!p0 $0x1  }
0x332: {  	_ =	swait.ge @!p0 [sflag:s0], s1  }
0x333: {  	s1 =	ssub.s32 @!p0 $0x0, s1;
	[sflag:s0] =	ssyncset.done @!p0 $0x0  }
0x334: {  	[sflag:s0] =	ssyncadd.s32 @!p0 s1  }
0x335: {  	[bflag:$0x3] =	sbarrier.arrive $0xFFFF  }
0x336: {  	_ =	shalt  }

</sc_bundles>
